<compile_context>
chip_gen: v7x
topology: tpu7x:2x2x1
jax: 0.10.2.dev20260603
libtpu: 0.0.44.dev20260713+nightly
codegen_flags: <defaults>
</compile_context>

<pallas_src>
import functools

import jax
import jax.numpy as jnp
from jax import lax
from jax.experimental import pallas as pl
from jax.experimental.pallas import tpu as pltpu
from jax.experimental.pallas import tpu_sc as plsc

_N_NODES = 10000
_N_EDGES = 320000
_P = 128
_D = 16
_N_OUT = 2048

_NC = 2
_NS = 16
_NW = _NC * _NS

_CHUNK = 128
_EP = 2560 * _CHUNK
_ROWS = _EP // _CHUNK
_RPW = _ROWS // _NW
_DEG_PAD = 10240
_SEG = _DEG_PAD // _NS
_DUMMY = _N_NODES
_SCRAP = _N_OUT
_ACC = _N_OUT + _CHUNK
_ASEG = _ACC // _NS
_OPT = _N_OUT // _NS
_CPW = _RPW + 1

_NBUF = 8
_AHEAD = 6
_BINFLY = 8


def _sc_filter_body(dst_hbm, src_hbm, deg_out, csrc_out, cdst_out, cnt_out,
                    didx_v, sidx_v, cd_v, cs_v, one_v, zro_v, cnt_v,
                    deg_sh, bsem):
    cid = lax.axis_index("c")
    sid = lax.axis_index("s")
    wid = cid * _NS + sid

    def z(i, c):
        zro_v[pl.ds(i * 16, 16)] = jnp.zeros((16,), jnp.float32)
        return c

    lax.fori_loop(0, _SEG // 16, z, 0)

    def o(i, c):
        one_v[pl.ds(i * 16, 16)] = jnp.full((16,), 1.0, jnp.float32)
        return c

    lax.fori_loop(0, _CHUNK // 16, o, 0)

    pltpu.sync_copy(zro_v, deg_sh.at[pl.ds(sid * _SEG, _SEG)])
    pltpu.sync_copy(dst_hbm.at[pl.ds(wid * _RPW, _RPW)], didx_v)
    pltpu.sync_copy(src_hbm.at[pl.ds(wid * _RPW, _RPW)], sidx_v)
    plsc.subcore_barrier()

    def row(r, off):
        pltpu.async_copy(one_v, deg_sh.at[didx_v.at[r]], bsem, add=True)

        @pl.when(r >= _BINFLY)
        def _():
            pltpu.make_async_copy(one_v, deg_sh.at[didx_v.at[0]], bsem).wait()

        for v in range(_CHUNK // 16):
            d = didx_v[r, pl.ds(v * 16, 16)]
            s = sidx_v[r, pl.ds(v * 16, 16)]
            m = d < _N_OUT
            mi = jnp.where(m, jnp.full((16,), 1, jnp.int32),
                           jnp.zeros((16,), jnp.int32))
            pos = off + plsc.cumsum(mi) - mi
            pr = pos >> 7
            pc = pos & 127
            plsc.store_scatter(cd_v, [pr, pc], d, mask=m)
            plsc.store_scatter(cs_v, [pr, pc], s, mask=m)
            off = off + plsc.all_reduce_population_count(m)
        return off

    off = lax.fori_loop(0, _RPW, row,
                        jnp.zeros((16,), jnp.int32))
    for _ in range(_BINFLY):
        pltpu.make_async_copy(one_v, deg_sh.at[didx_v.at[0]], bsem).wait()

    dvec = jnp.full((16,), _SCRAP, jnp.int32)
    svec = jnp.zeros((16,), jnp.int32)
    lanes = lax.iota(jnp.int32, 16)
    for k in range(_CHUNK // 16):
        pp = off + (k * 16) + lanes
        plsc.store_scatter(cd_v, [pp >> 7, pp & 127], dvec)
        plsc.store_scatter(cs_v, [pp >> 7, pp & 127], svec)
    cnt_v[...] = (off + (_CHUNK - 1)) >> 7

    pltpu.sync_copy(cd_v.at[pl.ds(0, _RPW)], cdst_out.at[wid])
    pltpu.sync_copy(cs_v.at[pl.ds(0, _RPW)], csrc_out.at[wid])
    pltpu.sync_copy(cnt_v, cnt_out.at[wid])
    plsc.subcore_barrier()
    pltpu.sync_copy(deg_sh.at[pl.ds(sid * _SEG, _SEG)],
                    deg_out.at[cid].at[pl.ds(sid * _SEG, _SEG)])


_sc_filter = functools.partial(
    pl.kernel,
    out_type=[
        jax.ShapeDtypeStruct((_NC, _DEG_PAD), jnp.float32),
        jax.ShapeDtypeStruct((_NW, _RPW, _CHUNK), jnp.int32),
        jax.ShapeDtypeStruct((_NW, _RPW, _CHUNK), jnp.int32),
        jax.ShapeDtypeStruct((_NW, 16), jnp.int32),
    ],
    compiler_params=pltpu.CompilerParams(use_tc_tiling_on_sc=False,
                                         needs_layout_passes=False),
    mesh=plsc.VectorSubcoreMesh(core_axis_name="c", subcore_axis_name="s"),
    scratch_types=[
        pltpu.VMEM((_RPW, _CHUNK), jnp.int32),
        pltpu.VMEM((_RPW, _CHUNK), jnp.int32),
        pltpu.VMEM((_CPW, _CHUNK), jnp.int32),
        pltpu.VMEM((_CPW, _CHUNK), jnp.int32),
        pltpu.VMEM((_CHUNK,), jnp.float32),
        pltpu.VMEM((_SEG,), jnp.float32),
        pltpu.VMEM((16,), jnp.int32),
        pltpu.VMEM_SHARED((_DEG_PAD,), jnp.float32),
        pltpu.SemaphoreType.DMA,
    ],
)(_sc_filter_body)


def _sc_aggregate_body(hp_hbm, csrc_hbm, cdst_hbm, cnt_hbm, acc_out,
                       sidx_v, didx_v, rows_v, cnt_v, acc_sh, gsem, ssem):
    cid = lax.axis_index("c")
    sid = lax.axis_index("s")
    wid = cid * _NS + sid

    def z(i, c):
        rows_v[0, i, :] = jnp.zeros((16,), jnp.float32)
        return c

    lax.fori_loop(0, _CHUNK, z, 0)
    pltpu.sync_copy(rows_v.at[0], acc_sh.at[pl.ds(sid * _ASEG, _CHUNK)])
    pltpu.sync_copy(rows_v.at[0].at[pl.ds(0, _ASEG - _CHUNK)],
                    acc_sh.at[pl.ds(sid * _ASEG + _CHUNK, _ASEG - _CHUNK)])

    pltpu.sync_copy(csrc_hbm.at[wid], sidx_v)
    pltpu.sync_copy(cdst_hbm.at[wid], didx_v)
    pltpu.sync_copy(cnt_hbm.at[wid], cnt_v)
    nch = jnp.max(cnt_v[...])
    plsc.subcore_barrier()

    for j in range(_AHEAD):
        @pl.when(j < nch)
        def _(j=j):
            pltpu.async_copy(hp_hbm.at[sidx_v.at[j]], rows_v.at[j],
                             gsem.at[j])

    def outer(g, c):
        for b in range(_NBUF):
            j = g * _NBUF + b

            @pl.when(j < nch)
            def _():
                pltpu.make_async_copy(hp_hbm.at[sidx_v.at[j]], rows_v.at[b],
                                      gsem.at[b]).wait()
                pltpu.async_copy(rows_v.at[b], acc_sh.at[didx_v.at[j]],
                                 ssem.at[b], add=True)

            jn = j + _AHEAD
            bn = (b + _AHEAD) % _NBUF

            @pl.when(jnp.logical_and(jn >= _NBUF, jn < nch))
            def _():
                pltpu.make_async_copy(rows_v.at[bn],
                                      acc_sh.at[didx_v.at[jn - _NBUF]],
                                      ssem.at[bn]).wait()

            @pl.when(jn < nch)
            def _():
                pltpu.async_copy(hp_hbm.at[sidx_v.at[jn]], rows_v.at[bn],
                                 gsem.at[bn])
        return c

    lax.fori_loop(0, (nch + _NBUF - 1) >> 3, outer, 0)
    for b in range(_NBUF):
        @pl.when(b < nch)
        def _(b=b):
            pltpu.make_async_copy(rows_v.at[b], acc_sh.at[didx_v.at[0]],
                                  ssem.at[b]).wait()

    plsc.subcore_barrier()
    pltpu.sync_copy(acc_sh.at[pl.ds(sid * _OPT, _OPT)],
                    acc_out.at[cid].at[pl.ds(sid * _OPT, _OPT)])


_sc_aggregate = functools.partial(
    pl.kernel,
    out_type=jax.ShapeDtypeStruct((_NC, _N_OUT, _D), jnp.float32),
    compiler_params=pltpu.CompilerParams(use_tc_tiling_on_sc=False,
                                         needs_layout_passes=False),
    mesh=plsc.VectorSubcoreMesh(core_axis_name="c", subcore_axis_name="s"),
    scratch_types=[
        pltpu.VMEM((_RPW, _CHUNK), jnp.int32),
        pltpu.VMEM((_RPW, _CHUNK), jnp.int32),
        pltpu.VMEM((_NBUF, _CHUNK, _D), jnp.float32),
        pltpu.VMEM((16,), jnp.int32),
        pltpu.VMEM_SHARED((_ACC, _D), jnp.float32),
        pltpu.SemaphoreType.DMA((_NBUF,)),
        pltpu.SemaphoreType.DMA((_NBUF,)),
    ],
)(_sc_aggregate_body)


_TC_BLK = 1000


def _tc_transform_body(x_ref, w_ref, d0_ref, d1_ref, hp_ref, dis_ref):
    d = d0_ref[...] + d1_ref[...] + 1.0
    dis = lax.rsqrt(d)
    h = jnp.dot(x_ref[...], w_ref[...], preferred_element_type=jnp.float32)
    hp_ref[...] = h * dis
    dis_ref[...] = dis


def _tc_transform(x, w, deg0, deg1):
    return pl.pallas_call(
        _tc_transform_body,
        grid=(_N_NODES // _TC_BLK,),
        in_specs=[
            pl.BlockSpec((_TC_BLK, _P), lambda i: (i, 0)),
            pl.BlockSpec((_P, _D), lambda i: (0, 0)),
            pl.BlockSpec((_TC_BLK, 1), lambda i: (i, 0)),
            pl.BlockSpec((_TC_BLK, 1), lambda i: (i, 0)),
        ],
        out_specs=[
            pl.BlockSpec((_TC_BLK, _D), lambda i: (i, 0)),
            pl.BlockSpec((_TC_BLK, 1), lambda i: (i, 0)),
        ],
        out_shape=[
            jax.ShapeDtypeStruct((_N_NODES, _D), jnp.float32),
            jax.ShapeDtypeStruct((_N_NODES, 1), jnp.float32),
        ],
    )(x, w, deg0, deg1)


def _tc_epilogue_body(a0_ref, a1_ref, hp_ref, dis_ref, b_ref, o_ref):
    o_ref[...] = (dis_ref[...] * (a0_ref[...] + a1_ref[...] + hp_ref[...])
                  + b_ref[...])


def _tc_epilogue(a0, a1, hp, dis, b2):
    return pl.pallas_call(
        _tc_epilogue_body,
        out_shape=jax.ShapeDtypeStruct((_N_OUT, _D), jnp.float32),
    )(a0, a1, hp, dis, b2)


def kernel(x, pd_edge_index, W, b):
    ei = pd_edge_index.astype(jnp.int32)
    src = ei[0]
    dst = ei[1]
    pad = _EP - _N_EDGES
    src_p = jnp.concatenate([src, jnp.zeros((pad,), jnp.int32)]).reshape(_ROWS, _CHUNK)
    dst_p = jnp.concatenate([dst, jnp.full((pad,), _DUMMY, jnp.int32)]).reshape(_ROWS, _CHUNK)

    deg2, csrc, cdst, cnt = _sc_filter(dst_p, src_p)
    deg0 = deg2[0, :_N_NODES].reshape(_N_NODES, 1)
    deg1 = deg2[1, :_N_NODES].reshape(_N_NODES, 1)
    hp, dis = _tc_transform(x, W, deg0, deg1)
    acc2 = _sc_aggregate(hp, csrc, cdst, cnt)
    out = _tc_epilogue(acc2[0], acc2[1], hp[:_N_OUT], dis[:_N_OUT],
                       b.reshape(1, _D))
    return out

# --- scband reference (transcript-rebuilt; emitter-appended) ---
"""Pipeline reference for scband-pd-14491219657329 (READ-ONLY COPY).

The authoritative reference and input builder live on the scoring server;
editing this copy changes nothing except your own understanding.
"""

import jax, jax.numpy as jnp
import numpy as np

N_NODES = 10000
N_EDGES = 320000
P_DIM = 128
D_DIM = 16
N_DRUG = 2048


def setup_inputs(seed: int = 0) -> dict:
    key = jax.random.key(seed)
    k1, k2, k3 = jax.random.split(key, 3)
    x = jax.random.normal(k1, (N_NODES, P_DIM), dtype=jnp.float32)
    pd_edge_index = jax.random.randint(k2, (2, N_EDGES), 0, N_NODES).astype(jnp.int64)
    # GCNConv weight (glorot) and bias, per init_kwargs protein_dim=128 -> drug_dim=16
    limit = float(np.sqrt(6.0 / (P_DIM + D_DIM)))
    W = jax.random.uniform(k3, (P_DIM, D_DIM), dtype=jnp.float32, minval=-limit, maxval=limit)
    b = jnp.zeros((D_DIM,), dtype=jnp.float32)
    return {"x": x, "pd_edge_index": pd_edge_index, "W": W, "b": b}


def reference(x, pd_edge_index, W, b):
    # Faithful GCNConv (PyG semantics): add self-loops, symmetric normalization,
    # linear transform, scatter-add aggregation, bias; then slice first n_drug rows.
    src = pd_edge_index[0]
    dst = pd_edge_index[1]
    loop = jnp.arange(N_NODES, dtype=src.dtype)
    src = jnp.concatenate([src, loop])
    dst = jnp.concatenate([dst, loop])
    # degree computed on destination (col) with unit edge weights
    deg = jnp.zeros((N_NODES,), dtype=jnp.float32).at[dst].add(1.0)
    deg_inv_sqrt = jnp.where(deg > 0, deg ** -0.5, 0.0)
    norm = deg_inv_sqrt[src] * deg_inv_sqrt[dst]
    h = x @ W  # [N, D_DIM]
    msg = h[src] * norm[:, None]  # gather + scale
    out = jnp.zeros((N_NODES, D_DIM), dtype=jnp.float32).at[dst].add(msg)  # scatter-add
    out = out + b
    return out[:N_DRUG, :]

if __name__ == "__main__":
    import jax
    _d = setup_inputs()
    print(jax.jit(kernel)(*tuple(_d.values())))

</pallas_src>

<mosaic_0001>
#map = affine_map<(d0, d1) -> (0, 0)>
#map1 = affine_map<(d0, d1) -> (0, 0, 0)>
module attributes {stable_mosaic.version = 14 : i64} {
  func.func @_sc_filter_body(%arg0: i32, %arg1: i32, %arg2: memref<2560x128xi32, #tpu.memory_space<hbm>>, %arg3: memref<2560x128xi32, #tpu.memory_space<hbm>>, %arg4: memref<2x10240xf32, #tpu.memory_space<hbm>>, %arg5: memref<32x80x128xi32, #tpu.memory_space<hbm>>, %arg6: memref<32x80x128xi32, #tpu.memory_space<hbm>>, %arg7: memref<32x16xi32, #tpu.memory_space<hbm>>, %arg8: memref<80x128xi32, #tpu.memory_space<vmem>>, %arg9: memref<80x128xi32, #tpu.memory_space<vmem>>, %arg10: memref<81x128xi32, #tpu.memory_space<vmem>>, %arg11: memref<81x128xi32, #tpu.memory_space<vmem>>, %arg12: memref<128xf32, #tpu.memory_space<vmem>>, %arg13: memref<640xf32, #tpu.memory_space<vmem>>, %arg14: memref<16xi32, #tpu.memory_space<vmem>>, %arg15: memref<10240xf32, #tpu.memory_space<vmem_shared>>, %arg16: memref<!tpu.dma_semaphore, #tpu.memory_space<semaphore_mem>>) attributes {dimension_semantics = [#tpu.dimension_semantics<core_parallel>, #tpu.dimension_semantics<subcore_parallel>], iteration_bounds = array<i64: 2, 16>, scalar_prefetch = 0 : i64, scratch_operands = 9 : i64, tpu.core_type = #tpu.core_type<sc_vector_subcore>, window_params = [{transform_indices = #map}, {transform_indices = #map}, {transform_indices = #map}, {transform_indices = #map1}, {transform_indices = #map1}, {transform_indices = #map}]} {
    %mul3A = arith.constant 16 : i32
    %mul3A_0 = arith.muli %arg0, %mul3A : i32
    %add3A = arith.addi %mul3A_0, %arg1 : i32
    %scan3A = arith.constant 0 : i32
    %scan3A_1 = arith.constant 0 : i32
    %scan3A_2 = arith.constant 40 : i32
    %scan3A_3 = arith.addi %scan3A_1, %scan3A_2 : i32
    %scan3A_4 = arith.constant 1 : i32
    scf.for %scan3A_214 = %scan3A_1 to %scan3A_3 step %scan3A_4  : i32 {
      %broadcast_in_dim3A_215 = arith.constant 0.000000e+00 : f32
      %broadcast_in_dim3A_216 = vector.broadcast %broadcast_in_dim3A_215 : f32 to vector<16xf32>
      %mul3A_217 = arith.constant 16 : i32
      %mul3A_218 = arith.muli %scan3A_214, %mul3A_217 : i32
      %swap3A_219 = arith.index_cast %mul3A_218 : i32 to index
      %swap3A_220 = tpu.vector_load %arg13[%swap3A_219] {strides = array<i32>} : memref<640xf32, #tpu.memory_space<vmem>>, vector<16xf32>,
      tpu.vector_store %arg13[%swap3A_219], %broadcast_in_dim3A_216 {strides = array<i32>} : memref<640xf32, #tpu.memory_space<vmem>>, vector<16xf32>,
    }
    %scan3A_5 = arith.constant 40 : i32
    %scan3A_6 = arith.constant 0 : i32
    %scan3A_7 = arith.constant 0 : i32
    %scan3A_8 = arith.constant 8 : i32
    %scan3A_9 = arith.addi %scan3A_7, %scan3A_8 : i32
    %scan3A_10 = arith.constant 1 : i32
    scf.for %scan3A_214 = %scan3A_7 to %scan3A_9 step %scan3A_10  : i32 {
      %broadcast_in_dim3A_215 = arith.constant 1.000000e+00 : f32
      %broadcast_in_dim3A_216 = vector.broadcast %broadcast_in_dim3A_215 : f32 to vector<16xf32>
      %mul3A_217 = arith.constant 16 : i32
      %mul3A_218 = arith.muli %scan3A_214, %mul3A_217 : i32
      %swap3A_219 = arith.index_cast %mul3A_218 : i32 to index
      %swap3A_220 = tpu.vector_load %arg12[%swap3A_219] {strides = array<i32>} : memref<128xf32, #tpu.memory_space<vmem>>, vector<16xf32>,
      tpu.vector_store %arg12[%swap3A_219], %broadcast_in_dim3A_216 {strides = array<i32>} : memref<128xf32, #tpu.memory_space<vmem>>, vector<16xf32>,
    }
    %scan3A_11 = arith.constant 8 : i32
    %mul3A_12 = arith.constant 640 : i32
    %mul3A_13 = arith.muli %arg1, %mul3A_12 : i32
    "tpu.region"() ({
      %run_scoped3A = tpu.sem_alloc : memref<!tpu.dma_semaphore, #tpu.memory_space<semaphore_mem>>
      %dma_start3A = tpu.memref_slice %arg15[%mul3A_13] : memref<10240xf32, #tpu.memory_space<vmem_shared>> -> memref<640xf32, #tpu.memory_space<vmem_shared>>
      %dma_start3A_214 = tpu.memref_slice %arg15[%mul3A_13] : memref<10240xf32, #tpu.memory_space<vmem_shared>> -> memref<640xf32, #tpu.memory_space<vmem_shared>>
      tpu.enqueue_dma source(%arg13 : memref<640xf32, #tpu.memory_space<vmem>>) target(%dma_start3A_214 : memref<640xf32, #tpu.memory_space<vmem_shared>>) target_semaphore(%run_scoped3A : memref<!tpu.dma_semaphore, #tpu.memory_space<semaphore_mem>>)
      %dma_wait3A_215 = tpu.memref_slice %arg15[%mul3A_13] : memref<10240xf32, #tpu.memory_space<vmem_shared>> -> memref<640xf32, #tpu.memory_space<vmem_shared>>
      %dma_wait3A_216 = tpu.memref_slice %arg15[%mul3A_13] : memref<10240xf32, #tpu.memory_space<vmem_shared>> -> memref<640xf32, #tpu.memory_space<vmem_shared>>
      tpu.wait_dma2 semaphore(%run_scoped3A : memref<!tpu.dma_semaphore, #tpu.memory_space<semaphore_mem>>) src(%arg13 : memref<640xf32, #tpu.memory_space<vmem>>) dst(%dma_wait3A_216 : memref<640xf32, #tpu.memory_space<vmem_shared>>)
      tpu.yield
    }) : () -> ()
    %mul3A_14 = arith.constant 80 : i32
    %mul3A_15 = arith.muli %add3A, %mul3A_14 : i32
    "tpu.region"() ({
      %run_scoped3A = tpu.sem_alloc : memref<!tpu.dma_semaphore, #tpu.memory_space<semaphore_mem>>
      %dma_start3A = arith.constant 0 : i32
      %dma_start3A_214 = tpu.memref_slice %arg2[%mul3A_15, %dma_start3A] : memref<2560x128xi32, #tpu.memory_space<hbm>> -> memref<80x128xi32, #tpu.memory_space<hbm>>
      %dma_start3A_215 = arith.constant 0 : i32
      %dma_start3A_216 = tpu.memref_slice %arg2[%mul3A_15, %dma_start3A_215] : memref<2560x128xi32, #tpu.memory_space<hbm>> -> memref<80x128xi32, #tpu.memory_space<hbm>>
      tpu.enqueue_dma source(%dma_start3A_216 : memref<80x128xi32, #tpu.memory_space<hbm>>) target(%arg8 : memref<80x128xi32, #tpu.memory_space<vmem>>) target_semaphore(%run_scoped3A : memref<!tpu.dma_semaphore, #tpu.memory_space<semaphore_mem>>)
      %dma_wait3A_217 = arith.constant 0 : i32
      %dma_wait3A_218 = tpu.memref_slice %arg2[%mul3A_15, %dma_wait3A_217] : memref<2560x128xi32, #tpu.memory_space<hbm>> -> memref<80x128xi32, #tpu.memory_space<hbm>>
      %dma_wait3A_219 = arith.constant 0 : i32
      %dma_wait3A_220 = tpu.memref_slice %arg2[%mul3A_15, %dma_wait3A_219] : memref<2560x128xi32, #tpu.memory_space<hbm>> -> memref<80x128xi32, #tpu.memory_space<hbm>>
      tpu.wait_dma2 semaphore(%run_scoped3A : memref<!tpu.dma_semaphore, #tpu.memory_space<semaphore_mem>>) src(%dma_wait3A_220 : memref<80x128xi32, #tpu.memory_space<hbm>>) dst(%arg8 : memref<80x128xi32, #tpu.memory_space<vmem>>)
      tpu.yield
    }) : () -> ()
    %mul3A_16 = arith.constant 80 : i32
    %mul3A_17 = arith.muli %add3A, %mul3A_16 : i32
    "tpu.region"() ({
      %run_scoped3A = tpu.sem_alloc : memref<!tpu.dma_semaphore, #tpu.memory_space<semaphore_mem>>
      %dma_start3A = arith.constant 0 : i32
      %dma_start3A_214 = tpu.memref_slice %arg3[%mul3A_17, %dma_start3A] : memref<2560x128xi32, #tpu.memory_space<hbm>> -> memref<80x128xi32, #tpu.memory_space<hbm>>
      %dma_start3A_215 = arith.constant 0 : i32
      %dma_start3A_216 = tpu.memref_slice %arg3[%mul3A_17, %dma_start3A_215] : memref<2560x128xi32, #tpu.memory_space<hbm>> -> memref<80x128xi32, #tpu.memory_space<hbm>>
      tpu.enqueue_dma source(%dma_start3A_216 : memref<80x128xi32, #tpu.memory_space<hbm>>) target(%arg9 : memref<80x128xi32, #tpu.memory_space<vmem>>) target_semaphore(%run_scoped3A : memref<!tpu.dma_semaphore, #tpu.memory_space<semaphore_mem>>)
      %dma_wait3A_217 = arith.constant 0 : i32
      %dma_wait3A_218 = tpu.memref_slice %arg3[%mul3A_17, %dma_wait3A_217] : memref<2560x128xi32, #tpu.memory_space<hbm>> -> memref<80x128xi32, #tpu.memory_space<hbm>>
      %dma_wait3A_219 = arith.constant 0 : i32
      %dma_wait3A_220 = tpu.memref_slice %arg3[%mul3A_17, %dma_wait3A_219] : memref<2560x128xi32, #tpu.memory_space<hbm>> -> memref<80x128xi32, #tpu.memory_space<hbm>>
      tpu.wait_dma2 semaphore(%run_scoped3A : memref<!tpu.dma_semaphore, #tpu.memory_space<semaphore_mem>>) src(%dma_wait3A_220 : memref<80x128xi32, #tpu.memory_space<hbm>>) dst(%arg9 : memref<80x128xi32, #tpu.memory_space<vmem>>)
      tpu.yield
    }) : () -> ()
    %barrier3A = arith.constant 0 : index
    tpu.barrier barrier_id(%barrier3A)
    %broadcast_in_dim3A = arith.constant 0 : i32
    %broadcast_in_dim3A_18 = vector.broadcast %broadcast_in_dim3A : i32 to vector<16xi32>
    %scan3A_19 = arith.constant 0 : i32
    %scan3A_20 = arith.constant 80 : i32
    %scan3A_21 = arith.addi %scan3A_19, %scan3A_20 : i32
    %scan3A_22 = arith.constant 1 : i32
    %scan3A_23 = scf.for %scan3A_214 = %scan3A_19 to %scan3A_21 step %scan3A_22 iter_args(%scan3A_215 = %broadcast_in_dim3A_18) -> (vector<16xi32>)  : i32 {
      %dma_start3A = arith.constant 0 : i32
      %dma_start3A_216 = tpu.memref_slice %arg8[%scan3A_214, %dma_start3A] : memref<80x128xi32, #tpu.memory_space<vmem>> -> memref<1x128xi32, #tpu.memory_space<vmem>>
      %dma_start3A_217 = tpu.memref_squeeze %dma_start3A_216 : memref<1x128xi32, #tpu.memory_space<vmem>> -> memref<128xi32, #tpu.memory_space<vmem>>
      %dma_start3A_218 = arith.constant 0 : i32
      %dma_start3A_219 = tpu.memref_slice %arg15[%dma_start3A_218] : memref<10240xf32, #tpu.memory_space<vmem_shared>> -> memref<10240xf32, #tpu.memory_space<vmem_shared>>
      tpu.enqueue_indirect_dma source(%arg12 : memref<128xf32, #tpu.memory_space<vmem>>) target(%dma_start3A_219 : memref<10240xf32, #tpu.memory_space<vmem_shared>>) offsets(%dma_start3A_217 : memref<128xi32, #tpu.memory_space<vmem>>) semaphore(%arg16 : memref<!tpu.dma_semaphore, #tpu.memory_space<semaphore_mem>>) {add = true}
      %ge3A = arith.constant 8 : i32
      %ge3A_220 = arith.cmpi sge, %scan3A_214, %ge3A : i32
      %convert_element_type3A = arith.extui %ge3A_220 : i1 to i32
      %cond3A = arith.constant 0 : i32
      %cond3A_221 = arith.cmpi ne, %convert_element_type3A, %cond3A : i32
      scf.if %cond3A_221 {
        %dma_wait3A_432 = arith.constant 0 : i32
        %dma_wait3A_433 = arith.constant 0 : i32
        %dma_wait3A_434 = tpu.memref_slice %arg8[%dma_wait3A_432, %dma_wait3A_433] : memref<80x128xi32, #tpu.memory_space<vmem>> -> memref<1x128xi32, #tpu.memory_space<vmem>>
        %dma_wait3A_435 = tpu.memref_squeeze %dma_wait3A_434 : memref<1x128xi32, #tpu.memory_space<vmem>> -> memref<128xi32, #tpu.memory_space<vmem>>
        %dma_wait3A_436 = arith.constant 0 : i32
        %dma_wait3A_437 = tpu.memref_slice %arg15[%dma_wait3A_436] : memref<10240xf32, #tpu.memory_space<vmem_shared>> -> memref<10240xf32, #tpu.memory_space<vmem_shared>>
        tpu.wait_indirect_dma semaphore(%arg16 : memref<!tpu.dma_semaphore, #tpu.memory_space<semaphore_mem>>) src(%arg12 : memref<128xf32, #tpu.memory_space<vmem>>) dst(%dma_wait3A_437 : memref<10240xf32, #tpu.memory_space<vmem_shared>>)
      } else {
      }
      %get3A = arith.index_cast %scan3A_214 : i32 to index
      %get3A_222 = arith.constant 0 : index
      %get3A_223 = tpu.vector_load %arg8[%get3A, %get3A_222] {strides = array<i32>} : memref<80x128xi32, #tpu.memory_space<vmem>>, vector<16xi32>,
      %get3A_224 = arith.index_cast %scan3A_214 : i32 to index
      %get3A_225 = arith.constant 0 : index
      %get3A_226 = tpu.vector_load %arg9[%get3A_224, %get3A_225] {strides = array<i32>} : memref<80x128xi32, #tpu.memory_space<vmem>>, vector<16xi32>,
      %lt3A = arith.constant 2048 : i32
      %lt3A_227 = vector.broadcast %lt3A : i32 to vector<16xi32>
      %lt3A_228 = arith.cmpi slt, %get3A_223, %lt3A_227 : vector<16xi32>
      %broadcast_in_dim3A_229 = arith.constant 1 : i32
      %broadcast_in_dim3A_230 = vector.broadcast %broadcast_in_dim3A_229 : i32 to vector<16xi32>
      %broadcast_in_dim3A_231 = arith.constant 0 : i32
      %broadcast_in_dim3A_232 = vector.broadcast %broadcast_in_dim3A_231 : i32 to vector<16xi32>
      %select_n3A = arith.select %lt3A_228, %broadcast_in_dim3A_230, %broadcast_in_dim3A_232 : vector<16xi1>, vector<16xi32>
      %broadcast_in_dim3A_233 = arith.constant true
      %broadcast_in_dim3A_234 = vector.broadcast %broadcast_in_dim3A_233 : i1 to vector<16xi1>
      %masked_cumsum3A = tpu.scan <sum>, %select_n3A masked %broadcast_in_dim3A_234 : vector<16xi32>, vector<16xi1> -> vector<16xi32>
      %add3A_235 = arith.addi %scan3A_215, %masked_cumsum3A : vector<16xi32>
      %sub3A = arith.subi %add3A_235, %select_n3A : vector<16xi32>
      %shift_right_arithmetic3A_236 = arith.constant 7 : i32
      %shift_right_arithmetic3A_237 = vector.broadcast %shift_right_arithmetic3A_236 : i32 to vector<16xi32>
      %shift_right_arithmetic3A_238 = arith.shrsi %sub3A, %shift_right_arithmetic3A_237 : vector<16xi32>
      %and3A_239 = arith.constant 127 : i32
      %and3A_240 = vector.broadcast %and3A_239 : i32 to vector<16xi32>
      %and3A_241 = arith.andi %sub3A, %and3A_240 : vector<16xi32>
      tpu.vector_store_idx %arg10[%shift_right_arithmetic3A_238, %and3A_241], %get3A_223 masked %lt3A_228 : memref<81x128xi32, #tpu.memory_space<vmem>>[vector<16xi32>, vector<16xi32>], vector<16xi32>, vector<16xi1>
      tpu.vector_store_idx %arg11[%shift_right_arithmetic3A_238, %and3A_241], %get3A_226 masked %lt3A_228 : memref<81x128xi32, #tpu.memory_space<vmem>>[vector<16xi32>, vector<16xi32>], vector<16xi32>, vector<16xi1>
      %all_reduce_population_count3A = tpu.all_reduce %lt3A_228 {dim = 0 : i64, kind = #tpu.reduction_kind<sum>} : vector<16xi1> -> vector<16xi32>
      %add3A_242 = arith.addi %scan3A_215, %all_reduce_population_count3A : vector<16xi32>
      %get3A_243 = arith.index_cast %scan3A_214 : i32 to index
      %get3A_244 = arith.constant 16 : index
      %get3A_245 = tpu.vector_load %arg8[%get3A_243, %get3A_244] {strides = array<i32>} : memref<80x128xi32, #tpu.memory_space<vmem>>, vector<16xi32>,
      %get3A_246 = arith.index_cast %scan3A_214 : i32 to index
      %get3A_247 = arith.constant 16 : index
      %get3A_248 = tpu.vector_load %arg9[%get3A_246, %get3A_247] {strides = array<i32>} : memref<80x128xi32, #tpu.memory_space<vmem>>, vector<16xi32>,
      %lt3A_249 = arith.constant 2048 : i32
      %lt3A_250 = vector.broadcast %lt3A_249 : i32 to vector<16xi32>
      %lt3A_251 = arith.cmpi slt, %get3A_245, %lt3A_250 : vector<16xi32>
      %broadcast_in_dim3A_252 = arith.constant 1 : i32
      %broadcast_in_dim3A_253 = vector.broadcast %broadcast_in_dim3A_252 : i32 to vector<16xi32>
      %broadcast_in_dim3A_254 = arith.constant 0 : i32
      %broadcast_in_dim3A_255 = vector.broadcast %broadcast_in_dim3A_254 : i32 to vector<16xi32>
      %select_n3A_256 = arith.select %lt3A_251, %broadcast_in_dim3A_253, %broadcast_in_dim3A_255 : vector<16xi1>, vector<16xi32>
      %broadcast_in_dim3A_257 = arith.constant true
      %broadcast_in_dim3A_258 = vector.broadcast %broadcast_in_dim3A_257 : i1 to vector<16xi1>
      %masked_cumsum3A_259 = tpu.scan <sum>, %select_n3A_256 masked %broadcast_in_dim3A_258 : vector<16xi32>, vector<16xi1> -> vector<16xi32>
      %add3A_260 = arith.addi %add3A_242, %masked_cumsum3A_259 : vector<16xi32>
      %sub3A_261 = arith.subi %add3A_260, %select_n3A_256 : vector<16xi32>
      %shift_right_arithmetic3A_262 = arith.constant 7 : i32
      %shift_right_arithmetic3A_263 = vector.broadcast %shift_right_arithmetic3A_262 : i32 to vector<16xi32>
      %shift_right_arithmetic3A_264 = arith.shrsi %sub3A_261, %shift_right_arithmetic3A_263 : vector<16xi32>
      %and3A_265 = arith.constant 127 : i32
      %and3A_266 = vector.broadcast %and3A_265 : i32 to vector<16xi32>
      %and3A_267 = arith.andi %sub3A_261, %and3A_266 : vector<16xi32>
      tpu.vector_store_idx %arg10[%shift_right_arithmetic3A_264, %and3A_267], %get3A_245 masked %lt3A_251 : memref<81x128xi32, #tpu.memory_space<vmem>>[vector<16xi32>, vector<16xi32>], vector<16xi32>, vector<16xi1>
      tpu.vector_store_idx %arg11[%shift_right_arithmetic3A_264, %and3A_267], %get3A_248 masked %lt3A_251 : memref<81x128xi32, #tpu.memory_space<vmem>>[vector<16xi32>, vector<16xi32>], vector<16xi32>, vector<16xi1>
      %all_reduce_population_count3A_268 = tpu.all_reduce %lt3A_251 {dim = 0 : i64, kind = #tpu.reduction_kind<sum>} : vector<16xi1> -> vector<16xi32>
      %add3A_269 = arith.addi %add3A_242, %all_reduce_population_count3A_268 : vector<16xi32>
      %get3A_270 = arith.index_cast %scan3A_214 : i32 to index
      %get3A_271 = arith.constant 32 : index
      %get3A_272 = tpu.vector_load %arg8[%get3A_270, %get3A_271] {strides = array<i32>} : memref<80x128xi32, #tpu.memory_space<vmem>>, vector<16xi32>,
      %get3A_273 = arith.index_cast %scan3A_214 : i32 to index
      %get3A_274 = arith.constant 32 : index
      %get3A_275 = tpu.vector_load %arg9[%get3A_273, %get3A_274] {strides = array<i32>} : memref<80x128xi32, #tpu.memory_space<vmem>>, vector<16xi32>,
      %lt3A_276 = arith.constant 2048 : i32
      %lt3A_277 = vector.broadcast %lt3A_276 : i32 to vector<16xi32>
      %lt3A_278 = arith.cmpi slt, %get3A_272, %lt3A_277 : vector<16xi32>
      %broadcast_in_dim3A_279 = arith.constant 1 : i32
      %broadcast_in_dim3A_280 = vector.broadcast %broadcast_in_dim3A_279 : i32 to vector<16xi32>
      %broadcast_in_dim3A_281 = arith.constant 0 : i32
      %broadcast_in_dim3A_282 = vector.broadcast %broadcast_in_dim3A_281 : i32 to vector<16xi32>
      %select_n3A_283 = arith.select %lt3A_278, %broadcast_in_dim3A_280, %broadcast_in_dim3A_282 : vector<16xi1>, vector<16xi32>
      %broadcast_in_dim3A_284 = arith.constant true
      %broadcast_in_dim3A_285 = vector.broadcast %broadcast_in_dim3A_284 : i1 to vector<16xi1>
      %masked_cumsum3A_286 = tpu.scan <sum>, %select_n3A_283 masked %broadcast_in_dim3A_285 : vector<16xi32>, vector<16xi1> -> vector<16xi32>
      %add3A_287 = arith.addi %add3A_269, %masked_cumsum3A_286 : vector<16xi32>
      %sub3A_288 = arith.subi %add3A_287, %select_n3A_283 : vector<16xi32>
      %shift_right_arithmetic3A_289 = arith.constant 7 : i32
      %shift_right_arithmetic3A_290 = vector.broadcast %shift_right_arithmetic3A_289 : i32 to vector<16xi32>
      %shift_right_arithmetic3A_291 = arith.shrsi %sub3A_288, %shift_right_arithmetic3A_290 : vector<16xi32>
      %and3A_292 = arith.constant 127 : i32
      %and3A_293 = vector.broadcast %and3A_292 : i32 to vector<16xi32>
      %and3A_294 = arith.andi %sub3A_288, %and3A_293 : vector<16xi32>
      tpu.vector_store_idx %arg10[%shift_right_arithmetic3A_291, %and3A_294], %get3A_272 masked %lt3A_278 : memref<81x128xi32, #tpu.memory_space<vmem>>[vector<16xi32>, vector<16xi32>], vector<16xi32>, vector<16xi1>
      tpu.vector_store_idx %arg11[%shift_right_arithmetic3A_291, %and3A_294], %get3A_275 masked %lt3A_278 : memref<81x128xi32, #tpu.memory_space<vmem>>[vector<16xi32>, vector<16xi32>], vector<16xi32>, vector<16xi1>
      %all_reduce_population_count3A_295 = tpu.all_reduce %lt3A_278 {dim = 0 : i64, kind = #tpu.reduction_kind<sum>} : vector<16xi1> -> vector<16xi32>
      %add3A_296 = arith.addi %add3A_269, %all_reduce_population_count3A_295 : vector<16xi32>
      %get3A_297 = arith.index_cast %scan3A_214 : i32 to index
      %get3A_298 = arith.constant 48 : index
      %get3A_299 = tpu.vector_load %arg8[%get3A_297, %get3A_298] {strides = array<i32>} : memref<80x128xi32, #tpu.memory_space<vmem>>, vector<16xi32>,
      %get3A_300 = arith.index_cast %scan3A_214 : i32 to index
      %get3A_301 = arith.constant 48 : index
      %get3A_302 = tpu.vector_load %arg9[%get3A_300, %get3A_301] {strides = array<i32>} : memref<80x128xi32, #tpu.memory_space<vmem>>, vector<16xi32>,
      %lt3A_303 = arith.constant 2048 : i32
      %lt3A_304 = vector.broadcast %lt3A_303 : i32 to vector<16xi32>
      %lt3A_305 = arith.cmpi slt, %get3A_299, %lt3A_304 : vector<16xi32>
      %broadcast_in_dim3A_306 = arith.constant 1 : i32
      %broadcast_in_dim3A_307 = vector.broadcast %broadcast_in_dim3A_306 : i32 to vector<16xi32>
      %broadcast_in_dim3A_308 = arith.constant 0 : i32
      %broadcast_in_dim3A_309 = vector.broadcast %broadcast_in_dim3A_308 : i32 to vector<16xi32>
      %select_n3A_310 = arith.select %lt3A_305, %broadcast_in_dim3A_307, %broadcast_in_dim3A_309 : vector<16xi1>, vector<16xi32>
      %broadcast_in_dim3A_311 = arith.constant true
      %broadcast_in_dim3A_312 = vector.broadcast %broadcast_in_dim3A_311 : i1 to vector<16xi1>
      %masked_cumsum3A_313 = tpu.scan <sum>, %select_n3A_310 masked %broadcast_in_dim3A_312 : vector<16xi32>, vector<16xi1> -> vector<16xi32>
      %add3A_314 = arith.addi %add3A_296, %masked_cumsum3A_313 : vector<16xi32>
      %sub3A_315 = arith.subi %add3A_314, %select_n3A_310 : vector<16xi32>
      %shift_right_arithmetic3A_316 = arith.constant 7 : i32
      %shift_right_arithmetic3A_317 = vector.broadcast %shift_right_arithmetic3A_316 : i32 to vector<16xi32>
      %shift_right_arithmetic3A_318 = arith.shrsi %sub3A_315, %shift_right_arithmetic3A_317 : vector<16xi32>
      %and3A_319 = arith.constant 127 : i32
      %and3A_320 = vector.broadcast %and3A_319 : i32 to vector<16xi32>
      %and3A_321 = arith.andi %sub3A_315, %and3A_320 : vector<16xi32>
      tpu.vector_store_idx %arg10[%shift_right_arithmetic3A_318, %and3A_321], %get3A_299 masked %lt3A_305 : memref<81x128xi32, #tpu.memory_space<vmem>>[vector<16xi32>, vector<16xi32>], vector<16xi32>, vector<16xi1>
      tpu.vector_store_idx %arg11[%shift_right_arithmetic3A_318, %and3A_321], %get3A_302 masked %lt3A_305 : memref<81x128xi32, #tpu.memory_space<vmem>>[vector<16xi32>, vector<16xi32>], vector<16xi32>, vector<16xi1>
      %all_reduce_population_count3A_322 = tpu.all_reduce %lt3A_305 {dim = 0 : i64, kind = #tpu.reduction_kind<sum>} : vector<16xi1> -> vector<16xi32>
      %add3A_323 = arith.addi %add3A_296, %all_reduce_population_count3A_322 : vector<16xi32>
      %get3A_324 = arith.index_cast %scan3A_214 : i32 to index
      %get3A_325 = arith.constant 64 : index
      %get3A_326 = tpu.vector_load %arg8[%get3A_324, %get3A_325] {strides = array<i32>} : memref<80x128xi32, #tpu.memory_space<vmem>>, vector<16xi32>,
      %get3A_327 = arith.index_cast %scan3A_214 : i32 to index
      %get3A_328 = arith.constant 64 : index
      %get3A_329 = tpu.vector_load %arg9[%get3A_327, %get3A_328] {strides = array<i32>} : memref<80x128xi32, #tpu.memory_space<vmem>>, vector<16xi32>,
      %lt3A_330 = arith.constant 2048 : i32
      %lt3A_331 = vector.broadcast %lt3A_330 : i32 to vector<16xi32>
      %lt3A_332 = arith.cmpi slt, %get3A_326, %lt3A_331 : vector<16xi32>
      %broadcast_in_dim3A_333 = arith.constant 1 : i32
      %broadcast_in_dim3A_334 = vector.broadcast %broadcast_in_dim3A_333 : i32 to vector<16xi32>
      %broadcast_in_dim3A_335 = arith.constant 0 : i32
      %broadcast_in_dim3A_336 = vector.broadcast %broadcast_in_dim3A_335 : i32 to vector<16xi32>
      %select_n3A_337 = arith.select %lt3A_332, %broadcast_in_dim3A_334, %broadcast_in_dim3A_336 : vector<16xi1>, vector<16xi32>
      %broadcast_in_dim3A_338 = arith.constant true
      %broadcast_in_dim3A_339 = vector.broadcast %broadcast_in_dim3A_338 : i1 to vector<16xi1>
      %masked_cumsum3A_340 = tpu.scan <sum>, %select_n3A_337 masked %broadcast_in_dim3A_339 : vector<16xi32>, vector<16xi1> -> vector<16xi32>
      %add3A_341 = arith.addi %add3A_323, %masked_cumsum3A_340 : vector<16xi32>
      %sub3A_342 = arith.subi %add3A_341, %select_n3A_337 : vector<16xi32>
      %shift_right_arithmetic3A_343 = arith.constant 7 : i32
      %shift_right_arithmetic3A_344 = vector.broadcast %shift_right_arithmetic3A_343 : i32 to vector<16xi32>
      %shift_right_arithmetic3A_345 = arith.shrsi %sub3A_342, %shift_right_arithmetic3A_344 : vector<16xi32>
      %and3A_346 = arith.constant 127 : i32
      %and3A_347 = vector.broadcast %and3A_346 : i32 to vector<16xi32>
      %and3A_348 = arith.andi %sub3A_342, %and3A_347 : vector<16xi32>
      tpu.vector_store_idx %arg10[%shift_right_arithmetic3A_345, %and3A_348], %get3A_326 masked %lt3A_332 : memref<81x128xi32, #tpu.memory_space<vmem>>[vector<16xi32>, vector<16xi32>], vector<16xi32>, vector<16xi1>
      tpu.vector_store_idx %arg11[%shift_right_arithmetic3A_345, %and3A_348], %get3A_329 masked %lt3A_332 : memref<81x128xi32, #tpu.memory_space<vmem>>[vector<16xi32>, vector<16xi32>], vector<16xi32>, vector<16xi1>
      %all_reduce_population_count3A_349 = tpu.all_reduce %lt3A_332 {dim = 0 : i64, kind = #tpu.reduction_kind<sum>} : vector<16xi1> -> vector<16xi32>
      %add3A_350 = arith.addi %add3A_323, %all_reduce_population_count3A_349 : vector<16xi32>
      %get3A_351 = arith.index_cast %scan3A_214 : i32 to index
      %get3A_352 = arith.constant 80 : index
      %get3A_353 = tpu.vector_load %arg8[%get3A_351, %get3A_352] {strides = array<i32>} : memref<80x128xi32, #tpu.memory_space<vmem>>, vector<16xi32>,
      %get3A_354 = arith.index_cast %scan3A_214 : i32 to index
      %get3A_355 = arith.constant 80 : index
      %get3A_356 = tpu.vector_load %arg9[%get3A_354, %get3A_355] {strides = array<i32>} : memref<80x128xi32, #tpu.memory_space<vmem>>, vector<16xi32>,
      %lt3A_357 = arith.constant 2048 : i32
      %lt3A_358 = vector.broadcast %lt3A_357 : i32 to vector<16xi32>
      %lt3A_359 = arith.cmpi slt, %get3A_353, %lt3A_358 : vector<16xi32>
      %broadcast_in_dim3A_360 = arith.constant 1 : i32
      %broadcast_in_dim3A_361 = vector.broadcast %broadcast_in_dim3A_360 : i32 to vector<16xi32>
      %broadcast_in_dim3A_362 = arith.constant 0 : i32
      %broadcast_in_dim3A_363 = vector.broadcast %broadcast_in_dim3A_362 : i32 to vector<16xi32>
      %select_n3A_364 = arith.select %lt3A_359, %broadcast_in_dim3A_361, %broadcast_in_dim3A_363 : vector<16xi1>, vector<16xi32>
      %broadcast_in_dim3A_365 = arith.constant true
      %broadcast_in_dim3A_366 = vector.broadcast %broadcast_in_dim3A_365 : i1 to vector<16xi1>
      %masked_cumsum3A_367 = tpu.scan <sum>, %select_n3A_364 masked %broadcast_in_dim3A_366 : vector<16xi32>, vector<16xi1> -> vector<16xi32>
      %add3A_368 = arith.addi %add3A_350, %masked_cumsum3A_367 : vector<16xi32>
      %sub3A_369 = arith.subi %add3A_368, %select_n3A_364 : vector<16xi32>
      %shift_right_arithmetic3A_370 = arith.constant 7 : i32
      %shift_right_arithmetic3A_371 = vector.broadcast %shift_right_arithmetic3A_370 : i32 to vector<16xi32>
      %shift_right_arithmetic3A_372 = arith.shrsi %sub3A_369, %shift_right_arithmetic3A_371 : vector<16xi32>
      %and3A_373 = arith.constant 127 : i32
      %and3A_374 = vector.broadcast %and3A_373 : i32 to vector<16xi32>
      %and3A_375 = arith.andi %sub3A_369, %and3A_374 : vector<16xi32>
      tpu.vector_store_idx %arg10[%shift_right_arithmetic3A_372, %and3A_375], %get3A_353 masked %lt3A_359 : memref<81x128xi32, #tpu.memory_space<vmem>>[vector<16xi32>, vector<16xi32>], vector<16xi32>, vector<16xi1>
      tpu.vector_store_idx %arg11[%shift_right_arithmetic3A_372, %and3A_375], %get3A_356 masked %lt3A_359 : memref<81x128xi32, #tpu.memory_space<vmem>>[vector<16xi32>, vector<16xi32>], vector<16xi32>, vector<16xi1>
      %all_reduce_population_count3A_376 = tpu.all_reduce %lt3A_359 {dim = 0 : i64, kind = #tpu.reduction_kind<sum>} : vector<16xi1> -> vector<16xi32>
      %add3A_377 = arith.addi %add3A_350, %all_reduce_population_count3A_376 : vector<16xi32>
      %get3A_378 = arith.index_cast %scan3A_214 : i32 to index
      %get3A_379 = arith.constant 96 : index
      %get3A_380 = tpu.vector_load %arg8[%get3A_378, %get3A_379] {strides = array<i32>} : memref<80x128xi32, #tpu.memory_space<vmem>>, vector<16xi32>,
      %get3A_381 = arith.index_cast %scan3A_214 : i32 to index
      %get3A_382 = arith.constant 96 : index
      %get3A_383 = tpu.vector_load %arg9[%get3A_381, %get3A_382] {strides = array<i32>} : memref<80x128xi32, #tpu.memory_space<vmem>>, vector<16xi32>,
      %lt3A_384 = arith.constant 2048 : i32
      %lt3A_385 = vector.broadcast %lt3A_384 : i32 to vector<16xi32>
      %lt3A_386 = arith.cmpi slt, %get3A_380, %lt3A_385 : vector<16xi32>
      %broadcast_in_dim3A_387 = arith.constant 1 : i32
      %broadcast_in_dim3A_388 = vector.broadcast %broadcast_in_dim3A_387 : i32 to vector<16xi32>
      %broadcast_in_dim3A_389 = arith.constant 0 : i32
      %broadcast_in_dim3A_390 = vector.broadcast %broadcast_in_dim3A_389 : i32 to vector<16xi32>
      %select_n3A_391 = arith.select %lt3A_386, %broadcast_in_dim3A_388, %broadcast_in_dim3A_390 : vector<16xi1>, vector<16xi32>
      %broadcast_in_dim3A_392 = arith.constant true
      %broadcast_in_dim3A_393 = vector.broadcast %broadcast_in_dim3A_392 : i1 to vector<16xi1>
      %masked_cumsum3A_394 = tpu.scan <sum>, %select_n3A_391 masked %broadcast_in_dim3A_393 : vector<16xi32>, vector<16xi1> -> vector<16xi32>
      %add3A_395 = arith.addi %add3A_377, %masked_cumsum3A_394 : vector<16xi32>
      %sub3A_396 = arith.subi %add3A_395, %select_n3A_391 : vector<16xi32>
      %shift_right_arithmetic3A_397 = arith.constant 7 : i32
      %shift_right_arithmetic3A_398 = vector.broadcast %shift_right_arithmetic3A_397 : i32 to vector<16xi32>
      %shift_right_arithmetic3A_399 = arith.shrsi %sub3A_396, %shift_right_arithmetic3A_398 : vector<16xi32>
      %and3A_400 = arith.constant 127 : i32
      %and3A_401 = vector.broadcast %and3A_400 : i32 to vector<16xi32>
      %and3A_402 = arith.andi %sub3A_396, %and3A_401 : vector<16xi32>
      tpu.vector_store_idx %arg10[%shift_right_arithmetic3A_399, %and3A_402], %get3A_380 masked %lt3A_386 : memref<81x128xi32, #tpu.memory_space<vmem>>[vector<16xi32>, vector<16xi32>], vector<16xi32>, vector<16xi1>
      tpu.vector_store_idx %arg11[%shift_right_arithmetic3A_399, %and3A_402], %get3A_383 masked %lt3A_386 : memref<81x128xi32, #tpu.memory_space<vmem>>[vector<16xi32>, vector<16xi32>], vector<16xi32>, vector<16xi1>
      %all_reduce_population_count3A_403 = tpu.all_reduce %lt3A_386 {dim = 0 : i64, kind = #tpu.reduction_kind<sum>} : vector<16xi1> -> vector<16xi32>
      %add3A_404 = arith.addi %add3A_377, %all_reduce_population_count3A_403 : vector<16xi32>
      %get3A_405 = arith.index_cast %scan3A_214 : i32 to index
      %get3A_406 = arith.constant 112 : index
      %get3A_407 = tpu.vector_load %arg8[%get3A_405, %get3A_406] {strides = array<i32>} : memref<80x128xi32, #tpu.memory_space<vmem>>, vector<16xi32>,
      %get3A_408 = arith.index_cast %scan3A_214 : i32 to index
      %get3A_409 = arith.constant 112 : index
      %get3A_410 = tpu.vector_load %arg9[%get3A_408, %get3A_409] {strides = array<i32>} : memref<80x128xi32, #tpu.memory_space<vmem>>, vector<16xi32>,
      %lt3A_411 = arith.constant 2048 : i32
      %lt3A_412 = vector.broadcast %lt3A_411 : i32 to vector<16xi32>
      %lt3A_413 = arith.cmpi slt, %get3A_407, %lt3A_412 : vector<16xi32>
      %broadcast_in_dim3A_414 = arith.constant 1 : i32
      %broadcast_in_dim3A_415 = vector.broadcast %broadcast_in_dim3A_414 : i32 to vector<16xi32>
      %broadcast_in_dim3A_416 = arith.constant 0 : i32
      %broadcast_in_dim3A_417 = vector.broadcast %broadcast_in_dim3A_416 : i32 to vector<16xi32>
      %select_n3A_418 = arith.select %lt3A_413, %broadcast_in_dim3A_415, %broadcast_in_dim3A_417 : vector<16xi1>, vector<16xi32>
      %broadcast_in_dim3A_419 = arith.constant true
      %broadcast_in_dim3A_420 = vector.broadcast %broadcast_in_dim3A_419 : i1 to vector<16xi1>
      %masked_cumsum3A_421 = tpu.scan <sum>, %select_n3A_418 masked %broadcast_in_dim3A_420 : vector<16xi32>, vector<16xi1> -> vector<16xi32>
      %add3A_422 = arith.addi %add3A_404, %masked_cumsum3A_421 : vector<16xi32>
      %sub3A_423 = arith.subi %add3A_422, %select_n3A_418 : vector<16xi32>
      %shift_right_arithmetic3A_424 = arith.constant 7 : i32
      %shift_right_arithmetic3A_425 = vector.broadcast %shift_right_arithmetic3A_424 : i32 to vector<16xi32>
      %shift_right_arithmetic3A_426 = arith.shrsi %sub3A_423, %shift_right_arithmetic3A_425 : vector<16xi32>
      %and3A_427 = arith.constant 127 : i32
      %and3A_428 = vector.broadcast %and3A_427 : i32 to vector<16xi32>
      %and3A_429 = arith.andi %sub3A_423, %and3A_428 : vector<16xi32>
      tpu.vector_store_idx %arg10[%shift_right_arithmetic3A_426, %and3A_429], %get3A_407 masked %lt3A_413 : memref<81x128xi32, #tpu.memory_space<vmem>>[vector<16xi32>, vector<16xi32>], vector<16xi32>, vector<16xi1>
      tpu.vector_store_idx %arg11[%shift_right_arithmetic3A_426, %and3A_429], %get3A_410 masked %lt3A_413 : memref<81x128xi32, #tpu.memory_space<vmem>>[vector<16xi32>, vector<16xi32>], vector<16xi32>, vector<16xi1>
      %all_reduce_population_count3A_430 = tpu.all_reduce %lt3A_413 {dim = 0 : i64, kind = #tpu.reduction_kind<sum>} : vector<16xi1> -> vector<16xi32>
      %add3A_431 = arith.addi %add3A_404, %all_reduce_population_count3A_430 : vector<16xi32>
      scf.yield %add3A_431 : vector<16xi32>
    }
    %scan3A_24 = arith.constant 80 : i32
    %dma_wait3A = arith.constant 0 : i32
    %dma_wait3A_25 = arith.constant 0 : i32
    %dma_wait3A_26 = tpu.memref_slice %arg8[%dma_wait3A, %dma_wait3A_25] : memref<80x128xi32, #tpu.memory_space<vmem>> -> memref<1x128xi32, #tpu.memory_space<vmem>>
    %dma_wait3A_27 = tpu.memref_squeeze %dma_wait3A_26 : memref<1x128xi32, #tpu.memory_space<vmem>> -> memref<128xi32, #tpu.memory_space<vmem>>
    %dma_wait3A_28 = arith.constant 0 : i32
    %dma_wait3A_29 = tpu.memref_slice %arg15[%dma_wait3A_28] : memref<10240xf32, #tpu.memory_space<vmem_shared>> -> memref<10240xf32, #tpu.memory_space<vmem_shared>>
    tpu.wait_indirect_dma semaphore(%arg16 : memref<!tpu.dma_semaphore, #tpu.memory_space<semaphore_mem>>) src(%arg12 : memref<128xf32, #tpu.memory_space<vmem>>) dst(%dma_wait3A_29 : memref<10240xf32, #tpu.memory_space<vmem_shared>>)
    %dma_wait3A_30 = arith.constant 0 : i32
    %dma_wait3A_31 = arith.constant 0 : i32
    %dma_wait3A_32 = tpu.memref_slice %arg8[%dma_wait3A_30, %dma_wait3A_31] : memref<80x128xi32, #tpu.memory_space<vmem>> -> memref<1x128xi32, #tpu.memory_space<vmem>>
    %dma_wait3A_33 = tpu.memref_squeeze %dma_wait3A_32 : memref<1x128xi32, #tpu.memory_space<vmem>> -> memref<128xi32, #tpu.memory_space<vmem>>
    %dma_wait3A_34 = arith.constant 0 : i32
    %dma_wait3A_35 = tpu.memref_slice %arg15[%dma_wait3A_34] : memref<10240xf32, #tpu.memory_space<vmem_shared>> -> memref<10240xf32, #tpu.memory_space<vmem_shared>>
    tpu.wait_indirect_dma semaphore(%arg16 : memref<!tpu.dma_semaphore, #tpu.memory_space<semaphore_mem>>) src(%arg12 : memref<128xf32, #tpu.memory_space<vmem>>) dst(%dma_wait3A_35 : memref<10240xf32, #tpu.memory_space<vmem_shared>>)
    %dma_wait3A_36 = arith.constant 0 : i32
    %dma_wait3A_37 = arith.constant 0 : i32
    %dma_wait3A_38 = tpu.memref_slice %arg8[%dma_wait3A_36, %dma_wait3A_37] : memref<80x128xi32, #tpu.memory_space<vmem>> -> memref<1x128xi32, #tpu.memory_space<vmem>>
    %dma_wait3A_39 = tpu.memref_squeeze %dma_wait3A_38 : memref<1x128xi32, #tpu.memory_space<vmem>> -> memref<128xi32, #tpu.memory_space<vmem>>
    %dma_wait3A_40 = arith.constant 0 : i32
    %dma_wait3A_41 = tpu.memref_slice %arg15[%dma_wait3A_40] : memref<10240xf32, #tpu.memory_space<vmem_shared>> -> memref<10240xf32, #tpu.memory_space<vmem_shared>>
    tpu.wait_indirect_dma semaphore(%arg16 : memref<!tpu.dma_semaphore, #tpu.memory_space<semaphore_mem>>) src(%arg12 : memref<128xf32, #tpu.memory_space<vmem>>) dst(%dma_wait3A_41 : memref<10240xf32, #tpu.memory_space<vmem_shared>>)
    %dma_wait3A_42 = arith.constant 0 : i32
    %dma_wait3A_43 = arith.constant 0 : i32
    %dma_wait3A_44 = tpu.memref_slice %arg8[%dma_wait3A_42, %dma_wait3A_43] : memref<80x128xi32, #tpu.memory_space<vmem>> -> memref<1x128xi32, #tpu.memory_space<vmem>>
    %dma_wait3A_45 = tpu.memref_squeeze %dma_wait3A_44 : memref<1x128xi32, #tpu.memory_space<vmem>> -> memref<128xi32, #tpu.memory_space<vmem>>
    %dma_wait3A_46 = arith.constant 0 : i32
    %dma_wait3A_47 = tpu.memref_slice %arg15[%dma_wait3A_46] : memref<10240xf32, #tpu.memory_space<vmem_shared>> -> memref<10240xf32, #tpu.memory_space<vmem_shared>>
    tpu.wait_indirect_dma semaphore(%arg16 : memref<!tpu.dma_semaphore, #tpu.memory_space<semaphore_mem>>) src(%arg12 : memref<128xf32, #tpu.memory_space<vmem>>) dst(%dma_wait3A_47 : memref<10240xf32, #tpu.memory_space<vmem_shared>>)
    %dma_wait3A_48 = arith.constant 0 : i32
    %dma_wait3A_49 = arith.constant 0 : i32
    %dma_wait3A_50 = tpu.memref_slice %arg8[%dma_wait3A_48, %dma_wait3A_49] : memref<80x128xi32, #tpu.memory_space<vmem>> -> memref<1x128xi32, #tpu.memory_space<vmem>>
    %dma_wait3A_51 = tpu.memref_squeeze %dma_wait3A_50 : memref<1x128xi32, #tpu.memory_space<vmem>> -> memref<128xi32, #tpu.memory_space<vmem>>
    %dma_wait3A_52 = arith.constant 0 : i32
    %dma_wait3A_53 = tpu.memref_slice %arg15[%dma_wait3A_52] : memref<10240xf32, #tpu.memory_space<vmem_shared>> -> memref<10240xf32, #tpu.memory_space<vmem_shared>>
    tpu.wait_indirect_dma semaphore(%arg16 : memref<!tpu.dma_semaphore, #tpu.memory_space<semaphore_mem>>) src(%arg12 : memref<128xf32, #tpu.memory_space<vmem>>) dst(%dma_wait3A_53 : memref<10240xf32, #tpu.memory_space<vmem_shared>>)
    %dma_wait3A_54 = arith.constant 0 : i32
    %dma_wait3A_55 = arith.constant 0 : i32
    %dma_wait3A_56 = tpu.memref_slice %arg8[%dma_wait3A_54, %dma_wait3A_55] : memref<80x128xi32, #tpu.memory_space<vmem>> -> memref<1x128xi32, #tpu.memory_space<vmem>>
    %dma_wait3A_57 = tpu.memref_squeeze %dma_wait3A_56 : memref<1x128xi32, #tpu.memory_space<vmem>> -> memref<128xi32, #tpu.memory_space<vmem>>
    %dma_wait3A_58 = arith.constant 0 : i32
    %dma_wait3A_59 = tpu.memref_slice %arg15[%dma_wait3A_58] : memref<10240xf32, #tpu.memory_space<vmem_shared>> -> memref<10240xf32, #tpu.memory_space<vmem_shared>>
    tpu.wait_indirect_dma semaphore(%arg16 : memref<!tpu.dma_semaphore, #tpu.memory_space<semaphore_mem>>) src(%arg12 : memref<128xf32, #tpu.memory_space<vmem>>) dst(%dma_wait3A_59 : memref<10240xf32, #tpu.memory_space<vmem_shared>>)
    %dma_wait3A_60 = arith.constant 0 : i32
    %dma_wait3A_61 = arith.constant 0 : i32
    %dma_wait3A_62 = tpu.memref_slice %arg8[%dma_wait3A_60, %dma_wait3A_61] : memref<80x128xi32, #tpu.memory_space<vmem>> -> memref<1x128xi32, #tpu.memory_space<vmem>>
    %dma_wait3A_63 = tpu.memref_squeeze %dma_wait3A_62 : memref<1x128xi32, #tpu.memory_space<vmem>> -> memref<128xi32, #tpu.memory_space<vmem>>
    %dma_wait3A_64 = arith.constant 0 : i32
    %dma_wait3A_65 = tpu.memref_slice %arg15[%dma_wait3A_64] : memref<10240xf32, #tpu.memory_space<vmem_shared>> -> memref<10240xf32, #tpu.memory_space<vmem_shared>>
    tpu.wait_indirect_dma semaphore(%arg16 : memref<!tpu.dma_semaphore, #tpu.memory_space<semaphore_mem>>) src(%arg12 : memref<128xf32, #tpu.memory_space<vmem>>) dst(%dma_wait3A_65 : memref<10240xf32, #tpu.memory_space<vmem_shared>>)
    %dma_wait3A_66 = arith.constant 0 : i32
    %dma_wait3A_67 = arith.constant 0 : i32
    %dma_wait3A_68 = tpu.memref_slice %arg8[%dma_wait3A_66, %dma_wait3A_67] : memref<80x128xi32, #tpu.memory_space<vmem>> -> memref<1x128xi32, #tpu.memory_space<vmem>>
    %dma_wait3A_69 = tpu.memref_squeeze %dma_wait3A_68 : memref<1x128xi32, #tpu.memory_space<vmem>> -> memref<128xi32, #tpu.memory_space<vmem>>
    %dma_wait3A_70 = arith.constant 0 : i32
    %dma_wait3A_71 = tpu.memref_slice %arg15[%dma_wait3A_70] : memref<10240xf32, #tpu.memory_space<vmem_shared>> -> memref<10240xf32, #tpu.memory_space<vmem_shared>>
    tpu.wait_indirect_dma semaphore(%arg16 : memref<!tpu.dma_semaphore, #tpu.memory_space<semaphore_mem>>) src(%arg12 : memref<128xf32, #tpu.memory_space<vmem>>) dst(%dma_wait3A_71 : memref<10240xf32, #tpu.memory_space<vmem_shared>>)
    %broadcast_in_dim3A_72 = arith.constant 2048 : i32
    %broadcast_in_dim3A_73 = vector.broadcast %broadcast_in_dim3A_72 : i32 to vector<16xi32>
    %broadcast_in_dim3A_74 = arith.constant 0 : i32
    %broadcast_in_dim3A_75 = vector.broadcast %broadcast_in_dim3A_74 : i32 to vector<16xi32>
    %iota3A = tpu.iota {dimensions = array<i32: 0>} : vector<16xi32>
    %add3A_76 = arith.constant 0 : i32
    %add3A_77 = vector.broadcast %add3A_76 : i32 to vector<16xi32>
    %add3A_78 = arith.addi %scan3A_23, %add3A_77 : vector<16xi32>
    %add3A_79 = arith.addi %add3A_78, %iota3A : vector<16xi32>
    %shift_right_arithmetic3A = arith.constant 7 : i32
    %shift_right_arithmetic3A_80 = vector.broadcast %shift_right_arithmetic3A : i32 to vector<16xi32>
    %shift_right_arithmetic3A_81 = arith.shrsi %add3A_79, %shift_right_arithmetic3A_80 : vector<16xi32>
    %and3A = arith.constant 127 : i32
    %and3A_82 = vector.broadcast %and3A : i32 to vector<16xi32>
    %and3A_83 = arith.andi %add3A_79, %and3A_82 : vector<16xi32>
    tpu.vector_store_idx %arg10[%shift_right_arithmetic3A_81, %and3A_83], %broadcast_in_dim3A_73 : memref<81x128xi32, #tpu.memory_space<vmem>>[vector<16xi32>, vector<16xi32>], vector<16xi32>,
    %shift_right_arithmetic3A_84 = arith.constant 7 : i32
    %shift_right_arithmetic3A_85 = vector.broadcast %shift_right_arithmetic3A_84 : i32 to vector<16xi32>
    %shift_right_arithmetic3A_86 = arith.shrsi %add3A_79, %shift_right_arithmetic3A_85 : vector<16xi32>
    %and3A_87 = arith.constant 127 : i32
    %and3A_88 = vector.broadcast %and3A_87 : i32 to vector<16xi32>
    %and3A_89 = arith.andi %add3A_79, %and3A_88 : vector<16xi32>
    tpu.vector_store_idx %arg11[%shift_right_arithmetic3A_86, %and3A_89], %broadcast_in_dim3A_75 : memref<81x128xi32, #tpu.memory_space<vmem>>[vector<16xi32>, vector<16xi32>], vector<16xi32>,
    %add3A_90 = arith.constant 16 : i32
    %add3A_91 = vector.broadcast %add3A_90 : i32 to vector<16xi32>
    %add3A_92 = arith.addi %scan3A_23, %add3A_91 : vector<16xi32>
    %add3A_93 = arith.addi %add3A_92, %iota3A : vector<16xi32>
    %shift_right_arithmetic3A_94 = arith.constant 7 : i32
    %shift_right_arithmetic3A_95 = vector.broadcast %shift_right_arithmetic3A_94 : i32 to vector<16xi32>
    %shift_right_arithmetic3A_96 = arith.shrsi %add3A_93, %shift_right_arithmetic3A_95 : vector<16xi32>
    %and3A_97 = arith.constant 127 : i32
    %and3A_98 = vector.broadcast %and3A_97 : i32 to vector<16xi32>
    %and3A_99 = arith.andi %add3A_93, %and3A_98 : vector<16xi32>
    tpu.vector_store_idx %arg10[%shift_right_arithmetic3A_96, %and3A_99], %broadcast_in_dim3A_73 : memref<81x128xi32, #tpu.memory_space<vmem>>[vector<16xi32>, vector<16xi32>], vector<16xi32>,
    %shift_right_arithmetic3A_100 = arith.constant 7 : i32
    %shift_right_arithmetic3A_101 = vector.broadcast %shift_right_arithmetic3A_100 : i32 to vector<16xi32>
    %shift_right_arithmetic3A_102 = arith.shrsi %add3A_93, %shift_right_arithmetic3A_101 : vector<16xi32>
    %and3A_103 = arith.constant 127 : i32
    %and3A_104 = vector.broadcast %and3A_103 : i32 to vector<16xi32>
    %and3A_105 = arith.andi %add3A_93, %and3A_104 : vector<16xi32>
    tpu.vector_store_idx %arg11[%shift_right_arithmetic3A_102, %and3A_105], %broadcast_in_dim3A_75 : memref<81x128xi32, #tpu.memory_space<vmem>>[vector<16xi32>, vector<16xi32>], vector<16xi32>,
    %add3A_106 = arith.constant 32 : i32
    %add3A_107 = vector.broadcast %add3A_106 : i32 to vector<16xi32>
    %add3A_108 = arith.addi %scan3A_23, %add3A_107 : vector<16xi32>
    %add3A_109 = arith.addi %add3A_108, %iota3A : vector<16xi32>
    %shift_right_arithmetic3A_110 = arith.constant 7 : i32
    %shift_right_arithmetic3A_111 = vector.broadcast %shift_right_arithmetic3A_110 : i32 to vector<16xi32>
    %shift_right_arithmetic3A_112 = arith.shrsi %add3A_109, %shift_right_arithmetic3A_111 : vector<16xi32>
    %and3A_113 = arith.constant 127 : i32
    %and3A_114 = vector.broadcast %and3A_113 : i32 to vector<16xi32>
    %and3A_115 = arith.andi %add3A_109, %and3A_114 : vector<16xi32>
    tpu.vector_store_idx %arg10[%shift_right_arithmetic3A_112, %and3A_115], %broadcast_in_dim3A_73 : memref<81x128xi32, #tpu.memory_space<vmem>>[vector<16xi32>, vector<16xi32>], vector<16xi32>,
    %shift_right_arithmetic3A_116 = arith.constant 7 : i32
    %shift_right_arithmetic3A_117 = vector.broadcast %shift_right_arithmetic3A_116 : i32 to vector<16xi32>
    %shift_right_arithmetic3A_118 = arith.shrsi %add3A_109, %shift_right_arithmetic3A_117 : vector<16xi32>
    %and3A_119 = arith.constant 127 : i32
    %and3A_120 = vector.broadcast %and3A_119 : i32 to vector<16xi32>
    %and3A_121 = arith.andi %add3A_109, %and3A_120 : vector<16xi32>
    tpu.vector_store_idx %arg11[%shift_right_arithmetic3A_118, %and3A_121], %broadcast_in_dim3A_75 : memref<81x128xi32, #tpu.memory_space<vmem>>[vector<16xi32>, vector<16xi32>], vector<16xi32>,
    %add3A_122 = arith.constant 48 : i32
    %add3A_123 = vector.broadcast %add3A_122 : i32 to vector<16xi32>
    %add3A_124 = arith.addi %scan3A_23, %add3A_123 : vector<16xi32>
    %add3A_125 = arith.addi %add3A_124, %iota3A : vector<16xi32>
    %shift_right_arithmetic3A_126 = arith.constant 7 : i32
    %shift_right_arithmetic3A_127 = vector.broadcast %shift_right_arithmetic3A_126 : i32 to vector<16xi32>
    %shift_right_arithmetic3A_128 = arith.shrsi %add3A_125, %shift_right_arithmetic3A_127 : vector<16xi32>
    %and3A_129 = arith.constant 127 : i32
    %and3A_130 = vector.broadcast %and3A_129 : i32 to vector<16xi32>
    %and3A_131 = arith.andi %add3A_125, %and3A_130 : vector<16xi32>
    tpu.vector_store_idx %arg10[%shift_right_arithmetic3A_128, %and3A_131], %broadcast_in_dim3A_73 : memref<81x128xi32, #tpu.memory_space<vmem>>[vector<16xi32>, vector<16xi32>], vector<16xi32>,
    %shift_right_arithmetic3A_132 = arith.constant 7 : i32
    %shift_right_arithmetic3A_133 = vector.broadcast %shift_right_arithmetic3A_132 : i32 to vector<16xi32>
    %shift_right_arithmetic3A_134 = arith.shrsi %add3A_125, %shift_right_arithmetic3A_133 : vector<16xi32>
    %and3A_135 = arith.constant 127 : i32
    %and3A_136 = vector.broadcast %and3A_135 : i32 to vector<16xi32>
    %and3A_137 = arith.andi %add3A_125, %and3A_136 : vector<16xi32>
    tpu.vector_store_idx %arg11[%shift_right_arithmetic3A_134, %and3A_137], %broadcast_in_dim3A_75 : memref<81x128xi32, #tpu.memory_space<vmem>>[vector<16xi32>, vector<16xi32>], vector<16xi32>,
    %add3A_138 = arith.constant 64 : i32
    %add3A_139 = vector.broadcast %add3A_138 : i32 to vector<16xi32>
    %add3A_140 = arith.addi %scan3A_23, %add3A_139 : vector<16xi32>
    %add3A_141 = arith.addi %add3A_140, %iota3A : vector<16xi32>
    %shift_right_arithmetic3A_142 = arith.constant 7 : i32
    %shift_right_arithmetic3A_143 = vector.broadcast %shift_right_arithmetic3A_142 : i32 to vector<16xi32>
    %shift_right_arithmetic3A_144 = arith.shrsi %add3A_141, %shift_right_arithmetic3A_143 : vector<16xi32>
    %and3A_145 = arith.constant 127 : i32
    %and3A_146 = vector.broadcast %and3A_145 : i32 to vector<16xi32>
    %and3A_147 = arith.andi %add3A_141, %and3A_146 : vector<16xi32>
    tpu.vector_store_idx %arg10[%shift_right_arithmetic3A_144, %and3A_147], %broadcast_in_dim3A_73 : memref<81x128xi32, #tpu.memory_space<vmem>>[vector<16xi32>, vector<16xi32>], vector<16xi32>,
    %shift_right_arithmetic3A_148 = arith.constant 7 : i32
    %shift_right_arithmetic3A_149 = vector.broadcast %shift_right_arithmetic3A_148 : i32 to vector<16xi32>
    %shift_right_arithmetic3A_150 = arith.shrsi %add3A_141, %shift_right_arithmetic3A_149 : vector<16xi32>
    %and3A_151 = arith.constant 127 : i32
    %and3A_152 = vector.broadcast %and3A_151 : i32 to vector<16xi32>
    %and3A_153 = arith.andi %add3A_141, %and3A_152 : vector<16xi32>
    tpu.vector_store_idx %arg11[%shift_right_arithmetic3A_150, %and3A_153], %broadcast_in_dim3A_75 : memref<81x128xi32, #tpu.memory_space<vmem>>[vector<16xi32>, vector<16xi32>], vector<16xi32>,
    %add3A_154 = arith.constant 80 : i32
    %add3A_155 = vector.broadcast %add3A_154 : i32 to vector<16xi32>
    %add3A_156 = arith.addi %scan3A_23, %add3A_155 : vector<16xi32>
    %add3A_157 = arith.addi %add3A_156, %iota3A : vector<16xi32>
    %shift_right_arithmetic3A_158 = arith.constant 7 : i32
    %shift_right_arithmetic3A_159 = vector.broadcast %shift_right_arithmetic3A_158 : i32 to vector<16xi32>
    %shift_right_arithmetic3A_160 = arith.shrsi %add3A_157, %shift_right_arithmetic3A_159 : vector<16xi32>
    %and3A_161 = arith.constant 127 : i32
    %and3A_162 = vector.broadcast %and3A_161 : i32 to vector<16xi32>
    %and3A_163 = arith.andi %add3A_157, %and3A_162 : vector<16xi32>
    tpu.vector_store_idx %arg10[%shift_right_arithmetic3A_160, %and3A_163], %broadcast_in_dim3A_73 : memref<81x128xi32, #tpu.memory_space<vmem>>[vector<16xi32>, vector<16xi32>], vector<16xi32>,
    %shift_right_arithmetic3A_164 = arith.constant 7 : i32
    %shift_right_arithmetic3A_165 = vector.broadcast %shift_right_arithmetic3A_164 : i32 to vector<16xi32>
    %shift_right_arithmetic3A_166 = arith.shrsi %add3A_157, %shift_right_arithmetic3A_165 : vector<16xi32>
    %and3A_167 = arith.constant 127 : i32
    %and3A_168 = vector.broadcast %and3A_167 : i32 to vector<16xi32>
    %and3A_169 = arith.andi %add3A_157, %and3A_168 : vector<16xi32>
    tpu.vector_store_idx %arg11[%shift_right_arithmetic3A_166, %and3A_169], %broadcast_in_dim3A_75 : memref<81x128xi32, #tpu.memory_space<vmem>>[vector<16xi32>, vector<16xi32>], vector<16xi32>,
    %add3A_170 = arith.constant 96 : i32
    %add3A_171 = vector.broadcast %add3A_170 : i32 to vector<16xi32>
    %add3A_172 = arith.addi %scan3A_23, %add3A_171 : vector<16xi32>
    %add3A_173 = arith.addi %add3A_172, %iota3A : vector<16xi32>
    %shift_right_arithmetic3A_174 = arith.constant 7 : i32
    %shift_right_arithmetic3A_175 = vector.broadcast %shift_right_arithmetic3A_174 : i32 to vector<16xi32>
    %shift_right_arithmetic3A_176 = arith.shrsi %add3A_173, %shift_right_arithmetic3A_175 : vector<16xi32>
    %and3A_177 = arith.constant 127 : i32
    %and3A_178 = vector.broadcast %and3A_177 : i32 to vector<16xi32>
    %and3A_179 = arith.andi %add3A_173, %and3A_178 : vector<16xi32>
    tpu.vector_store_idx %arg10[%shift_right_arithmetic3A_176, %and3A_179], %broadcast_in_dim3A_73 : memref<81x128xi32, #tpu.memory_space<vmem>>[vector<16xi32>, vector<16xi32>], vector<16xi32>,
    %shift_right_arithmetic3A_180 = arith.constant 7 : i32
    %shift_right_arithmetic3A_181 = vector.broadcast %shift_right_arithmetic3A_180 : i32 to vector<16xi32>
    %shift_right_arithmetic3A_182 = arith.shrsi %add3A_173, %shift_right_arithmetic3A_181 : vector<16xi32>
    %and3A_183 = arith.constant 127 : i32
    %and3A_184 = vector.broadcast %and3A_183 : i32 to vector<16xi32>
    %and3A_185 = arith.andi %add3A_173, %and3A_184 : vector<16xi32>
    tpu.vector_store_idx %arg11[%shift_right_arithmetic3A_182, %and3A_185], %broadcast_in_dim3A_75 : memref<81x128xi32, #tpu.memory_space<vmem>>[vector<16xi32>, vector<16xi32>], vector<16xi32>,
    %add3A_186 = arith.constant 112 : i32
    %add3A_187 = vector.broadcast %add3A_186 : i32 to vector<16xi32>
    %add3A_188 = arith.addi %scan3A_23, %add3A_187 : vector<16xi32>
    %add3A_189 = arith.addi %add3A_188, %iota3A : vector<16xi32>
    %shift_right_arithmetic3A_190 = arith.constant 7 : i32
    %shift_right_arithmetic3A_191 = vector.broadcast %shift_right_arithmetic3A_190 : i32 to vector<16xi32>
    %shift_right_arithmetic3A_192 = arith.shrsi %add3A_189, %shift_right_arithmetic3A_191 : vector<16xi32>
    %and3A_193 = arith.constant 127 : i32
    %and3A_194 = vector.broadcast %and3A_193 : i32 to vector<16xi32>
    %and3A_195 = arith.andi %add3A_189, %and3A_194 : vector<16xi32>
    tpu.vector_store_idx %arg10[%shift_right_arithmetic3A_192, %and3A_195], %broadcast_in_dim3A_73 : memref<81x128xi32, #tpu.memory_space<vmem>>[vector<16xi32>, vector<16xi32>], vector<16xi32>,
    %shift_right_arithmetic3A_196 = arith.constant 7 : i32
    %shift_right_arithmetic3A_197 = vector.broadcast %shift_right_arithmetic3A_196 : i32 to vector<16xi32>
    %shift_right_arithmetic3A_198 = arith.shrsi %add3A_189, %shift_right_arithmetic3A_197 : vector<16xi32>
    %and3A_199 = arith.constant 127 : i32
    %and3A_200 = vector.broadcast %and3A_199 : i32 to vector<16xi32>
    %and3A_201 = arith.andi %add3A_189, %and3A_200 : vector<16xi32>
    tpu.vector_store_idx %arg11[%shift_right_arithmetic3A_198, %and3A_201], %broadcast_in_dim3A_75 : memref<81x128xi32, #tpu.memory_space<vmem>>[vector<16xi32>, vector<16xi32>], vector<16xi32>,
    %add3A_202 = arith.constant 127 : i32
    %add3A_203 = vector.broadcast %add3A_202 : i32 to vector<16xi32>
    %add3A_204 = arith.addi %scan3A_23, %add3A_203 : vector<16xi32>
    %shift_right_arithmetic3A_205 = arith.constant 7 : i32
    %shift_right_arithmetic3A_206 = vector.broadcast %shift_right_arithmetic3A_205 : i32 to vector<16xi32>
    %shift_right_arithmetic3A_207 = arith.shrsi %add3A_204, %shift_right_arithmetic3A_206 : vector<16xi32>
    %swap3A = arith.constant 0 : index
    %swap3A_208 = tpu.vector_load %arg14[%swap3A] {strides = array<i32>} : memref<16xi32, #tpu.memory_space<vmem>>, vector<16xi32>,
    tpu.vector_store %arg14[%swap3A], %shift_right_arithmetic3A_207 {strides = array<i32>} : memref<16xi32, #tpu.memory_space<vmem>>, vector<16xi32>,
    "tpu.region"() ({
      %run_scoped3A = tpu.sem_alloc : memref<!tpu.dma_semaphore, #tpu.memory_space<semaphore_mem>>
      %dma_start3A = arith.constant 0 : i32
      %dma_start3A_214 = arith.constant 0 : i32
      %dma_start3A_215 = tpu.memref_slice %arg10[%dma_start3A, %dma_start3A_214] : memref<81x128xi32, #tpu.memory_space<vmem>> -> memref<80x128xi32, #tpu.memory_space<vmem>>
      %dma_start3A_216 = arith.constant 0 : i32
      %dma_start3A_217 = arith.constant 0 : i32
      %dma_start3A_218 = tpu.memref_slice %arg6[%add3A, %dma_start3A_216, %dma_start3A_217] : memref<32x80x128xi32, #tpu.memory_space<hbm>> -> memref<1x80x128xi32, #tpu.memory_space<hbm>>
      %dma_start3A_219 = tpu.memref_squeeze %dma_start3A_218 : memref<1x80x128xi32, #tpu.memory_space<hbm>> -> memref<80x128xi32, #tpu.memory_space<hbm>>
      %dma_start3A_220 = arith.constant 0 : i32
      %dma_start3A_221 = arith.constant 0 : i32
      %dma_start3A_222 = tpu.memref_slice %arg6[%add3A, %dma_start3A_220, %dma_start3A_221] : memref<32x80x128xi32, #tpu.memory_space<hbm>> -> memref<1x80x128xi32, #tpu.memory_space<hbm>>
      %dma_start3A_223 = tpu.memref_squeeze %dma_start3A_222 : memref<1x80x128xi32, #tpu.memory_space<hbm>> -> memref<80x128xi32, #tpu.memory_space<hbm>>
      %dma_start3A_224 = arith.constant 0 : i32
      %dma_start3A_225 = arith.constant 0 : i32
      %dma_start3A_226 = tpu.memref_slice %arg10[%dma_start3A_224, %dma_start3A_225] : memref<81x128xi32, #tpu.memory_space<vmem>> -> memref<80x128xi32, #tpu.memory_space<vmem>>
      tpu.enqueue_dma source(%dma_start3A_226 : memref<80x128xi32, #tpu.memory_space<vmem>>) target(%dma_start3A_223 : memref<80x128xi32, #tpu.memory_space<hbm>>) target_semaphore(%run_scoped3A : memref<!tpu.dma_semaphore, #tpu.memory_space<semaphore_mem>>)
      %dma_wait3A_227 = arith.constant 0 : i32
      %dma_wait3A_228 = arith.constant 0 : i32
      %dma_wait3A_229 = tpu.memref_slice %arg10[%dma_wait3A_227, %dma_wait3A_228] : memref<81x128xi32, #tpu.memory_space<vmem>> -> memref<80x128xi32, #tpu.memory_space<vmem>>
      %dma_wait3A_230 = arith.constant 0 : i32
      %dma_wait3A_231 = arith.constant 0 : i32
      %dma_wait3A_232 = tpu.memref_slice %arg6[%add3A, %dma_wait3A_230, %dma_wait3A_231] : memref<32x80x128xi32, #tpu.memory_space<hbm>> -> memref<1x80x128xi32, #tpu.memory_space<hbm>>
      %dma_wait3A_233 = tpu.memref_squeeze %dma_wait3A_232 : memref<1x80x128xi32, #tpu.memory_space<hbm>> -> memref<80x128xi32, #tpu.memory_space<hbm>>
      %dma_wait3A_234 = arith.constant 0 : i32
      %dma_wait3A_235 = arith.constant 0 : i32
      %dma_wait3A_236 = tpu.memref_slice %arg6[%add3A, %dma_wait3A_234, %dma_wait3A_235] : memref<32x80x128xi32, #tpu.memory_space<hbm>> -> memref<1x80x128xi32, #tpu.memory_space<hbm>>
      %dma_wait3A_237 = tpu.memref_squeeze %dma_wait3A_236 : memref<1x80x128xi32, #tpu.memory_space<hbm>> -> memref<80x128xi32, #tpu.memory_space<hbm>>
      %dma_wait3A_238 = arith.constant 0 : i32
      %dma_wait3A_239 = arith.constant 0 : i32
      %dma_wait3A_240 = tpu.memref_slice %arg10[%dma_wait3A_238, %dma_wait3A_239] : memref<81x128xi32, #tpu.memory_space<vmem>> -> memref<80x128xi32, #tpu.memory_space<vmem>>
      tpu.wait_dma2 semaphore(%run_scoped3A : memref<!tpu.dma_semaphore, #tpu.memory_space<semaphore_mem>>) src(%dma_wait3A_240 : memref<80x128xi32, #tpu.memory_space<vmem>>) dst(%dma_wait3A_237 : memref<80x128xi32, #tpu.memory_space<hbm>>)
      tpu.yield
    }) : () -> ()
    "tpu.region"() ({
      %run_scoped3A = tpu.sem_alloc : memref<!tpu.dma_semaphore, #tpu.memory_space<semaphore_mem>>
      %dma_start3A = arith.constant 0 : i32
      %dma_start3A_214 = arith.constant 0 : i32
      %dma_start3A_215 = tpu.memref_slice %arg11[%dma_start3A, %dma_start3A_214] : memref<81x128xi32, #tpu.memory_space<vmem>> -> memref<80x128xi32, #tpu.memory_space<vmem>>
      %dma_start3A_216 = arith.constant 0 : i32
      %dma_start3A_217 = arith.constant 0 : i32
      %dma_start3A_218 = tpu.memref_slice %arg5[%add3A, %dma_start3A_216, %dma_start3A_217] : memref<32x80x128xi32, #tpu.memory_space<hbm>> -> memref<1x80x128xi32, #tpu.memory_space<hbm>>
      %dma_start3A_219 = tpu.memref_squeeze %dma_start3A_218 : memref<1x80x128xi32, #tpu.memory_space<hbm>> -> memref<80x128xi32, #tpu.memory_space<hbm>>
      %dma_start3A_220 = arith.constant 0 : i32
      %dma_start3A_221 = arith.constant 0 : i32
      %dma_start3A_222 = tpu.memref_slice %arg5[%add3A, %dma_start3A_220, %dma_start3A_221] : memref<32x80x128xi32, #tpu.memory_space<hbm>> -> memref<1x80x128xi32, #tpu.memory_space<hbm>>
      %dma_start3A_223 = tpu.memref_squeeze %dma_start3A_222 : memref<1x80x128xi32, #tpu.memory_space<hbm>> -> memref<80x128xi32, #tpu.memory_space<hbm>>
      %dma_start3A_224 = arith.constant 0 : i32
      %dma_start3A_225 = arith.constant 0 : i32
      %dma_start3A_226 = tpu.memref_slice %arg11[%dma_start3A_224, %dma_start3A_225] : memref<81x128xi32, #tpu.memory_space<vmem>> -> memref<80x128xi32, #tpu.memory_space<vmem>>
      tpu.enqueue_dma source(%dma_start3A_226 : memref<80x128xi32, #tpu.memory_space<vmem>>) target(%dma_start3A_223 : memref<80x128xi32, #tpu.memory_space<hbm>>) target_semaphore(%run_scoped3A : memref<!tpu.dma_semaphore, #tpu.memory_space<semaphore_mem>>)
      %dma_wait3A_227 = arith.constant 0 : i32
      %dma_wait3A_228 = arith.constant 0 : i32
      %dma_wait3A_229 = tpu.memref_slice %arg11[%dma_wait3A_227, %dma_wait3A_228] : memref<81x128xi32, #tpu.memory_space<vmem>> -> memref<80x128xi32, #tpu.memory_space<vmem>>
      %dma_wait3A_230 = arith.constant 0 : i32
      %dma_wait3A_231 = arith.constant 0 : i32
      %dma_wait3A_232 = tpu.memref_slice %arg5[%add3A, %dma_wait3A_230, %dma_wait3A_231] : memref<32x80x128xi32, #tpu.memory_space<hbm>> -> memref<1x80x128xi32, #tpu.memory_space<hbm>>
      %dma_wait3A_233 = tpu.memref_squeeze %dma_wait3A_232 : memref<1x80x128xi32, #tpu.memory_space<hbm>> -> memref<80x128xi32, #tpu.memory_space<hbm>>
      %dma_wait3A_234 = arith.constant 0 : i32
      %dma_wait3A_235 = arith.constant 0 : i32
      %dma_wait3A_236 = tpu.memref_slice %arg5[%add3A, %dma_wait3A_234, %dma_wait3A_235] : memref<32x80x128xi32, #tpu.memory_space<hbm>> -> memref<1x80x128xi32, #tpu.memory_space<hbm>>
      %dma_wait3A_237 = tpu.memref_squeeze %dma_wait3A_236 : memref<1x80x128xi32, #tpu.memory_space<hbm>> -> memref<80x128xi32, #tpu.memory_space<hbm>>
      %dma_wait3A_238 = arith.constant 0 : i32
      %dma_wait3A_239 = arith.constant 0 : i32
      %dma_wait3A_240 = tpu.memref_slice %arg11[%dma_wait3A_238, %dma_wait3A_239] : memref<81x128xi32, #tpu.memory_space<vmem>> -> memref<80x128xi32, #tpu.memory_space<vmem>>
      tpu.wait_dma2 semaphore(%run_scoped3A : memref<!tpu.dma_semaphore, #tpu.memory_space<semaphore_mem>>) src(%dma_wait3A_240 : memref<80x128xi32, #tpu.memory_space<vmem>>) dst(%dma_wait3A_237 : memref<80x128xi32, #tpu.memory_space<hbm>>)
      tpu.yield
    }) : () -> ()
    "tpu.region"() ({
      %run_scoped3A = tpu.sem_alloc : memref<!tpu.dma_semaphore, #tpu.memory_space<semaphore_mem>>
      %dma_start3A = arith.constant 0 : i32
      %dma_start3A_214 = tpu.memref_slice %arg7[%add3A, %dma_start3A] : memref<32x16xi32, #tpu.memory_space<hbm>> -> memref<1x16xi32, #tpu.memory_space<hbm>>
      %dma_start3A_215 = tpu.memref_squeeze %dma_start3A_214 : memref<1x16xi32, #tpu.memory_space<hbm>> -> memref<16xi32, #tpu.memory_space<hbm>>
      %dma_start3A_216 = arith.constant 0 : i32
      %dma_start3A_217 = tpu.memref_slice %arg7[%add3A, %dma_start3A_216] : memref<32x16xi32, #tpu.memory_space<hbm>> -> memref<1x16xi32, #tpu.memory_space<hbm>>
      %dma_start3A_218 = tpu.memref_squeeze %dma_start3A_217 : memref<1x16xi32, #tpu.memory_space<hbm>> -> memref<16xi32, #tpu.memory_space<hbm>>
      tpu.enqueue_dma source(%arg14 : memref<16xi32, #tpu.memory_space<vmem>>) target(%dma_start3A_218 : memref<16xi32, #tpu.memory_space<hbm>>) target_semaphore(%run_scoped3A : memref<!tpu.dma_semaphore, #tpu.memory_space<semaphore_mem>>)
      %dma_wait3A_219 = arith.constant 0 : i32
      %dma_wait3A_220 = tpu.memref_slice %arg7[%add3A, %dma_wait3A_219] : memref<32x16xi32, #tpu.memory_space<hbm>> -> memref<1x16xi32, #tpu.memory_space<hbm>>
      %dma_wait3A_221 = tpu.memref_squeeze %dma_wait3A_220 : memref<1x16xi32, #tpu.memory_space<hbm>> -> memref<16xi32, #tpu.memory_space<hbm>>
      %dma_wait3A_222 = arith.constant 0 : i32
      %dma_wait3A_223 = tpu.memref_slice %arg7[%add3A, %dma_wait3A_222] : memref<32x16xi32, #tpu.memory_space<hbm>> -> memref<1x16xi32, #tpu.memory_space<hbm>>
      %dma_wait3A_224 = tpu.memref_squeeze %dma_wait3A_223 : memref<1x16xi32, #tpu.memory_space<hbm>> -> memref<16xi32, #tpu.memory_space<hbm>>
      tpu.wait_dma2 semaphore(%run_scoped3A : memref<!tpu.dma_semaphore, #tpu.memory_space<semaphore_mem>>) src(%arg14 : memref<16xi32, #tpu.memory_space<vmem>>) dst(%dma_wait3A_224 : memref<16xi32, #tpu.memory_space<hbm>>)
      tpu.yield
    }) : () -> ()
    %barrier3A_209 = arith.constant 0 : index
    tpu.barrier barrier_id(%barrier3A_209)
    %mul3A_210 = arith.constant 640 : i32
    %mul3A_211 = arith.muli %arg1, %mul3A_210 : i32
    %mul3A_212 = arith.constant 640 : i32
    %mul3A_213 = arith.muli %arg1, %mul3A_212 : i32
    "tpu.region"() ({
      %run_scoped3A = tpu.sem_alloc : memref<!tpu.dma_semaphore, #tpu.memory_space<semaphore_mem>>
      %dma_start3A = arith.constant 0 : i32
      %dma_start3A_214 = tpu.memref_slice %arg4[%arg0, %dma_start3A] : memref<2x10240xf32, #tpu.memory_space<hbm>> -> memref<1x10240xf32, #tpu.memory_space<hbm>>
      %dma_start3A_215 = tpu.memref_squeeze %dma_start3A_214 : memref<1x10240xf32, #tpu.memory_space<hbm>> -> memref<10240xf32, #tpu.memory_space<hbm>>
      %dma_start3A_216 = tpu.memref_slice %dma_start3A_215[%mul3A_213] : memref<10240xf32, #tpu.memory_space<hbm>> -> memref<640xf32, #tpu.memory_space<hbm>>
      %dma_start3A_217 = tpu.memref_slice %arg15[%mul3A_211] : memref<10240xf32, #tpu.memory_space<vmem_shared>> -> memref<640xf32, #tpu.memory_space<vmem_shared>>
      tpu.enqueue_dma source(%dma_start3A_217 : memref<640xf32, #tpu.memory_space<vmem_shared>>) target(%dma_start3A_216 : memref<640xf32, #tpu.memory_space<hbm>>) target_semaphore(%run_scoped3A : memref<!tpu.dma_semaphore, #tpu.memory_space<semaphore_mem>>)
      %dma_wait3A_218 = arith.constant 0 : i32
      %dma_wait3A_219 = tpu.memref_slice %arg4[%arg0, %dma_wait3A_218] : memref<2x10240xf32, #tpu.memory_space<hbm>> -> memref<1x10240xf32, #tpu.memory_space<hbm>>
      %dma_wait3A_220 = tpu.memref_squeeze %dma_wait3A_219 : memref<1x10240xf32, #tpu.memory_space<hbm>> -> memref<10240xf32, #tpu.memory_space<hbm>>
      %dma_wait3A_221 = tpu.memref_slice %dma_wait3A_220[%mul3A_213] : memref<10240xf32, #tpu.memory_space<hbm>> -> memref<640xf32, #tpu.memory_space<hbm>>
      %dma_wait3A_222 = tpu.memref_slice %arg15[%mul3A_211] : memref<10240xf32, #tpu.memory_space<vmem_shared>> -> memref<640xf32, #tpu.memory_space<vmem_shared>>
      tpu.wait_dma2 semaphore(%run_scoped3A : memref<!tpu.dma_semaphore, #tpu.memory_space<semaphore_mem>>) src(%dma_wait3A_222 : memref<640xf32, #tpu.memory_space<vmem_shared>>) dst(%dma_wait3A_221 : memref<640xf32, #tpu.memory_space<hbm>>)
      tpu.yield
    }) : () -> ()
    return
  }
}

#map = affine_map<(d0, d1) -> (0, 0)>
#map1 = affine_map<(d0, d1) -> (0, 0, 0)>
module attributes {stable_mosaic.version = 14 : i64} {
  func.func @_sc_aggregate_body(%arg0: i32, %arg1: i32, %arg2: memref<10000x16xf32, #tpu.memory_space<hbm>>, %arg3: memref<32x80x128xi32, #tpu.memory_space<hbm>>, %arg4: memref<32x80x128xi32, #tpu.memory_space<hbm>>, %arg5: memref<32x16xi32, #tpu.memory_space<hbm>>, %arg6: memref<2x2048x16xf32, #tpu.memory_space<hbm>>, %arg7: memref<80x128xi32, #tpu.memory_space<vmem>>, %arg8: memref<80x128xi32, #tpu.memory_space<vmem>>, %arg9: memref<8x128x16xf32, #tpu.memory_space<vmem>>, %arg10: memref<16xi32, #tpu.memory_space<vmem>>, %arg11: memref<2176x16xf32, #tpu.memory_space<vmem_shared>>, %arg12: memref<8x!tpu.dma_semaphore, #tpu.memory_space<semaphore_mem>>, %arg13: memref<8x!tpu.dma_semaphore, #tpu.memory_space<semaphore_mem>>) attributes {dimension_semantics = [#tpu.dimension_semantics<core_parallel>, #tpu.dimension_semantics<subcore_parallel>], iteration_bounds = array<i64: 2, 16>, scalar_prefetch = 0 : i64, scratch_operands = 7 : i64, tpu.core_type = #tpu.core_type<sc_vector_subcore>, window_params = [{transform_indices = #map}, {transform_indices = #map1}, {transform_indices = #map1}, {transform_indices = #map}, {transform_indices = #map1}]} {
    %mul3A = arith.constant 16 : i32
    %mul3A_0 = arith.muli %arg0, %mul3A : i32
    %add3A = arith.addi %mul3A_0, %arg1 : i32
    %scan3A = arith.constant 0 : i32
    %scan3A_1 = arith.constant 0 : i32
    %scan3A_2 = arith.constant 128 : i32
    %scan3A_3 = arith.addi %scan3A_1, %scan3A_2 : i32
    %scan3A_4 = arith.constant 1 : i32
    scf.for %scan3A_106 = %scan3A_1 to %scan3A_3 step %scan3A_4  : i32 {
      %broadcast_in_dim3A = arith.constant 0.000000e+00 : f32
      %broadcast_in_dim3A_107 = vector.broadcast %broadcast_in_dim3A : f32 to vector<16xf32>
      %swap3A = arith.constant 0 : i32
      %swap3A_108 = arith.index_cast %swap3A : i32 to index
      %swap3A_109 = arith.index_cast %scan3A_106 : i32 to index
      %swap3A_110 = arith.constant 0 : index
      %swap3A_111 = tpu.vector_load %arg9[%swap3A_108, %swap3A_109, %swap3A_110] {strides = array<i32>} : memref<8x128x16xf32, #tpu.memory_space<vmem>>, vector<16xf32>,
      tpu.vector_store %arg9[%swap3A_108, %swap3A_109, %swap3A_110], %broadcast_in_dim3A_107 {strides = array<i32>} : memref<8x128x16xf32, #tpu.memory_space<vmem>>, vector<16xf32>,
    }
    %scan3A_5 = arith.constant 128 : i32
    %mul3A_6 = arith.constant 136 : i32
    %mul3A_7 = arith.muli %arg1, %mul3A_6 : i32
    %run_scoped3A = arith.constant 0 : i32
    "tpu.region"() ({
      %run_scoped3A_106 = tpu.sem_alloc : memref<!tpu.dma_semaphore, #tpu.memory_space<semaphore_mem>>
      %dma_start3A = arith.constant 0 : i32
      %dma_start3A_107 = arith.constant 0 : i32
      %dma_start3A_108 = tpu.memref_slice %arg9[%run_scoped3A, %dma_start3A, %dma_start3A_107] : memref<8x128x16xf32, #tpu.memory_space<vmem>> -> memref<1x128x16xf32, #tpu.memory_space<vmem>>
      %dma_start3A_109 = tpu.memref_squeeze %dma_start3A_108 : memref<1x128x16xf32, #tpu.memory_space<vmem>> -> memref<128x16xf32, #tpu.memory_space<vmem>>
      %dma_start3A_110 = arith.constant 0 : i32
      %dma_start3A_111 = tpu.memref_slice %arg11[%mul3A_7, %dma_start3A_110] : memref<2176x16xf32, #tpu.memory_space<vmem_shared>> -> memref<128x16xf32, #tpu.memory_space<vmem_shared>>
      %dma_start3A_112 = arith.constant 0 : i32
      %dma_start3A_113 = tpu.memref_slice %arg11[%mul3A_7, %dma_start3A_112] : memref<2176x16xf32, #tpu.memory_space<vmem_shared>> -> memref<128x16xf32, #tpu.memory_space<vmem_shared>>
      %dma_start3A_114 = arith.constant 0 : i32
      %dma_start3A_115 = arith.constant 0 : i32
      %dma_start3A_116 = tpu.memref_slice %arg9[%run_scoped3A, %dma_start3A_114, %dma_start3A_115] : memref<8x128x16xf32, #tpu.memory_space<vmem>> -> memref<1x128x16xf32, #tpu.memory_space<vmem>>
      %dma_start3A_117 = tpu.memref_squeeze %dma_start3A_116 : memref<1x128x16xf32, #tpu.memory_space<vmem>> -> memref<128x16xf32, #tpu.memory_space<vmem>>
      tpu.enqueue_dma source(%dma_start3A_117 : memref<128x16xf32, #tpu.memory_space<vmem>>) target(%dma_start3A_113 : memref<128x16xf32, #tpu.memory_space<vmem_shared>>) target_semaphore(%run_scoped3A_106 : memref<!tpu.dma_semaphore, #tpu.memory_space<semaphore_mem>>)
      %dma_wait3A = arith.constant 0 : i32
      %dma_wait3A_118 = arith.constant 0 : i32
      %dma_wait3A_119 = tpu.memref_slice %arg9[%run_scoped3A, %dma_wait3A, %dma_wait3A_118] : memref<8x128x16xf32, #tpu.memory_space<vmem>> -> memref<1x128x16xf32, #tpu.memory_space<vmem>>
      %dma_wait3A_120 = tpu.memref_squeeze %dma_wait3A_119 : memref<1x128x16xf32, #tpu.memory_space<vmem>> -> memref<128x16xf32, #tpu.memory_space<vmem>>
      %dma_wait3A_121 = arith.constant 0 : i32
      %dma_wait3A_122 = tpu.memref_slice %arg11[%mul3A_7, %dma_wait3A_121] : memref<2176x16xf32, #tpu.memory_space<vmem_shared>> -> memref<128x16xf32, #tpu.memory_space<vmem_shared>>
      %dma_wait3A_123 = arith.constant 0 : i32
      %dma_wait3A_124 = tpu.memref_slice %arg11[%mul3A_7, %dma_wait3A_123] : memref<2176x16xf32, #tpu.memory_space<vmem_shared>> -> memref<128x16xf32, #tpu.memory_space<vmem_shared>>
      %dma_wait3A_125 = arith.constant 0 : i32
      %dma_wait3A_126 = arith.constant 0 : i32
      %dma_wait3A_127 = tpu.memref_slice %arg9[%run_scoped3A, %dma_wait3A_125, %dma_wait3A_126] : memref<8x128x16xf32, #tpu.memory_space<vmem>> -> memref<1x128x16xf32, #tpu.memory_space<vmem>>
      %dma_wait3A_128 = tpu.memref_squeeze %dma_wait3A_127 : memref<1x128x16xf32, #tpu.memory_space<vmem>> -> memref<128x16xf32, #tpu.memory_space<vmem>>
      tpu.wait_dma2 semaphore(%run_scoped3A_106 : memref<!tpu.dma_semaphore, #tpu.memory_space<semaphore_mem>>) src(%dma_wait3A_128 : memref<128x16xf32, #tpu.memory_space<vmem>>) dst(%dma_wait3A_124 : memref<128x16xf32, #tpu.memory_space<vmem_shared>>)
      tpu.yield
    }) : () -> ()
    %mul3A_8 = arith.constant 136 : i32
    %mul3A_9 = arith.muli %arg1, %mul3A_8 : i32
    %add3A_10 = arith.constant 128 : i32
    %add3A_11 = arith.addi %mul3A_9, %add3A_10 : i32
    %run_scoped3A_12 = arith.constant 0 : i32
    "tpu.region"() ({
      %run_scoped3A_106 = tpu.sem_alloc : memref<!tpu.dma_semaphore, #tpu.memory_space<semaphore_mem>>
      %dma_start3A = arith.constant 0 : i32
      %dma_start3A_107 = arith.constant 0 : i32
      %dma_start3A_108 = tpu.memref_slice %arg9[%run_scoped3A_12, %dma_start3A, %dma_start3A_107] : memref<8x128x16xf32, #tpu.memory_space<vmem>> -> memref<1x128x16xf32, #tpu.memory_space<vmem>>
      %dma_start3A_109 = tpu.memref_squeeze %dma_start3A_108 : memref<1x128x16xf32, #tpu.memory_space<vmem>> -> memref<128x16xf32, #tpu.memory_space<vmem>>
      %dma_start3A_110 = arith.constant 0 : i32
      %dma_start3A_111 = arith.constant 0 : i32
      %dma_start3A_112 = tpu.memref_slice %dma_start3A_109[%dma_start3A_110, %dma_start3A_111] : memref<128x16xf32, #tpu.memory_space<vmem>> -> memref<8x16xf32, #tpu.memory_space<vmem>>
      %dma_start3A_113 = arith.constant 0 : i32
      %dma_start3A_114 = tpu.memref_slice %arg11[%add3A_11, %dma_start3A_113] : memref<2176x16xf32, #tpu.memory_space<vmem_shared>> -> memref<8x16xf32, #tpu.memory_space<vmem_shared>>
      %dma_start3A_115 = arith.constant 0 : i32
      %dma_start3A_116 = tpu.memref_slice %arg11[%add3A_11, %dma_start3A_115] : memref<2176x16xf32, #tpu.memory_space<vmem_shared>> -> memref<8x16xf32, #tpu.memory_space<vmem_shared>>
      %dma_start3A_117 = arith.constant 0 : i32
      %dma_start3A_118 = arith.constant 0 : i32
      %dma_start3A_119 = tpu.memref_slice %arg9[%run_scoped3A_12, %dma_start3A_117, %dma_start3A_118] : memref<8x128x16xf32, #tpu.memory_space<vmem>> -> memref<1x128x16xf32, #tpu.memory_space<vmem>>
      %dma_start3A_120 = tpu.memref_squeeze %dma_start3A_119 : memref<1x128x16xf32, #tpu.memory_space<vmem>> -> memref<128x16xf32, #tpu.memory_space<vmem>>
      %dma_start3A_121 = arith.constant 0 : i32
      %dma_start3A_122 = arith.constant 0 : i32
      %dma_start3A_123 = tpu.memref_slice %dma_start3A_120[%dma_start3A_121, %dma_start3A_122] : memref<128x16xf32, #tpu.memory_space<vmem>> -> memref<8x16xf32, #tpu.memory_space<vmem>>
      tpu.enqueue_dma source(%dma_start3A_123 : memref<8x16xf32, #tpu.memory_space<vmem>>) target(%dma_start3A_116 : memref<8x16xf32, #tpu.memory_space<vmem_shared>>) target_semaphore(%run_scoped3A_106 : memref<!tpu.dma_semaphore, #tpu.memory_space<semaphore_mem>>)
      %dma_wait3A = arith.constant 0 : i32
      %dma_wait3A_124 = arith.constant 0 : i32
      %dma_wait3A_125 = tpu.memref_slice %arg9[%run_scoped3A_12, %dma_wait3A, %dma_wait3A_124] : memref<8x128x16xf32, #tpu.memory_space<vmem>> -> memref<1x128x16xf32, #tpu.memory_space<vmem>>
      %dma_wait3A_126 = tpu.memref_squeeze %dma_wait3A_125 : memref<1x128x16xf32, #tpu.memory_space<vmem>> -> memref<128x16xf32, #tpu.memory_space<vmem>>
      %dma_wait3A_127 = arith.constant 0 : i32
      %dma_wait3A_128 = arith.constant 0 : i32
      %dma_wait3A_129 = tpu.memref_slice %dma_wait3A_126[%dma_wait3A_127, %dma_wait3A_128] : memref<128x16xf32, #tpu.memory_space<vmem>> -> memref<8x16xf32, #tpu.memory_space<vmem>>
      %dma_wait3A_130 = arith.constant 0 : i32
      %dma_wait3A_131 = tpu.memref_slice %arg11[%add3A_11, %dma_wait3A_130] : memref<2176x16xf32, #tpu.memory_space<vmem_shared>> -> memref<8x16xf32, #tpu.memory_space<vmem_shared>>
      %dma_wait3A_132 = arith.constant 0 : i32
      %dma_wait3A_133 = tpu.memref_slice %arg11[%add3A_11, %dma_wait3A_132] : memref<2176x16xf32, #tpu.memory_space<vmem_shared>> -> memref<8x16xf32, #tpu.memory_space<vmem_shared>>
      %dma_wait3A_134 = arith.constant 0 : i32
      %dma_wait3A_135 = arith.constant 0 : i32
      %dma_wait3A_136 = tpu.memref_slice %arg9[%run_scoped3A_12, %dma_wait3A_134, %dma_wait3A_135] : memref<8x128x16xf32, #tpu.memory_space<vmem>> -> memref<1x128x16xf32, #tpu.memory_space<vmem>>
      %dma_wait3A_137 = tpu.memref_squeeze %dma_wait3A_136 : memref<1x128x16xf32, #tpu.memory_space<vmem>> -> memref<128x16xf32, #tpu.memory_space<vmem>>
      %dma_wait3A_138 = arith.constant 0 : i32
      %dma_wait3A_139 = arith.constant 0 : i32
      %dma_wait3A_140 = tpu.memref_slice %dma_wait3A_137[%dma_wait3A_138, %dma_wait3A_139] : memref<128x16xf32, #tpu.memory_space<vmem>> -> memref<8x16xf32, #tpu.memory_space<vmem>>
      tpu.wait_dma2 semaphore(%run_scoped3A_106 : memref<!tpu.dma_semaphore, #tpu.memory_space<semaphore_mem>>) src(%dma_wait3A_140 : memref<8x16xf32, #tpu.memory_space<vmem>>) dst(%dma_wait3A_133 : memref<8x16xf32, #tpu.memory_space<vmem_shared>>)
      tpu.yield
    }) : () -> ()
    "tpu.region"() ({
      %run_scoped3A_106 = tpu.sem_alloc : memref<!tpu.dma_semaphore, #tpu.memory_space<semaphore_mem>>
      %dma_start3A = arith.constant 0 : i32
      %dma_start3A_107 = arith.constant 0 : i32
      %dma_start3A_108 = tpu.memref_slice %arg3[%add3A, %dma_start3A, %dma_start3A_107] : memref<32x80x128xi32, #tpu.memory_space<hbm>> -> memref<1x80x128xi32, #tpu.memory_space<hbm>>
      %dma_start3A_109 = tpu.memref_squeeze %dma_start3A_108 : memref<1x80x128xi32, #tpu.memory_space<hbm>> -> memref<80x128xi32, #tpu.memory_space<hbm>>
      %dma_start3A_110 = arith.constant 0 : i32
      %dma_start3A_111 = arith.constant 0 : i32
      %dma_start3A_112 = tpu.memref_slice %arg3[%add3A, %dma_start3A_110, %dma_start3A_111] : memref<32x80x128xi32, #tpu.memory_space<hbm>> -> memref<1x80x128xi32, #tpu.memory_space<hbm>>
      %dma_start3A_113 = tpu.memref_squeeze %dma_start3A_112 : memref<1x80x128xi32, #tpu.memory_space<hbm>> -> memref<80x128xi32, #tpu.memory_space<hbm>>
      tpu.enqueue_dma source(%dma_start3A_113 : memref<80x128xi32, #tpu.memory_space<hbm>>) target(%arg7 : memref<80x128xi32, #tpu.memory_space<vmem>>) target_semaphore(%run_scoped3A_106 : memref<!tpu.dma_semaphore, #tpu.memory_space<semaphore_mem>>)
      %dma_wait3A = arith.constant 0 : i32
      %dma_wait3A_114 = arith.constant 0 : i32
      %dma_wait3A_115 = tpu.memref_slice %arg3[%add3A, %dma_wait3A, %dma_wait3A_114] : memref<32x80x128xi32, #tpu.memory_space<hbm>> -> memref<1x80x128xi32, #tpu.memory_space<hbm>>
      %dma_wait3A_116 = tpu.memref_squeeze %dma_wait3A_115 : memref<1x80x128xi32, #tpu.memory_space<hbm>> -> memref<80x128xi32, #tpu.memory_space<hbm>>
      %dma_wait3A_117 = arith.constant 0 : i32
      %dma_wait3A_118 = arith.constant 0 : i32
      %dma_wait3A_119 = tpu.memref_slice %arg3[%add3A, %dma_wait3A_117, %dma_wait3A_118] : memref<32x80x128xi32, #tpu.memory_space<hbm>> -> memref<1x80x128xi32, #tpu.memory_space<hbm>>
      %dma_wait3A_120 = tpu.memref_squeeze %dma_wait3A_119 : memref<1x80x128xi32, #tpu.memory_space<hbm>> -> memref<80x128xi32, #tpu.memory_space<hbm>>
      tpu.wait_dma2 semaphore(%run_scoped3A_106 : memref<!tpu.dma_semaphore, #tpu.memory_space<semaphore_mem>>) src(%dma_wait3A_120 : memref<80x128xi32, #tpu.memory_space<hbm>>) dst(%arg7 : memref<80x128xi32, #tpu.memory_space<vmem>>)
      tpu.yield
    }) : () -> ()
    "tpu.region"() ({
      %run_scoped3A_106 = tpu.sem_alloc : memref<!tpu.dma_semaphore, #tpu.memory_space<semaphore_mem>>
      %dma_start3A = arith.constant 0 : i32
      %dma_start3A_107 = arith.constant 0 : i32
      %dma_start3A_108 = tpu.memref_slice %arg4[%add3A, %dma_start3A, %dma_start3A_107] : memref<32x80x128xi32, #tpu.memory_space<hbm>> -> memref<1x80x128xi32, #tpu.memory_space<hbm>>
      %dma_start3A_109 = tpu.memref_squeeze %dma_start3A_108 : memref<1x80x128xi32, #tpu.memory_space<hbm>> -> memref<80x128xi32, #tpu.memory_space<hbm>>
      %dma_start3A_110 = arith.constant 0 : i32
      %dma_start3A_111 = arith.constant 0 : i32
      %dma_start3A_112 = tpu.memref_slice %arg4[%add3A, %dma_start3A_110, %dma_start3A_111] : memref<32x80x128xi32, #tpu.memory_space<hbm>> -> memref<1x80x128xi32, #tpu.memory_space<hbm>>
      %dma_start3A_113 = tpu.memref_squeeze %dma_start3A_112 : memref<1x80x128xi32, #tpu.memory_space<hbm>> -> memref<80x128xi32, #tpu.memory_space<hbm>>
      tpu.enqueue_dma source(%dma_start3A_113 : memref<80x128xi32, #tpu.memory_space<hbm>>) target(%arg8 : memref<80x128xi32, #tpu.memory_space<vmem>>) target_semaphore(%run_scoped3A_106 : memref<!tpu.dma_semaphore, #tpu.memory_space<semaphore_mem>>)
      %dma_wait3A = arith.constant 0 : i32
      %dma_wait3A_114 = arith.constant 0 : i32
      %dma_wait3A_115 = tpu.memref_slice %arg4[%add3A, %dma_wait3A, %dma_wait3A_114] : memref<32x80x128xi32, #tpu.memory_space<hbm>> -> memref<1x80x128xi32, #tpu.memory_space<hbm>>
      %dma_wait3A_116 = tpu.memref_squeeze %dma_wait3A_115 : memref<1x80x128xi32, #tpu.memory_space<hbm>> -> memref<80x128xi32, #tpu.memory_space<hbm>>
      %dma_wait3A_117 = arith.constant 0 : i32
      %dma_wait3A_118 = arith.constant 0 : i32
      %dma_wait3A_119 = tpu.memref_slice %arg4[%add3A, %dma_wait3A_117, %dma_wait3A_118] : memref<32x80x128xi32, #tpu.memory_space<hbm>> -> memref<1x80x128xi32, #tpu.memory_space<hbm>>
      %dma_wait3A_120 = tpu.memref_squeeze %dma_wait3A_119 : memref<1x80x128xi32, #tpu.memory_space<hbm>> -> memref<80x128xi32, #tpu.memory_space<hbm>>
      tpu.wait_dma2 semaphore(%run_scoped3A_106 : memref<!tpu.dma_semaphore, #tpu.memory_space<semaphore_mem>>) src(%dma_wait3A_120 : memref<80x128xi32, #tpu.memory_space<hbm>>) dst(%arg8 : memref<80x128xi32, #tpu.memory_space<vmem>>)
      tpu.yield
    }) : () -> ()
    "tpu.region"() ({
      %run_scoped3A_106 = tpu.sem_alloc : memref<!tpu.dma_semaphore, #tpu.memory_space<semaphore_mem>>
      %dma_start3A = arith.constant 0 : i32
      %dma_start3A_107 = tpu.memref_slice %arg5[%add3A, %dma_start3A] : memref<32x16xi32, #tpu.memory_space<hbm>> -> memref<1x16xi32, #tpu.memory_space<hbm>>
      %dma_start3A_108 = tpu.memref_squeeze %dma_start3A_107 : memref<1x16xi32, #tpu.memory_space<hbm>> -> memref<16xi32, #tpu.memory_space<hbm>>
      %dma_start3A_109 = arith.constant 0 : i32
      %dma_start3A_110 = tpu.memref_slice %arg5[%add3A, %dma_start3A_109] : memref<32x16xi32, #tpu.memory_space<hbm>> -> memref<1x16xi32, #tpu.memory_space<hbm>>
      %dma_start3A_111 = tpu.memref_squeeze %dma_start3A_110 : memref<1x16xi32, #tpu.memory_space<hbm>> -> memref<16xi32, #tpu.memory_space<hbm>>
      tpu.enqueue_dma source(%dma_start3A_111 : memref<16xi32, #tpu.memory_space<hbm>>) target(%arg10 : memref<16xi32, #tpu.memory_space<vmem>>) target_semaphore(%run_scoped3A_106 : memref<!tpu.dma_semaphore, #tpu.memory_space<semaphore_mem>>)
      %dma_wait3A = arith.constant 0 : i32
      %dma_wait3A_112 = tpu.memref_slice %arg5[%add3A, %dma_wait3A] : memref<32x16xi32, #tpu.memory_space<hbm>> -> memref<1x16xi32, #tpu.memory_space<hbm>>
      %dma_wait3A_113 = tpu.memref_squeeze %dma_wait3A_112 : memref<1x16xi32, #tpu.memory_space<hbm>> -> memref<16xi32, #tpu.memory_space<hbm>>
      %dma_wait3A_114 = arith.constant 0 : i32
      %dma_wait3A_115 = tpu.memref_slice %arg5[%add3A, %dma_wait3A_114] : memref<32x16xi32, #tpu.memory_space<hbm>> -> memref<1x16xi32, #tpu.memory_space<hbm>>
      %dma_wait3A_116 = tpu.memref_squeeze %dma_wait3A_115 : memref<1x16xi32, #tpu.memory_space<hbm>> -> memref<16xi32, #tpu.memory_space<hbm>>
      tpu.wait_dma2 semaphore(%run_scoped3A_106 : memref<!tpu.dma_semaphore, #tpu.memory_space<semaphore_mem>>) src(%dma_wait3A_116 : memref<16xi32, #tpu.memory_space<hbm>>) dst(%arg10 : memref<16xi32, #tpu.memory_space<vmem>>)
      tpu.yield
    }) : () -> ()
    %get3A = arith.constant 0 : index
    %get3A_13 = tpu.vector_load %arg10[%get3A] {strides = array<i32>} : memref<16xi32, #tpu.memory_space<vmem>>, vector<16xi32>,
    %reduce_max3A = arith.constant true
    %reduce_max3A_14 = vector.broadcast %reduce_max3A : i1 to vector<16xi1>
    %reduce_max3A_15 = arith.constant -2147483648 : i32
    %reduce_max3A_16 = vector.broadcast %reduce_max3A_15 : i32 to vector<16xi32>
    %reduce_max3A_17 = arith.xori %get3A_13, %reduce_max3A_16 : vector<16xi32>
    %reduce_max3A_18 = tpu.scan <max>, %reduce_max3A_17 masked %reduce_max3A_14 : vector<16xi32>, vector<16xi1> -> vector<16xi32>
    %reduce_max3A_19 = arith.xori %reduce_max3A_18, %reduce_max3A_16 : vector<16xi32>
    %reduce_max3A_20 = vector.extract %reduce_max3A_19[15] : i32 from vector<16xi32>
    %barrier3A = arith.constant 0 : index
    tpu.barrier barrier_id(%barrier3A)
    %gt3A = arith.constant 0 : i32
    %gt3A_21 = arith.cmpi sgt, %reduce_max3A_20, %gt3A : i32
    %convert_element_type3A = arith.extui %gt3A_21 : i1 to i32
    %cond3A = arith.constant 0 : i32
    %cond3A_22 = arith.cmpi ne, %convert_element_type3A, %cond3A : i32
    scf.if %cond3A_22 {
      %dma_start3A = arith.constant 0 : i32
      %dma_start3A_106 = arith.constant 0 : i32
      %dma_start3A_107 = arith.constant 0 : i32
      %dma_start3A_108 = arith.constant 0 : i32
      %dma_start3A_109 = arith.constant 0 : i32
      %dma_start3A_110 = tpu.memref_slice %arg9[%dma_start3A_106, %dma_start3A_108, %dma_start3A_109] : memref<8x128x16xf32, #tpu.memory_space<vmem>> -> memref<1x128x16xf32, #tpu.memory_space<vmem>>
      %dma_start3A_111 = tpu.memref_squeeze %dma_start3A_110 : memref<1x128x16xf32, #tpu.memory_space<vmem>> -> memref<128x16xf32, #tpu.memory_space<vmem>>
      %dma_start3A_112 = arith.constant 0 : i32
      %dma_start3A_113 = tpu.memref_slice %arg7[%dma_start3A, %dma_start3A_112] : memref<80x128xi32, #tpu.memory_space<vmem>> -> memref<1x128xi32, #tpu.memory_space<vmem>>
      %dma_start3A_114 = tpu.memref_squeeze %dma_start3A_113 : memref<1x128xi32, #tpu.memory_space<vmem>> -> memref<128xi32, #tpu.memory_space<vmem>>
      %dma_start3A_115 = arith.constant 0 : i32
      %dma_start3A_116 = arith.constant 0 : i32
      %dma_start3A_117 = tpu.memref_slice %arg2[%dma_start3A_115, %dma_start3A_116] : memref<10000x16xf32, #tpu.memory_space<hbm>> -> memref<10000x16xf32, #tpu.memory_space<hbm>>
      %dma_start3A_118 = tpu.memref_slice %arg12[%dma_start3A_107] : memref<8x!tpu.dma_semaphore, #tpu.memory_space<semaphore_mem>> -> memref<1x!tpu.dma_semaphore, #tpu.memory_space<semaphore_mem>>
      %dma_start3A_119 = tpu.memref_squeeze %dma_start3A_118 : memref<1x!tpu.dma_semaphore, #tpu.memory_space<semaphore_mem>> -> memref<!tpu.dma_semaphore, #tpu.memory_space<semaphore_mem>>
      tpu.enqueue_indirect_dma source(%dma_start3A_117 : memref<10000x16xf32, #tpu.memory_space<hbm>>) target(%dma_start3A_111 : memref<128x16xf32, #tpu.memory_space<vmem>>) offsets(%dma_start3A_114 : memref<128xi32, #tpu.memory_space<vmem>>) semaphore(%dma_start3A_119 : memref<!tpu.dma_semaphore, #tpu.memory_space<semaphore_mem>>)
    } else {
    }
    %gt3A_23 = arith.constant 1 : i32
    %gt3A_24 = arith.cmpi sgt, %reduce_max3A_20, %gt3A_23 : i32
    %convert_element_type3A_25 = arith.extui %gt3A_24 : i1 to i32
    %cond3A_26 = arith.constant 0 : i32
    %cond3A_27 = arith.cmpi ne, %convert_element_type3A_25, %cond3A_26 : i32
    scf.if %cond3A_27 {
      %dma_start3A = arith.constant 1 : i32
      %dma_start3A_106 = arith.constant 1 : i32
      %dma_start3A_107 = arith.constant 1 : i32
      %dma_start3A_108 = arith.constant 0 : i32
      %dma_start3A_109 = arith.constant 0 : i32
      %dma_start3A_110 = tpu.memref_slice %arg9[%dma_start3A_106, %dma_start3A_108, %dma_start3A_109] : memref<8x128x16xf32, #tpu.memory_space<vmem>> -> memref<1x128x16xf32, #tpu.memory_space<vmem>>
      %dma_start3A_111 = tpu.memref_squeeze %dma_start3A_110 : memref<1x128x16xf32, #tpu.memory_space<vmem>> -> memref<128x16xf32, #tpu.memory_space<vmem>>
      %dma_start3A_112 = arith.constant 0 : i32
      %dma_start3A_113 = tpu.memref_slice %arg7[%dma_start3A, %dma_start3A_112] : memref<80x128xi32, #tpu.memory_space<vmem>> -> memref<1x128xi32, #tpu.memory_space<vmem>>
      %dma_start3A_114 = tpu.memref_squeeze %dma_start3A_113 : memref<1x128xi32, #tpu.memory_space<vmem>> -> memref<128xi32, #tpu.memory_space<vmem>>
      %dma_start3A_115 = arith.constant 0 : i32
      %dma_start3A_116 = arith.constant 0 : i32
      %dma_start3A_117 = tpu.memref_slice %arg2[%dma_start3A_115, %dma_start3A_116] : memref<10000x16xf32, #tpu.memory_space<hbm>> -> memref<10000x16xf32, #tpu.memory_space<hbm>>
      %dma_start3A_118 = tpu.memref_slice %arg12[%dma_start3A_107] : memref<8x!tpu.dma_semaphore, #tpu.memory_space<semaphore_mem>> -> memref<1x!tpu.dma_semaphore, #tpu.memory_space<semaphore_mem>>
      %dma_start3A_119 = tpu.memref_squeeze %dma_start3A_118 : memref<1x!tpu.dma_semaphore, #tpu.memory_space<semaphore_mem>> -> memref<!tpu.dma_semaphore, #tpu.memory_space<semaphore_mem>>
      tpu.enqueue_indirect_dma source(%dma_start3A_117 : memref<10000x16xf32, #tpu.memory_space<hbm>>) target(%dma_start3A_111 : memref<128x16xf32, #tpu.memory_space<vmem>>) offsets(%dma_start3A_114 : memref<128xi32, #tpu.memory_space<vmem>>) semaphore(%dma_start3A_119 : memref<!tpu.dma_semaphore, #tpu.memory_space<semaphore_mem>>)
    } else {
    }
    %gt3A_28 = arith.constant 2 : i32
    %gt3A_29 = arith.cmpi sgt, %reduce_max3A_20, %gt3A_28 : i32
    %convert_element_type3A_30 = arith.extui %gt3A_29 : i1 to i32
    %cond3A_31 = arith.constant 0 : i32
    %cond3A_32 = arith.cmpi ne, %convert_element_type3A_30, %cond3A_31 : i32
    scf.if %cond3A_32 {
      %dma_start3A = arith.constant 2 : i32
      %dma_start3A_106 = arith.constant 2 : i32
      %dma_start3A_107 = arith.constant 2 : i32
      %dma_start3A_108 = arith.constant 0 : i32
      %dma_start3A_109 = arith.constant 0 : i32
      %dma_start3A_110 = tpu.memref_slice %arg9[%dma_start3A_106, %dma_start3A_108, %dma_start3A_109] : memref<8x128x16xf32, #tpu.memory_space<vmem>> -> memref<1x128x16xf32, #tpu.memory_space<vmem>>
      %dma_start3A_111 = tpu.memref_squeeze %dma_start3A_110 : memref<1x128x16xf32, #tpu.memory_space<vmem>> -> memref<128x16xf32, #tpu.memory_space<vmem>>
      %dma_start3A_112 = arith.constant 0 : i32
      %dma_start3A_113 = tpu.memref_slice %arg7[%dma_start3A, %dma_start3A_112] : memref<80x128xi32, #tpu.memory_space<vmem>> -> memref<1x128xi32, #tpu.memory_space<vmem>>
      %dma_start3A_114 = tpu.memref_squeeze %dma_start3A_113 : memref<1x128xi32, #tpu.memory_space<vmem>> -> memref<128xi32, #tpu.memory_space<vmem>>
      %dma_start3A_115 = arith.constant 0 : i32
      %dma_start3A_116 = arith.constant 0 : i32
      %dma_start3A_117 = tpu.memref_slice %arg2[%dma_start3A_115, %dma_start3A_116] : memref<10000x16xf32, #tpu.memory_space<hbm>> -> memref<10000x16xf32, #tpu.memory_space<hbm>>
      %dma_start3A_118 = tpu.memref_slice %arg12[%dma_start3A_107] : memref<8x!tpu.dma_semaphore, #tpu.memory_space<semaphore_mem>> -> memref<1x!tpu.dma_semaphore, #tpu.memory_space<semaphore_mem>>
      %dma_start3A_119 = tpu.memref_squeeze %dma_start3A_118 : memref<1x!tpu.dma_semaphore, #tpu.memory_space<semaphore_mem>> -> memref<!tpu.dma_semaphore, #tpu.memory_space<semaphore_mem>>
      tpu.enqueue_indirect_dma source(%dma_start3A_117 : memref<10000x16xf32, #tpu.memory_space<hbm>>) target(%dma_start3A_111 : memref<128x16xf32, #tpu.memory_space<vmem>>) offsets(%dma_start3A_114 : memref<128xi32, #tpu.memory_space<vmem>>) semaphore(%dma_start3A_119 : memref<!tpu.dma_semaphore, #tpu.memory_space<semaphore_mem>>)
    } else {
    }
    %gt3A_33 = arith.constant 3 : i32
    %gt3A_34 = arith.cmpi sgt, %reduce_max3A_20, %gt3A_33 : i32
    %convert_element_type3A_35 = arith.extui %gt3A_34 : i1 to i32
    %cond3A_36 = arith.constant 0 : i32
    %cond3A_37 = arith.cmpi ne, %convert_element_type3A_35, %cond3A_36 : i32
    scf.if %cond3A_37 {
      %dma_start3A = arith.constant 3 : i32
      %dma_start3A_106 = arith.constant 3 : i32
      %dma_start3A_107 = arith.constant 3 : i32
      %dma_start3A_108 = arith.constant 0 : i32
      %dma_start3A_109 = arith.constant 0 : i32
      %dma_start3A_110 = tpu.memref_slice %arg9[%dma_start3A_106, %dma_start3A_108, %dma_start3A_109] : memref<8x128x16xf32, #tpu.memory_space<vmem>> -> memref<1x128x16xf32, #tpu.memory_space<vmem>>
      %dma_start3A_111 = tpu.memref_squeeze %dma_start3A_110 : memref<1x128x16xf32, #tpu.memory_space<vmem>> -> memref<128x16xf32, #tpu.memory_space<vmem>>
      %dma_start3A_112 = arith.constant 0 : i32
      %dma_start3A_113 = tpu.memref_slice %arg7[%dma_start3A, %dma_start3A_112] : memref<80x128xi32, #tpu.memory_space<vmem>> -> memref<1x128xi32, #tpu.memory_space<vmem>>
      %dma_start3A_114 = tpu.memref_squeeze %dma_start3A_113 : memref<1x128xi32, #tpu.memory_space<vmem>> -> memref<128xi32, #tpu.memory_space<vmem>>
      %dma_start3A_115 = arith.constant 0 : i32
      %dma_start3A_116 = arith.constant 0 : i32
      %dma_start3A_117 = tpu.memref_slice %arg2[%dma_start3A_115, %dma_start3A_116] : memref<10000x16xf32, #tpu.memory_space<hbm>> -> memref<10000x16xf32, #tpu.memory_space<hbm>>
      %dma_start3A_118 = tpu.memref_slice %arg12[%dma_start3A_107] : memref<8x!tpu.dma_semaphore, #tpu.memory_space<semaphore_mem>> -> memref<1x!tpu.dma_semaphore, #tpu.memory_space<semaphore_mem>>
      %dma_start3A_119 = tpu.memref_squeeze %dma_start3A_118 : memref<1x!tpu.dma_semaphore, #tpu.memory_space<semaphore_mem>> -> memref<!tpu.dma_semaphore, #tpu.memory_space<semaphore_mem>>
      tpu.enqueue_indirect_dma source(%dma_start3A_117 : memref<10000x16xf32, #tpu.memory_space<hbm>>) target(%dma_start3A_111 : memref<128x16xf32, #tpu.memory_space<vmem>>) offsets(%dma_start3A_114 : memref<128xi32, #tpu.memory_space<vmem>>) semaphore(%dma_start3A_119 : memref<!tpu.dma_semaphore, #tpu.memory_space<semaphore_mem>>)
    } else {
    }
    %gt3A_38 = arith.constant 4 : i32
    %gt3A_39 = arith.cmpi sgt, %reduce_max3A_20, %gt3A_38 : i32
    %convert_element_type3A_40 = arith.extui %gt3A_39 : i1 to i32
    %cond3A_41 = arith.constant 0 : i32
    %cond3A_42 = arith.cmpi ne, %convert_element_type3A_40, %cond3A_41 : i32
    scf.if %cond3A_42 {
      %dma_start3A = arith.constant 4 : i32
      %dma_start3A_106 = arith.constant 4 : i32
      %dma_start3A_107 = arith.constant 4 : i32
      %dma_start3A_108 = arith.constant 0 : i32
      %dma_start3A_109 = arith.constant 0 : i32
      %dma_start3A_110 = tpu.memref_slice %arg9[%dma_start3A_106, %dma_start3A_108, %dma_start3A_109] : memref<8x128x16xf32, #tpu.memory_space<vmem>> -> memref<1x128x16xf32, #tpu.memory_space<vmem>>
      %dma_start3A_111 = tpu.memref_squeeze %dma_start3A_110 : memref<1x128x16xf32, #tpu.memory_space<vmem>> -> memref<128x16xf32, #tpu.memory_space<vmem>>
      %dma_start3A_112 = arith.constant 0 : i32
      %dma_start3A_113 = tpu.memref_slice %arg7[%dma_start3A, %dma_start3A_112] : memref<80x128xi32, #tpu.memory_space<vmem>> -> memref<1x128xi32, #tpu.memory_space<vmem>>
      %dma_start3A_114 = tpu.memref_squeeze %dma_start3A_113 : memref<1x128xi32, #tpu.memory_space<vmem>> -> memref<128xi32, #tpu.memory_space<vmem>>
      %dma_start3A_115 = arith.constant 0 : i32
      %dma_start3A_116 = arith.constant 0 : i32
      %dma_start3A_117 = tpu.memref_slice %arg2[%dma_start3A_115, %dma_start3A_116] : memref<10000x16xf32, #tpu.memory_space<hbm>> -> memref<10000x16xf32, #tpu.memory_space<hbm>>
      %dma_start3A_118 = tpu.memref_slice %arg12[%dma_start3A_107] : memref<8x!tpu.dma_semaphore, #tpu.memory_space<semaphore_mem>> -> memref<1x!tpu.dma_semaphore, #tpu.memory_space<semaphore_mem>>
      %dma_start3A_119 = tpu.memref_squeeze %dma_start3A_118 : memref<1x!tpu.dma_semaphore, #tpu.memory_space<semaphore_mem>> -> memref<!tpu.dma_semaphore, #tpu.memory_space<semaphore_mem>>
      tpu.enqueue_indirect_dma source(%dma_start3A_117 : memref<10000x16xf32, #tpu.memory_space<hbm>>) target(%dma_start3A_111 : memref<128x16xf32, #tpu.memory_space<vmem>>) offsets(%dma_start3A_114 : memref<128xi32, #tpu.memory_space<vmem>>) semaphore(%dma_start3A_119 : memref<!tpu.dma_semaphore, #tpu.memory_space<semaphore_mem>>)
    } else {
    }
    %gt3A_43 = arith.constant 5 : i32
    %gt3A_44 = arith.cmpi sgt, %reduce_max3A_20, %gt3A_43 : i32
    %convert_element_type3A_45 = arith.extui %gt3A_44 : i1 to i32
    %cond3A_46 = arith.constant 0 : i32
    %cond3A_47 = arith.cmpi ne, %convert_element_type3A_45, %cond3A_46 : i32
    scf.if %cond3A_47 {
      %dma_start3A = arith.constant 5 : i32
      %dma_start3A_106 = arith.constant 5 : i32
      %dma_start3A_107 = arith.constant 5 : i32
      %dma_start3A_108 = arith.constant 0 : i32
      %dma_start3A_109 = arith.constant 0 : i32
      %dma_start3A_110 = tpu.memref_slice %arg9[%dma_start3A_106, %dma_start3A_108, %dma_start3A_109] : memref<8x128x16xf32, #tpu.memory_space<vmem>> -> memref<1x128x16xf32, #tpu.memory_space<vmem>>
      %dma_start3A_111 = tpu.memref_squeeze %dma_start3A_110 : memref<1x128x16xf32, #tpu.memory_space<vmem>> -> memref<128x16xf32, #tpu.memory_space<vmem>>
      %dma_start3A_112 = arith.constant 0 : i32
      %dma_start3A_113 = tpu.memref_slice %arg7[%dma_start3A, %dma_start3A_112] : memref<80x128xi32, #tpu.memory_space<vmem>> -> memref<1x128xi32, #tpu.memory_space<vmem>>
      %dma_start3A_114 = tpu.memref_squeeze %dma_start3A_113 : memref<1x128xi32, #tpu.memory_space<vmem>> -> memref<128xi32, #tpu.memory_space<vmem>>
      %dma_start3A_115 = arith.constant 0 : i32
      %dma_start3A_116 = arith.constant 0 : i32
      %dma_start3A_117 = tpu.memref_slice %arg2[%dma_start3A_115, %dma_start3A_116] : memref<10000x16xf32, #tpu.memory_space<hbm>> -> memref<10000x16xf32, #tpu.memory_space<hbm>>
      %dma_start3A_118 = tpu.memref_slice %arg12[%dma_start3A_107] : memref<8x!tpu.dma_semaphore, #tpu.memory_space<semaphore_mem>> -> memref<1x!tpu.dma_semaphore, #tpu.memory_space<semaphore_mem>>
      %dma_start3A_119 = tpu.memref_squeeze %dma_start3A_118 : memref<1x!tpu.dma_semaphore, #tpu.memory_space<semaphore_mem>> -> memref<!tpu.dma_semaphore, #tpu.memory_space<semaphore_mem>>
      tpu.enqueue_indirect_dma source(%dma_start3A_117 : memref<10000x16xf32, #tpu.memory_space<hbm>>) target(%dma_start3A_111 : memref<128x16xf32, #tpu.memory_space<vmem>>) offsets(%dma_start3A_114 : memref<128xi32, #tpu.memory_space<vmem>>) semaphore(%dma_start3A_119 : memref<!tpu.dma_semaphore, #tpu.memory_space<semaphore_mem>>)
    } else {
    }
    %add3A_48 = arith.constant 8 : i32
    %add3A_49 = arith.addi %reduce_max3A_20, %add3A_48 : i32
    %sub3A = arith.constant 1 : i32
    %sub3A_50 = arith.subi %add3A_49, %sub3A : i32
    %shift_right_arithmetic3A = arith.constant 3 : i32
    %shift_right_arithmetic3A_51 = arith.shrsi %sub3A_50, %shift_right_arithmetic3A : i32
    %while3A = arith.constant 0 : i32
    %while3A_52 = arith.constant 0 : i32
    %while3A_53 = arith.subi %shift_right_arithmetic3A_51, %while3A_52 : i32
    %while3A_54 = arith.addi %while3A_52, %while3A_53 : i32
    %while3A_55 = arith.constant 1 : i32
    %while3A_56 = arith.divsi %while3A_53, %while3A_55 : i32
    %while3A_57 = arith.muli %while3A_56, %while3A_55 : i32
    %while3A_58 = arith.addi %while3A_52, %while3A_57 : i32
    %while3A_59 = arith.constant 1 : i32
    scf.for %while3A_106 = %while3A_52 to %while3A_58 step %while3A_59  : i32 {
      %mul3A_107 = arith.constant 8 : i32
      %mul3A_108 = arith.muli %while3A_106, %mul3A_107 : i32
      %add3A_109 = arith.constant 0 : i32
      %add3A_110 = arith.addi %mul3A_108, %add3A_109 : i32
      %lt3A = arith.cmpi slt, %add3A_110, %reduce_max3A_20 : i32
      %convert_element_type3A_111 = arith.extui %lt3A : i1 to i32
      %cond3A_112 = arith.constant 0 : i32
      %cond3A_113 = arith.cmpi ne, %convert_element_type3A_111, %cond3A_112 : i32
      scf.if %cond3A_113 {
        %dma_wait3A = arith.constant 0 : i32
        %dma_wait3A_272 = arith.constant 0 : i32
        %dma_wait3A_273 = arith.constant 0 : i32
        %dma_wait3A_274 = arith.constant 0 : i32
        %dma_wait3A_275 = tpu.memref_slice %arg9[%dma_wait3A, %dma_wait3A_273, %dma_wait3A_274] : memref<8x128x16xf32, #tpu.memory_space<vmem>> -> memref<1x128x16xf32, #tpu.memory_space<vmem>>
        %dma_wait3A_276 = tpu.memref_squeeze %dma_wait3A_275 : memref<1x128x16xf32, #tpu.memory_space<vmem>> -> memref<128x16xf32, #tpu.memory_space<vmem>>
        %dma_wait3A_277 = arith.constant 0 : i32
        %dma_wait3A_278 = tpu.memref_slice %arg7[%add3A_110, %dma_wait3A_277] : memref<80x128xi32, #tpu.memory_space<vmem>> -> memref<1x128xi32, #tpu.memory_space<vmem>>
        %dma_wait3A_279 = tpu.memref_squeeze %dma_wait3A_278 : memref<1x128xi32, #tpu.memory_space<vmem>> -> memref<128xi32, #tpu.memory_space<vmem>>
        %dma_wait3A_280 = arith.constant 0 : i32
        %dma_wait3A_281 = arith.constant 0 : i32
        %dma_wait3A_282 = tpu.memref_slice %arg2[%dma_wait3A_280, %dma_wait3A_281] : memref<10000x16xf32, #tpu.memory_space<hbm>> -> memref<10000x16xf32, #tpu.memory_space<hbm>>
        %dma_wait3A_283 = tpu.memref_slice %arg12[%dma_wait3A_272] : memref<8x!tpu.dma_semaphore, #tpu.memory_space<semaphore_mem>> -> memref<1x!tpu.dma_semaphore, #tpu.memory_space<semaphore_mem>>
        %dma_wait3A_284 = tpu.memref_squeeze %dma_wait3A_283 : memref<1x!tpu.dma_semaphore, #tpu.memory_space<semaphore_mem>> -> memref<!tpu.dma_semaphore, #tpu.memory_space<semaphore_mem>>
        tpu.wait_indirect_dma semaphore(%dma_wait3A_284 : memref<!tpu.dma_semaphore, #tpu.memory_space<semaphore_mem>>) src(%dma_wait3A_282 : memref<10000x16xf32, #tpu.memory_space<hbm>>) dst(%dma_wait3A_276 : memref<128x16xf32, #tpu.memory_space<vmem>>)
        %dma_start3A = arith.constant 0 : i32
        %dma_start3A_285 = arith.constant 0 : i32
        %dma_start3A_286 = arith.constant 0 : i32
        %dma_start3A_287 = arith.constant 0 : i32
        %dma_start3A_288 = tpu.memref_slice %arg9[%dma_start3A, %dma_start3A_286, %dma_start3A_287] : memref<8x128x16xf32, #tpu.memory_space<vmem>> -> memref<1x128x16xf32, #tpu.memory_space<vmem>>
        %dma_start3A_289 = tpu.memref_squeeze %dma_start3A_288 : memref<1x128x16xf32, #tpu.memory_space<vmem>> -> memref<128x16xf32, #tpu.memory_space<vmem>>
        %dma_start3A_290 = arith.constant 0 : i32
        %dma_start3A_291 = tpu.memref_slice %arg8[%add3A_110, %dma_start3A_290] : memref<80x128xi32, #tpu.memory_space<vmem>> -> memref<1x128xi32, #tpu.memory_space<vmem>>
        %dma_start3A_292 = tpu.memref_squeeze %dma_start3A_291 : memref<1x128xi32, #tpu.memory_space<vmem>> -> memref<128xi32, #tpu.memory_space<vmem>>
        %dma_start3A_293 = arith.constant 0 : i32
        %dma_start3A_294 = arith.constant 0 : i32
        %dma_start3A_295 = tpu.memref_slice %arg11[%dma_start3A_293, %dma_start3A_294] : memref<2176x16xf32, #tpu.memory_space<vmem_shared>> -> memref<2176x16xf32, #tpu.memory_space<vmem_shared>>
        %dma_start3A_296 = tpu.memref_slice %arg13[%dma_start3A_285] : memref<8x!tpu.dma_semaphore, #tpu.memory_space<semaphore_mem>> -> memref<1x!tpu.dma_semaphore, #tpu.memory_space<semaphore_mem>>
        %dma_start3A_297 = tpu.memref_squeeze %dma_start3A_296 : memref<1x!tpu.dma_semaphore, #tpu.memory_space<semaphore_mem>> -> memref<!tpu.dma_semaphore, #tpu.memory_space<semaphore_mem>>
        tpu.enqueue_indirect_dma source(%dma_start3A_289 : memref<128x16xf32, #tpu.memory_space<vmem>>) target(%dma_start3A_295 : memref<2176x16xf32, #tpu.memory_space<vmem_shared>>) offsets(%dma_start3A_292 : memref<128xi32, #tpu.memory_space<vmem>>) semaphore(%dma_start3A_297 : memref<!tpu.dma_semaphore, #tpu.memory_space<semaphore_mem>>) {add = true}
      } else {
      }
      %add3A_114 = arith.constant 6 : i32
      %add3A_115 = arith.addi %add3A_110, %add3A_114 : i32
      %ge3A = arith.constant 8 : i32
      %ge3A_116 = arith.cmpi sge, %add3A_115, %ge3A : i32
      %lt3A_117 = arith.cmpi slt, %add3A_115, %reduce_max3A_20 : i32
      %and3A = arith.andi %ge3A_116, %lt3A_117 : i1
      %convert_element_type3A_118 = arith.extui %and3A : i1 to i32
      %cond3A_119 = arith.constant 0 : i32
      %cond3A_120 = arith.cmpi ne, %convert_element_type3A_118, %cond3A_119 : i32
      scf.if %cond3A_120 {
        %sub3A_272 = arith.constant 8 : i32
        %sub3A_273 = arith.subi %add3A_115, %sub3A_272 : i32
        %dma_wait3A = arith.constant 6 : i32
        %dma_wait3A_274 = arith.constant 6 : i32
        %dma_wait3A_275 = arith.constant 0 : i32
        %dma_wait3A_276 = arith.constant 0 : i32
        %dma_wait3A_277 = tpu.memref_slice %arg9[%dma_wait3A, %dma_wait3A_275, %dma_wait3A_276] : memref<8x128x16xf32, #tpu.memory_space<vmem>> -> memref<1x128x16xf32, #tpu.memory_space<vmem>>
        %dma_wait3A_278 = tpu.memref_squeeze %dma_wait3A_277 : memref<1x128x16xf32, #tpu.memory_space<vmem>> -> memref<128x16xf32, #tpu.memory_space<vmem>>
        %dma_wait3A_279 = arith.constant 0 : i32
        %dma_wait3A_280 = tpu.memref_slice %arg8[%sub3A_273, %dma_wait3A_279] : memref<80x128xi32, #tpu.memory_space<vmem>> -> memref<1x128xi32, #tpu.memory_space<vmem>>
        %dma_wait3A_281 = tpu.memref_squeeze %dma_wait3A_280 : memref<1x128xi32, #tpu.memory_space<vmem>> -> memref<128xi32, #tpu.memory_space<vmem>>
        %dma_wait3A_282 = arith.constant 0 : i32
        %dma_wait3A_283 = arith.constant 0 : i32
        %dma_wait3A_284 = tpu.memref_slice %arg11[%dma_wait3A_282, %dma_wait3A_283] : memref<2176x16xf32, #tpu.memory_space<vmem_shared>> -> memref<2176x16xf32, #tpu.memory_space<vmem_shared>>
        %dma_wait3A_285 = tpu.memref_slice %arg13[%dma_wait3A_274] : memref<8x!tpu.dma_semaphore, #tpu.memory_space<semaphore_mem>> -> memref<1x!tpu.dma_semaphore, #tpu.memory_space<semaphore_mem>>
        %dma_wait3A_286 = tpu.memref_squeeze %dma_wait3A_285 : memref<1x!tpu.dma_semaphore, #tpu.memory_space<semaphore_mem>> -> memref<!tpu.dma_semaphore, #tpu.memory_space<semaphore_mem>>
        tpu.wait_indirect_dma semaphore(%dma_wait3A_286 : memref<!tpu.dma_semaphore, #tpu.memory_space<semaphore_mem>>) src(%dma_wait3A_278 : memref<128x16xf32, #tpu.memory_space<vmem>>) dst(%dma_wait3A_284 : memref<2176x16xf32, #tpu.memory_space<vmem_shared>>)
      } else {
      }
      %lt3A_121 = arith.cmpi slt, %add3A_115, %reduce_max3A_20 : i32
      %convert_element_type3A_122 = arith.extui %lt3A_121 : i1 to i32
      %cond3A_123 = arith.constant 0 : i32
      %cond3A_124 = arith.cmpi ne, %convert_element_type3A_122, %cond3A_123 : i32
      scf.if %cond3A_124 {
        %dma_start3A = arith.constant 6 : i32
        %dma_start3A_272 = arith.constant 6 : i32
        %dma_start3A_273 = arith.constant 0 : i32
        %dma_start3A_274 = arith.constant 0 : i32
        %dma_start3A_275 = tpu.memref_slice %arg9[%dma_start3A, %dma_start3A_273, %dma_start3A_274] : memref<8x128x16xf32, #tpu.memory_space<vmem>> -> memref<1x128x16xf32, #tpu.memory_space<vmem>>
        %dma_start3A_276 = tpu.memref_squeeze %dma_start3A_275 : memref<1x128x16xf32, #tpu.memory_space<vmem>> -> memref<128x16xf32, #tpu.memory_space<vmem>>
        %dma_start3A_277 = arith.constant 0 : i32
        %dma_start3A_278 = tpu.memref_slice %arg7[%add3A_115, %dma_start3A_277] : memref<80x128xi32, #tpu.memory_space<vmem>> -> memref<1x128xi32, #tpu.memory_space<vmem>>
        %dma_start3A_279 = tpu.memref_squeeze %dma_start3A_278 : memref<1x128xi32, #tpu.memory_space<vmem>> -> memref<128xi32, #tpu.memory_space<vmem>>
        %dma_start3A_280 = arith.constant 0 : i32
        %dma_start3A_281 = arith.constant 0 : i32
        %dma_start3A_282 = tpu.memref_slice %arg2[%dma_start3A_280, %dma_start3A_281] : memref<10000x16xf32, #tpu.memory_space<hbm>> -> memref<10000x16xf32, #tpu.memory_space<hbm>>
        %dma_start3A_283 = tpu.memref_slice %arg12[%dma_start3A_272] : memref<8x!tpu.dma_semaphore, #tpu.memory_space<semaphore_mem>> -> memref<1x!tpu.dma_semaphore, #tpu.memory_space<semaphore_mem>>
        %dma_start3A_284 = tpu.memref_squeeze %dma_start3A_283 : memref<1x!tpu.dma_semaphore, #tpu.memory_space<semaphore_mem>> -> memref<!tpu.dma_semaphore, #tpu.memory_space<semaphore_mem>>
        tpu.enqueue_indirect_dma source(%dma_start3A_282 : memref<10000x16xf32, #tpu.memory_space<hbm>>) target(%dma_start3A_276 : memref<128x16xf32, #tpu.memory_space<vmem>>) offsets(%dma_start3A_279 : memref<128xi32, #tpu.memory_space<vmem>>) semaphore(%dma_start3A_284 : memref<!tpu.dma_semaphore, #tpu.memory_space<semaphore_mem>>)
      } else {
      }
      %mul3A_125 = arith.constant 8 : i32
      %mul3A_126 = arith.muli %while3A_106, %mul3A_125 : i32
      %add3A_127 = arith.constant 1 : i32
      %add3A_128 = arith.addi %mul3A_126, %add3A_127 : i32
      %lt3A_129 = arith.cmpi slt, %add3A_128, %reduce_max3A_20 : i32
      %convert_element_type3A_130 = arith.extui %lt3A_129 : i1 to i32
      %cond3A_131 = arith.constant 0 : i32
      %cond3A_132 = arith.cmpi ne, %convert_element_type3A_130, %cond3A_131 : i32
      scf.if %cond3A_132 {
        %dma_wait3A = arith.constant 1 : i32
        %dma_wait3A_272 = arith.constant 1 : i32
        %dma_wait3A_273 = arith.constant 0 : i32
        %dma_wait3A_274 = arith.constant 0 : i32
        %dma_wait3A_275 = tpu.memref_slice %arg9[%dma_wait3A, %dma_wait3A_273, %dma_wait3A_274] : memref<8x128x16xf32, #tpu.memory_space<vmem>> -> memref<1x128x16xf32, #tpu.memory_space<vmem>>
        %dma_wait3A_276 = tpu.memref_squeeze %dma_wait3A_275 : memref<1x128x16xf32, #tpu.memory_space<vmem>> -> memref<128x16xf32, #tpu.memory_space<vmem>>
        %dma_wait3A_277 = arith.constant 0 : i32
        %dma_wait3A_278 = tpu.memref_slice %arg7[%add3A_128, %dma_wait3A_277] : memref<80x128xi32, #tpu.memory_space<vmem>> -> memref<1x128xi32, #tpu.memory_space<vmem>>
        %dma_wait3A_279 = tpu.memref_squeeze %dma_wait3A_278 : memref<1x128xi32, #tpu.memory_space<vmem>> -> memref<128xi32, #tpu.memory_space<vmem>>
        %dma_wait3A_280 = arith.constant 0 : i32
        %dma_wait3A_281 = arith.constant 0 : i32
        %dma_wait3A_282 = tpu.memref_slice %arg2[%dma_wait3A_280, %dma_wait3A_281] : memref<10000x16xf32, #tpu.memory_space<hbm>> -> memref<10000x16xf32, #tpu.memory_space<hbm>>
        %dma_wait3A_283 = tpu.memref_slice %arg12[%dma_wait3A_272] : memref<8x!tpu.dma_semaphore, #tpu.memory_space<semaphore_mem>> -> memref<1x!tpu.dma_semaphore, #tpu.memory_space<semaphore_mem>>
        %dma_wait3A_284 = tpu.memref_squeeze %dma_wait3A_283 : memref<1x!tpu.dma_semaphore, #tpu.memory_space<semaphore_mem>> -> memref<!tpu.dma_semaphore, #tpu.memory_space<semaphore_mem>>
        tpu.wait_indirect_dma semaphore(%dma_wait3A_284 : memref<!tpu.dma_semaphore, #tpu.memory_space<semaphore_mem>>) src(%dma_wait3A_282 : memref<10000x16xf32, #tpu.memory_space<hbm>>) dst(%dma_wait3A_276 : memref<128x16xf32, #tpu.memory_space<vmem>>)
        %dma_start3A = arith.constant 1 : i32
        %dma_start3A_285 = arith.constant 1 : i32
        %dma_start3A_286 = arith.constant 0 : i32
        %dma_start3A_287 = arith.constant 0 : i32
        %dma_start3A_288 = tpu.memref_slice %arg9[%dma_start3A, %dma_start3A_286, %dma_start3A_287] : memref<8x128x16xf32, #tpu.memory_space<vmem>> -> memref<1x128x16xf32, #tpu.memory_space<vmem>>
        %dma_start3A_289 = tpu.memref_squeeze %dma_start3A_288 : memref<1x128x16xf32, #tpu.memory_space<vmem>> -> memref<128x16xf32, #tpu.memory_space<vmem>>
        %dma_start3A_290 = arith.constant 0 : i32
        %dma_start3A_291 = tpu.memref_slice %arg8[%add3A_128, %dma_start3A_290] : memref<80x128xi32, #tpu.memory_space<vmem>> -> memref<1x128xi32, #tpu.memory_space<vmem>>
        %dma_start3A_292 = tpu.memref_squeeze %dma_start3A_291 : memref<1x128xi32, #tpu.memory_space<vmem>> -> memref<128xi32, #tpu.memory_space<vmem>>
        %dma_start3A_293 = arith.constant 0 : i32
        %dma_start3A_294 = arith.constant 0 : i32
        %dma_start3A_295 = tpu.memref_slice %arg11[%dma_start3A_293, %dma_start3A_294] : memref<2176x16xf32, #tpu.memory_space<vmem_shared>> -> memref<2176x16xf32, #tpu.memory_space<vmem_shared>>
        %dma_start3A_296 = tpu.memref_slice %arg13[%dma_start3A_285] : memref<8x!tpu.dma_semaphore, #tpu.memory_space<semaphore_mem>> -> memref<1x!tpu.dma_semaphore, #tpu.memory_space<semaphore_mem>>
        %dma_start3A_297 = tpu.memref_squeeze %dma_start3A_296 : memref<1x!tpu.dma_semaphore, #tpu.memory_space<semaphore_mem>> -> memref<!tpu.dma_semaphore, #tpu.memory_space<semaphore_mem>>
        tpu.enqueue_indirect_dma source(%dma_start3A_289 : memref<128x16xf32, #tpu.memory_space<vmem>>) target(%dma_start3A_295 : memref<2176x16xf32, #tpu.memory_space<vmem_shared>>) offsets(%dma_start3A_292 : memref<128xi32, #tpu.memory_space<vmem>>) semaphore(%dma_start3A_297 : memref<!tpu.dma_semaphore, #tpu.memory_space<semaphore_mem>>) {add = true}
      } else {
      }
      %add3A_133 = arith.constant 6 : i32
      %add3A_134 = arith.addi %add3A_128, %add3A_133 : i32
      %ge3A_135 = arith.constant 8 : i32
      %ge3A_136 = arith.cmpi sge, %add3A_134, %ge3A_135 : i32
      %lt3A_137 = arith.cmpi slt, %add3A_134, %reduce_max3A_20 : i32
      %and3A_138 = arith.andi %ge3A_136, %lt3A_137 : i1
      %convert_element_type3A_139 = arith.extui %and3A_138 : i1 to i32
      %cond3A_140 = arith.constant 0 : i32
      %cond3A_141 = arith.cmpi ne, %convert_element_type3A_139, %cond3A_140 : i32
      scf.if %cond3A_141 {
        %sub3A_272 = arith.constant 8 : i32
        %sub3A_273 = arith.subi %add3A_134, %sub3A_272 : i32
        %dma_wait3A = arith.constant 7 : i32
        %dma_wait3A_274 = arith.constant 7 : i32
        %dma_wait3A_275 = arith.constant 0 : i32
        %dma_wait3A_276 = arith.constant 0 : i32
        %dma_wait3A_277 = tpu.memref_slice %arg9[%dma_wait3A, %dma_wait3A_275, %dma_wait3A_276] : memref<8x128x16xf32, #tpu.memory_space<vmem>> -> memref<1x128x16xf32, #tpu.memory_space<vmem>>
        %dma_wait3A_278 = tpu.memref_squeeze %dma_wait3A_277 : memref<1x128x16xf32, #tpu.memory_space<vmem>> -> memref<128x16xf32, #tpu.memory_space<vmem>>
        %dma_wait3A_279 = arith.constant 0 : i32
        %dma_wait3A_280 = tpu.memref_slice %arg8[%sub3A_273, %dma_wait3A_279] : memref<80x128xi32, #tpu.memory_space<vmem>> -> memref<1x128xi32, #tpu.memory_space<vmem>>
        %dma_wait3A_281 = tpu.memref_squeeze %dma_wait3A_280 : memref<1x128xi32, #tpu.memory_space<vmem>> -> memref<128xi32, #tpu.memory_space<vmem>>
        %dma_wait3A_282 = arith.constant 0 : i32
        %dma_wait3A_283 = arith.constant 0 : i32
        %dma_wait3A_284 = tpu.memref_slice %arg11[%dma_wait3A_282, %dma_wait3A_283] : memref<2176x16xf32, #tpu.memory_space<vmem_shared>> -> memref<2176x16xf32, #tpu.memory_space<vmem_shared>>
        %dma_wait3A_285 = tpu.memref_slice %arg13[%dma_wait3A_274] : memref<8x!tpu.dma_semaphore, #tpu.memory_space<semaphore_mem>> -> memref<1x!tpu.dma_semaphore, #tpu.memory_space<semaphore_mem>>
        %dma_wait3A_286 = tpu.memref_squeeze %dma_wait3A_285 : memref<1x!tpu.dma_semaphore, #tpu.memory_space<semaphore_mem>> -> memref<!tpu.dma_semaphore, #tpu.memory_space<semaphore_mem>>
        tpu.wait_indirect_dma semaphore(%dma_wait3A_286 : memref<!tpu.dma_semaphore, #tpu.memory_space<semaphore_mem>>) src(%dma_wait3A_278 : memref<128x16xf32, #tpu.memory_space<vmem>>) dst(%dma_wait3A_284 : memref<2176x16xf32, #tpu.memory_space<vmem_shared>>)
      } else {
      }
      %lt3A_142 = arith.cmpi slt, %add3A_134, %reduce_max3A_20 : i32
      %convert_element_type3A_143 = arith.extui %lt3A_142 : i1 to i32
      %cond3A_144 = arith.constant 0 : i32
      %cond3A_145 = arith.cmpi ne, %convert_element_type3A_143, %cond3A_144 : i32
      scf.if %cond3A_145 {
        %dma_start3A = arith.constant 7 : i32
        %dma_start3A_272 = arith.constant 7 : i32
        %dma_start3A_273 = arith.constant 0 : i32
        %dma_start3A_274 = arith.constant 0 : i32
        %dma_start3A_275 = tpu.memref_slice %arg9[%dma_start3A, %dma_start3A_273, %dma_start3A_274] : memref<8x128x16xf32, #tpu.memory_space<vmem>> -> memref<1x128x16xf32, #tpu.memory_space<vmem>>
        %dma_start3A_276 = tpu.memref_squeeze %dma_start3A_275 : memref<1x128x16xf32, #tpu.memory_space<vmem>> -> memref<128x16xf32, #tpu.memory_space<vmem>>
        %dma_start3A_277 = arith.constant 0 : i32
        %dma_start3A_278 = tpu.memref_slice %arg7[%add3A_134, %dma_start3A_277] : memref<80x128xi32, #tpu.memory_space<vmem>> -> memref<1x128xi32, #tpu.memory_space<vmem>>
        %dma_start3A_279 = tpu.memref_squeeze %dma_start3A_278 : memref<1x128xi32, #tpu.memory_space<vmem>> -> memref<128xi32, #tpu.memory_space<vmem>>
        %dma_start3A_280 = arith.constant 0 : i32
        %dma_start3A_281 = arith.constant 0 : i32
        %dma_start3A_282 = tpu.memref_slice %arg2[%dma_start3A_280, %dma_start3A_281] : memref<10000x16xf32, #tpu.memory_space<hbm>> -> memref<10000x16xf32, #tpu.memory_space<hbm>>
        %dma_start3A_283 = tpu.memref_slice %arg12[%dma_start3A_272] : memref<8x!tpu.dma_semaphore, #tpu.memory_space<semaphore_mem>> -> memref<1x!tpu.dma_semaphore, #tpu.memory_space<semaphore_mem>>
        %dma_start3A_284 = tpu.memref_squeeze %dma_start3A_283 : memref<1x!tpu.dma_semaphore, #tpu.memory_space<semaphore_mem>> -> memref<!tpu.dma_semaphore, #tpu.memory_space<semaphore_mem>>
        tpu.enqueue_indirect_dma source(%dma_start3A_282 : memref<10000x16xf32, #tpu.memory_space<hbm>>) target(%dma_start3A_276 : memref<128x16xf32, #tpu.memory_space<vmem>>) offsets(%dma_start3A_279 : memref<128xi32, #tpu.memory_space<vmem>>) semaphore(%dma_start3A_284 : memref<!tpu.dma_semaphore, #tpu.memory_space<semaphore_mem>>)
      } else {
      }
      %mul3A_146 = arith.constant 8 : i32
      %mul3A_147 = arith.muli %while3A_106, %mul3A_146 : i32
      %add3A_148 = arith.constant 2 : i32
      %add3A_149 = arith.addi %mul3A_147, %add3A_148 : i32
      %lt3A_150 = arith.cmpi slt, %add3A_149, %reduce_max3A_20 : i32
      %convert_element_type3A_151 = arith.extui %lt3A_150 : i1 to i32
      %cond3A_152 = arith.constant 0 : i32
      %cond3A_153 = arith.cmpi ne, %convert_element_type3A_151, %cond3A_152 : i32
      scf.if %cond3A_153 {
        %dma_wait3A = arith.constant 2 : i32
        %dma_wait3A_272 = arith.constant 2 : i32
        %dma_wait3A_273 = arith.constant 0 : i32
        %dma_wait3A_274 = arith.constant 0 : i32
        %dma_wait3A_275 = tpu.memref_slice %arg9[%dma_wait3A, %dma_wait3A_273, %dma_wait3A_274] : memref<8x128x16xf32, #tpu.memory_space<vmem>> -> memref<1x128x16xf32, #tpu.memory_space<vmem>>
        %dma_wait3A_276 = tpu.memref_squeeze %dma_wait3A_275 : memref<1x128x16xf32, #tpu.memory_space<vmem>> -> memref<128x16xf32, #tpu.memory_space<vmem>>
        %dma_wait3A_277 = arith.constant 0 : i32
        %dma_wait3A_278 = tpu.memref_slice %arg7[%add3A_149, %dma_wait3A_277] : memref<80x128xi32, #tpu.memory_space<vmem>> -> memref<1x128xi32, #tpu.memory_space<vmem>>
        %dma_wait3A_279 = tpu.memref_squeeze %dma_wait3A_278 : memref<1x128xi32, #tpu.memory_space<vmem>> -> memref<128xi32, #tpu.memory_space<vmem>>
        %dma_wait3A_280 = arith.constant 0 : i32
        %dma_wait3A_281 = arith.constant 0 : i32
        %dma_wait3A_282 = tpu.memref_slice %arg2[%dma_wait3A_280, %dma_wait3A_281] : memref<10000x16xf32, #tpu.memory_space<hbm>> -> memref<10000x16xf32, #tpu.memory_space<hbm>>
        %dma_wait3A_283 = tpu.memref_slice %arg12[%dma_wait3A_272] : memref<8x!tpu.dma_semaphore, #tpu.memory_space<semaphore_mem>> -> memref<1x!tpu.dma_semaphore, #tpu.memory_space<semaphore_mem>>
        %dma_wait3A_284 = tpu.memref_squeeze %dma_wait3A_283 : memref<1x!tpu.dma_semaphore, #tpu.memory_space<semaphore_mem>> -> memref<!tpu.dma_semaphore, #tpu.memory_space<semaphore_mem>>
        tpu.wait_indirect_dma semaphore(%dma_wait3A_284 : memref<!tpu.dma_semaphore, #tpu.memory_space<semaphore_mem>>) src(%dma_wait3A_282 : memref<10000x16xf32, #tpu.memory_space<hbm>>) dst(%dma_wait3A_276 : memref<128x16xf32, #tpu.memory_space<vmem>>)
        %dma_start3A = arith.constant 2 : i32
        %dma_start3A_285 = arith.constant 2 : i32
        %dma_start3A_286 = arith.constant 0 : i32
        %dma_start3A_287 = arith.constant 0 : i32
        %dma_start3A_288 = tpu.memref_slice %arg9[%dma_start3A, %dma_start3A_286, %dma_start3A_287] : memref<8x128x16xf32, #tpu.memory_space<vmem>> -> memref<1x128x16xf32, #tpu.memory_space<vmem>>
        %dma_start3A_289 = tpu.memref_squeeze %dma_start3A_288 : memref<1x128x16xf32, #tpu.memory_space<vmem>> -> memref<128x16xf32, #tpu.memory_space<vmem>>
        %dma_start3A_290 = arith.constant 0 : i32
        %dma_start3A_291 = tpu.memref_slice %arg8[%add3A_149, %dma_start3A_290] : memref<80x128xi32, #tpu.memory_space<vmem>> -> memref<1x128xi32, #tpu.memory_space<vmem>>
        %dma_start3A_292 = tpu.memref_squeeze %dma_start3A_291 : memref<1x128xi32, #tpu.memory_space<vmem>> -> memref<128xi32, #tpu.memory_space<vmem>>
        %dma_start3A_293 = arith.constant 0 : i32
        %dma_start3A_294 = arith.constant 0 : i32
        %dma_start3A_295 = tpu.memref_slice %arg11[%dma_start3A_293, %dma_start3A_294] : memref<2176x16xf32, #tpu.memory_space<vmem_shared>> -> memref<2176x16xf32, #tpu.memory_space<vmem_shared>>
        %dma_start3A_296 = tpu.memref_slice %arg13[%dma_start3A_285] : memref<8x!tpu.dma_semaphore, #tpu.memory_space<semaphore_mem>> -> memref<1x!tpu.dma_semaphore, #tpu.memory_space<semaphore_mem>>
        %dma_start3A_297 = tpu.memref_squeeze %dma_start3A_296 : memref<1x!tpu.dma_semaphore, #tpu.memory_space<semaphore_mem>> -> memref<!tpu.dma_semaphore, #tpu.memory_space<semaphore_mem>>
        tpu.enqueue_indirect_dma source(%dma_start3A_289 : memref<128x16xf32, #tpu.memory_space<vmem>>) target(%dma_start3A_295 : memref<2176x16xf32, #tpu.memory_space<vmem_shared>>) offsets(%dma_start3A_292 : memref<128xi32, #tpu.memory_space<vmem>>) semaphore(%dma_start3A_297 : memref<!tpu.dma_semaphore, #tpu.memory_space<semaphore_mem>>) {add = true}
      } else {
      }
      %add3A_154 = arith.constant 6 : i32
      %add3A_155 = arith.addi %add3A_149, %add3A_154 : i32
      %ge3A_156 = arith.constant 8 : i32
      %ge3A_157 = arith.cmpi sge, %add3A_155, %ge3A_156 : i32
      %lt3A_158 = arith.cmpi slt, %add3A_155, %reduce_max3A_20 : i32
      %and3A_159 = arith.andi %ge3A_157, %lt3A_158 : i1
      %convert_element_type3A_160 = arith.extui %and3A_159 : i1 to i32
      %cond3A_161 = arith.constant 0 : i32
      %cond3A_162 = arith.cmpi ne, %convert_element_type3A_160, %cond3A_161 : i32
      scf.if %cond3A_162 {
        %sub3A_272 = arith.constant 8 : i32
        %sub3A_273 = arith.subi %add3A_155, %sub3A_272 : i32
        %dma_wait3A = arith.constant 0 : i32
        %dma_wait3A_274 = arith.constant 0 : i32
        %dma_wait3A_275 = arith.constant 0 : i32
        %dma_wait3A_276 = arith.constant 0 : i32
        %dma_wait3A_277 = tpu.memref_slice %arg9[%dma_wait3A, %dma_wait3A_275, %dma_wait3A_276] : memref<8x128x16xf32, #tpu.memory_space<vmem>> -> memref<1x128x16xf32, #tpu.memory_space<vmem>>
        %dma_wait3A_278 = tpu.memref_squeeze %dma_wait3A_277 : memref<1x128x16xf32, #tpu.memory_space<vmem>> -> memref<128x16xf32, #tpu.memory_space<vmem>>
        %dma_wait3A_279 = arith.constant 0 : i32
        %dma_wait3A_280 = tpu.memref_slice %arg8[%sub3A_273, %dma_wait3A_279] : memref<80x128xi32, #tpu.memory_space<vmem>> -> memref<1x128xi32, #tpu.memory_space<vmem>>
        %dma_wait3A_281 = tpu.memref_squeeze %dma_wait3A_280 : memref<1x128xi32, #tpu.memory_space<vmem>> -> memref<128xi32, #tpu.memory_space<vmem>>
        %dma_wait3A_282 = arith.constant 0 : i32
        %dma_wait3A_283 = arith.constant 0 : i32
        %dma_wait3A_284 = tpu.memref_slice %arg11[%dma_wait3A_282, %dma_wait3A_283] : memref<2176x16xf32, #tpu.memory_space<vmem_shared>> -> memref<2176x16xf32, #tpu.memory_space<vmem_shared>>
        %dma_wait3A_285 = tpu.memref_slice %arg13[%dma_wait3A_274] : memref<8x!tpu.dma_semaphore, #tpu.memory_space<semaphore_mem>> -> memref<1x!tpu.dma_semaphore, #tpu.memory_space<semaphore_mem>>
        %dma_wait3A_286 = tpu.memref_squeeze %dma_wait3A_285 : memref<1x!tpu.dma_semaphore, #tpu.memory_space<semaphore_mem>> -> memref<!tpu.dma_semaphore, #tpu.memory_space<semaphore_mem>>
        tpu.wait_indirect_dma semaphore(%dma_wait3A_286 : memref<!tpu.dma_semaphore, #tpu.memory_space<semaphore_mem>>) src(%dma_wait3A_278 : memref<128x16xf32, #tpu.memory_space<vmem>>) dst(%dma_wait3A_284 : memref<2176x16xf32, #tpu.memory_space<vmem_shared>>)
      } else {
      }
      %lt3A_163 = arith.cmpi slt, %add3A_155, %reduce_max3A_20 : i32
      %convert_element_type3A_164 = arith.extui %lt3A_163 : i1 to i32
      %cond3A_165 = arith.constant 0 : i32
      %cond3A_166 = arith.cmpi ne, %convert_element_type3A_164, %cond3A_165 : i32
      scf.if %cond3A_166 {
        %dma_start3A = arith.constant 0 : i32
        %dma_start3A_272 = arith.constant 0 : i32
        %dma_start3A_273 = arith.constant 0 : i32
        %dma_start3A_274 = arith.constant 0 : i32
        %dma_start3A_275 = tpu.memref_slice %arg9[%dma_start3A, %dma_start3A_273, %dma_start3A_274] : memref<8x128x16xf32, #tpu.memory_space<vmem>> -> memref<1x128x16xf32, #tpu.memory_space<vmem>>
        %dma_start3A_276 = tpu.memref_squeeze %dma_start3A_275 : memref<1x128x16xf32, #tpu.memory_space<vmem>> -> memref<128x16xf32, #tpu.memory_space<vmem>>
        %dma_start3A_277 = arith.constant 0 : i32
        %dma_start3A_278 = tpu.memref_slice %arg7[%add3A_155, %dma_start3A_277] : memref<80x128xi32, #tpu.memory_space<vmem>> -> memref<1x128xi32, #tpu.memory_space<vmem>>
        %dma_start3A_279 = tpu.memref_squeeze %dma_start3A_278 : memref<1x128xi32, #tpu.memory_space<vmem>> -> memref<128xi32, #tpu.memory_space<vmem>>
        %dma_start3A_280 = arith.constant 0 : i32
        %dma_start3A_281 = arith.constant 0 : i32
        %dma_start3A_282 = tpu.memref_slice %arg2[%dma_start3A_280, %dma_start3A_281] : memref<10000x16xf32, #tpu.memory_space<hbm>> -> memref<10000x16xf32, #tpu.memory_space<hbm>>
        %dma_start3A_283 = tpu.memref_slice %arg12[%dma_start3A_272] : memref<8x!tpu.dma_semaphore, #tpu.memory_space<semaphore_mem>> -> memref<1x!tpu.dma_semaphore, #tpu.memory_space<semaphore_mem>>
        %dma_start3A_284 = tpu.memref_squeeze %dma_start3A_283 : memref<1x!tpu.dma_semaphore, #tpu.memory_space<semaphore_mem>> -> memref<!tpu.dma_semaphore, #tpu.memory_space<semaphore_mem>>
        tpu.enqueue_indirect_dma source(%dma_start3A_282 : memref<10000x16xf32, #tpu.memory_space<hbm>>) target(%dma_start3A_276 : memref<128x16xf32, #tpu.memory_space<vmem>>) offsets(%dma_start3A_279 : memref<128xi32, #tpu.memory_space<vmem>>) semaphore(%dma_start3A_284 : memref<!tpu.dma_semaphore, #tpu.memory_space<semaphore_mem>>)
      } else {
      }
      %mul3A_167 = arith.constant 8 : i32
      %mul3A_168 = arith.muli %while3A_106, %mul3A_167 : i32
      %add3A_169 = arith.constant 3 : i32
      %add3A_170 = arith.addi %mul3A_168, %add3A_169 : i32
      %lt3A_171 = arith.cmpi slt, %add3A_170, %reduce_max3A_20 : i32
      %convert_element_type3A_172 = arith.extui %lt3A_171 : i1 to i32
      %cond3A_173 = arith.constant 0 : i32
      %cond3A_174 = arith.cmpi ne, %convert_element_type3A_172, %cond3A_173 : i32
      scf.if %cond3A_174 {
        %dma_wait3A = arith.constant 3 : i32
        %dma_wait3A_272 = arith.constant 3 : i32
        %dma_wait3A_273 = arith.constant 0 : i32
        %dma_wait3A_274 = arith.constant 0 : i32
        %dma_wait3A_275 = tpu.memref_slice %arg9[%dma_wait3A, %dma_wait3A_273, %dma_wait3A_274] : memref<8x128x16xf32, #tpu.memory_space<vmem>> -> memref<1x128x16xf32, #tpu.memory_space<vmem>>
        %dma_wait3A_276 = tpu.memref_squeeze %dma_wait3A_275 : memref<1x128x16xf32, #tpu.memory_space<vmem>> -> memref<128x16xf32, #tpu.memory_space<vmem>>
        %dma_wait3A_277 = arith.constant 0 : i32
        %dma_wait3A_278 = tpu.memref_slice %arg7[%add3A_170, %dma_wait3A_277] : memref<80x128xi32, #tpu.memory_space<vmem>> -> memref<1x128xi32, #tpu.memory_space<vmem>>
        %dma_wait3A_279 = tpu.memref_squeeze %dma_wait3A_278 : memref<1x128xi32, #tpu.memory_space<vmem>> -> memref<128xi32, #tpu.memory_space<vmem>>
        %dma_wait3A_280 = arith.constant 0 : i32
        %dma_wait3A_281 = arith.constant 0 : i32
        %dma_wait3A_282 = tpu.memref_slice %arg2[%dma_wait3A_280, %dma_wait3A_281] : memref<10000x16xf32, #tpu.memory_space<hbm>> -> memref<10000x16xf32, #tpu.memory_space<hbm>>
        %dma_wait3A_283 = tpu.memref_slice %arg12[%dma_wait3A_272] : memref<8x!tpu.dma_semaphore, #tpu.memory_space<semaphore_mem>> -> memref<1x!tpu.dma_semaphore, #tpu.memory_space<semaphore_mem>>
        %dma_wait3A_284 = tpu.memref_squeeze %dma_wait3A_283 : memref<1x!tpu.dma_semaphore, #tpu.memory_space<semaphore_mem>> -> memref<!tpu.dma_semaphore, #tpu.memory_space<semaphore_mem>>
        tpu.wait_indirect_dma semaphore(%dma_wait3A_284 : memref<!tpu.dma_semaphore, #tpu.memory_space<semaphore_mem>>) src(%dma_wait3A_282 : memref<10000x16xf32, #tpu.memory_space<hbm>>) dst(%dma_wait3A_276 : memref<128x16xf32, #tpu.memory_space<vmem>>)
        %dma_start3A = arith.constant 3 : i32
        %dma_start3A_285 = arith.constant 3 : i32
        %dma_start3A_286 = arith.constant 0 : i32
        %dma_start3A_287 = arith.constant 0 : i32
        %dma_start3A_288 = tpu.memref_slice %arg9[%dma_start3A, %dma_start3A_286, %dma_start3A_287] : memref<8x128x16xf32, #tpu.memory_space<vmem>> -> memref<1x128x16xf32, #tpu.memory_space<vmem>>
        %dma_start3A_289 = tpu.memref_squeeze %dma_start3A_288 : memref<1x128x16xf32, #tpu.memory_space<vmem>> -> memref<128x16xf32, #tpu.memory_space<vmem>>
        %dma_start3A_290 = arith.constant 0 : i32
        %dma_start3A_291 = tpu.memref_slice %arg8[%add3A_170, %dma_start3A_290] : memref<80x128xi32, #tpu.memory_space<vmem>> -> memref<1x128xi32, #tpu.memory_space<vmem>>
        %dma_start3A_292 = tpu.memref_squeeze %dma_start3A_291 : memref<1x128xi32, #tpu.memory_space<vmem>> -> memref<128xi32, #tpu.memory_space<vmem>>
        %dma_start3A_293 = arith.constant 0 : i32
        %dma_start3A_294 = arith.constant 0 : i32
        %dma_start3A_295 = tpu.memref_slice %arg11[%dma_start3A_293, %dma_start3A_294] : memref<2176x16xf32, #tpu.memory_space<vmem_shared>> -> memref<2176x16xf32, #tpu.memory_space<vmem_shared>>
        %dma_start3A_296 = tpu.memref_slice %arg13[%dma_start3A_285] : memref<8x!tpu.dma_semaphore, #tpu.memory_space<semaphore_mem>> -> memref<1x!tpu.dma_semaphore, #tpu.memory_space<semaphore_mem>>
        %dma_start3A_297 = tpu.memref_squeeze %dma_start3A_296 : memref<1x!tpu.dma_semaphore, #tpu.memory_space<semaphore_mem>> -> memref<!tpu.dma_semaphore, #tpu.memory_space<semaphore_mem>>
        tpu.enqueue_indirect_dma source(%dma_start3A_289 : memref<128x16xf32, #tpu.memory_space<vmem>>) target(%dma_start3A_295 : memref<2176x16xf32, #tpu.memory_space<vmem_shared>>) offsets(%dma_start3A_292 : memref<128xi32, #tpu.memory_space<vmem>>) semaphore(%dma_start3A_297 : memref<!tpu.dma_semaphore, #tpu.memory_space<semaphore_mem>>) {add = true}
      } else {
      }
      %add3A_175 = arith.constant 6 : i32
      %add3A_176 = arith.addi %add3A_170, %add3A_175 : i32
      %ge3A_177 = arith.constant 8 : i32
      %ge3A_178 = arith.cmpi sge, %add3A_176, %ge3A_177 : i32
      %lt3A_179 = arith.cmpi slt, %add3A_176, %reduce_max3A_20 : i32
      %and3A_180 = arith.andi %ge3A_178, %lt3A_179 : i1
      %convert_element_type3A_181 = arith.extui %and3A_180 : i1 to i32
      %cond3A_182 = arith.constant 0 : i32
      %cond3A_183 = arith.cmpi ne, %convert_element_type3A_181, %cond3A_182 : i32
      scf.if %cond3A_183 {
        %sub3A_272 = arith.constant 8 : i32
        %sub3A_273 = arith.subi %add3A_176, %sub3A_272 : i32
        %dma_wait3A = arith.constant 1 : i32
        %dma_wait3A_274 = arith.constant 1 : i32
        %dma_wait3A_275 = arith.constant 0 : i32
        %dma_wait3A_276 = arith.constant 0 : i32
        %dma_wait3A_277 = tpu.memref_slice %arg9[%dma_wait3A, %dma_wait3A_275, %dma_wait3A_276] : memref<8x128x16xf32, #tpu.memory_space<vmem>> -> memref<1x128x16xf32, #tpu.memory_space<vmem>>
        %dma_wait3A_278 = tpu.memref_squeeze %dma_wait3A_277 : memref<1x128x16xf32, #tpu.memory_space<vmem>> -> memref<128x16xf32, #tpu.memory_space<vmem>>
        %dma_wait3A_279 = arith.constant 0 : i32
        %dma_wait3A_280 = tpu.memref_slice %arg8[%sub3A_273, %dma_wait3A_279] : memref<80x128xi32, #tpu.memory_space<vmem>> -> memref<1x128xi32, #tpu.memory_space<vmem>>
        %dma_wait3A_281 = tpu.memref_squeeze %dma_wait3A_280 : memref<1x128xi32, #tpu.memory_space<vmem>> -> memref<128xi32, #tpu.memory_space<vmem>>
        %dma_wait3A_282 = arith.constant 0 : i32
        %dma_wait3A_283 = arith.constant 0 : i32
        %dma_wait3A_284 = tpu.memref_slice %arg11[%dma_wait3A_282, %dma_wait3A_283] : memref<2176x16xf32, #tpu.memory_space<vmem_shared>> -> memref<2176x16xf32, #tpu.memory_space<vmem_shared>>
        %dma_wait3A_285 = tpu.memref_slice %arg13[%dma_wait3A_274] : memref<8x!tpu.dma_semaphore, #tpu.memory_space<semaphore_mem>> -> memref<1x!tpu.dma_semaphore, #tpu.memory_space<semaphore_mem>>
        %dma_wait3A_286 = tpu.memref_squeeze %dma_wait3A_285 : memref<1x!tpu.dma_semaphore, #tpu.memory_space<semaphore_mem>> -> memref<!tpu.dma_semaphore, #tpu.memory_space<semaphore_mem>>
        tpu.wait_indirect_dma semaphore(%dma_wait3A_286 : memref<!tpu.dma_semaphore, #tpu.memory_space<semaphore_mem>>) src(%dma_wait3A_278 : memref<128x16xf32, #tpu.memory_space<vmem>>) dst(%dma_wait3A_284 : memref<2176x16xf32, #tpu.memory_space<vmem_shared>>)
      } else {
      }
      %lt3A_184 = arith.cmpi slt, %add3A_176, %reduce_max3A_20 : i32
      %convert_element_type3A_185 = arith.extui %lt3A_184 : i1 to i32
      %cond3A_186 = arith.constant 0 : i32
      %cond3A_187 = arith.cmpi ne, %convert_element_type3A_185, %cond3A_186 : i32
      scf.if %cond3A_187 {
        %dma_start3A = arith.constant 1 : i32
        %dma_start3A_272 = arith.constant 1 : i32
        %dma_start3A_273 = arith.constant 0 : i32
        %dma_start3A_274 = arith.constant 0 : i32
        %dma_start3A_275 = tpu.memref_slice %arg9[%dma_start3A, %dma_start3A_273, %dma_start3A_274] : memref<8x128x16xf32, #tpu.memory_space<vmem>> -> memref<1x128x16xf32, #tpu.memory_space<vmem>>
        %dma_start3A_276 = tpu.memref_squeeze %dma_start3A_275 : memref<1x128x16xf32, #tpu.memory_space<vmem>> -> memref<128x16xf32, #tpu.memory_space<vmem>>
        %dma_start3A_277 = arith.constant 0 : i32
        %dma_start3A_278 = tpu.memref_slice %arg7[%add3A_176, %dma_start3A_277] : memref<80x128xi32, #tpu.memory_space<vmem>> -> memref<1x128xi32, #tpu.memory_space<vmem>>
        %dma_start3A_279 = tpu.memref_squeeze %dma_start3A_278 : memref<1x128xi32, #tpu.memory_space<vmem>> -> memref<128xi32, #tpu.memory_space<vmem>>
        %dma_start3A_280 = arith.constant 0 : i32
        %dma_start3A_281 = arith.constant 0 : i32
        %dma_start3A_282 = tpu.memref_slice %arg2[%dma_start3A_280, %dma_start3A_281] : memref<10000x16xf32, #tpu.memory_space<hbm>> -> memref<10000x16xf32, #tpu.memory_space<hbm>>
        %dma_start3A_283 = tpu.memref_slice %arg12[%dma_start3A_272] : memref<8x!tpu.dma_semaphore, #tpu.memory_space<semaphore_mem>> -> memref<1x!tpu.dma_semaphore, #tpu.memory_space<semaphore_mem>>
        %dma_start3A_284 = tpu.memref_squeeze %dma_start3A_283 : memref<1x!tpu.dma_semaphore, #tpu.memory_space<semaphore_mem>> -> memref<!tpu.dma_semaphore, #tpu.memory_space<semaphore_mem>>
        tpu.enqueue_indirect_dma source(%dma_start3A_282 : memref<10000x16xf32, #tpu.memory_space<hbm>>) target(%dma_start3A_276 : memref<128x16xf32, #tpu.memory_space<vmem>>) offsets(%dma_start3A_279 : memref<128xi32, #tpu.memory_space<vmem>>) semaphore(%dma_start3A_284 : memref<!tpu.dma_semaphore, #tpu.memory_space<semaphore_mem>>)
      } else {
      }
      %mul3A_188 = arith.constant 8 : i32
      %mul3A_189 = arith.muli %while3A_106, %mul3A_188 : i32
      %add3A_190 = arith.constant 4 : i32
      %add3A_191 = arith.addi %mul3A_189, %add3A_190 : i32
      %lt3A_192 = arith.cmpi slt, %add3A_191, %reduce_max3A_20 : i32
      %convert_element_type3A_193 = arith.extui %lt3A_192 : i1 to i32
      %cond3A_194 = arith.constant 0 : i32
      %cond3A_195 = arith.cmpi ne, %convert_element_type3A_193, %cond3A_194 : i32
      scf.if %cond3A_195 {
        %dma_wait3A = arith.constant 4 : i32
        %dma_wait3A_272 = arith.constant 4 : i32
        %dma_wait3A_273 = arith.constant 0 : i32
        %dma_wait3A_274 = arith.constant 0 : i32
        %dma_wait3A_275 = tpu.memref_slice %arg9[%dma_wait3A, %dma_wait3A_273, %dma_wait3A_274] : memref<8x128x16xf32, #tpu.memory_space<vmem>> -> memref<1x128x16xf32, #tpu.memory_space<vmem>>
        %dma_wait3A_276 = tpu.memref_squeeze %dma_wait3A_275 : memref<1x128x16xf32, #tpu.memory_space<vmem>> -> memref<128x16xf32, #tpu.memory_space<vmem>>
        %dma_wait3A_277 = arith.constant 0 : i32
        %dma_wait3A_278 = tpu.memref_slice %arg7[%add3A_191, %dma_wait3A_277] : memref<80x128xi32, #tpu.memory_space<vmem>> -> memref<1x128xi32, #tpu.memory_space<vmem>>
        %dma_wait3A_279 = tpu.memref_squeeze %dma_wait3A_278 : memref<1x128xi32, #tpu.memory_space<vmem>> -> memref<128xi32, #tpu.memory_space<vmem>>
        %dma_wait3A_280 = arith.constant 0 : i32
        %dma_wait3A_281 = arith.constant 0 : i32
        %dma_wait3A_282 = tpu.memref_slice %arg2[%dma_wait3A_280, %dma_wait3A_281] : memref<10000x16xf32, #tpu.memory_space<hbm>> -> memref<10000x16xf32, #tpu.memory_space<hbm>>
        %dma_wait3A_283 = tpu.memref_slice %arg12[%dma_wait3A_272] : memref<8x!tpu.dma_semaphore, #tpu.memory_space<semaphore_mem>> -> memref<1x!tpu.dma_semaphore, #tpu.memory_space<semaphore_mem>>
        %dma_wait3A_284 = tpu.memref_squeeze %dma_wait3A_283 : memref<1x!tpu.dma_semaphore, #tpu.memory_space<semaphore_mem>> -> memref<!tpu.dma_semaphore, #tpu.memory_space<semaphore_mem>>
        tpu.wait_indirect_dma semaphore(%dma_wait3A_284 : memref<!tpu.dma_semaphore, #tpu.memory_space<semaphore_mem>>) src(%dma_wait3A_282 : memref<10000x16xf32, #tpu.memory_space<hbm>>) dst(%dma_wait3A_276 : memref<128x16xf32, #tpu.memory_space<vmem>>)
        %dma_start3A = arith.constant 4 : i32
        %dma_start3A_285 = arith.constant 4 : i32
        %dma_start3A_286 = arith.constant 0 : i32
        %dma_start3A_287 = arith.constant 0 : i32
        %dma_start3A_288 = tpu.memref_slice %arg9[%dma_start3A, %dma_start3A_286, %dma_start3A_287] : memref<8x128x16xf32, #tpu.memory_space<vmem>> -> memref<1x128x16xf32, #tpu.memory_space<vmem>>
        %dma_start3A_289 = tpu.memref_squeeze %dma_start3A_288 : memref<1x128x16xf32, #tpu.memory_space<vmem>> -> memref<128x16xf32, #tpu.memory_space<vmem>>
        %dma_start3A_290 = arith.constant 0 : i32
        %dma_start3A_291 = tpu.memref_slice %arg8[%add3A_191, %dma_start3A_290] : memref<80x128xi32, #tpu.memory_space<vmem>> -> memref<1x128xi32, #tpu.memory_space<vmem>>
        %dma_start3A_292 = tpu.memref_squeeze %dma_start3A_291 : memref<1x128xi32, #tpu.memory_space<vmem>> -> memref<128xi32, #tpu.memory_space<vmem>>
        %dma_start3A_293 = arith.constant 0 : i32
        %dma_start3A_294 = arith.constant 0 : i32
        %dma_start3A_295 = tpu.memref_slice %arg11[%dma_start3A_293, %dma_start3A_294] : memref<2176x16xf32, #tpu.memory_space<vmem_shared>> -> memref<2176x16xf32, #tpu.memory_space<vmem_shared>>
        %dma_start3A_296 = tpu.memref_slice %arg13[%dma_start3A_285] : memref<8x!tpu.dma_semaphore, #tpu.memory_space<semaphore_mem>> -> memref<1x!tpu.dma_semaphore, #tpu.memory_space<semaphore_mem>>
        %dma_start3A_297 = tpu.memref_squeeze %dma_start3A_296 : memref<1x!tpu.dma_semaphore, #tpu.memory_space<semaphore_mem>> -> memref<!tpu.dma_semaphore, #tpu.memory_space<semaphore_mem>>
        tpu.enqueue_indirect_dma source(%dma_start3A_289 : memref<128x16xf32, #tpu.memory_space<vmem>>) target(%dma_start3A_295 : memref<2176x16xf32, #tpu.memory_space<vmem_shared>>) offsets(%dma_start3A_292 : memref<128xi32, #tpu.memory_space<vmem>>) semaphore(%dma_start3A_297 : memref<!tpu.dma_semaphore, #tpu.memory_space<semaphore_mem>>) {add = true}
      } else {
      }
      %add3A_196 = arith.constant 6 : i32
      %add3A_197 = arith.addi %add3A_191, %add3A_196 : i32
      %ge3A_198 = arith.constant 8 : i32
      %ge3A_199 = arith.cmpi sge, %add3A_197, %ge3A_198 : i32
      %lt3A_200 = arith.cmpi slt, %add3A_197, %reduce_max3A_20 : i32
      %and3A_201 = arith.andi %ge3A_199, %lt3A_200 : i1
      %convert_element_type3A_202 = arith.extui %and3A_201 : i1 to i32
      %cond3A_203 = arith.constant 0 : i32
      %cond3A_204 = arith.cmpi ne, %convert_element_type3A_202, %cond3A_203 : i32
      scf.if %cond3A_204 {
        %sub3A_272 = arith.constant 8 : i32
        %sub3A_273 = arith.subi %add3A_197, %sub3A_272 : i32
        %dma_wait3A = arith.constant 2 : i32
        %dma_wait3A_274 = arith.constant 2 : i32
        %dma_wait3A_275 = arith.constant 0 : i32
        %dma_wait3A_276 = arith.constant 0 : i32
        %dma_wait3A_277 = tpu.memref_slice %arg9[%dma_wait3A, %dma_wait3A_275, %dma_wait3A_276] : memref<8x128x16xf32, #tpu.memory_space<vmem>> -> memref<1x128x16xf32, #tpu.memory_space<vmem>>
        %dma_wait3A_278 = tpu.memref_squeeze %dma_wait3A_277 : memref<1x128x16xf32, #tpu.memory_space<vmem>> -> memref<128x16xf32, #tpu.memory_space<vmem>>
        %dma_wait3A_279 = arith.constant 0 : i32
        %dma_wait3A_280 = tpu.memref_slice %arg8[%sub3A_273, %dma_wait3A_279] : memref<80x128xi32, #tpu.memory_space<vmem>> -> memref<1x128xi32, #tpu.memory_space<vmem>>
        %dma_wait3A_281 = tpu.memref_squeeze %dma_wait3A_280 : memref<1x128xi32, #tpu.memory_space<vmem>> -> memref<128xi32, #tpu.memory_space<vmem>>
        %dma_wait3A_282 = arith.constant 0 : i32
        %dma_wait3A_283 = arith.constant 0 : i32
        %dma_wait3A_284 = tpu.memref_slice %arg11[%dma_wait3A_282, %dma_wait3A_283] : memref<2176x16xf32, #tpu.memory_space<vmem_shared>> -> memref<2176x16xf32, #tpu.memory_space<vmem_shared>>
        %dma_wait3A_285 = tpu.memref_slice %arg13[%dma_wait3A_274] : memref<8x!tpu.dma_semaphore, #tpu.memory_space<semaphore_mem>> -> memref<1x!tpu.dma_semaphore, #tpu.memory_space<semaphore_mem>>
        %dma_wait3A_286 = tpu.memref_squeeze %dma_wait3A_285 : memref<1x!tpu.dma_semaphore, #tpu.memory_space<semaphore_mem>> -> memref<!tpu.dma_semaphore, #tpu.memory_space<semaphore_mem>>
        tpu.wait_indirect_dma semaphore(%dma_wait3A_286 : memref<!tpu.dma_semaphore, #tpu.memory_space<semaphore_mem>>) src(%dma_wait3A_278 : memref<128x16xf32, #tpu.memory_space<vmem>>) dst(%dma_wait3A_284 : memref<2176x16xf32, #tpu.memory_space<vmem_shared>>)
      } else {
      }
      %lt3A_205 = arith.cmpi slt, %add3A_197, %reduce_max3A_20 : i32
      %convert_element_type3A_206 = arith.extui %lt3A_205 : i1 to i32
      %cond3A_207 = arith.constant 0 : i32
      %cond3A_208 = arith.cmpi ne, %convert_element_type3A_206, %cond3A_207 : i32
      scf.if %cond3A_208 {
        %dma_start3A = arith.constant 2 : i32
        %dma_start3A_272 = arith.constant 2 : i32
        %dma_start3A_273 = arith.constant 0 : i32
        %dma_start3A_274 = arith.constant 0 : i32
        %dma_start3A_275 = tpu.memref_slice %arg9[%dma_start3A, %dma_start3A_273, %dma_start3A_274] : memref<8x128x16xf32, #tpu.memory_space<vmem>> -> memref<1x128x16xf32, #tpu.memory_space<vmem>>
        %dma_start3A_276 = tpu.memref_squeeze %dma_start3A_275 : memref<1x128x16xf32, #tpu.memory_space<vmem>> -> memref<128x16xf32, #tpu.memory_space<vmem>>
        %dma_start3A_277 = arith.constant 0 : i32
        %dma_start3A_278 = tpu.memref_slice %arg7[%add3A_197, %dma_start3A_277] : memref<80x128xi32, #tpu.memory_space<vmem>> -> memref<1x128xi32, #tpu.memory_space<vmem>>
        %dma_start3A_279 = tpu.memref_squeeze %dma_start3A_278 : memref<1x128xi32, #tpu.memory_space<vmem>> -> memref<128xi32, #tpu.memory_space<vmem>>
        %dma_start3A_280 = arith.constant 0 : i32
        %dma_start3A_281 = arith.constant 0 : i32
        %dma_start3A_282 = tpu.memref_slice %arg2[%dma_start3A_280, %dma_start3A_281] : memref<10000x16xf32, #tpu.memory_space<hbm>> -> memref<10000x16xf32, #tpu.memory_space<hbm>>
        %dma_start3A_283 = tpu.memref_slice %arg12[%dma_start3A_272] : memref<8x!tpu.dma_semaphore, #tpu.memory_space<semaphore_mem>> -> memref<1x!tpu.dma_semaphore, #tpu.memory_space<semaphore_mem>>
        %dma_start3A_284 = tpu.memref_squeeze %dma_start3A_283 : memref<1x!tpu.dma_semaphore, #tpu.memory_space<semaphore_mem>> -> memref<!tpu.dma_semaphore, #tpu.memory_space<semaphore_mem>>
        tpu.enqueue_indirect_dma source(%dma_start3A_282 : memref<10000x16xf32, #tpu.memory_space<hbm>>) target(%dma_start3A_276 : memref<128x16xf32, #tpu.memory_space<vmem>>) offsets(%dma_start3A_279 : memref<128xi32, #tpu.memory_space<vmem>>) semaphore(%dma_start3A_284 : memref<!tpu.dma_semaphore, #tpu.memory_space<semaphore_mem>>)
      } else {
      }
      %mul3A_209 = arith.constant 8 : i32
      %mul3A_210 = arith.muli %while3A_106, %mul3A_209 : i32
      %add3A_211 = arith.constant 5 : i32
      %add3A_212 = arith.addi %mul3A_210, %add3A_211 : i32
      %lt3A_213 = arith.cmpi slt, %add3A_212, %reduce_max3A_20 : i32
      %convert_element_type3A_214 = arith.extui %lt3A_213 : i1 to i32
      %cond3A_215 = arith.constant 0 : i32
      %cond3A_216 = arith.cmpi ne, %convert_element_type3A_214, %cond3A_215 : i32
      scf.if %cond3A_216 {
        %dma_wait3A = arith.constant 5 : i32
        %dma_wait3A_272 = arith.constant 5 : i32
        %dma_wait3A_273 = arith.constant 0 : i32
        %dma_wait3A_274 = arith.constant 0 : i32
        %dma_wait3A_275 = tpu.memref_slice %arg9[%dma_wait3A, %dma_wait3A_273, %dma_wait3A_274] : memref<8x128x16xf32, #tpu.memory_space<vmem>> -> memref<1x128x16xf32, #tpu.memory_space<vmem>>
        %dma_wait3A_276 = tpu.memref_squeeze %dma_wait3A_275 : memref<1x128x16xf32, #tpu.memory_space<vmem>> -> memref<128x16xf32, #tpu.memory_space<vmem>>
        %dma_wait3A_277 = arith.constant 0 : i32
        %dma_wait3A_278 = tpu.memref_slice %arg7[%add3A_212, %dma_wait3A_277] : memref<80x128xi32, #tpu.memory_space<vmem>> -> memref<1x128xi32, #tpu.memory_space<vmem>>
        %dma_wait3A_279 = tpu.memref_squeeze %dma_wait3A_278 : memref<1x128xi32, #tpu.memory_space<vmem>> -> memref<128xi32, #tpu.memory_space<vmem>>
        %dma_wait3A_280 = arith.constant 0 : i32
        %dma_wait3A_281 = arith.constant 0 : i32
        %dma_wait3A_282 = tpu.memref_slice %arg2[%dma_wait3A_280, %dma_wait3A_281] : memref<10000x16xf32, #tpu.memory_space<hbm>> -> memref<10000x16xf32, #tpu.memory_space<hbm>>
        %dma_wait3A_283 = tpu.memref_slice %arg12[%dma_wait3A_272] : memref<8x!tpu.dma_semaphore, #tpu.memory_space<semaphore_mem>> -> memref<1x!tpu.dma_semaphore, #tpu.memory_space<semaphore_mem>>
        %dma_wait3A_284 = tpu.memref_squeeze %dma_wait3A_283 : memref<1x!tpu.dma_semaphore, #tpu.memory_space<semaphore_mem>> -> memref<!tpu.dma_semaphore, #tpu.memory_space<semaphore_mem>>
        tpu.wait_indirect_dma semaphore(%dma_wait3A_284 : memref<!tpu.dma_semaphore, #tpu.memory_space<semaphore_mem>>) src(%dma_wait3A_282 : memref<10000x16xf32, #tpu.memory_space<hbm>>) dst(%dma_wait3A_276 : memref<128x16xf32, #tpu.memory_space<vmem>>)
        %dma_start3A = arith.constant 5 : i32
        %dma_start3A_285 = arith.constant 5 : i32
        %dma_start3A_286 = arith.constant 0 : i32
        %dma_start3A_287 = arith.constant 0 : i32
        %dma_start3A_288 = tpu.memref_slice %arg9[%dma_start3A, %dma_start3A_286, %dma_start3A_287] : memref<8x128x16xf32, #tpu.memory_space<vmem>> -> memref<1x128x16xf32, #tpu.memory_space<vmem>>
        %dma_start3A_289 = tpu.memref_squeeze %dma_start3A_288 : memref<1x128x16xf32, #tpu.memory_space<vmem>> -> memref<128x16xf32, #tpu.memory_space<vmem>>
        %dma_start3A_290 = arith.constant 0 : i32
        %dma_start3A_291 = tpu.memref_slice %arg8[%add3A_212, %dma_start3A_290] : memref<80x128xi32, #tpu.memory_space<vmem>> -> memref<1x128xi32, #tpu.memory_space<vmem>>
        %dma_start3A_292 = tpu.memref_squeeze %dma_start3A_291 : memref<1x128xi32, #tpu.memory_space<vmem>> -> memref<128xi32, #tpu.memory_space<vmem>>
        %dma_start3A_293 = arith.constant 0 : i32
        %dma_start3A_294 = arith.constant 0 : i32
        %dma_start3A_295 = tpu.memref_slice %arg11[%dma_start3A_293, %dma_start3A_294] : memref<2176x16xf32, #tpu.memory_space<vmem_shared>> -> memref<2176x16xf32, #tpu.memory_space<vmem_shared>>
        %dma_start3A_296 = tpu.memref_slice %arg13[%dma_start3A_285] : memref<8x!tpu.dma_semaphore, #tpu.memory_space<semaphore_mem>> -> memref<1x!tpu.dma_semaphore, #tpu.memory_space<semaphore_mem>>
        %dma_start3A_297 = tpu.memref_squeeze %dma_start3A_296 : memref<1x!tpu.dma_semaphore, #tpu.memory_space<semaphore_mem>> -> memref<!tpu.dma_semaphore, #tpu.memory_space<semaphore_mem>>
        tpu.enqueue_indirect_dma source(%dma_start3A_289 : memref<128x16xf32, #tpu.memory_space<vmem>>) target(%dma_start3A_295 : memref<2176x16xf32, #tpu.memory_space<vmem_shared>>) offsets(%dma_start3A_292 : memref<128xi32, #tpu.memory_space<vmem>>) semaphore(%dma_start3A_297 : memref<!tpu.dma_semaphore, #tpu.memory_space<semaphore_mem>>) {add = true}
      } else {
      }
      %add3A_217 = arith.constant 6 : i32
      %add3A_218 = arith.addi %add3A_212, %add3A_217 : i32
      %ge3A_219 = arith.constant 8 : i32
      %ge3A_220 = arith.cmpi sge, %add3A_218, %ge3A_219 : i32
      %lt3A_221 = arith.cmpi slt, %add3A_218, %reduce_max3A_20 : i32
      %and3A_222 = arith.andi %ge3A_220, %lt3A_221 : i1
      %convert_element_type3A_223 = arith.extui %and3A_222 : i1 to i32
      %cond3A_224 = arith.constant 0 : i32
      %cond3A_225 = arith.cmpi ne, %convert_element_type3A_223, %cond3A_224 : i32
      scf.if %cond3A_225 {
        %sub3A_272 = arith.constant 8 : i32
        %sub3A_273 = arith.subi %add3A_218, %sub3A_272 : i32
        %dma_wait3A = arith.constant 3 : i32
        %dma_wait3A_274 = arith.constant 3 : i32
        %dma_wait3A_275 = arith.constant 0 : i32
        %dma_wait3A_276 = arith.constant 0 : i32
        %dma_wait3A_277 = tpu.memref_slice %arg9[%dma_wait3A, %dma_wait3A_275, %dma_wait3A_276] : memref<8x128x16xf32, #tpu.memory_space<vmem>> -> memref<1x128x16xf32, #tpu.memory_space<vmem>>
        %dma_wait3A_278 = tpu.memref_squeeze %dma_wait3A_277 : memref<1x128x16xf32, #tpu.memory_space<vmem>> -> memref<128x16xf32, #tpu.memory_space<vmem>>
        %dma_wait3A_279 = arith.constant 0 : i32
        %dma_wait3A_280 = tpu.memref_slice %arg8[%sub3A_273, %dma_wait3A_279] : memref<80x128xi32, #tpu.memory_space<vmem>> -> memref<1x128xi32, #tpu.memory_space<vmem>>
        %dma_wait3A_281 = tpu.memref_squeeze %dma_wait3A_280 : memref<1x128xi32, #tpu.memory_space<vmem>> -> memref<128xi32, #tpu.memory_space<vmem>>
        %dma_wait3A_282 = arith.constant 0 : i32
        %dma_wait3A_283 = arith.constant 0 : i32
        %dma_wait3A_284 = tpu.memref_slice %arg11[%dma_wait3A_282, %dma_wait3A_283] : memref<2176x16xf32, #tpu.memory_space<vmem_shared>> -> memref<2176x16xf32, #tpu.memory_space<vmem_shared>>
        %dma_wait3A_285 = tpu.memref_slice %arg13[%dma_wait3A_274] : memref<8x!tpu.dma_semaphore, #tpu.memory_space<semaphore_mem>> -> memref<1x!tpu.dma_semaphore, #tpu.memory_space<semaphore_mem>>
        %dma_wait3A_286 = tpu.memref_squeeze %dma_wait3A_285 : memref<1x!tpu.dma_semaphore, #tpu.memory_space<semaphore_mem>> -> memref<!tpu.dma_semaphore, #tpu.memory_space<semaphore_mem>>
        tpu.wait_indirect_dma semaphore(%dma_wait3A_286 : memref<!tpu.dma_semaphore, #tpu.memory_space<semaphore_mem>>) src(%dma_wait3A_278 : memref<128x16xf32, #tpu.memory_space<vmem>>) dst(%dma_wait3A_284 : memref<2176x16xf32, #tpu.memory_space<vmem_shared>>)
      } else {
      }
      %lt3A_226 = arith.cmpi slt, %add3A_218, %reduce_max3A_20 : i32
      %convert_element_type3A_227 = arith.extui %lt3A_226 : i1 to i32
      %cond3A_228 = arith.constant 0 : i32
      %cond3A_229 = arith.cmpi ne, %convert_element_type3A_227, %cond3A_228 : i32
      scf.if %cond3A_229 {
        %dma_start3A = arith.constant 3 : i32
        %dma_start3A_272 = arith.constant 3 : i32
        %dma_start3A_273 = arith.constant 0 : i32
        %dma_start3A_274 = arith.constant 0 : i32
        %dma_start3A_275 = tpu.memref_slice %arg9[%dma_start3A, %dma_start3A_273, %dma_start3A_274] : memref<8x128x16xf32, #tpu.memory_space<vmem>> -> memref<1x128x16xf32, #tpu.memory_space<vmem>>
        %dma_start3A_276 = tpu.memref_squeeze %dma_start3A_275 : memref<1x128x16xf32, #tpu.memory_space<vmem>> -> memref<128x16xf32, #tpu.memory_space<vmem>>
        %dma_start3A_277 = arith.constant 0 : i32
        %dma_start3A_278 = tpu.memref_slice %arg7[%add3A_218, %dma_start3A_277] : memref<80x128xi32, #tpu.memory_space<vmem>> -> memref<1x128xi32, #tpu.memory_space<vmem>>
        %dma_start3A_279 = tpu.memref_squeeze %dma_start3A_278 : memref<1x128xi32, #tpu.memory_space<vmem>> -> memref<128xi32, #tpu.memory_space<vmem>>
        %dma_start3A_280 = arith.constant 0 : i32
        %dma_start3A_281 = arith.constant 0 : i32
        %dma_start3A_282 = tpu.memref_slice %arg2[%dma_start3A_280, %dma_start3A_281] : memref<10000x16xf32, #tpu.memory_space<hbm>> -> memref<10000x16xf32, #tpu.memory_space<hbm>>
        %dma_start3A_283 = tpu.memref_slice %arg12[%dma_start3A_272] : memref<8x!tpu.dma_semaphore, #tpu.memory_space<semaphore_mem>> -> memref<1x!tpu.dma_semaphore, #tpu.memory_space<semaphore_mem>>
        %dma_start3A_284 = tpu.memref_squeeze %dma_start3A_283 : memref<1x!tpu.dma_semaphore, #tpu.memory_space<semaphore_mem>> -> memref<!tpu.dma_semaphore, #tpu.memory_space<semaphore_mem>>
        tpu.enqueue_indirect_dma source(%dma_start3A_282 : memref<10000x16xf32, #tpu.memory_space<hbm>>) target(%dma_start3A_276 : memref<128x16xf32, #tpu.memory_space<vmem>>) offsets(%dma_start3A_279 : memref<128xi32, #tpu.memory_space<vmem>>) semaphore(%dma_start3A_284 : memref<!tpu.dma_semaphore, #tpu.memory_space<semaphore_mem>>)
      } else {
      }
      %mul3A_230 = arith.constant 8 : i32
      %mul3A_231 = arith.muli %while3A_106, %mul3A_230 : i32
      %add3A_232 = arith.constant 6 : i32
      %add3A_233 = arith.addi %mul3A_231, %add3A_232 : i32
      %lt3A_234 = arith.cmpi slt, %add3A_233, %reduce_max3A_20 : i32
      %convert_element_type3A_235 = arith.extui %lt3A_234 : i1 to i32
      %cond3A_236 = arith.constant 0 : i32
      %cond3A_237 = arith.cmpi ne, %convert_element_type3A_235, %cond3A_236 : i32
      scf.if %cond3A_237 {
        %dma_wait3A = arith.constant 6 : i32
        %dma_wait3A_272 = arith.constant 6 : i32
        %dma_wait3A_273 = arith.constant 0 : i32
        %dma_wait3A_274 = arith.constant 0 : i32
        %dma_wait3A_275 = tpu.memref_slice %arg9[%dma_wait3A, %dma_wait3A_273, %dma_wait3A_274] : memref<8x128x16xf32, #tpu.memory_space<vmem>> -> memref<1x128x16xf32, #tpu.memory_space<vmem>>
        %dma_wait3A_276 = tpu.memref_squeeze %dma_wait3A_275 : memref<1x128x16xf32, #tpu.memory_space<vmem>> -> memref<128x16xf32, #tpu.memory_space<vmem>>
        %dma_wait3A_277 = arith.constant 0 : i32
        %dma_wait3A_278 = tpu.memref_slice %arg7[%add3A_233, %dma_wait3A_277] : memref<80x128xi32, #tpu.memory_space<vmem>> -> memref<1x128xi32, #tpu.memory_space<vmem>>
        %dma_wait3A_279 = tpu.memref_squeeze %dma_wait3A_278 : memref<1x128xi32, #tpu.memory_space<vmem>> -> memref<128xi32, #tpu.memory_space<vmem>>
        %dma_wait3A_280 = arith.constant 0 : i32
        %dma_wait3A_281 = arith.constant 0 : i32
        %dma_wait3A_282 = tpu.memref_slice %arg2[%dma_wait3A_280, %dma_wait3A_281] : memref<10000x16xf32, #tpu.memory_space<hbm>> -> memref<10000x16xf32, #tpu.memory_space<hbm>>
        %dma_wait3A_283 = tpu.memref_slice %arg12[%dma_wait3A_272] : memref<8x!tpu.dma_semaphore, #tpu.memory_space<semaphore_mem>> -> memref<1x!tpu.dma_semaphore, #tpu.memory_space<semaphore_mem>>
        %dma_wait3A_284 = tpu.memref_squeeze %dma_wait3A_283 : memref<1x!tpu.dma_semaphore, #tpu.memory_space<semaphore_mem>> -> memref<!tpu.dma_semaphore, #tpu.memory_space<semaphore_mem>>
        tpu.wait_indirect_dma semaphore(%dma_wait3A_284 : memref<!tpu.dma_semaphore, #tpu.memory_space<semaphore_mem>>) src(%dma_wait3A_282 : memref<10000x16xf32, #tpu.memory_space<hbm>>) dst(%dma_wait3A_276 : memref<128x16xf32, #tpu.memory_space<vmem>>)
        %dma_start3A = arith.constant 6 : i32
        %dma_start3A_285 = arith.constant 6 : i32
        %dma_start3A_286 = arith.constant 0 : i32
        %dma_start3A_287 = arith.constant 0 : i32
        %dma_start3A_288 = tpu.memref_slice %arg9[%dma_start3A, %dma_start3A_286, %dma_start3A_287] : memref<8x128x16xf32, #tpu.memory_space<vmem>> -> memref<1x128x16xf32, #tpu.memory_space<vmem>>
        %dma_start3A_289 = tpu.memref_squeeze %dma_start3A_288 : memref<1x128x16xf32, #tpu.memory_space<vmem>> -> memref<128x16xf32, #tpu.memory_space<vmem>>
        %dma_start3A_290 = arith.constant 0 : i32
        %dma_start3A_291 = tpu.memref_slice %arg8[%add3A_233, %dma_start3A_290] : memref<80x128xi32, #tpu.memory_space<vmem>> -> memref<1x128xi32, #tpu.memory_space<vmem>>
        %dma_start3A_292 = tpu.memref_squeeze %dma_start3A_291 : memref<1x128xi32, #tpu.memory_space<vmem>> -> memref<128xi32, #tpu.memory_space<vmem>>
        %dma_start3A_293 = arith.constant 0 : i32
        %dma_start3A_294 = arith.constant 0 : i32
        %dma_start3A_295 = tpu.memref_slice %arg11[%dma_start3A_293, %dma_start3A_294] : memref<2176x16xf32, #tpu.memory_space<vmem_shared>> -> memref<2176x16xf32, #tpu.memory_space<vmem_shared>>
        %dma_start3A_296 = tpu.memref_slice %arg13[%dma_start3A_285] : memref<8x!tpu.dma_semaphore, #tpu.memory_space<semaphore_mem>> -> memref<1x!tpu.dma_semaphore, #tpu.memory_space<semaphore_mem>>
        %dma_start3A_297 = tpu.memref_squeeze %dma_start3A_296 : memref<1x!tpu.dma_semaphore, #tpu.memory_space<semaphore_mem>> -> memref<!tpu.dma_semaphore, #tpu.memory_space<semaphore_mem>>
        tpu.enqueue_indirect_dma source(%dma_start3A_289 : memref<128x16xf32, #tpu.memory_space<vmem>>) target(%dma_start3A_295 : memref<2176x16xf32, #tpu.memory_space<vmem_shared>>) offsets(%dma_start3A_292 : memref<128xi32, #tpu.memory_space<vmem>>) semaphore(%dma_start3A_297 : memref<!tpu.dma_semaphore, #tpu.memory_space<semaphore_mem>>) {add = true}
      } else {
      }
      %add3A_238 = arith.constant 6 : i32
      %add3A_239 = arith.addi %add3A_233, %add3A_238 : i32
      %ge3A_240 = arith.constant 8 : i32
      %ge3A_241 = arith.cmpi sge, %add3A_239, %ge3A_240 : i32
      %lt3A_242 = arith.cmpi slt, %add3A_239, %reduce_max3A_20 : i32
      %and3A_243 = arith.andi %ge3A_241, %lt3A_242 : i1
      %convert_element_type3A_244 = arith.extui %and3A_243 : i1 to i32
      %cond3A_245 = arith.constant 0 : i32
      %cond3A_246 = arith.cmpi ne, %convert_element_type3A_244, %cond3A_245 : i32
      scf.if %cond3A_246 {
        %sub3A_272 = arith.constant 8 : i32
        %sub3A_273 = arith.subi %add3A_239, %sub3A_272 : i32
        %dma_wait3A = arith.constant 4 : i32
        %dma_wait3A_274 = arith.constant 4 : i32
        %dma_wait3A_275 = arith.constant 0 : i32
        %dma_wait3A_276 = arith.constant 0 : i32
        %dma_wait3A_277 = tpu.memref_slice %arg9[%dma_wait3A, %dma_wait3A_275, %dma_wait3A_276] : memref<8x128x16xf32, #tpu.memory_space<vmem>> -> memref<1x128x16xf32, #tpu.memory_space<vmem>>
        %dma_wait3A_278 = tpu.memref_squeeze %dma_wait3A_277 : memref<1x128x16xf32, #tpu.memory_space<vmem>> -> memref<128x16xf32, #tpu.memory_space<vmem>>
        %dma_wait3A_279 = arith.constant 0 : i32
        %dma_wait3A_280 = tpu.memref_slice %arg8[%sub3A_273, %dma_wait3A_279] : memref<80x128xi32, #tpu.memory_space<vmem>> -> memref<1x128xi32, #tpu.memory_space<vmem>>
        %dma_wait3A_281 = tpu.memref_squeeze %dma_wait3A_280 : memref<1x128xi32, #tpu.memory_space<vmem>> -> memref<128xi32, #tpu.memory_space<vmem>>
        %dma_wait3A_282 = arith.constant 0 : i32
        %dma_wait3A_283 = arith.constant 0 : i32
        %dma_wait3A_284 = tpu.memref_slice %arg11[%dma_wait3A_282, %dma_wait3A_283] : memref<2176x16xf32, #tpu.memory_space<vmem_shared>> -> memref<2176x16xf32, #tpu.memory_space<vmem_shared>>
        %dma_wait3A_285 = tpu.memref_slice %arg13[%dma_wait3A_274] : memref<8x!tpu.dma_semaphore, #tpu.memory_space<semaphore_mem>> -> memref<1x!tpu.dma_semaphore, #tpu.memory_space<semaphore_mem>>
        %dma_wait3A_286 = tpu.memref_squeeze %dma_wait3A_285 : memref<1x!tpu.dma_semaphore, #tpu.memory_space<semaphore_mem>> -> memref<!tpu.dma_semaphore, #tpu.memory_space<semaphore_mem>>
        tpu.wait_indirect_dma semaphore(%dma_wait3A_286 : memref<!tpu.dma_semaphore, #tpu.memory_space<semaphore_mem>>) src(%dma_wait3A_278 : memref<128x16xf32, #tpu.memory_space<vmem>>) dst(%dma_wait3A_284 : memref<2176x16xf32, #tpu.memory_space<vmem_shared>>)
      } else {
      }
      %lt3A_247 = arith.cmpi slt, %add3A_239, %reduce_max3A_20 : i32
      %convert_element_type3A_248 = arith.extui %lt3A_247 : i1 to i32
      %cond3A_249 = arith.constant 0 : i32
      %cond3A_250 = arith.cmpi ne, %convert_element_type3A_248, %cond3A_249 : i32
      scf.if %cond3A_250 {
        %dma_start3A = arith.constant 4 : i32
        %dma_start3A_272 = arith.constant 4 : i32
        %dma_start3A_273 = arith.constant 0 : i32
        %dma_start3A_274 = arith.constant 0 : i32
        %dma_start3A_275 = tpu.memref_slice %arg9[%dma_start3A, %dma_start3A_273, %dma_start3A_274] : memref<8x128x16xf32, #tpu.memory_space<vmem>> -> memref<1x128x16xf32, #tpu.memory_space<vmem>>
        %dma_start3A_276 = tpu.memref_squeeze %dma_start3A_275 : memref<1x128x16xf32, #tpu.memory_space<vmem>> -> memref<128x16xf32, #tpu.memory_space<vmem>>
        %dma_start3A_277 = arith.constant 0 : i32
        %dma_start3A_278 = tpu.memref_slice %arg7[%add3A_239, %dma_start3A_277] : memref<80x128xi32, #tpu.memory_space<vmem>> -> memref<1x128xi32, #tpu.memory_space<vmem>>
        %dma_start3A_279 = tpu.memref_squeeze %dma_start3A_278 : memref<1x128xi32, #tpu.memory_space<vmem>> -> memref<128xi32, #tpu.memory_space<vmem>>
        %dma_start3A_280 = arith.constant 0 : i32
        %dma_start3A_281 = arith.constant 0 : i32
        %dma_start3A_282 = tpu.memref_slice %arg2[%dma_start3A_280, %dma_start3A_281] : memref<10000x16xf32, #tpu.memory_space<hbm>> -> memref<10000x16xf32, #tpu.memory_space<hbm>>
        %dma_start3A_283 = tpu.memref_slice %arg12[%dma_start3A_272] : memref<8x!tpu.dma_semaphore, #tpu.memory_space<semaphore_mem>> -> memref<1x!tpu.dma_semaphore, #tpu.memory_space<semaphore_mem>>
        %dma_start3A_284 = tpu.memref_squeeze %dma_start3A_283 : memref<1x!tpu.dma_semaphore, #tpu.memory_space<semaphore_mem>> -> memref<!tpu.dma_semaphore, #tpu.memory_space<semaphore_mem>>
        tpu.enqueue_indirect_dma source(%dma_start3A_282 : memref<10000x16xf32, #tpu.memory_space<hbm>>) target(%dma_start3A_276 : memref<128x16xf32, #tpu.memory_space<vmem>>) offsets(%dma_start3A_279 : memref<128xi32, #tpu.memory_space<vmem>>) semaphore(%dma_start3A_284 : memref<!tpu.dma_semaphore, #tpu.memory_space<semaphore_mem>>)
      } else {
      }
      %mul3A_251 = arith.constant 8 : i32
      %mul3A_252 = arith.muli %while3A_106, %mul3A_251 : i32
      %add3A_253 = arith.constant 7 : i32
      %add3A_254 = arith.addi %mul3A_252, %add3A_253 : i32
      %lt3A_255 = arith.cmpi slt, %add3A_254, %reduce_max3A_20 : i32
      %convert_element_type3A_256 = arith.extui %lt3A_255 : i1 to i32
      %cond3A_257 = arith.constant 0 : i32
      %cond3A_258 = arith.cmpi ne, %convert_element_type3A_256, %cond3A_257 : i32
      scf.if %cond3A_258 {
        %dma_wait3A = arith.constant 7 : i32
        %dma_wait3A_272 = arith.constant 7 : i32
        %dma_wait3A_273 = arith.constant 0 : i32
        %dma_wait3A_274 = arith.constant 0 : i32
        %dma_wait3A_275 = tpu.memref_slice %arg9[%dma_wait3A, %dma_wait3A_273, %dma_wait3A_274] : memref<8x128x16xf32, #tpu.memory_space<vmem>> -> memref<1x128x16xf32, #tpu.memory_space<vmem>>
        %dma_wait3A_276 = tpu.memref_squeeze %dma_wait3A_275 : memref<1x128x16xf32, #tpu.memory_space<vmem>> -> memref<128x16xf32, #tpu.memory_space<vmem>>
        %dma_wait3A_277 = arith.constant 0 : i32
        %dma_wait3A_278 = tpu.memref_slice %arg7[%add3A_254, %dma_wait3A_277] : memref<80x128xi32, #tpu.memory_space<vmem>> -> memref<1x128xi32, #tpu.memory_space<vmem>>
        %dma_wait3A_279 = tpu.memref_squeeze %dma_wait3A_278 : memref<1x128xi32, #tpu.memory_space<vmem>> -> memref<128xi32, #tpu.memory_space<vmem>>
        %dma_wait3A_280 = arith.constant 0 : i32
        %dma_wait3A_281 = arith.constant 0 : i32
        %dma_wait3A_282 = tpu.memref_slice %arg2[%dma_wait3A_280, %dma_wait3A_281] : memref<10000x16xf32, #tpu.memory_space<hbm>> -> memref<10000x16xf32, #tpu.memory_space<hbm>>
        %dma_wait3A_283 = tpu.memref_slice %arg12[%dma_wait3A_272] : memref<8x!tpu.dma_semaphore, #tpu.memory_space<semaphore_mem>> -> memref<1x!tpu.dma_semaphore, #tpu.memory_space<semaphore_mem>>
        %dma_wait3A_284 = tpu.memref_squeeze %dma_wait3A_283 : memref<1x!tpu.dma_semaphore, #tpu.memory_space<semaphore_mem>> -> memref<!tpu.dma_semaphore, #tpu.memory_space<semaphore_mem>>
        tpu.wait_indirect_dma semaphore(%dma_wait3A_284 : memref<!tpu.dma_semaphore, #tpu.memory_space<semaphore_mem>>) src(%dma_wait3A_282 : memref<10000x16xf32, #tpu.memory_space<hbm>>) dst(%dma_wait3A_276 : memref<128x16xf32, #tpu.memory_space<vmem>>)
        %dma_start3A = arith.constant 7 : i32
        %dma_start3A_285 = arith.constant 7 : i32
        %dma_start3A_286 = arith.constant 0 : i32
        %dma_start3A_287 = arith.constant 0 : i32
        %dma_start3A_288 = tpu.memref_slice %arg9[%dma_start3A, %dma_start3A_286, %dma_start3A_287] : memref<8x128x16xf32, #tpu.memory_space<vmem>> -> memref<1x128x16xf32, #tpu.memory_space<vmem>>
        %dma_start3A_289 = tpu.memref_squeeze %dma_start3A_288 : memref<1x128x16xf32, #tpu.memory_space<vmem>> -> memref<128x16xf32, #tpu.memory_space<vmem>>
        %dma_start3A_290 = arith.constant 0 : i32
        %dma_start3A_291 = tpu.memref_slice %arg8[%add3A_254, %dma_start3A_290] : memref<80x128xi32, #tpu.memory_space<vmem>> -> memref<1x128xi32, #tpu.memory_space<vmem>>
        %dma_start3A_292 = tpu.memref_squeeze %dma_start3A_291 : memref<1x128xi32, #tpu.memory_space<vmem>> -> memref<128xi32, #tpu.memory_space<vmem>>
        %dma_start3A_293 = arith.constant 0 : i32
        %dma_start3A_294 = arith.constant 0 : i32
        %dma_start3A_295 = tpu.memref_slice %arg11[%dma_start3A_293, %dma_start3A_294] : memref<2176x16xf32, #tpu.memory_space<vmem_shared>> -> memref<2176x16xf32, #tpu.memory_space<vmem_shared>>
        %dma_start3A_296 = tpu.memref_slice %arg13[%dma_start3A_285] : memref<8x!tpu.dma_semaphore, #tpu.memory_space<semaphore_mem>> -> memref<1x!tpu.dma_semaphore, #tpu.memory_space<semaphore_mem>>
        %dma_start3A_297 = tpu.memref_squeeze %dma_start3A_296 : memref<1x!tpu.dma_semaphore, #tpu.memory_space<semaphore_mem>> -> memref<!tpu.dma_semaphore, #tpu.memory_space<semaphore_mem>>
        tpu.enqueue_indirect_dma source(%dma_start3A_289 : memref<128x16xf32, #tpu.memory_space<vmem>>) target(%dma_start3A_295 : memref<2176x16xf32, #tpu.memory_space<vmem_shared>>) offsets(%dma_start3A_292 : memref<128xi32, #tpu.memory_space<vmem>>) semaphore(%dma_start3A_297 : memref<!tpu.dma_semaphore, #tpu.memory_space<semaphore_mem>>) {add = true}
      } else {
      }
      %add3A_259 = arith.constant 6 : i32
      %add3A_260 = arith.addi %add3A_254, %add3A_259 : i32
      %ge3A_261 = arith.constant 8 : i32
      %ge3A_262 = arith.cmpi sge, %add3A_260, %ge3A_261 : i32
      %lt3A_263 = arith.cmpi slt, %add3A_260, %reduce_max3A_20 : i32
      %and3A_264 = arith.andi %ge3A_262, %lt3A_263 : i1
      %convert_element_type3A_265 = arith.extui %and3A_264 : i1 to i32
      %cond3A_266 = arith.constant 0 : i32
      %cond3A_267 = arith.cmpi ne, %convert_element_type3A_265, %cond3A_266 : i32
      scf.if %cond3A_267 {
        %sub3A_272 = arith.constant 8 : i32
        %sub3A_273 = arith.subi %add3A_260, %sub3A_272 : i32
        %dma_wait3A = arith.constant 5 : i32
        %dma_wait3A_274 = arith.constant 5 : i32
        %dma_wait3A_275 = arith.constant 0 : i32
        %dma_wait3A_276 = arith.constant 0 : i32
        %dma_wait3A_277 = tpu.memref_slice %arg9[%dma_wait3A, %dma_wait3A_275, %dma_wait3A_276] : memref<8x128x16xf32, #tpu.memory_space<vmem>> -> memref<1x128x16xf32, #tpu.memory_space<vmem>>
        %dma_wait3A_278 = tpu.memref_squeeze %dma_wait3A_277 : memref<1x128x16xf32, #tpu.memory_space<vmem>> -> memref<128x16xf32, #tpu.memory_space<vmem>>
        %dma_wait3A_279 = arith.constant 0 : i32
        %dma_wait3A_280 = tpu.memref_slice %arg8[%sub3A_273, %dma_wait3A_279] : memref<80x128xi32, #tpu.memory_space<vmem>> -> memref<1x128xi32, #tpu.memory_space<vmem>>
        %dma_wait3A_281 = tpu.memref_squeeze %dma_wait3A_280 : memref<1x128xi32, #tpu.memory_space<vmem>> -> memref<128xi32, #tpu.memory_space<vmem>>
        %dma_wait3A_282 = arith.constant 0 : i32
        %dma_wait3A_283 = arith.constant 0 : i32
        %dma_wait3A_284 = tpu.memref_slice %arg11[%dma_wait3A_282, %dma_wait3A_283] : memref<2176x16xf32, #tpu.memory_space<vmem_shared>> -> memref<2176x16xf32, #tpu.memory_space<vmem_shared>>
        %dma_wait3A_285 = tpu.memref_slice %arg13[%dma_wait3A_274] : memref<8x!tpu.dma_semaphore, #tpu.memory_space<semaphore_mem>> -> memref<1x!tpu.dma_semaphore, #tpu.memory_space<semaphore_mem>>
        %dma_wait3A_286 = tpu.memref_squeeze %dma_wait3A_285 : memref<1x!tpu.dma_semaphore, #tpu.memory_space<semaphore_mem>> -> memref<!tpu.dma_semaphore, #tpu.memory_space<semaphore_mem>>
        tpu.wait_indirect_dma semaphore(%dma_wait3A_286 : memref<!tpu.dma_semaphore, #tpu.memory_space<semaphore_mem>>) src(%dma_wait3A_278 : memref<128x16xf32, #tpu.memory_space<vmem>>) dst(%dma_wait3A_284 : memref<2176x16xf32, #tpu.memory_space<vmem_shared>>)
      } else {
      }
      %lt3A_268 = arith.cmpi slt, %add3A_260, %reduce_max3A_20 : i32
      %convert_element_type3A_269 = arith.extui %lt3A_268 : i1 to i32
      %cond3A_270 = arith.constant 0 : i32
      %cond3A_271 = arith.cmpi ne, %convert_element_type3A_269, %cond3A_270 : i32
      scf.if %cond3A_271 {
        %dma_start3A = arith.constant 5 : i32
        %dma_start3A_272 = arith.constant 5 : i32
        %dma_start3A_273 = arith.constant 0 : i32
        %dma_start3A_274 = arith.constant 0 : i32
        %dma_start3A_275 = tpu.memref_slice %arg9[%dma_start3A, %dma_start3A_273, %dma_start3A_274] : memref<8x128x16xf32, #tpu.memory_space<vmem>> -> memref<1x128x16xf32, #tpu.memory_space<vmem>>
        %dma_start3A_276 = tpu.memref_squeeze %dma_start3A_275 : memref<1x128x16xf32, #tpu.memory_space<vmem>> -> memref<128x16xf32, #tpu.memory_space<vmem>>
        %dma_start3A_277 = arith.constant 0 : i32
        %dma_start3A_278 = tpu.memref_slice %arg7[%add3A_260, %dma_start3A_277] : memref<80x128xi32, #tpu.memory_space<vmem>> -> memref<1x128xi32, #tpu.memory_space<vmem>>
        %dma_start3A_279 = tpu.memref_squeeze %dma_start3A_278 : memref<1x128xi32, #tpu.memory_space<vmem>> -> memref<128xi32, #tpu.memory_space<vmem>>
        %dma_start3A_280 = arith.constant 0 : i32
        %dma_start3A_281 = arith.constant 0 : i32
        %dma_start3A_282 = tpu.memref_slice %arg2[%dma_start3A_280, %dma_start3A_281] : memref<10000x16xf32, #tpu.memory_space<hbm>> -> memref<10000x16xf32, #tpu.memory_space<hbm>>
        %dma_start3A_283 = tpu.memref_slice %arg12[%dma_start3A_272] : memref<8x!tpu.dma_semaphore, #tpu.memory_space<semaphore_mem>> -> memref<1x!tpu.dma_semaphore, #tpu.memory_space<semaphore_mem>>
        %dma_start3A_284 = tpu.memref_squeeze %dma_start3A_283 : memref<1x!tpu.dma_semaphore, #tpu.memory_space<semaphore_mem>> -> memref<!tpu.dma_semaphore, #tpu.memory_space<semaphore_mem>>
        tpu.enqueue_indirect_dma source(%dma_start3A_282 : memref<10000x16xf32, #tpu.memory_space<hbm>>) target(%dma_start3A_276 : memref<128x16xf32, #tpu.memory_space<vmem>>) offsets(%dma_start3A_279 : memref<128xi32, #tpu.memory_space<vmem>>) semaphore(%dma_start3A_284 : memref<!tpu.dma_semaphore, #tpu.memory_space<semaphore_mem>>)
      } else {
      }
    }
    %while3A_60 = arith.constant 1 : i32
    scf.for %while3A_106 = %while3A_58 to %while3A_54 step %while3A_60  : i32 {
      %mul3A_107 = arith.constant 8 : i32
      %mul3A_108 = arith.muli %while3A_106, %mul3A_107 : i32
      %add3A_109 = arith.constant 0 : i32
      %add3A_110 = arith.addi %mul3A_108, %add3A_109 : i32
      %lt3A = arith.cmpi slt, %add3A_110, %reduce_max3A_20 : i32
      %convert_element_type3A_111 = arith.extui %lt3A : i1 to i32
      %cond3A_112 = arith.constant 0 : i32
      %cond3A_113 = arith.cmpi ne, %convert_element_type3A_111, %cond3A_112 : i32
      scf.if %cond3A_113 {
        %dma_wait3A = arith.constant 0 : i32
        %dma_wait3A_272 = arith.constant 0 : i32
        %dma_wait3A_273 = arith.constant 0 : i32
        %dma_wait3A_274 = arith.constant 0 : i32
        %dma_wait3A_275 = tpu.memref_slice %arg9[%dma_wait3A, %dma_wait3A_273, %dma_wait3A_274] : memref<8x128x16xf32, #tpu.memory_space<vmem>> -> memref<1x128x16xf32, #tpu.memory_space<vmem>>
        %dma_wait3A_276 = tpu.memref_squeeze %dma_wait3A_275 : memref<1x128x16xf32, #tpu.memory_space<vmem>> -> memref<128x16xf32, #tpu.memory_space<vmem>>
        %dma_wait3A_277 = arith.constant 0 : i32
        %dma_wait3A_278 = tpu.memref_slice %arg7[%add3A_110, %dma_wait3A_277] : memref<80x128xi32, #tpu.memory_space<vmem>> -> memref<1x128xi32, #tpu.memory_space<vmem>>
        %dma_wait3A_279 = tpu.memref_squeeze %dma_wait3A_278 : memref<1x128xi32, #tpu.memory_space<vmem>> -> memref<128xi32, #tpu.memory_space<vmem>>
        %dma_wait3A_280 = arith.constant 0 : i32
        %dma_wait3A_281 = arith.constant 0 : i32
        %dma_wait3A_282 = tpu.memref_slice %arg2[%dma_wait3A_280, %dma_wait3A_281] : memref<10000x16xf32, #tpu.memory_space<hbm>> -> memref<10000x16xf32, #tpu.memory_space<hbm>>
        %dma_wait3A_283 = tpu.memref_slice %arg12[%dma_wait3A_272] : memref<8x!tpu.dma_semaphore, #tpu.memory_space<semaphore_mem>> -> memref<1x!tpu.dma_semaphore, #tpu.memory_space<semaphore_mem>>
        %dma_wait3A_284 = tpu.memref_squeeze %dma_wait3A_283 : memref<1x!tpu.dma_semaphore, #tpu.memory_space<semaphore_mem>> -> memref<!tpu.dma_semaphore, #tpu.memory_space<semaphore_mem>>
        tpu.wait_indirect_dma semaphore(%dma_wait3A_284 : memref<!tpu.dma_semaphore, #tpu.memory_space<semaphore_mem>>) src(%dma_wait3A_282 : memref<10000x16xf32, #tpu.memory_space<hbm>>) dst(%dma_wait3A_276 : memref<128x16xf32, #tpu.memory_space<vmem>>)
        %dma_start3A = arith.constant 0 : i32
        %dma_start3A_285 = arith.constant 0 : i32
        %dma_start3A_286 = arith.constant 0 : i32
        %dma_start3A_287 = arith.constant 0 : i32
        %dma_start3A_288 = tpu.memref_slice %arg9[%dma_start3A, %dma_start3A_286, %dma_start3A_287] : memref<8x128x16xf32, #tpu.memory_space<vmem>> -> memref<1x128x16xf32, #tpu.memory_space<vmem>>
        %dma_start3A_289 = tpu.memref_squeeze %dma_start3A_288 : memref<1x128x16xf32, #tpu.memory_space<vmem>> -> memref<128x16xf32, #tpu.memory_space<vmem>>
        %dma_start3A_290 = arith.constant 0 : i32
        %dma_start3A_291 = tpu.memref_slice %arg8[%add3A_110, %dma_start3A_290] : memref<80x128xi32, #tpu.memory_space<vmem>> -> memref<1x128xi32, #tpu.memory_space<vmem>>
        %dma_start3A_292 = tpu.memref_squeeze %dma_start3A_291 : memref<1x128xi32, #tpu.memory_space<vmem>> -> memref<128xi32, #tpu.memory_space<vmem>>
        %dma_start3A_293 = arith.constant 0 : i32
        %dma_start3A_294 = arith.constant 0 : i32
        %dma_start3A_295 = tpu.memref_slice %arg11[%dma_start3A_293, %dma_start3A_294] : memref<2176x16xf32, #tpu.memory_space<vmem_shared>> -> memref<2176x16xf32, #tpu.memory_space<vmem_shared>>
        %dma_start3A_296 = tpu.memref_slice %arg13[%dma_start3A_285] : memref<8x!tpu.dma_semaphore, #tpu.memory_space<semaphore_mem>> -> memref<1x!tpu.dma_semaphore, #tpu.memory_space<semaphore_mem>>
        %dma_start3A_297 = tpu.memref_squeeze %dma_start3A_296 : memref<1x!tpu.dma_semaphore, #tpu.memory_space<semaphore_mem>> -> memref<!tpu.dma_semaphore, #tpu.memory_space<semaphore_mem>>
        tpu.enqueue_indirect_dma source(%dma_start3A_289 : memref<128x16xf32, #tpu.memory_space<vmem>>) target(%dma_start3A_295 : memref<2176x16xf32, #tpu.memory_space<vmem_shared>>) offsets(%dma_start3A_292 : memref<128xi32, #tpu.memory_space<vmem>>) semaphore(%dma_start3A_297 : memref<!tpu.dma_semaphore, #tpu.memory_space<semaphore_mem>>) {add = true}
      } else {
      }
      %add3A_114 = arith.constant 6 : i32
      %add3A_115 = arith.addi %add3A_110, %add3A_114 : i32
      %ge3A = arith.constant 8 : i32
      %ge3A_116 = arith.cmpi sge, %add3A_115, %ge3A : i32
      %lt3A_117 = arith.cmpi slt, %add3A_115, %reduce_max3A_20 : i32
      %and3A = arith.andi %ge3A_116, %lt3A_117 : i1
      %convert_element_type3A_118 = arith.extui %and3A : i1 to i32
      %cond3A_119 = arith.constant 0 : i32
      %cond3A_120 = arith.cmpi ne, %convert_element_type3A_118, %cond3A_119 : i32
      scf.if %cond3A_120 {
        %sub3A_272 = arith.constant 8 : i32
        %sub3A_273 = arith.subi %add3A_115, %sub3A_272 : i32
        %dma_wait3A = arith.constant 6 : i32
        %dma_wait3A_274 = arith.constant 6 : i32
        %dma_wait3A_275 = arith.constant 0 : i32
        %dma_wait3A_276 = arith.constant 0 : i32
        %dma_wait3A_277 = tpu.memref_slice %arg9[%dma_wait3A, %dma_wait3A_275, %dma_wait3A_276] : memref<8x128x16xf32, #tpu.memory_space<vmem>> -> memref<1x128x16xf32, #tpu.memory_space<vmem>>
        %dma_wait3A_278 = tpu.memref_squeeze %dma_wait3A_277 : memref<1x128x16xf32, #tpu.memory_space<vmem>> -> memref<128x16xf32, #tpu.memory_space<vmem>>
        %dma_wait3A_279 = arith.constant 0 : i32
        %dma_wait3A_280 = tpu.memref_slice %arg8[%sub3A_273, %dma_wait3A_279] : memref<80x128xi32, #tpu.memory_space<vmem>> -> memref<1x128xi32, #tpu.memory_space<vmem>>
        %dma_wait3A_281 = tpu.memref_squeeze %dma_wait3A_280 : memref<1x128xi32, #tpu.memory_space<vmem>> -> memref<128xi32, #tpu.memory_space<vmem>>
        %dma_wait3A_282 = arith.constant 0 : i32
        %dma_wait3A_283 = arith.constant 0 : i32
        %dma_wait3A_284 = tpu.memref_slice %arg11[%dma_wait3A_282, %dma_wait3A_283] : memref<2176x16xf32, #tpu.memory_space<vmem_shared>> -> memref<2176x16xf32, #tpu.memory_space<vmem_shared>>
        %dma_wait3A_285 = tpu.memref_slice %arg13[%dma_wait3A_274] : memref<8x!tpu.dma_semaphore, #tpu.memory_space<semaphore_mem>> -> memref<1x!tpu.dma_semaphore, #tpu.memory_space<semaphore_mem>>
        %dma_wait3A_286 = tpu.memref_squeeze %dma_wait3A_285 : memref<1x!tpu.dma_semaphore, #tpu.memory_space<semaphore_mem>> -> memref<!tpu.dma_semaphore, #tpu.memory_space<semaphore_mem>>
        tpu.wait_indirect_dma semaphore(%dma_wait3A_286 : memref<!tpu.dma_semaphore, #tpu.memory_space<semaphore_mem>>) src(%dma_wait3A_278 : memref<128x16xf32, #tpu.memory_space<vmem>>) dst(%dma_wait3A_284 : memref<2176x16xf32, #tpu.memory_space<vmem_shared>>)
      } else {
      }
      %lt3A_121 = arith.cmpi slt, %add3A_115, %reduce_max3A_20 : i32
      %convert_element_type3A_122 = arith.extui %lt3A_121 : i1 to i32
      %cond3A_123 = arith.constant 0 : i32
      %cond3A_124 = arith.cmpi ne, %convert_element_type3A_122, %cond3A_123 : i32
      scf.if %cond3A_124 {
        %dma_start3A = arith.constant 6 : i32
        %dma_start3A_272 = arith.constant 6 : i32
        %dma_start3A_273 = arith.constant 0 : i32
        %dma_start3A_274 = arith.constant 0 : i32
        %dma_start3A_275 = tpu.memref_slice %arg9[%dma_start3A, %dma_start3A_273, %dma_start3A_274] : memref<8x128x16xf32, #tpu.memory_space<vmem>> -> memref<1x128x16xf32, #tpu.memory_space<vmem>>
        %dma_start3A_276 = tpu.memref_squeeze %dma_start3A_275 : memref<1x128x16xf32, #tpu.memory_space<vmem>> -> memref<128x16xf32, #tpu.memory_space<vmem>>
        %dma_start3A_277 = arith.constant 0 : i32
        %dma_start3A_278 = tpu.memref_slice %arg7[%add3A_115, %dma_start3A_277] : memref<80x128xi32, #tpu.memory_space<vmem>> -> memref<1x128xi32, #tpu.memory_space<vmem>>
        %dma_start3A_279 = tpu.memref_squeeze %dma_start3A_278 : memref<1x128xi32, #tpu.memory_space<vmem>> -> memref<128xi32, #tpu.memory_space<vmem>>
        %dma_start3A_280 = arith.constant 0 : i32
        %dma_start3A_281 = arith.constant 0 : i32
        %dma_start3A_282 = tpu.memref_slice %arg2[%dma_start3A_280, %dma_start3A_281] : memref<10000x16xf32, #tpu.memory_space<hbm>> -> memref<10000x16xf32, #tpu.memory_space<hbm>>
        %dma_start3A_283 = tpu.memref_slice %arg12[%dma_start3A_272] : memref<8x!tpu.dma_semaphore, #tpu.memory_space<semaphore_mem>> -> memref<1x!tpu.dma_semaphore, #tpu.memory_space<semaphore_mem>>
        %dma_start3A_284 = tpu.memref_squeeze %dma_start3A_283 : memref<1x!tpu.dma_semaphore, #tpu.memory_space<semaphore_mem>> -> memref<!tpu.dma_semaphore, #tpu.memory_space<semaphore_mem>>
        tpu.enqueue_indirect_dma source(%dma_start3A_282 : memref<10000x16xf32, #tpu.memory_space<hbm>>) target(%dma_start3A_276 : memref<128x16xf32, #tpu.memory_space<vmem>>) offsets(%dma_start3A_279 : memref<128xi32, #tpu.memory_space<vmem>>) semaphore(%dma_start3A_284 : memref<!tpu.dma_semaphore, #tpu.memory_space<semaphore_mem>>)
      } else {
      }
      %mul3A_125 = arith.constant 8 : i32
      %mul3A_126 = arith.muli %while3A_106, %mul3A_125 : i32
      %add3A_127 = arith.constant 1 : i32
      %add3A_128 = arith.addi %mul3A_126, %add3A_127 : i32
      %lt3A_129 = arith.cmpi slt, %add3A_128, %reduce_max3A_20 : i32
      %convert_element_type3A_130 = arith.extui %lt3A_129 : i1 to i32
      %cond3A_131 = arith.constant 0 : i32
      %cond3A_132 = arith.cmpi ne, %convert_element_type3A_130, %cond3A_131 : i32
      scf.if %cond3A_132 {
        %dma_wait3A = arith.constant 1 : i32
        %dma_wait3A_272 = arith.constant 1 : i32
        %dma_wait3A_273 = arith.constant 0 : i32
        %dma_wait3A_274 = arith.constant 0 : i32
        %dma_wait3A_275 = tpu.memref_slice %arg9[%dma_wait3A, %dma_wait3A_273, %dma_wait3A_274] : memref<8x128x16xf32, #tpu.memory_space<vmem>> -> memref<1x128x16xf32, #tpu.memory_space<vmem>>
        %dma_wait3A_276 = tpu.memref_squeeze %dma_wait3A_275 : memref<1x128x16xf32, #tpu.memory_space<vmem>> -> memref<128x16xf32, #tpu.memory_space<vmem>>
        %dma_wait3A_277 = arith.constant 0 : i32
        %dma_wait3A_278 = tpu.memref_slice %arg7[%add3A_128, %dma_wait3A_277] : memref<80x128xi32, #tpu.memory_space<vmem>> -> memref<1x128xi32, #tpu.memory_space<vmem>>
        %dma_wait3A_279 = tpu.memref_squeeze %dma_wait3A_278 : memref<1x128xi32, #tpu.memory_space<vmem>> -> memref<128xi32, #tpu.memory_space<vmem>>
        %dma_wait3A_280 = arith.constant 0 : i32
        %dma_wait3A_281 = arith.constant 0 : i32
        %dma_wait3A_282 = tpu.memref_slice %arg2[%dma_wait3A_280, %dma_wait3A_281] : memref<10000x16xf32, #tpu.memory_space<hbm>> -> memref<10000x16xf32, #tpu.memory_space<hbm>>
        %dma_wait3A_283 = tpu.memref_slice %arg12[%dma_wait3A_272] : memref<8x!tpu.dma_semaphore, #tpu.memory_space<semaphore_mem>> -> memref<1x!tpu.dma_semaphore, #tpu.memory_space<semaphore_mem>>
        %dma_wait3A_284 = tpu.memref_squeeze %dma_wait3A_283 : memref<1x!tpu.dma_semaphore, #tpu.memory_space<semaphore_mem>> -> memref<!tpu.dma_semaphore, #tpu.memory_space<semaphore_mem>>
        tpu.wait_indirect_dma semaphore(%dma_wait3A_284 : memref<!tpu.dma_semaphore, #tpu.memory_space<semaphore_mem>>) src(%dma_wait3A_282 : memref<10000x16xf32, #tpu.memory_space<hbm>>) dst(%dma_wait3A_276 : memref<128x16xf32, #tpu.memory_space<vmem>>)
        %dma_start3A = arith.constant 1 : i32
        %dma_start3A_285 = arith.constant 1 : i32
        %dma_start3A_286 = arith.constant 0 : i32
        %dma_start3A_287 = arith.constant 0 : i32
        %dma_start3A_288 = tpu.memref_slice %arg9[%dma_start3A, %dma_start3A_286, %dma_start3A_287] : memref<8x128x16xf32, #tpu.memory_space<vmem>> -> memref<1x128x16xf32, #tpu.memory_space<vmem>>
        %dma_start3A_289 = tpu.memref_squeeze %dma_start3A_288 : memref<1x128x16xf32, #tpu.memory_space<vmem>> -> memref<128x16xf32, #tpu.memory_space<vmem>>
        %dma_start3A_290 = arith.constant 0 : i32
        %dma_start3A_291 = tpu.memref_slice %arg8[%add3A_128, %dma_start3A_290] : memref<80x128xi32, #tpu.memory_space<vmem>> -> memref<1x128xi32, #tpu.memory_space<vmem>>
        %dma_start3A_292 = tpu.memref_squeeze %dma_start3A_291 : memref<1x128xi32, #tpu.memory_space<vmem>> -> memref<128xi32, #tpu.memory_space<vmem>>
        %dma_start3A_293 = arith.constant 0 : i32
        %dma_start3A_294 = arith.constant 0 : i32
        %dma_start3A_295 = tpu.memref_slice %arg11[%dma_start3A_293, %dma_start3A_294] : memref<2176x16xf32, #tpu.memory_space<vmem_shared>> -> memref<2176x16xf32, #tpu.memory_space<vmem_shared>>
        %dma_start3A_296 = tpu.memref_slice %arg13[%dma_start3A_285] : memref<8x!tpu.dma_semaphore, #tpu.memory_space<semaphore_mem>> -> memref<1x!tpu.dma_semaphore, #tpu.memory_space<semaphore_mem>>
        %dma_start3A_297 = tpu.memref_squeeze %dma_start3A_296 : memref<1x!tpu.dma_semaphore, #tpu.memory_space<semaphore_mem>> -> memref<!tpu.dma_semaphore, #tpu.memory_space<semaphore_mem>>
        tpu.enqueue_indirect_dma source(%dma_start3A_289 : memref<128x16xf32, #tpu.memory_space<vmem>>) target(%dma_start3A_295 : memref<2176x16xf32, #tpu.memory_space<vmem_shared>>) offsets(%dma_start3A_292 : memref<128xi32, #tpu.memory_space<vmem>>) semaphore(%dma_start3A_297 : memref<!tpu.dma_semaphore, #tpu.memory_space<semaphore_mem>>) {add = true}
      } else {
      }
      %add3A_133 = arith.constant 6 : i32
      %add3A_134 = arith.addi %add3A_128, %add3A_133 : i32
      %ge3A_135 = arith.constant 8 : i32
      %ge3A_136 = arith.cmpi sge, %add3A_134, %ge3A_135 : i32
      %lt3A_137 = arith.cmpi slt, %add3A_134, %reduce_max3A_20 : i32
      %and3A_138 = arith.andi %ge3A_136, %lt3A_137 : i1
      %convert_element_type3A_139 = arith.extui %and3A_138 : i1 to i32
      %cond3A_140 = arith.constant 0 : i32
      %cond3A_141 = arith.cmpi ne, %convert_element_type3A_139, %cond3A_140 : i32
      scf.if %cond3A_141 {
        %sub3A_272 = arith.constant 8 : i32
        %sub3A_273 = arith.subi %add3A_134, %sub3A_272 : i32
        %dma_wait3A = arith.constant 7 : i32
        %dma_wait3A_274 = arith.constant 7 : i32
        %dma_wait3A_275 = arith.constant 0 : i32
        %dma_wait3A_276 = arith.constant 0 : i32
        %dma_wait3A_277 = tpu.memref_slice %arg9[%dma_wait3A, %dma_wait3A_275, %dma_wait3A_276] : memref<8x128x16xf32, #tpu.memory_space<vmem>> -> memref<1x128x16xf32, #tpu.memory_space<vmem>>
        %dma_wait3A_278 = tpu.memref_squeeze %dma_wait3A_277 : memref<1x128x16xf32, #tpu.memory_space<vmem>> -> memref<128x16xf32, #tpu.memory_space<vmem>>
        %dma_wait3A_279 = arith.constant 0 : i32
        %dma_wait3A_280 = tpu.memref_slice %arg8[%sub3A_273, %dma_wait3A_279] : memref<80x128xi32, #tpu.memory_space<vmem>> -> memref<1x128xi32, #tpu.memory_space<vmem>>
        %dma_wait3A_281 = tpu.memref_squeeze %dma_wait3A_280 : memref<1x128xi32, #tpu.memory_space<vmem>> -> memref<128xi32, #tpu.memory_space<vmem>>
        %dma_wait3A_282 = arith.constant 0 : i32
        %dma_wait3A_283 = arith.constant 0 : i32
        %dma_wait3A_284 = tpu.memref_slice %arg11[%dma_wait3A_282, %dma_wait3A_283] : memref<2176x16xf32, #tpu.memory_space<vmem_shared>> -> memref<2176x16xf32, #tpu.memory_space<vmem_shared>>
        %dma_wait3A_285 = tpu.memref_slice %arg13[%dma_wait3A_274] : memref<8x!tpu.dma_semaphore, #tpu.memory_space<semaphore_mem>> -> memref<1x!tpu.dma_semaphore, #tpu.memory_space<semaphore_mem>>
        %dma_wait3A_286 = tpu.memref_squeeze %dma_wait3A_285 : memref<1x!tpu.dma_semaphore, #tpu.memory_space<semaphore_mem>> -> memref<!tpu.dma_semaphore, #tpu.memory_space<semaphore_mem>>
        tpu.wait_indirect_dma semaphore(%dma_wait3A_286 : memref<!tpu.dma_semaphore, #tpu.memory_space<semaphore_mem>>) src(%dma_wait3A_278 : memref<128x16xf32, #tpu.memory_space<vmem>>) dst(%dma_wait3A_284 : memref<2176x16xf32, #tpu.memory_space<vmem_shared>>)
      } else {
      }
      %lt3A_142 = arith.cmpi slt, %add3A_134, %reduce_max3A_20 : i32
      %convert_element_type3A_143 = arith.extui %lt3A_142 : i1 to i32
      %cond3A_144 = arith.constant 0 : i32
      %cond3A_145 = arith.cmpi ne, %convert_element_type3A_143, %cond3A_144 : i32
      scf.if %cond3A_145 {
        %dma_start3A = arith.constant 7 : i32
        %dma_start3A_272 = arith.constant 7 : i32
        %dma_start3A_273 = arith.constant 0 : i32
        %dma_start3A_274 = arith.constant 0 : i32
        %dma_start3A_275 = tpu.memref_slice %arg9[%dma_start3A, %dma_start3A_273, %dma_start3A_274] : memref<8x128x16xf32, #tpu.memory_space<vmem>> -> memref<1x128x16xf32, #tpu.memory_space<vmem>>
        %dma_start3A_276 = tpu.memref_squeeze %dma_start3A_275 : memref<1x128x16xf32, #tpu.memory_space<vmem>> -> memref<128x16xf32, #tpu.memory_space<vmem>>
        %dma_start3A_277 = arith.constant 0 : i32
        %dma_start3A_278 = tpu.memref_slice %arg7[%add3A_134, %dma_start3A_277] : memref<80x128xi32, #tpu.memory_space<vmem>> -> memref<1x128xi32, #tpu.memory_space<vmem>>
        %dma_start3A_279 = tpu.memref_squeeze %dma_start3A_278 : memref<1x128xi32, #tpu.memory_space<vmem>> -> memref<128xi32, #tpu.memory_space<vmem>>
        %dma_start3A_280 = arith.constant 0 : i32
        %dma_start3A_281 = arith.constant 0 : i32
        %dma_start3A_282 = tpu.memref_slice %arg2[%dma_start3A_280, %dma_start3A_281] : memref<10000x16xf32, #tpu.memory_space<hbm>> -> memref<10000x16xf32, #tpu.memory_space<hbm>>
        %dma_start3A_283 = tpu.memref_slice %arg12[%dma_start3A_272] : memref<8x!tpu.dma_semaphore, #tpu.memory_space<semaphore_mem>> -> memref<1x!tpu.dma_semaphore, #tpu.memory_space<semaphore_mem>>
        %dma_start3A_284 = tpu.memref_squeeze %dma_start3A_283 : memref<1x!tpu.dma_semaphore, #tpu.memory_space<semaphore_mem>> -> memref<!tpu.dma_semaphore, #tpu.memory_space<semaphore_mem>>
        tpu.enqueue_indirect_dma source(%dma_start3A_282 : memref<10000x16xf32, #tpu.memory_space<hbm>>) target(%dma_start3A_276 : memref<128x16xf32, #tpu.memory_space<vmem>>) offsets(%dma_start3A_279 : memref<128xi32, #tpu.memory_space<vmem>>) semaphore(%dma_start3A_284 : memref<!tpu.dma_semaphore, #tpu.memory_space<semaphore_mem>>)
      } else {
      }
      %mul3A_146 = arith.constant 8 : i32
      %mul3A_147 = arith.muli %while3A_106, %mul3A_146 : i32
      %add3A_148 = arith.constant 2 : i32
      %add3A_149 = arith.addi %mul3A_147, %add3A_148 : i32
      %lt3A_150 = arith.cmpi slt, %add3A_149, %reduce_max3A_20 : i32
      %convert_element_type3A_151 = arith.extui %lt3A_150 : i1 to i32
      %cond3A_152 = arith.constant 0 : i32
      %cond3A_153 = arith.cmpi ne, %convert_element_type3A_151, %cond3A_152 : i32
      scf.if %cond3A_153 {
        %dma_wait3A = arith.constant 2 : i32
        %dma_wait3A_272 = arith.constant 2 : i32
        %dma_wait3A_273 = arith.constant 0 : i32
        %dma_wait3A_274 = arith.constant 0 : i32
        %dma_wait3A_275 = tpu.memref_slice %arg9[%dma_wait3A, %dma_wait3A_273, %dma_wait3A_274] : memref<8x128x16xf32, #tpu.memory_space<vmem>> -> memref<1x128x16xf32, #tpu.memory_space<vmem>>
        %dma_wait3A_276 = tpu.memref_squeeze %dma_wait3A_275 : memref<1x128x16xf32, #tpu.memory_space<vmem>> -> memref<128x16xf32, #tpu.memory_space<vmem>>
        %dma_wait3A_277 = arith.constant 0 : i32
        %dma_wait3A_278 = tpu.memref_slice %arg7[%add3A_149, %dma_wait3A_277] : memref<80x128xi32, #tpu.memory_space<vmem>> -> memref<1x128xi32, #tpu.memory_space<vmem>>
        %dma_wait3A_279 = tpu.memref_squeeze %dma_wait3A_278 : memref<1x128xi32, #tpu.memory_space<vmem>> -> memref<128xi32, #tpu.memory_space<vmem>>
        %dma_wait3A_280 = arith.constant 0 : i32
        %dma_wait3A_281 = arith.constant 0 : i32
        %dma_wait3A_282 = tpu.memref_slice %arg2[%dma_wait3A_280, %dma_wait3A_281] : memref<10000x16xf32, #tpu.memory_space<hbm>> -> memref<10000x16xf32, #tpu.memory_space<hbm>>
        %dma_wait3A_283 = tpu.memref_slice %arg12[%dma_wait3A_272] : memref<8x!tpu.dma_semaphore, #tpu.memory_space<semaphore_mem>> -> memref<1x!tpu.dma_semaphore, #tpu.memory_space<semaphore_mem>>
        %dma_wait3A_284 = tpu.memref_squeeze %dma_wait3A_283 : memref<1x!tpu.dma_semaphore, #tpu.memory_space<semaphore_mem>> -> memref<!tpu.dma_semaphore, #tpu.memory_space<semaphore_mem>>
        tpu.wait_indirect_dma semaphore(%dma_wait3A_284 : memref<!tpu.dma_semaphore, #tpu.memory_space<semaphore_mem>>) src(%dma_wait3A_282 : memref<10000x16xf32, #tpu.memory_space<hbm>>) dst(%dma_wait3A_276 : memref<128x16xf32, #tpu.memory_space<vmem>>)
        %dma_start3A = arith.constant 2 : i32
        %dma_start3A_285 = arith.constant 2 : i32
        %dma_start3A_286 = arith.constant 0 : i32
        %dma_start3A_287 = arith.constant 0 : i32
        %dma_start3A_288 = tpu.memref_slice %arg9[%dma_start3A, %dma_start3A_286, %dma_start3A_287] : memref<8x128x16xf32, #tpu.memory_space<vmem>> -> memref<1x128x16xf32, #tpu.memory_space<vmem>>
        %dma_start3A_289 = tpu.memref_squeeze %dma_start3A_288 : memref<1x128x16xf32, #tpu.memory_space<vmem>> -> memref<128x16xf32, #tpu.memory_space<vmem>>
        %dma_start3A_290 = arith.constant 0 : i32
        %dma_start3A_291 = tpu.memref_slice %arg8[%add3A_149, %dma_start3A_290] : memref<80x128xi32, #tpu.memory_space<vmem>> -> memref<1x128xi32, #tpu.memory_space<vmem>>
        %dma_start3A_292 = tpu.memref_squeeze %dma_start3A_291 : memref<1x128xi32, #tpu.memory_space<vmem>> -> memref<128xi32, #tpu.memory_space<vmem>>
        %dma_start3A_293 = arith.constant 0 : i32
        %dma_start3A_294 = arith.constant 0 : i32
        %dma_start3A_295 = tpu.memref_slice %arg11[%dma_start3A_293, %dma_start3A_294] : memref<2176x16xf32, #tpu.memory_space<vmem_shared>> -> memref<2176x16xf32, #tpu.memory_space<vmem_shared>>
        %dma_start3A_296 = tpu.memref_slice %arg13[%dma_start3A_285] : memref<8x!tpu.dma_semaphore, #tpu.memory_space<semaphore_mem>> -> memref<1x!tpu.dma_semaphore, #tpu.memory_space<semaphore_mem>>
        %dma_start3A_297 = tpu.memref_squeeze %dma_start3A_296 : memref<1x!tpu.dma_semaphore, #tpu.memory_space<semaphore_mem>> -> memref<!tpu.dma_semaphore, #tpu.memory_space<semaphore_mem>>
        tpu.enqueue_indirect_dma source(%dma_start3A_289 : memref<128x16xf32, #tpu.memory_space<vmem>>) target(%dma_start3A_295 : memref<2176x16xf32, #tpu.memory_space<vmem_shared>>) offsets(%dma_start3A_292 : memref<128xi32, #tpu.memory_space<vmem>>) semaphore(%dma_start3A_297 : memref<!tpu.dma_semaphore, #tpu.memory_space<semaphore_mem>>) {add = true}
      } else {
      }
      %add3A_154 = arith.constant 6 : i32
      %add3A_155 = arith.addi %add3A_149, %add3A_154 : i32
      %ge3A_156 = arith.constant 8 : i32
      %ge3A_157 = arith.cmpi sge, %add3A_155, %ge3A_156 : i32
      %lt3A_158 = arith.cmpi slt, %add3A_155, %reduce_max3A_20 : i32
      %and3A_159 = arith.andi %ge3A_157, %lt3A_158 : i1
      %convert_element_type3A_160 = arith.extui %and3A_159 : i1 to i32
      %cond3A_161 = arith.constant 0 : i32
      %cond3A_162 = arith.cmpi ne, %convert_element_type3A_160, %cond3A_161 : i32
      scf.if %cond3A_162 {
        %sub3A_272 = arith.constant 8 : i32
        %sub3A_273 = arith.subi %add3A_155, %sub3A_272 : i32
        %dma_wait3A = arith.constant 0 : i32
        %dma_wait3A_274 = arith.constant 0 : i32
        %dma_wait3A_275 = arith.constant 0 : i32
        %dma_wait3A_276 = arith.constant 0 : i32
        %dma_wait3A_277 = tpu.memref_slice %arg9[%dma_wait3A, %dma_wait3A_275, %dma_wait3A_276] : memref<8x128x16xf32, #tpu.memory_space<vmem>> -> memref<1x128x16xf32, #tpu.memory_space<vmem>>
        %dma_wait3A_278 = tpu.memref_squeeze %dma_wait3A_277 : memref<1x128x16xf32, #tpu.memory_space<vmem>> -> memref<128x16xf32, #tpu.memory_space<vmem>>
        %dma_wait3A_279 = arith.constant 0 : i32
        %dma_wait3A_280 = tpu.memref_slice %arg8[%sub3A_273, %dma_wait3A_279] : memref<80x128xi32, #tpu.memory_space<vmem>> -> memref<1x128xi32, #tpu.memory_space<vmem>>
        %dma_wait3A_281 = tpu.memref_squeeze %dma_wait3A_280 : memref<1x128xi32, #tpu.memory_space<vmem>> -> memref<128xi32, #tpu.memory_space<vmem>>
        %dma_wait3A_282 = arith.constant 0 : i32
        %dma_wait3A_283 = arith.constant 0 : i32
        %dma_wait3A_284 = tpu.memref_slice %arg11[%dma_wait3A_282, %dma_wait3A_283] : memref<2176x16xf32, #tpu.memory_space<vmem_shared>> -> memref<2176x16xf32, #tpu.memory_space<vmem_shared>>
        %dma_wait3A_285 = tpu.memref_slice %arg13[%dma_wait3A_274] : memref<8x!tpu.dma_semaphore, #tpu.memory_space<semaphore_mem>> -> memref<1x!tpu.dma_semaphore, #tpu.memory_space<semaphore_mem>>
        %dma_wait3A_286 = tpu.memref_squeeze %dma_wait3A_285 : memref<1x!tpu.dma_semaphore, #tpu.memory_space<semaphore_mem>> -> memref<!tpu.dma_semaphore, #tpu.memory_space<semaphore_mem>>
        tpu.wait_indirect_dma semaphore(%dma_wait3A_286 : memref<!tpu.dma_semaphore, #tpu.memory_space<semaphore_mem>>) src(%dma_wait3A_278 : memref<128x16xf32, #tpu.memory_space<vmem>>) dst(%dma_wait3A_284 : memref<2176x16xf32, #tpu.memory_space<vmem_shared>>)
      } else {
      }
      %lt3A_163 = arith.cmpi slt, %add3A_155, %reduce_max3A_20 : i32
      %convert_element_type3A_164 = arith.extui %lt3A_163 : i1 to i32
      %cond3A_165 = arith.constant 0 : i32
      %cond3A_166 = arith.cmpi ne, %convert_element_type3A_164, %cond3A_165 : i32
      scf.if %cond3A_166 {
        %dma_start3A = arith.constant 0 : i32
        %dma_start3A_272 = arith.constant 0 : i32
        %dma_start3A_273 = arith.constant 0 : i32
        %dma_start3A_274 = arith.constant 0 : i32
        %dma_start3A_275 = tpu.memref_slice %arg9[%dma_start3A, %dma_start3A_273, %dma_start3A_274] : memref<8x128x16xf32, #tpu.memory_space<vmem>> -> memref<1x128x16xf32, #tpu.memory_space<vmem>>
        %dma_start3A_276 = tpu.memref_squeeze %dma_start3A_275 : memref<1x128x16xf32, #tpu.memory_space<vmem>> -> memref<128x16xf32, #tpu.memory_space<vmem>>
        %dma_start3A_277 = arith.constant 0 : i32
        %dma_start3A_278 = tpu.memref_slice %arg7[%add3A_155, %dma_start3A_277] : memref<80x128xi32, #tpu.memory_space<vmem>> -> memref<1x128xi32, #tpu.memory_space<vmem>>
        %dma_start3A_279 = tpu.memref_squeeze %dma_start3A_278 : memref<1x128xi32, #tpu.memory_space<vmem>> -> memref<128xi32, #tpu.memory_space<vmem>>
        %dma_start3A_280 = arith.constant 0 : i32
        %dma_start3A_281 = arith.constant 0 : i32
        %dma_start3A_282 = tpu.memref_slice %arg2[%dma_start3A_280, %dma_start3A_281] : memref<10000x16xf32, #tpu.memory_space<hbm>> -> memref<10000x16xf32, #tpu.memory_space<hbm>>
        %dma_start3A_283 = tpu.memref_slice %arg12[%dma_start3A_272] : memref<8x!tpu.dma_semaphore, #tpu.memory_space<semaphore_mem>> -> memref<1x!tpu.dma_semaphore, #tpu.memory_space<semaphore_mem>>
        %dma_start3A_284 = tpu.memref_squeeze %dma_start3A_283 : memref<1x!tpu.dma_semaphore, #tpu.memory_space<semaphore_mem>> -> memref<!tpu.dma_semaphore, #tpu.memory_space<semaphore_mem>>
        tpu.enqueue_indirect_dma source(%dma_start3A_282 : memref<10000x16xf32, #tpu.memory_space<hbm>>) target(%dma_start3A_276 : memref<128x16xf32, #tpu.memory_space<vmem>>) offsets(%dma_start3A_279 : memref<128xi32, #tpu.memory_space<vmem>>) semaphore(%dma_start3A_284 : memref<!tpu.dma_semaphore, #tpu.memory_space<semaphore_mem>>)
      } else {
      }
      %mul3A_167 = arith.constant 8 : i32
      %mul3A_168 = arith.muli %while3A_106, %mul3A_167 : i32
      %add3A_169 = arith.constant 3 : i32
      %add3A_170 = arith.addi %mul3A_168, %add3A_169 : i32
      %lt3A_171 = arith.cmpi slt, %add3A_170, %reduce_max3A_20 : i32
      %convert_element_type3A_172 = arith.extui %lt3A_171 : i1 to i32
      %cond3A_173 = arith.constant 0 : i32
      %cond3A_174 = arith.cmpi ne, %convert_element_type3A_172, %cond3A_173 : i32
      scf.if %cond3A_174 {
        %dma_wait3A = arith.constant 3 : i32
        %dma_wait3A_272 = arith.constant 3 : i32
        %dma_wait3A_273 = arith.constant 0 : i32
        %dma_wait3A_274 = arith.constant 0 : i32
        %dma_wait3A_275 = tpu.memref_slice %arg9[%dma_wait3A, %dma_wait3A_273, %dma_wait3A_274] : memref<8x128x16xf32, #tpu.memory_space<vmem>> -> memref<1x128x16xf32, #tpu.memory_space<vmem>>
        %dma_wait3A_276 = tpu.memref_squeeze %dma_wait3A_275 : memref<1x128x16xf32, #tpu.memory_space<vmem>> -> memref<128x16xf32, #tpu.memory_space<vmem>>
        %dma_wait3A_277 = arith.constant 0 : i32
        %dma_wait3A_278 = tpu.memref_slice %arg7[%add3A_170, %dma_wait3A_277] : memref<80x128xi32, #tpu.memory_space<vmem>> -> memref<1x128xi32, #tpu.memory_space<vmem>>
        %dma_wait3A_279 = tpu.memref_squeeze %dma_wait3A_278 : memref<1x128xi32, #tpu.memory_space<vmem>> -> memref<128xi32, #tpu.memory_space<vmem>>
        %dma_wait3A_280 = arith.constant 0 : i32
        %dma_wait3A_281 = arith.constant 0 : i32
        %dma_wait3A_282 = tpu.memref_slice %arg2[%dma_wait3A_280, %dma_wait3A_281] : memref<10000x16xf32, #tpu.memory_space<hbm>> -> memref<10000x16xf32, #tpu.memory_space<hbm>>
        %dma_wait3A_283 = tpu.memref_slice %arg12[%dma_wait3A_272] : memref<8x!tpu.dma_semaphore, #tpu.memory_space<semaphore_mem>> -> memref<1x!tpu.dma_semaphore, #tpu.memory_space<semaphore_mem>>
        %dma_wait3A_284 = tpu.memref_squeeze %dma_wait3A_283 : memref<1x!tpu.dma_semaphore, #tpu.memory_space<semaphore_mem>> -> memref<!tpu.dma_semaphore, #tpu.memory_space<semaphore_mem>>
        tpu.wait_indirect_dma semaphore(%dma_wait3A_284 : memref<!tpu.dma_semaphore, #tpu.memory_space<semaphore_mem>>) src(%dma_wait3A_282 : memref<10000x16xf32, #tpu.memory_space<hbm>>) dst(%dma_wait3A_276 : memref<128x16xf32, #tpu.memory_space<vmem>>)
        %dma_start3A = arith.constant 3 : i32
        %dma_start3A_285 = arith.constant 3 : i32
        %dma_start3A_286 = arith.constant 0 : i32
        %dma_start3A_287 = arith.constant 0 : i32
        %dma_start3A_288 = tpu.memref_slice %arg9[%dma_start3A, %dma_start3A_286, %dma_start3A_287] : memref<8x128x16xf32, #tpu.memory_space<vmem>> -> memref<1x128x16xf32, #tpu.memory_space<vmem>>
        %dma_start3A_289 = tpu.memref_squeeze %dma_start3A_288 : memref<1x128x16xf32, #tpu.memory_space<vmem>> -> memref<128x16xf32, #tpu.memory_space<vmem>>
        %dma_start3A_290 = arith.constant 0 : i32
        %dma_start3A_291 = tpu.memref_slice %arg8[%add3A_170, %dma_start3A_290] : memref<80x128xi32, #tpu.memory_space<vmem>> -> memref<1x128xi32, #tpu.memory_space<vmem>>
        %dma_start3A_292 = tpu.memref_squeeze %dma_start3A_291 : memref<1x128xi32, #tpu.memory_space<vmem>> -> memref<128xi32, #tpu.memory_space<vmem>>
        %dma_start3A_293 = arith.constant 0 : i32
        %dma_start3A_294 = arith.constant 0 : i32
        %dma_start3A_295 = tpu.memref_slice %arg11[%dma_start3A_293, %dma_start3A_294] : memref<2176x16xf32, #tpu.memory_space<vmem_shared>> -> memref<2176x16xf32, #tpu.memory_space<vmem_shared>>
        %dma_start3A_296 = tpu.memref_slice %arg13[%dma_start3A_285] : memref<8x!tpu.dma_semaphore, #tpu.memory_space<semaphore_mem>> -> memref<1x!tpu.dma_semaphore, #tpu.memory_space<semaphore_mem>>
        %dma_start3A_297 = tpu.memref_squeeze %dma_start3A_296 : memref<1x!tpu.dma_semaphore, #tpu.memory_space<semaphore_mem>> -> memref<!tpu.dma_semaphore, #tpu.memory_space<semaphore_mem>>
        tpu.enqueue_indirect_dma source(%dma_start3A_289 : memref<128x16xf32, #tpu.memory_space<vmem>>) target(%dma_start3A_295 : memref<2176x16xf32, #tpu.memory_space<vmem_shared>>) offsets(%dma_start3A_292 : memref<128xi32, #tpu.memory_space<vmem>>) semaphore(%dma_start3A_297 : memref<!tpu.dma_semaphore, #tpu.memory_space<semaphore_mem>>) {add = true}
      } else {
      }
      %add3A_175 = arith.constant 6 : i32
      %add3A_176 = arith.addi %add3A_170, %add3A_175 : i32
      %ge3A_177 = arith.constant 8 : i32
      %ge3A_178 = arith.cmpi sge, %add3A_176, %ge3A_177 : i32
      %lt3A_179 = arith.cmpi slt, %add3A_176, %reduce_max3A_20 : i32
      %and3A_180 = arith.andi %ge3A_178, %lt3A_179 : i1
      %convert_element_type3A_181 = arith.extui %and3A_180 : i1 to i32
      %cond3A_182 = arith.constant 0 : i32
      %cond3A_183 = arith.cmpi ne, %convert_element_type3A_181, %cond3A_182 : i32
      scf.if %cond3A_183 {
        %sub3A_272 = arith.constant 8 : i32
        %sub3A_273 = arith.subi %add3A_176, %sub3A_272 : i32
        %dma_wait3A = arith.constant 1 : i32
        %dma_wait3A_274 = arith.constant 1 : i32
        %dma_wait3A_275 = arith.constant 0 : i32
        %dma_wait3A_276 = arith.constant 0 : i32
        %dma_wait3A_277 = tpu.memref_slice %arg9[%dma_wait3A, %dma_wait3A_275, %dma_wait3A_276] : memref<8x128x16xf32, #tpu.memory_space<vmem>> -> memref<1x128x16xf32, #tpu.memory_space<vmem>>
        %dma_wait3A_278 = tpu.memref_squeeze %dma_wait3A_277 : memref<1x128x16xf32, #tpu.memory_space<vmem>> -> memref<128x16xf32, #tpu.memory_space<vmem>>
        %dma_wait3A_279 = arith.constant 0 : i32
        %dma_wait3A_280 = tpu.memref_slice %arg8[%sub3A_273, %dma_wait3A_279] : memref<80x128xi32, #tpu.memory_space<vmem>> -> memref<1x128xi32, #tpu.memory_space<vmem>>
        %dma_wait3A_281 = tpu.memref_squeeze %dma_wait3A_280 : memref<1x128xi32, #tpu.memory_space<vmem>> -> memref<128xi32, #tpu.memory_space<vmem>>
        %dma_wait3A_282 = arith.constant 0 : i32
        %dma_wait3A_283 = arith.constant 0 : i32
        %dma_wait3A_284 = tpu.memref_slice %arg11[%dma_wait3A_282, %dma_wait3A_283] : memref<2176x16xf32, #tpu.memory_space<vmem_shared>> -> memref<2176x16xf32, #tpu.memory_space<vmem_shared>>
        %dma_wait3A_285 = tpu.memref_slice %arg13[%dma_wait3A_274] : memref<8x!tpu.dma_semaphore, #tpu.memory_space<semaphore_mem>> -> memref<1x!tpu.dma_semaphore, #tpu.memory_space<semaphore_mem>>
        %dma_wait3A_286 = tpu.memref_squeeze %dma_wait3A_285 : memref<1x!tpu.dma_semaphore, #tpu.memory_space<semaphore_mem>> -> memref<!tpu.dma_semaphore, #tpu.memory_space<semaphore_mem>>
        tpu.wait_indirect_dma semaphore(%dma_wait3A_286 : memref<!tpu.dma_semaphore, #tpu.memory_space<semaphore_mem>>) src(%dma_wait3A_278 : memref<128x16xf32, #tpu.memory_space<vmem>>) dst(%dma_wait3A_284 : memref<2176x16xf32, #tpu.memory_space<vmem_shared>>)
      } else {
      }
      %lt3A_184 = arith.cmpi slt, %add3A_176, %reduce_max3A_20 : i32
      %convert_element_type3A_185 = arith.extui %lt3A_184 : i1 to i32
      %cond3A_186 = arith.constant 0 : i32
      %cond3A_187 = arith.cmpi ne, %convert_element_type3A_185, %cond3A_186 : i32
      scf.if %cond3A_187 {
        %dma_start3A = arith.constant 1 : i32
        %dma_start3A_272 = arith.constant 1 : i32
        %dma_start3A_273 = arith.constant 0 : i32
        %dma_start3A_274 = arith.constant 0 : i32
        %dma_start3A_275 = tpu.memref_slice %arg9[%dma_start3A, %dma_start3A_273, %dma_start3A_274] : memref<8x128x16xf32, #tpu.memory_space<vmem>> -> memref<1x128x16xf32, #tpu.memory_space<vmem>>
        %dma_start3A_276 = tpu.memref_squeeze %dma_start3A_275 : memref<1x128x16xf32, #tpu.memory_space<vmem>> -> memref<128x16xf32, #tpu.memory_space<vmem>>
        %dma_start3A_277 = arith.constant 0 : i32
        %dma_start3A_278 = tpu.memref_slice %arg7[%add3A_176, %dma_start3A_277] : memref<80x128xi32, #tpu.memory_space<vmem>> -> memref<1x128xi32, #tpu.memory_space<vmem>>
        %dma_start3A_279 = tpu.memref_squeeze %dma_start3A_278 : memref<1x128xi32, #tpu.memory_space<vmem>> -> memref<128xi32, #tpu.memory_space<vmem>>
        %dma_start3A_280 = arith.constant 0 : i32
        %dma_start3A_281 = arith.constant 0 : i32
        %dma_start3A_282 = tpu.memref_slice %arg2[%dma_start3A_280, %dma_start3A_281] : memref<10000x16xf32, #tpu.memory_space<hbm>> -> memref<10000x16xf32, #tpu.memory_space<hbm>>
        %dma_start3A_283 = tpu.memref_slice %arg12[%dma_start3A_272] : memref<8x!tpu.dma_semaphore, #tpu.memory_space<semaphore_mem>> -> memref<1x!tpu.dma_semaphore, #tpu.memory_space<semaphore_mem>>
        %dma_start3A_284 = tpu.memref_squeeze %dma_start3A_283 : memref<1x!tpu.dma_semaphore, #tpu.memory_space<semaphore_mem>> -> memref<!tpu.dma_semaphore, #tpu.memory_space<semaphore_mem>>
        tpu.enqueue_indirect_dma source(%dma_start3A_282 : memref<10000x16xf32, #tpu.memory_space<hbm>>) target(%dma_start3A_276 : memref<128x16xf32, #tpu.memory_space<vmem>>) offsets(%dma_start3A_279 : memref<128xi32, #tpu.memory_space<vmem>>) semaphore(%dma_start3A_284 : memref<!tpu.dma_semaphore, #tpu.memory_space<semaphore_mem>>)
      } else {
      }
      %mul3A_188 = arith.constant 8 : i32
      %mul3A_189 = arith.muli %while3A_106, %mul3A_188 : i32
      %add3A_190 = arith.constant 4 : i32
      %add3A_191 = arith.addi %mul3A_189, %add3A_190 : i32
      %lt3A_192 = arith.cmpi slt, %add3A_191, %reduce_max3A_20 : i32
      %convert_element_type3A_193 = arith.extui %lt3A_192 : i1 to i32
      %cond3A_194 = arith.constant 0 : i32
      %cond3A_195 = arith.cmpi ne, %convert_element_type3A_193, %cond3A_194 : i32
      scf.if %cond3A_195 {
        %dma_wait3A = arith.constant 4 : i32
        %dma_wait3A_272 = arith.constant 4 : i32
        %dma_wait3A_273 = arith.constant 0 : i32
        %dma_wait3A_274 = arith.constant 0 : i32
        %dma_wait3A_275 = tpu.memref_slice %arg9[%dma_wait3A, %dma_wait3A_273, %dma_wait3A_274] : memref<8x128x16xf32, #tpu.memory_space<vmem>> -> memref<1x128x16xf32, #tpu.memory_space<vmem>>
        %dma_wait3A_276 = tpu.memref_squeeze %dma_wait3A_275 : memref<1x128x16xf32, #tpu.memory_space<vmem>> -> memref<128x16xf32, #tpu.memory_space<vmem>>
        %dma_wait3A_277 = arith.constant 0 : i32
        %dma_wait3A_278 = tpu.memref_slice %arg7[%add3A_191, %dma_wait3A_277] : memref<80x128xi32, #tpu.memory_space<vmem>> -> memref<1x128xi32, #tpu.memory_space<vmem>>
        %dma_wait3A_279 = tpu.memref_squeeze %dma_wait3A_278 : memref<1x128xi32, #tpu.memory_space<vmem>> -> memref<128xi32, #tpu.memory_space<vmem>>
        %dma_wait3A_280 = arith.constant 0 : i32
        %dma_wait3A_281 = arith.constant 0 : i32
        %dma_wait3A_282 = tpu.memref_slice %arg2[%dma_wait3A_280, %dma_wait3A_281] : memref<10000x16xf32, #tpu.memory_space<hbm>> -> memref<10000x16xf32, #tpu.memory_space<hbm>>
        %dma_wait3A_283 = tpu.memref_slice %arg12[%dma_wait3A_272] : memref<8x!tpu.dma_semaphore, #tpu.memory_space<semaphore_mem>> -> memref<1x!tpu.dma_semaphore, #tpu.memory_space<semaphore_mem>>
        %dma_wait3A_284 = tpu.memref_squeeze %dma_wait3A_283 : memref<1x!tpu.dma_semaphore, #tpu.memory_space<semaphore_mem>> -> memref<!tpu.dma_semaphore, #tpu.memory_space<semaphore_mem>>
        tpu.wait_indirect_dma semaphore(%dma_wait3A_284 : memref<!tpu.dma_semaphore, #tpu.memory_space<semaphore_mem>>) src(%dma_wait3A_282 : memref<10000x16xf32, #tpu.memory_space<hbm>>) dst(%dma_wait3A_276 : memref<128x16xf32, #tpu.memory_space<vmem>>)
        %dma_start3A = arith.constant 4 : i32
        %dma_start3A_285 = arith.constant 4 : i32
        %dma_start3A_286 = arith.constant 0 : i32
        %dma_start3A_287 = arith.constant 0 : i32
        %dma_start3A_288 = tpu.memref_slice %arg9[%dma_start3A, %dma_start3A_286, %dma_start3A_287] : memref<8x128x16xf32, #tpu.memory_space<vmem>> -> memref<1x128x16xf32, #tpu.memory_space<vmem>>
        %dma_start3A_289 = tpu.memref_squeeze %dma_start3A_288 : memref<1x128x16xf32, #tpu.memory_space<vmem>> -> memref<128x16xf32, #tpu.memory_space<vmem>>
        %dma_start3A_290 = arith.constant 0 : i32
        %dma_start3A_291 = tpu.memref_slice %arg8[%add3A_191, %dma_start3A_290] : memref<80x128xi32, #tpu.memory_space<vmem>> -> memref<1x128xi32, #tpu.memory_space<vmem>>
        %dma_start3A_292 = tpu.memref_squeeze %dma_start3A_291 : memref<1x128xi32, #tpu.memory_space<vmem>> -> memref<128xi32, #tpu.memory_space<vmem>>
        %dma_start3A_293 = arith.constant 0 : i32
        %dma_start3A_294 = arith.constant 0 : i32
        %dma_start3A_295 = tpu.memref_slice %arg11[%dma_start3A_293, %dma_start3A_294] : memref<2176x16xf32, #tpu.memory_space<vmem_shared>> -> memref<2176x16xf32, #tpu.memory_space<vmem_shared>>
        %dma_start3A_296 = tpu.memref_slice %arg13[%dma_start3A_285] : memref<8x!tpu.dma_semaphore, #tpu.memory_space<semaphore_mem>> -> memref<1x!tpu.dma_semaphore, #tpu.memory_space<semaphore_mem>>
        %dma_start3A_297 = tpu.memref_squeeze %dma_start3A_296 : memref<1x!tpu.dma_semaphore, #tpu.memory_space<semaphore_mem>> -> memref<!tpu.dma_semaphore, #tpu.memory_space<semaphore_mem>>
        tpu.enqueue_indirect_dma source(%dma_start3A_289 : memref<128x16xf32, #tpu.memory_space<vmem>>) target(%dma_start3A_295 : memref<2176x16xf32, #tpu.memory_space<vmem_shared>>) offsets(%dma_start3A_292 : memref<128xi32, #tpu.memory_space<vmem>>) semaphore(%dma_start3A_297 : memref<!tpu.dma_semaphore, #tpu.memory_space<semaphore_mem>>) {add = true}
      } else {
      }
      %add3A_196 = arith.constant 6 : i32
      %add3A_197 = arith.addi %add3A_191, %add3A_196 : i32
      %ge3A_198 = arith.constant 8 : i32
      %ge3A_199 = arith.cmpi sge, %add3A_197, %ge3A_198 : i32
      %lt3A_200 = arith.cmpi slt, %add3A_197, %reduce_max3A_20 : i32
      %and3A_201 = arith.andi %ge3A_199, %lt3A_200 : i1
      %convert_element_type3A_202 = arith.extui %and3A_201 : i1 to i32
      %cond3A_203 = arith.constant 0 : i32
      %cond3A_204 = arith.cmpi ne, %convert_element_type3A_202, %cond3A_203 : i32
      scf.if %cond3A_204 {
        %sub3A_272 = arith.constant 8 : i32
        %sub3A_273 = arith.subi %add3A_197, %sub3A_272 : i32
        %dma_wait3A = arith.constant 2 : i32
        %dma_wait3A_274 = arith.constant 2 : i32
        %dma_wait3A_275 = arith.constant 0 : i32
        %dma_wait3A_276 = arith.constant 0 : i32
        %dma_wait3A_277 = tpu.memref_slice %arg9[%dma_wait3A, %dma_wait3A_275, %dma_wait3A_276] : memref<8x128x16xf32, #tpu.memory_space<vmem>> -> memref<1x128x16xf32, #tpu.memory_space<vmem>>
        %dma_wait3A_278 = tpu.memref_squeeze %dma_wait3A_277 : memref<1x128x16xf32, #tpu.memory_space<vmem>> -> memref<128x16xf32, #tpu.memory_space<vmem>>
        %dma_wait3A_279 = arith.constant 0 : i32
        %dma_wait3A_280 = tpu.memref_slice %arg8[%sub3A_273, %dma_wait3A_279] : memref<80x128xi32, #tpu.memory_space<vmem>> -> memref<1x128xi32, #tpu.memory_space<vmem>>
        %dma_wait3A_281 = tpu.memref_squeeze %dma_wait3A_280 : memref<1x128xi32, #tpu.memory_space<vmem>> -> memref<128xi32, #tpu.memory_space<vmem>>
        %dma_wait3A_282 = arith.constant 0 : i32
        %dma_wait3A_283 = arith.constant 0 : i32
        %dma_wait3A_284 = tpu.memref_slice %arg11[%dma_wait3A_282, %dma_wait3A_283] : memref<2176x16xf32, #tpu.memory_space<vmem_shared>> -> memref<2176x16xf32, #tpu.memory_space<vmem_shared>>
        %dma_wait3A_285 = tpu.memref_slice %arg13[%dma_wait3A_274] : memref<8x!tpu.dma_semaphore, #tpu.memory_space<semaphore_mem>> -> memref<1x!tpu.dma_semaphore, #tpu.memory_space<semaphore_mem>>
        %dma_wait3A_286 = tpu.memref_squeeze %dma_wait3A_285 : memref<1x!tpu.dma_semaphore, #tpu.memory_space<semaphore_mem>> -> memref<!tpu.dma_semaphore, #tpu.memory_space<semaphore_mem>>
        tpu.wait_indirect_dma semaphore(%dma_wait3A_286 : memref<!tpu.dma_semaphore, #tpu.memory_space<semaphore_mem>>) src(%dma_wait3A_278 : memref<128x16xf32, #tpu.memory_space<vmem>>) dst(%dma_wait3A_284 : memref<2176x16xf32, #tpu.memory_space<vmem_shared>>)
      } else {
      }
      %lt3A_205 = arith.cmpi slt, %add3A_197, %reduce_max3A_20 : i32
      %convert_element_type3A_206 = arith.extui %lt3A_205 : i1 to i32
      %cond3A_207 = arith.constant 0 : i32
      %cond3A_208 = arith.cmpi ne, %convert_element_type3A_206, %cond3A_207 : i32
      scf.if %cond3A_208 {
        %dma_start3A = arith.constant 2 : i32
        %dma_start3A_272 = arith.constant 2 : i32
        %dma_start3A_273 = arith.constant 0 : i32
        %dma_start3A_274 = arith.constant 0 : i32
        %dma_start3A_275 = tpu.memref_slice %arg9[%dma_start3A, %dma_start3A_273, %dma_start3A_274] : memref<8x128x16xf32, #tpu.memory_space<vmem>> -> memref<1x128x16xf32, #tpu.memory_space<vmem>>
        %dma_start3A_276 = tpu.memref_squeeze %dma_start3A_275 : memref<1x128x16xf32, #tpu.memory_space<vmem>> -> memref<128x16xf32, #tpu.memory_space<vmem>>
        %dma_start3A_277 = arith.constant 0 : i32
        %dma_start3A_278 = tpu.memref_slice %arg7[%add3A_197, %dma_start3A_277] : memref<80x128xi32, #tpu.memory_space<vmem>> -> memref<1x128xi32, #tpu.memory_space<vmem>>
        %dma_start3A_279 = tpu.memref_squeeze %dma_start3A_278 : memref<1x128xi32, #tpu.memory_space<vmem>> -> memref<128xi32, #tpu.memory_space<vmem>>
        %dma_start3A_280 = arith.constant 0 : i32
        %dma_start3A_281 = arith.constant 0 : i32
        %dma_start3A_282 = tpu.memref_slice %arg2[%dma_start3A_280, %dma_start3A_281] : memref<10000x16xf32, #tpu.memory_space<hbm>> -> memref<10000x16xf32, #tpu.memory_space<hbm>>
        %dma_start3A_283 = tpu.memref_slice %arg12[%dma_start3A_272] : memref<8x!tpu.dma_semaphore, #tpu.memory_space<semaphore_mem>> -> memref<1x!tpu.dma_semaphore, #tpu.memory_space<semaphore_mem>>
        %dma_start3A_284 = tpu.memref_squeeze %dma_start3A_283 : memref<1x!tpu.dma_semaphore, #tpu.memory_space<semaphore_mem>> -> memref<!tpu.dma_semaphore, #tpu.memory_space<semaphore_mem>>
        tpu.enqueue_indirect_dma source(%dma_start3A_282 : memref<10000x16xf32, #tpu.memory_space<hbm>>) target(%dma_start3A_276 : memref<128x16xf32, #tpu.memory_space<vmem>>) offsets(%dma_start3A_279 : memref<128xi32, #tpu.memory_space<vmem>>) semaphore(%dma_start3A_284 : memref<!tpu.dma_semaphore, #tpu.memory_space<semaphore_mem>>)
      } else {
      }
      %mul3A_209 = arith.constant 8 : i32
      %mul3A_210 = arith.muli %while3A_106, %mul3A_209 : i32
      %add3A_211 = arith.constant 5 : i32
      %add3A_212 = arith.addi %mul3A_210, %add3A_211 : i32
      %lt3A_213 = arith.cmpi slt, %add3A_212, %reduce_max3A_20 : i32
      %convert_element_type3A_214 = arith.extui %lt3A_213 : i1 to i32
      %cond3A_215 = arith.constant 0 : i32
      %cond3A_216 = arith.cmpi ne, %convert_element_type3A_214, %cond3A_215 : i32
      scf.if %cond3A_216 {
        %dma_wait3A = arith.constant 5 : i32
        %dma_wait3A_272 = arith.constant 5 : i32
        %dma_wait3A_273 = arith.constant 0 : i32
        %dma_wait3A_274 = arith.constant 0 : i32
        %dma_wait3A_275 = tpu.memref_slice %arg9[%dma_wait3A, %dma_wait3A_273, %dma_wait3A_274] : memref<8x128x16xf32, #tpu.memory_space<vmem>> -> memref<1x128x16xf32, #tpu.memory_space<vmem>>
        %dma_wait3A_276 = tpu.memref_squeeze %dma_wait3A_275 : memref<1x128x16xf32, #tpu.memory_space<vmem>> -> memref<128x16xf32, #tpu.memory_space<vmem>>
        %dma_wait3A_277 = arith.constant 0 : i32
        %dma_wait3A_278 = tpu.memref_slice %arg7[%add3A_212, %dma_wait3A_277] : memref<80x128xi32, #tpu.memory_space<vmem>> -> memref<1x128xi32, #tpu.memory_space<vmem>>
        %dma_wait3A_279 = tpu.memref_squeeze %dma_wait3A_278 : memref<1x128xi32, #tpu.memory_space<vmem>> -> memref<128xi32, #tpu.memory_space<vmem>>
        %dma_wait3A_280 = arith.constant 0 : i32
        %dma_wait3A_281 = arith.constant 0 : i32
        %dma_wait3A_282 = tpu.memref_slice %arg2[%dma_wait3A_280, %dma_wait3A_281] : memref<10000x16xf32, #tpu.memory_space<hbm>> -> memref<10000x16xf32, #tpu.memory_space<hbm>>
        %dma_wait3A_283 = tpu.memref_slice %arg12[%dma_wait3A_272] : memref<8x!tpu.dma_semaphore, #tpu.memory_space<semaphore_mem>> -> memref<1x!tpu.dma_semaphore, #tpu.memory_space<semaphore_mem>>
        %dma_wait3A_284 = tpu.memref_squeeze %dma_wait3A_283 : memref<1x!tpu.dma_semaphore, #tpu.memory_space<semaphore_mem>> -> memref<!tpu.dma_semaphore, #tpu.memory_space<semaphore_mem>>
        tpu.wait_indirect_dma semaphore(%dma_wait3A_284 : memref<!tpu.dma_semaphore, #tpu.memory_space<semaphore_mem>>) src(%dma_wait3A_282 : memref<10000x16xf32, #tpu.memory_space<hbm>>) dst(%dma_wait3A_276 : memref<128x16xf32, #tpu.memory_space<vmem>>)
        %dma_start3A = arith.constant 5 : i32
        %dma_start3A_285 = arith.constant 5 : i32
        %dma_start3A_286 = arith.constant 0 : i32
        %dma_start3A_287 = arith.constant 0 : i32
        %dma_start3A_288 = tpu.memref_slice %arg9[%dma_start3A, %dma_start3A_286, %dma_start3A_287] : memref<8x128x16xf32, #tpu.memory_space<vmem>> -> memref<1x128x16xf32, #tpu.memory_space<vmem>>
        %dma_start3A_289 = tpu.memref_squeeze %dma_start3A_288 : memref<1x128x16xf32, #tpu.memory_space<vmem>> -> memref<128x16xf32, #tpu.memory_space<vmem>>
        %dma_start3A_290 = arith.constant 0 : i32
        %dma_start3A_291 = tpu.memref_slice %arg8[%add3A_212, %dma_start3A_290] : memref<80x128xi32, #tpu.memory_space<vmem>> -> memref<1x128xi32, #tpu.memory_space<vmem>>
        %dma_start3A_292 = tpu.memref_squeeze %dma_start3A_291 : memref<1x128xi32, #tpu.memory_space<vmem>> -> memref<128xi32, #tpu.memory_space<vmem>>
        %dma_start3A_293 = arith.constant 0 : i32
        %dma_start3A_294 = arith.constant 0 : i32
        %dma_start3A_295 = tpu.memref_slice %arg11[%dma_start3A_293, %dma_start3A_294] : memref<2176x16xf32, #tpu.memory_space<vmem_shared>> -> memref<2176x16xf32, #tpu.memory_space<vmem_shared>>
        %dma_start3A_296 = tpu.memref_slice %arg13[%dma_start3A_285] : memref<8x!tpu.dma_semaphore, #tpu.memory_space<semaphore_mem>> -> memref<1x!tpu.dma_semaphore, #tpu.memory_space<semaphore_mem>>
        %dma_start3A_297 = tpu.memref_squeeze %dma_start3A_296 : memref<1x!tpu.dma_semaphore, #tpu.memory_space<semaphore_mem>> -> memref<!tpu.dma_semaphore, #tpu.memory_space<semaphore_mem>>
        tpu.enqueue_indirect_dma source(%dma_start3A_289 : memref<128x16xf32, #tpu.memory_space<vmem>>) target(%dma_start3A_295 : memref<2176x16xf32, #tpu.memory_space<vmem_shared>>) offsets(%dma_start3A_292 : memref<128xi32, #tpu.memory_space<vmem>>) semaphore(%dma_start3A_297 : memref<!tpu.dma_semaphore, #tpu.memory_space<semaphore_mem>>) {add = true}
      } else {
      }
      %add3A_217 = arith.constant 6 : i32
      %add3A_218 = arith.addi %add3A_212, %add3A_217 : i32
      %ge3A_219 = arith.constant 8 : i32
      %ge3A_220 = arith.cmpi sge, %add3A_218, %ge3A_219 : i32
      %lt3A_221 = arith.cmpi slt, %add3A_218, %reduce_max3A_20 : i32
      %and3A_222 = arith.andi %ge3A_220, %lt3A_221 : i1
      %convert_element_type3A_223 = arith.extui %and3A_222 : i1 to i32
      %cond3A_224 = arith.constant 0 : i32
      %cond3A_225 = arith.cmpi ne, %convert_element_type3A_223, %cond3A_224 : i32
      scf.if %cond3A_225 {
        %sub3A_272 = arith.constant 8 : i32
        %sub3A_273 = arith.subi %add3A_218, %sub3A_272 : i32
        %dma_wait3A = arith.constant 3 : i32
        %dma_wait3A_274 = arith.constant 3 : i32
        %dma_wait3A_275 = arith.constant 0 : i32
        %dma_wait3A_276 = arith.constant 0 : i32
        %dma_wait3A_277 = tpu.memref_slice %arg9[%dma_wait3A, %dma_wait3A_275, %dma_wait3A_276] : memref<8x128x16xf32, #tpu.memory_space<vmem>> -> memref<1x128x16xf32, #tpu.memory_space<vmem>>
        %dma_wait3A_278 = tpu.memref_squeeze %dma_wait3A_277 : memref<1x128x16xf32, #tpu.memory_space<vmem>> -> memref<128x16xf32, #tpu.memory_space<vmem>>
        %dma_wait3A_279 = arith.constant 0 : i32
        %dma_wait3A_280 = tpu.memref_slice %arg8[%sub3A_273, %dma_wait3A_279] : memref<80x128xi32, #tpu.memory_space<vmem>> -> memref<1x128xi32, #tpu.memory_space<vmem>>
        %dma_wait3A_281 = tpu.memref_squeeze %dma_wait3A_280 : memref<1x128xi32, #tpu.memory_space<vmem>> -> memref<128xi32, #tpu.memory_space<vmem>>
        %dma_wait3A_282 = arith.constant 0 : i32
        %dma_wait3A_283 = arith.constant 0 : i32
        %dma_wait3A_284 = tpu.memref_slice %arg11[%dma_wait3A_282, %dma_wait3A_283] : memref<2176x16xf32, #tpu.memory_space<vmem_shared>> -> memref<2176x16xf32, #tpu.memory_space<vmem_shared>>
        %dma_wait3A_285 = tpu.memref_slice %arg13[%dma_wait3A_274] : memref<8x!tpu.dma_semaphore, #tpu.memory_space<semaphore_mem>> -> memref<1x!tpu.dma_semaphore, #tpu.memory_space<semaphore_mem>>
        %dma_wait3A_286 = tpu.memref_squeeze %dma_wait3A_285 : memref<1x!tpu.dma_semaphore, #tpu.memory_space<semaphore_mem>> -> memref<!tpu.dma_semaphore, #tpu.memory_space<semaphore_mem>>
        tpu.wait_indirect_dma semaphore(%dma_wait3A_286 : memref<!tpu.dma_semaphore, #tpu.memory_space<semaphore_mem>>) src(%dma_wait3A_278 : memref<128x16xf32, #tpu.memory_space<vmem>>) dst(%dma_wait3A_284 : memref<2176x16xf32, #tpu.memory_space<vmem_shared>>)
      } else {
      }
      %lt3A_226 = arith.cmpi slt, %add3A_218, %reduce_max3A_20 : i32
      %convert_element_type3A_227 = arith.extui %lt3A_226 : i1 to i32
      %cond3A_228 = arith.constant 0 : i32
      %cond3A_229 = arith.cmpi ne, %convert_element_type3A_227, %cond3A_228 : i32
      scf.if %cond3A_229 {
        %dma_start3A = arith.constant 3 : i32
        %dma_start3A_272 = arith.constant 3 : i32
        %dma_start3A_273 = arith.constant 0 : i32
        %dma_start3A_274 = arith.constant 0 : i32
        %dma_start3A_275 = tpu.memref_slice %arg9[%dma_start3A, %dma_start3A_273, %dma_start3A_274] : memref<8x128x16xf32, #tpu.memory_space<vmem>> -> memref<1x128x16xf32, #tpu.memory_space<vmem>>
        %dma_start3A_276 = tpu.memref_squeeze %dma_start3A_275 : memref<1x128x16xf32, #tpu.memory_space<vmem>> -> memref<128x16xf32, #tpu.memory_space<vmem>>
        %dma_start3A_277 = arith.constant 0 : i32
        %dma_start3A_278 = tpu.memref_slice %arg7[%add3A_218, %dma_start3A_277] : memref<80x128xi32, #tpu.memory_space<vmem>> -> memref<1x128xi32, #tpu.memory_space<vmem>>
        %dma_start3A_279 = tpu.memref_squeeze %dma_start3A_278 : memref<1x128xi32, #tpu.memory_space<vmem>> -> memref<128xi32, #tpu.memory_space<vmem>>
        %dma_start3A_280 = arith.constant 0 : i32
        %dma_start3A_281 = arith.constant 0 : i32
        %dma_start3A_282 = tpu.memref_slice %arg2[%dma_start3A_280, %dma_start3A_281] : memref<10000x16xf32, #tpu.memory_space<hbm>> -> memref<10000x16xf32, #tpu.memory_space<hbm>>
        %dma_start3A_283 = tpu.memref_slice %arg12[%dma_start3A_272] : memref<8x!tpu.dma_semaphore, #tpu.memory_space<semaphore_mem>> -> memref<1x!tpu.dma_semaphore, #tpu.memory_space<semaphore_mem>>
        %dma_start3A_284 = tpu.memref_squeeze %dma_start3A_283 : memref<1x!tpu.dma_semaphore, #tpu.memory_space<semaphore_mem>> -> memref<!tpu.dma_semaphore, #tpu.memory_space<semaphore_mem>>
        tpu.enqueue_indirect_dma source(%dma_start3A_282 : memref<10000x16xf32, #tpu.memory_space<hbm>>) target(%dma_start3A_276 : memref<128x16xf32, #tpu.memory_space<vmem>>) offsets(%dma_start3A_279 : memref<128xi32, #tpu.memory_space<vmem>>) semaphore(%dma_start3A_284 : memref<!tpu.dma_semaphore, #tpu.memory_space<semaphore_mem>>)
      } else {
      }
      %mul3A_230 = arith.constant 8 : i32
      %mul3A_231 = arith.muli %while3A_106, %mul3A_230 : i32
      %add3A_232 = arith.constant 6 : i32
      %add3A_233 = arith.addi %mul3A_231, %add3A_232 : i32
      %lt3A_234 = arith.cmpi slt, %add3A_233, %reduce_max3A_20 : i32
      %convert_element_type3A_235 = arith.extui %lt3A_234 : i1 to i32
      %cond3A_236 = arith.constant 0 : i32
      %cond3A_237 = arith.cmpi ne, %convert_element_type3A_235, %cond3A_236 : i32
      scf.if %cond3A_237 {
        %dma_wait3A = arith.constant 6 : i32
        %dma_wait3A_272 = arith.constant 6 : i32
        %dma_wait3A_273 = arith.constant 0 : i32
        %dma_wait3A_274 = arith.constant 0 : i32
        %dma_wait3A_275 = tpu.memref_slice %arg9[%dma_wait3A, %dma_wait3A_273, %dma_wait3A_274] : memref<8x128x16xf32, #tpu.memory_space<vmem>> -> memref<1x128x16xf32, #tpu.memory_space<vmem>>
        %dma_wait3A_276 = tpu.memref_squeeze %dma_wait3A_275 : memref<1x128x16xf32, #tpu.memory_space<vmem>> -> memref<128x16xf32, #tpu.memory_space<vmem>>
        %dma_wait3A_277 = arith.constant 0 : i32
        %dma_wait3A_278 = tpu.memref_slice %arg7[%add3A_233, %dma_wait3A_277] : memref<80x128xi32, #tpu.memory_space<vmem>> -> memref<1x128xi32, #tpu.memory_space<vmem>>
        %dma_wait3A_279 = tpu.memref_squeeze %dma_wait3A_278 : memref<1x128xi32, #tpu.memory_space<vmem>> -> memref<128xi32, #tpu.memory_space<vmem>>
        %dma_wait3A_280 = arith.constant 0 : i32
        %dma_wait3A_281 = arith.constant 0 : i32
        %dma_wait3A_282 = tpu.memref_slice %arg2[%dma_wait3A_280, %dma_wait3A_281] : memref<10000x16xf32, #tpu.memory_space<hbm>> -> memref<10000x16xf32, #tpu.memory_space<hbm>>
        %dma_wait3A_283 = tpu.memref_slice %arg12[%dma_wait3A_272] : memref<8x!tpu.dma_semaphore, #tpu.memory_space<semaphore_mem>> -> memref<1x!tpu.dma_semaphore, #tpu.memory_space<semaphore_mem>>
        %dma_wait3A_284 = tpu.memref_squeeze %dma_wait3A_283 : memref<1x!tpu.dma_semaphore, #tpu.memory_space<semaphore_mem>> -> memref<!tpu.dma_semaphore, #tpu.memory_space<semaphore_mem>>
        tpu.wait_indirect_dma semaphore(%dma_wait3A_284 : memref<!tpu.dma_semaphore, #tpu.memory_space<semaphore_mem>>) src(%dma_wait3A_282 : memref<10000x16xf32, #tpu.memory_space<hbm>>) dst(%dma_wait3A_276 : memref<128x16xf32, #tpu.memory_space<vmem>>)
        %dma_start3A = arith.constant 6 : i32
        %dma_start3A_285 = arith.constant 6 : i32
        %dma_start3A_286 = arith.constant 0 : i32
        %dma_start3A_287 = arith.constant 0 : i32
        %dma_start3A_288 = tpu.memref_slice %arg9[%dma_start3A, %dma_start3A_286, %dma_start3A_287] : memref<8x128x16xf32, #tpu.memory_space<vmem>> -> memref<1x128x16xf32, #tpu.memory_space<vmem>>
        %dma_start3A_289 = tpu.memref_squeeze %dma_start3A_288 : memref<1x128x16xf32, #tpu.memory_space<vmem>> -> memref<128x16xf32, #tpu.memory_space<vmem>>
        %dma_start3A_290 = arith.constant 0 : i32
        %dma_start3A_291 = tpu.memref_slice %arg8[%add3A_233, %dma_start3A_290] : memref<80x128xi32, #tpu.memory_space<vmem>> -> memref<1x128xi32, #tpu.memory_space<vmem>>
        %dma_start3A_292 = tpu.memref_squeeze %dma_start3A_291 : memref<1x128xi32, #tpu.memory_space<vmem>> -> memref<128xi32, #tpu.memory_space<vmem>>
        %dma_start3A_293 = arith.constant 0 : i32
        %dma_start3A_294 = arith.constant 0 : i32
        %dma_start3A_295 = tpu.memref_slice %arg11[%dma_start3A_293, %dma_start3A_294] : memref<2176x16xf32, #tpu.memory_space<vmem_shared>> -> memref<2176x16xf32, #tpu.memory_space<vmem_shared>>
        %dma_start3A_296 = tpu.memref_slice %arg13[%dma_start3A_285] : memref<8x!tpu.dma_semaphore, #tpu.memory_space<semaphore_mem>> -> memref<1x!tpu.dma_semaphore, #tpu.memory_space<semaphore_mem>>
        %dma_start3A_297 = tpu.memref_squeeze %dma_start3A_296 : memref<1x!tpu.dma_semaphore, #tpu.memory_space<semaphore_mem>> -> memref<!tpu.dma_semaphore, #tpu.memory_space<semaphore_mem>>
        tpu.enqueue_indirect_dma source(%dma_start3A_289 : memref<128x16xf32, #tpu.memory_space<vmem>>) target(%dma_start3A_295 : memref<2176x16xf32, #tpu.memory_space<vmem_shared>>) offsets(%dma_start3A_292 : memref<128xi32, #tpu.memory_space<vmem>>) semaphore(%dma_start3A_297 : memref<!tpu.dma_semaphore, #tpu.memory_space<semaphore_mem>>) {add = true}
      } else {
      }
      %add3A_238 = arith.constant 6 : i32
      %add3A_239 = arith.addi %add3A_233, %add3A_238 : i32
      %ge3A_240 = arith.constant 8 : i32
      %ge3A_241 = arith.cmpi sge, %add3A_239, %ge3A_240 : i32
      %lt3A_242 = arith.cmpi slt, %add3A_239, %reduce_max3A_20 : i32
      %and3A_243 = arith.andi %ge3A_241, %lt3A_242 : i1
      %convert_element_type3A_244 = arith.extui %and3A_243 : i1 to i32
      %cond3A_245 = arith.constant 0 : i32
      %cond3A_246 = arith.cmpi ne, %convert_element_type3A_244, %cond3A_245 : i32
      scf.if %cond3A_246 {
        %sub3A_272 = arith.constant 8 : i32
        %sub3A_273 = arith.subi %add3A_239, %sub3A_272 : i32
        %dma_wait3A = arith.constant 4 : i32
        %dma_wait3A_274 = arith.constant 4 : i32
        %dma_wait3A_275 = arith.constant 0 : i32
        %dma_wait3A_276 = arith.constant 0 : i32
        %dma_wait3A_277 = tpu.memref_slice %arg9[%dma_wait3A, %dma_wait3A_275, %dma_wait3A_276] : memref<8x128x16xf32, #tpu.memory_space<vmem>> -> memref<1x128x16xf32, #tpu.memory_space<vmem>>
        %dma_wait3A_278 = tpu.memref_squeeze %dma_wait3A_277 : memref<1x128x16xf32, #tpu.memory_space<vmem>> -> memref<128x16xf32, #tpu.memory_space<vmem>>
        %dma_wait3A_279 = arith.constant 0 : i32
        %dma_wait3A_280 = tpu.memref_slice %arg8[%sub3A_273, %dma_wait3A_279] : memref<80x128xi32, #tpu.memory_space<vmem>> -> memref<1x128xi32, #tpu.memory_space<vmem>>
        %dma_wait3A_281 = tpu.memref_squeeze %dma_wait3A_280 : memref<1x128xi32, #tpu.memory_space<vmem>> -> memref<128xi32, #tpu.memory_space<vmem>>
        %dma_wait3A_282 = arith.constant 0 : i32
        %dma_wait3A_283 = arith.constant 0 : i32
        %dma_wait3A_284 = tpu.memref_slice %arg11[%dma_wait3A_282, %dma_wait3A_283] : memref<2176x16xf32, #tpu.memory_space<vmem_shared>> -> memref<2176x16xf32, #tpu.memory_space<vmem_shared>>
        %dma_wait3A_285 = tpu.memref_slice %arg13[%dma_wait3A_274] : memref<8x!tpu.dma_semaphore, #tpu.memory_space<semaphore_mem>> -> memref<1x!tpu.dma_semaphore, #tpu.memory_space<semaphore_mem>>
        %dma_wait3A_286 = tpu.memref_squeeze %dma_wait3A_285 : memref<1x!tpu.dma_semaphore, #tpu.memory_space<semaphore_mem>> -> memref<!tpu.dma_semaphore, #tpu.memory_space<semaphore_mem>>
        tpu.wait_indirect_dma semaphore(%dma_wait3A_286 : memref<!tpu.dma_semaphore, #tpu.memory_space<semaphore_mem>>) src(%dma_wait3A_278 : memref<128x16xf32, #tpu.memory_space<vmem>>) dst(%dma_wait3A_284 : memref<2176x16xf32, #tpu.memory_space<vmem_shared>>)
      } else {
      }
      %lt3A_247 = arith.cmpi slt, %add3A_239, %reduce_max3A_20 : i32
      %convert_element_type3A_248 = arith.extui %lt3A_247 : i1 to i32
      %cond3A_249 = arith.constant 0 : i32
      %cond3A_250 = arith.cmpi ne, %convert_element_type3A_248, %cond3A_249 : i32
      scf.if %cond3A_250 {
        %dma_start3A = arith.constant 4 : i32
        %dma_start3A_272 = arith.constant 4 : i32
        %dma_start3A_273 = arith.constant 0 : i32
        %dma_start3A_274 = arith.constant 0 : i32
        %dma_start3A_275 = tpu.memref_slice %arg9[%dma_start3A, %dma_start3A_273, %dma_start3A_274] : memref<8x128x16xf32, #tpu.memory_space<vmem>> -> memref<1x128x16xf32, #tpu.memory_space<vmem>>
        %dma_start3A_276 = tpu.memref_squeeze %dma_start3A_275 : memref<1x128x16xf32, #tpu.memory_space<vmem>> -> memref<128x16xf32, #tpu.memory_space<vmem>>
        %dma_start3A_277 = arith.constant 0 : i32
        %dma_start3A_278 = tpu.memref_slice %arg7[%add3A_239, %dma_start3A_277] : memref<80x128xi32, #tpu.memory_space<vmem>> -> memref<1x128xi32, #tpu.memory_space<vmem>>
        %dma_start3A_279 = tpu.memref_squeeze %dma_start3A_278 : memref<1x128xi32, #tpu.memory_space<vmem>> -> memref<128xi32, #tpu.memory_space<vmem>>
        %dma_start3A_280 = arith.constant 0 : i32
        %dma_start3A_281 = arith.constant 0 : i32
        %dma_start3A_282 = tpu.memref_slice %arg2[%dma_start3A_280, %dma_start3A_281] : memref<10000x16xf32, #tpu.memory_space<hbm>> -> memref<10000x16xf32, #tpu.memory_space<hbm>>
        %dma_start3A_283 = tpu.memref_slice %arg12[%dma_start3A_272] : memref<8x!tpu.dma_semaphore, #tpu.memory_space<semaphore_mem>> -> memref<1x!tpu.dma_semaphore, #tpu.memory_space<semaphore_mem>>
        %dma_start3A_284 = tpu.memref_squeeze %dma_start3A_283 : memref<1x!tpu.dma_semaphore, #tpu.memory_space<semaphore_mem>> -> memref<!tpu.dma_semaphore, #tpu.memory_space<semaphore_mem>>
        tpu.enqueue_indirect_dma source(%dma_start3A_282 : memref<10000x16xf32, #tpu.memory_space<hbm>>) target(%dma_start3A_276 : memref<128x16xf32, #tpu.memory_space<vmem>>) offsets(%dma_start3A_279 : memref<128xi32, #tpu.memory_space<vmem>>) semaphore(%dma_start3A_284 : memref<!tpu.dma_semaphore, #tpu.memory_space<semaphore_mem>>)
      } else {
      }
      %mul3A_251 = arith.constant 8 : i32
      %mul3A_252 = arith.muli %while3A_106, %mul3A_251 : i32
      %add3A_253 = arith.constant 7 : i32
      %add3A_254 = arith.addi %mul3A_252, %add3A_253 : i32
      %lt3A_255 = arith.cmpi slt, %add3A_254, %reduce_max3A_20 : i32
      %convert_element_type3A_256 = arith.extui %lt3A_255 : i1 to i32
      %cond3A_257 = arith.constant 0 : i32
      %cond3A_258 = arith.cmpi ne, %convert_element_type3A_256, %cond3A_257 : i32
      scf.if %cond3A_258 {
        %dma_wait3A = arith.constant 7 : i32
        %dma_wait3A_272 = arith.constant 7 : i32
        %dma_wait3A_273 = arith.constant 0 : i32
        %dma_wait3A_274 = arith.constant 0 : i32
        %dma_wait3A_275 = tpu.memref_slice %arg9[%dma_wait3A, %dma_wait3A_273, %dma_wait3A_274] : memref<8x128x16xf32, #tpu.memory_space<vmem>> -> memref<1x128x16xf32, #tpu.memory_space<vmem>>
        %dma_wait3A_276 = tpu.memref_squeeze %dma_wait3A_275 : memref<1x128x16xf32, #tpu.memory_space<vmem>> -> memref<128x16xf32, #tpu.memory_space<vmem>>
        %dma_wait3A_277 = arith.constant 0 : i32
        %dma_wait3A_278 = tpu.memref_slice %arg7[%add3A_254, %dma_wait3A_277] : memref<80x128xi32, #tpu.memory_space<vmem>> -> memref<1x128xi32, #tpu.memory_space<vmem>>
        %dma_wait3A_279 = tpu.memref_squeeze %dma_wait3A_278 : memref<1x128xi32, #tpu.memory_space<vmem>> -> memref<128xi32, #tpu.memory_space<vmem>>
        %dma_wait3A_280 = arith.constant 0 : i32
        %dma_wait3A_281 = arith.constant 0 : i32
        %dma_wait3A_282 = tpu.memref_slice %arg2[%dma_wait3A_280, %dma_wait3A_281] : memref<10000x16xf32, #tpu.memory_space<hbm>> -> memref<10000x16xf32, #tpu.memory_space<hbm>>
        %dma_wait3A_283 = tpu.memref_slice %arg12[%dma_wait3A_272] : memref<8x!tpu.dma_semaphore, #tpu.memory_space<semaphore_mem>> -> memref<1x!tpu.dma_semaphore, #tpu.memory_space<semaphore_mem>>
        %dma_wait3A_284 = tpu.memref_squeeze %dma_wait3A_283 : memref<1x!tpu.dma_semaphore, #tpu.memory_space<semaphore_mem>> -> memref<!tpu.dma_semaphore, #tpu.memory_space<semaphore_mem>>
        tpu.wait_indirect_dma semaphore(%dma_wait3A_284 : memref<!tpu.dma_semaphore, #tpu.memory_space<semaphore_mem>>) src(%dma_wait3A_282 : memref<10000x16xf32, #tpu.memory_space<hbm>>) dst(%dma_wait3A_276 : memref<128x16xf32, #tpu.memory_space<vmem>>)
        %dma_start3A = arith.constant 7 : i32
        %dma_start3A_285 = arith.constant 7 : i32
        %dma_start3A_286 = arith.constant 0 : i32
        %dma_start3A_287 = arith.constant 0 : i32
        %dma_start3A_288 = tpu.memref_slice %arg9[%dma_start3A, %dma_start3A_286, %dma_start3A_287] : memref<8x128x16xf32, #tpu.memory_space<vmem>> -> memref<1x128x16xf32, #tpu.memory_space<vmem>>
        %dma_start3A_289 = tpu.memref_squeeze %dma_start3A_288 : memref<1x128x16xf32, #tpu.memory_space<vmem>> -> memref<128x16xf32, #tpu.memory_space<vmem>>
        %dma_start3A_290 = arith.constant 0 : i32
        %dma_start3A_291 = tpu.memref_slice %arg8[%add3A_254, %dma_start3A_290] : memref<80x128xi32, #tpu.memory_space<vmem>> -> memref<1x128xi32, #tpu.memory_space<vmem>>
        %dma_start3A_292 = tpu.memref_squeeze %dma_start3A_291 : memref<1x128xi32, #tpu.memory_space<vmem>> -> memref<128xi32, #tpu.memory_space<vmem>>
        %dma_start3A_293 = arith.constant 0 : i32
        %dma_start3A_294 = arith.constant 0 : i32
        %dma_start3A_295 = tpu.memref_slice %arg11[%dma_start3A_293, %dma_start3A_294] : memref<2176x16xf32, #tpu.memory_space<vmem_shared>> -> memref<2176x16xf32, #tpu.memory_space<vmem_shared>>
        %dma_start3A_296 = tpu.memref_slice %arg13[%dma_start3A_285] : memref<8x!tpu.dma_semaphore, #tpu.memory_space<semaphore_mem>> -> memref<1x!tpu.dma_semaphore, #tpu.memory_space<semaphore_mem>>
        %dma_start3A_297 = tpu.memref_squeeze %dma_start3A_296 : memref<1x!tpu.dma_semaphore, #tpu.memory_space<semaphore_mem>> -> memref<!tpu.dma_semaphore, #tpu.memory_space<semaphore_mem>>
        tpu.enqueue_indirect_dma source(%dma_start3A_289 : memref<128x16xf32, #tpu.memory_space<vmem>>) target(%dma_start3A_295 : memref<2176x16xf32, #tpu.memory_space<vmem_shared>>) offsets(%dma_start3A_292 : memref<128xi32, #tpu.memory_space<vmem>>) semaphore(%dma_start3A_297 : memref<!tpu.dma_semaphore, #tpu.memory_space<semaphore_mem>>) {add = true}
      } else {
      }
      %add3A_259 = arith.constant 6 : i32
      %add3A_260 = arith.addi %add3A_254, %add3A_259 : i32
      %ge3A_261 = arith.constant 8 : i32
      %ge3A_262 = arith.cmpi sge, %add3A_260, %ge3A_261 : i32
      %lt3A_263 = arith.cmpi slt, %add3A_260, %reduce_max3A_20 : i32
      %and3A_264 = arith.andi %ge3A_262, %lt3A_263 : i1
      %convert_element_type3A_265 = arith.extui %and3A_264 : i1 to i32
      %cond3A_266 = arith.constant 0 : i32
      %cond3A_267 = arith.cmpi ne, %convert_element_type3A_265, %cond3A_266 : i32
      scf.if %cond3A_267 {
        %sub3A_272 = arith.constant 8 : i32
        %sub3A_273 = arith.subi %add3A_260, %sub3A_272 : i32
        %dma_wait3A = arith.constant 5 : i32
        %dma_wait3A_274 = arith.constant 5 : i32
        %dma_wait3A_275 = arith.constant 0 : i32
        %dma_wait3A_276 = arith.constant 0 : i32
        %dma_wait3A_277 = tpu.memref_slice %arg9[%dma_wait3A, %dma_wait3A_275, %dma_wait3A_276] : memref<8x128x16xf32, #tpu.memory_space<vmem>> -> memref<1x128x16xf32, #tpu.memory_space<vmem>>
        %dma_wait3A_278 = tpu.memref_squeeze %dma_wait3A_277 : memref<1x128x16xf32, #tpu.memory_space<vmem>> -> memref<128x16xf32, #tpu.memory_space<vmem>>
        %dma_wait3A_279 = arith.constant 0 : i32
        %dma_wait3A_280 = tpu.memref_slice %arg8[%sub3A_273, %dma_wait3A_279] : memref<80x128xi32, #tpu.memory_space<vmem>> -> memref<1x128xi32, #tpu.memory_space<vmem>>
        %dma_wait3A_281 = tpu.memref_squeeze %dma_wait3A_280 : memref<1x128xi32, #tpu.memory_space<vmem>> -> memref<128xi32, #tpu.memory_space<vmem>>
        %dma_wait3A_282 = arith.constant 0 : i32
        %dma_wait3A_283 = arith.constant 0 : i32
        %dma_wait3A_284 = tpu.memref_slice %arg11[%dma_wait3A_282, %dma_wait3A_283] : memref<2176x16xf32, #tpu.memory_space<vmem_shared>> -> memref<2176x16xf32, #tpu.memory_space<vmem_shared>>
        %dma_wait3A_285 = tpu.memref_slice %arg13[%dma_wait3A_274] : memref<8x!tpu.dma_semaphore, #tpu.memory_space<semaphore_mem>> -> memref<1x!tpu.dma_semaphore, #tpu.memory_space<semaphore_mem>>
        %dma_wait3A_286 = tpu.memref_squeeze %dma_wait3A_285 : memref<1x!tpu.dma_semaphore, #tpu.memory_space<semaphore_mem>> -> memref<!tpu.dma_semaphore, #tpu.memory_space<semaphore_mem>>
        tpu.wait_indirect_dma semaphore(%dma_wait3A_286 : memref<!tpu.dma_semaphore, #tpu.memory_space<semaphore_mem>>) src(%dma_wait3A_278 : memref<128x16xf32, #tpu.memory_space<vmem>>) dst(%dma_wait3A_284 : memref<2176x16xf32, #tpu.memory_space<vmem_shared>>)
      } else {
      }
      %lt3A_268 = arith.cmpi slt, %add3A_260, %reduce_max3A_20 : i32
      %convert_element_type3A_269 = arith.extui %lt3A_268 : i1 to i32
      %cond3A_270 = arith.constant 0 : i32
      %cond3A_271 = arith.cmpi ne, %convert_element_type3A_269, %cond3A_270 : i32
      scf.if %cond3A_271 {
        %dma_start3A = arith.constant 5 : i32
        %dma_start3A_272 = arith.constant 5 : i32
        %dma_start3A_273 = arith.constant 0 : i32
        %dma_start3A_274 = arith.constant 0 : i32
        %dma_start3A_275 = tpu.memref_slice %arg9[%dma_start3A, %dma_start3A_273, %dma_start3A_274] : memref<8x128x16xf32, #tpu.memory_space<vmem>> -> memref<1x128x16xf32, #tpu.memory_space<vmem>>
        %dma_start3A_276 = tpu.memref_squeeze %dma_start3A_275 : memref<1x128x16xf32, #tpu.memory_space<vmem>> -> memref<128x16xf32, #tpu.memory_space<vmem>>
        %dma_start3A_277 = arith.constant 0 : i32
        %dma_start3A_278 = tpu.memref_slice %arg7[%add3A_260, %dma_start3A_277] : memref<80x128xi32, #tpu.memory_space<vmem>> -> memref<1x128xi32, #tpu.memory_space<vmem>>
        %dma_start3A_279 = tpu.memref_squeeze %dma_start3A_278 : memref<1x128xi32, #tpu.memory_space<vmem>> -> memref<128xi32, #tpu.memory_space<vmem>>
        %dma_start3A_280 = arith.constant 0 : i32
        %dma_start3A_281 = arith.constant 0 : i32
        %dma_start3A_282 = tpu.memref_slice %arg2[%dma_start3A_280, %dma_start3A_281] : memref<10000x16xf32, #tpu.memory_space<hbm>> -> memref<10000x16xf32, #tpu.memory_space<hbm>>
        %dma_start3A_283 = tpu.memref_slice %arg12[%dma_start3A_272] : memref<8x!tpu.dma_semaphore, #tpu.memory_space<semaphore_mem>> -> memref<1x!tpu.dma_semaphore, #tpu.memory_space<semaphore_mem>>
        %dma_start3A_284 = tpu.memref_squeeze %dma_start3A_283 : memref<1x!tpu.dma_semaphore, #tpu.memory_space<semaphore_mem>> -> memref<!tpu.dma_semaphore, #tpu.memory_space<semaphore_mem>>
        tpu.enqueue_indirect_dma source(%dma_start3A_282 : memref<10000x16xf32, #tpu.memory_space<hbm>>) target(%dma_start3A_276 : memref<128x16xf32, #tpu.memory_space<vmem>>) offsets(%dma_start3A_279 : memref<128xi32, #tpu.memory_space<vmem>>) semaphore(%dma_start3A_284 : memref<!tpu.dma_semaphore, #tpu.memory_space<semaphore_mem>>)
      } else {
      }
    }
    %gt3A_61 = arith.constant 0 : i32
    %gt3A_62 = arith.cmpi sgt, %reduce_max3A_20, %gt3A_61 : i32
    %convert_element_type3A_63 = arith.extui %gt3A_62 : i1 to i32
    %cond3A_64 = arith.constant 0 : i32
    %cond3A_65 = arith.cmpi ne, %convert_element_type3A_63, %cond3A_64 : i32
    scf.if %cond3A_65 {
      %dma_wait3A = arith.constant 0 : i32
      %dma_wait3A_106 = arith.constant 0 : i32
      %dma_wait3A_107 = arith.constant 0 : i32
      %dma_wait3A_108 = arith.constant 0 : i32
      %dma_wait3A_109 = arith.constant 0 : i32
      %dma_wait3A_110 = tpu.memref_slice %arg9[%dma_wait3A, %dma_wait3A_108, %dma_wait3A_109] : memref<8x128x16xf32, #tpu.memory_space<vmem>> -> memref<1x128x16xf32, #tpu.memory_space<vmem>>
      %dma_wait3A_111 = tpu.memref_squeeze %dma_wait3A_110 : memref<1x128x16xf32, #tpu.memory_space<vmem>> -> memref<128x16xf32, #tpu.memory_space<vmem>>
      %dma_wait3A_112 = arith.constant 0 : i32
      %dma_wait3A_113 = tpu.memref_slice %arg8[%dma_wait3A_106, %dma_wait3A_112] : memref<80x128xi32, #tpu.memory_space<vmem>> -> memref<1x128xi32, #tpu.memory_space<vmem>>
      %dma_wait3A_114 = tpu.memref_squeeze %dma_wait3A_113 : memref<1x128xi32, #tpu.memory_space<vmem>> -> memref<128xi32, #tpu.memory_space<vmem>>
      %dma_wait3A_115 = arith.constant 0 : i32
      %dma_wait3A_116 = arith.constant 0 : i32
      %dma_wait3A_117 = tpu.memref_slice %arg11[%dma_wait3A_115, %dma_wait3A_116] : memref<2176x16xf32, #tpu.memory_space<vmem_shared>> -> memref<2176x16xf32, #tpu.memory_space<vmem_shared>>
      %dma_wait3A_118 = tpu.memref_slice %arg13[%dma_wait3A_107] : memref<8x!tpu.dma_semaphore, #tpu.memory_space<semaphore_mem>> -> memref<1x!tpu.dma_semaphore, #tpu.memory_space<semaphore_mem>>
      %dma_wait3A_119 = tpu.memref_squeeze %dma_wait3A_118 : memref<1x!tpu.dma_semaphore, #tpu.memory_space<semaphore_mem>> -> memref<!tpu.dma_semaphore, #tpu.memory_space<semaphore_mem>>
      tpu.wait_indirect_dma semaphore(%dma_wait3A_119 : memref<!tpu.dma_semaphore, #tpu.memory_space<semaphore_mem>>) src(%dma_wait3A_111 : memref<128x16xf32, #tpu.memory_space<vmem>>) dst(%dma_wait3A_117 : memref<2176x16xf32, #tpu.memory_space<vmem_shared>>)
    } else {
    }
    %gt3A_66 = arith.constant 1 : i32
    %gt3A_67 = arith.cmpi sgt, %reduce_max3A_20, %gt3A_66 : i32
    %convert_element_type3A_68 = arith.extui %gt3A_67 : i1 to i32
    %cond3A_69 = arith.constant 0 : i32
    %cond3A_70 = arith.cmpi ne, %convert_element_type3A_68, %cond3A_69 : i32
    scf.if %cond3A_70 {
      %dma_wait3A = arith.constant 1 : i32
      %dma_wait3A_106 = arith.constant 0 : i32
      %dma_wait3A_107 = arith.constant 1 : i32
      %dma_wait3A_108 = arith.constant 0 : i32
      %dma_wait3A_109 = arith.constant 0 : i32
      %dma_wait3A_110 = tpu.memref_slice %arg9[%dma_wait3A, %dma_wait3A_108, %dma_wait3A_109] : memref<8x128x16xf32, #tpu.memory_space<vmem>> -> memref<1x128x16xf32, #tpu.memory_space<vmem>>
      %dma_wait3A_111 = tpu.memref_squeeze %dma_wait3A_110 : memref<1x128x16xf32, #tpu.memory_space<vmem>> -> memref<128x16xf32, #tpu.memory_space<vmem>>
      %dma_wait3A_112 = arith.constant 0 : i32
      %dma_wait3A_113 = tpu.memref_slice %arg8[%dma_wait3A_106, %dma_wait3A_112] : memref<80x128xi32, #tpu.memory_space<vmem>> -> memref<1x128xi32, #tpu.memory_space<vmem>>
      %dma_wait3A_114 = tpu.memref_squeeze %dma_wait3A_113 : memref<1x128xi32, #tpu.memory_space<vmem>> -> memref<128xi32, #tpu.memory_space<vmem>>
      %dma_wait3A_115 = arith.constant 0 : i32
      %dma_wait3A_116 = arith.constant 0 : i32
      %dma_wait3A_117 = tpu.memref_slice %arg11[%dma_wait3A_115, %dma_wait3A_116] : memref<2176x16xf32, #tpu.memory_space<vmem_shared>> -> memref<2176x16xf32, #tpu.memory_space<vmem_shared>>
      %dma_wait3A_118 = tpu.memref_slice %arg13[%dma_wait3A_107] : memref<8x!tpu.dma_semaphore, #tpu.memory_space<semaphore_mem>> -> memref<1x!tpu.dma_semaphore, #tpu.memory_space<semaphore_mem>>
      %dma_wait3A_119 = tpu.memref_squeeze %dma_wait3A_118 : memref<1x!tpu.dma_semaphore, #tpu.memory_space<semaphore_mem>> -> memref<!tpu.dma_semaphore, #tpu.memory_space<semaphore_mem>>
      tpu.wait_indirect_dma semaphore(%dma_wait3A_119 : memref<!tpu.dma_semaphore, #tpu.memory_space<semaphore_mem>>) src(%dma_wait3A_111 : memref<128x16xf32, #tpu.memory_space<vmem>>) dst(%dma_wait3A_117 : memref<2176x16xf32, #tpu.memory_space<vmem_shared>>)
    } else {
    }
    %gt3A_71 = arith.constant 2 : i32
    %gt3A_72 = arith.cmpi sgt, %reduce_max3A_20, %gt3A_71 : i32
    %convert_element_type3A_73 = arith.extui %gt3A_72 : i1 to i32
    %cond3A_74 = arith.constant 0 : i32
    %cond3A_75 = arith.cmpi ne, %convert_element_type3A_73, %cond3A_74 : i32
    scf.if %cond3A_75 {
      %dma_wait3A = arith.constant 2 : i32
      %dma_wait3A_106 = arith.constant 0 : i32
      %dma_wait3A_107 = arith.constant 2 : i32
      %dma_wait3A_108 = arith.constant 0 : i32
      %dma_wait3A_109 = arith.constant 0 : i32
      %dma_wait3A_110 = tpu.memref_slice %arg9[%dma_wait3A, %dma_wait3A_108, %dma_wait3A_109] : memref<8x128x16xf32, #tpu.memory_space<vmem>> -> memref<1x128x16xf32, #tpu.memory_space<vmem>>
      %dma_wait3A_111 = tpu.memref_squeeze %dma_wait3A_110 : memref<1x128x16xf32, #tpu.memory_space<vmem>> -> memref<128x16xf32, #tpu.memory_space<vmem>>
      %dma_wait3A_112 = arith.constant 0 : i32
      %dma_wait3A_113 = tpu.memref_slice %arg8[%dma_wait3A_106, %dma_wait3A_112] : memref<80x128xi32, #tpu.memory_space<vmem>> -> memref<1x128xi32, #tpu.memory_space<vmem>>
      %dma_wait3A_114 = tpu.memref_squeeze %dma_wait3A_113 : memref<1x128xi32, #tpu.memory_space<vmem>> -> memref<128xi32, #tpu.memory_space<vmem>>
      %dma_wait3A_115 = arith.constant 0 : i32
      %dma_wait3A_116 = arith.constant 0 : i32
      %dma_wait3A_117 = tpu.memref_slice %arg11[%dma_wait3A_115, %dma_wait3A_116] : memref<2176x16xf32, #tpu.memory_space<vmem_shared>> -> memref<2176x16xf32, #tpu.memory_space<vmem_shared>>
      %dma_wait3A_118 = tpu.memref_slice %arg13[%dma_wait3A_107] : memref<8x!tpu.dma_semaphore, #tpu.memory_space<semaphore_mem>> -> memref<1x!tpu.dma_semaphore, #tpu.memory_space<semaphore_mem>>
      %dma_wait3A_119 = tpu.memref_squeeze %dma_wait3A_118 : memref<1x!tpu.dma_semaphore, #tpu.memory_space<semaphore_mem>> -> memref<!tpu.dma_semaphore, #tpu.memory_space<semaphore_mem>>
      tpu.wait_indirect_dma semaphore(%dma_wait3A_119 : memref<!tpu.dma_semaphore, #tpu.memory_space<semaphore_mem>>) src(%dma_wait3A_111 : memref<128x16xf32, #tpu.memory_space<vmem>>) dst(%dma_wait3A_117 : memref<2176x16xf32, #tpu.memory_space<vmem_shared>>)
    } else {
    }
    %gt3A_76 = arith.constant 3 : i32
    %gt3A_77 = arith.cmpi sgt, %reduce_max3A_20, %gt3A_76 : i32
    %convert_element_type3A_78 = arith.extui %gt3A_77 : i1 to i32
    %cond3A_79 = arith.constant 0 : i32
    %cond3A_80 = arith.cmpi ne, %convert_element_type3A_78, %cond3A_79 : i32
    scf.if %cond3A_80 {
      %dma_wait3A = arith.constant 3 : i32
      %dma_wait3A_106 = arith.constant 0 : i32
      %dma_wait3A_107 = arith.constant 3 : i32
      %dma_wait3A_108 = arith.constant 0 : i32
      %dma_wait3A_109 = arith.constant 0 : i32
      %dma_wait3A_110 = tpu.memref_slice %arg9[%dma_wait3A, %dma_wait3A_108, %dma_wait3A_109] : memref<8x128x16xf32, #tpu.memory_space<vmem>> -> memref<1x128x16xf32, #tpu.memory_space<vmem>>
      %dma_wait3A_111 = tpu.memref_squeeze %dma_wait3A_110 : memref<1x128x16xf32, #tpu.memory_space<vmem>> -> memref<128x16xf32, #tpu.memory_space<vmem>>
      %dma_wait3A_112 = arith.constant 0 : i32
      %dma_wait3A_113 = tpu.memref_slice %arg8[%dma_wait3A_106, %dma_wait3A_112] : memref<80x128xi32, #tpu.memory_space<vmem>> -> memref<1x128xi32, #tpu.memory_space<vmem>>
      %dma_wait3A_114 = tpu.memref_squeeze %dma_wait3A_113 : memref<1x128xi32, #tpu.memory_space<vmem>> -> memref<128xi32, #tpu.memory_space<vmem>>
      %dma_wait3A_115 = arith.constant 0 : i32
      %dma_wait3A_116 = arith.constant 0 : i32
      %dma_wait3A_117 = tpu.memref_slice %arg11[%dma_wait3A_115, %dma_wait3A_116] : memref<2176x16xf32, #tpu.memory_space<vmem_shared>> -> memref<2176x16xf32, #tpu.memory_space<vmem_shared>>
      %dma_wait3A_118 = tpu.memref_slice %arg13[%dma_wait3A_107] : memref<8x!tpu.dma_semaphore, #tpu.memory_space<semaphore_mem>> -> memref<1x!tpu.dma_semaphore, #tpu.memory_space<semaphore_mem>>
      %dma_wait3A_119 = tpu.memref_squeeze %dma_wait3A_118 : memref<1x!tpu.dma_semaphore, #tpu.memory_space<semaphore_mem>> -> memref<!tpu.dma_semaphore, #tpu.memory_space<semaphore_mem>>
      tpu.wait_indirect_dma semaphore(%dma_wait3A_119 : memref<!tpu.dma_semaphore, #tpu.memory_space<semaphore_mem>>) src(%dma_wait3A_111 : memref<128x16xf32, #tpu.memory_space<vmem>>) dst(%dma_wait3A_117 : memref<2176x16xf32, #tpu.memory_space<vmem_shared>>)
    } else {
    }
    %gt3A_81 = arith.constant 4 : i32
    %gt3A_82 = arith.cmpi sgt, %reduce_max3A_20, %gt3A_81 : i32
    %convert_element_type3A_83 = arith.extui %gt3A_82 : i1 to i32
    %cond3A_84 = arith.constant 0 : i32
    %cond3A_85 = arith.cmpi ne, %convert_element_type3A_83, %cond3A_84 : i32
    scf.if %cond3A_85 {
      %dma_wait3A = arith.constant 4 : i32
      %dma_wait3A_106 = arith.constant 0 : i32
      %dma_wait3A_107 = arith.constant 4 : i32
      %dma_wait3A_108 = arith.constant 0 : i32
      %dma_wait3A_109 = arith.constant 0 : i32
      %dma_wait3A_110 = tpu.memref_slice %arg9[%dma_wait3A, %dma_wait3A_108, %dma_wait3A_109] : memref<8x128x16xf32, #tpu.memory_space<vmem>> -> memref<1x128x16xf32, #tpu.memory_space<vmem>>
      %dma_wait3A_111 = tpu.memref_squeeze %dma_wait3A_110 : memref<1x128x16xf32, #tpu.memory_space<vmem>> -> memref<128x16xf32, #tpu.memory_space<vmem>>
      %dma_wait3A_112 = arith.constant 0 : i32
      %dma_wait3A_113 = tpu.memref_slice %arg8[%dma_wait3A_106, %dma_wait3A_112] : memref<80x128xi32, #tpu.memory_space<vmem>> -> memref<1x128xi32, #tpu.memory_space<vmem>>
      %dma_wait3A_114 = tpu.memref_squeeze %dma_wait3A_113 : memref<1x128xi32, #tpu.memory_space<vmem>> -> memref<128xi32, #tpu.memory_space<vmem>>
      %dma_wait3A_115 = arith.constant 0 : i32
      %dma_wait3A_116 = arith.constant 0 : i32
      %dma_wait3A_117 = tpu.memref_slice %arg11[%dma_wait3A_115, %dma_wait3A_116] : memref<2176x16xf32, #tpu.memory_space<vmem_shared>> -> memref<2176x16xf32, #tpu.memory_space<vmem_shared>>
      %dma_wait3A_118 = tpu.memref_slice %arg13[%dma_wait3A_107] : memref<8x!tpu.dma_semaphore, #tpu.memory_space<semaphore_mem>> -> memref<1x!tpu.dma_semaphore, #tpu.memory_space<semaphore_mem>>
      %dma_wait3A_119 = tpu.memref_squeeze %dma_wait3A_118 : memref<1x!tpu.dma_semaphore, #tpu.memory_space<semaphore_mem>> -> memref<!tpu.dma_semaphore, #tpu.memory_space<semaphore_mem>>
      tpu.wait_indirect_dma semaphore(%dma_wait3A_119 : memref<!tpu.dma_semaphore, #tpu.memory_space<semaphore_mem>>) src(%dma_wait3A_111 : memref<128x16xf32, #tpu.memory_space<vmem>>) dst(%dma_wait3A_117 : memref<2176x16xf32, #tpu.memory_space<vmem_shared>>)
    } else {
    }
    %gt3A_86 = arith.constant 5 : i32
    %gt3A_87 = arith.cmpi sgt, %reduce_max3A_20, %gt3A_86 : i32
    %convert_element_type3A_88 = arith.extui %gt3A_87 : i1 to i32
    %cond3A_89 = arith.constant 0 : i32
    %cond3A_90 = arith.cmpi ne, %convert_element_type3A_88, %cond3A_89 : i32
    scf.if %cond3A_90 {
      %dma_wait3A = arith.constant 5 : i32
      %dma_wait3A_106 = arith.constant 0 : i32
      %dma_wait3A_107 = arith.constant 5 : i32
      %dma_wait3A_108 = arith.constant 0 : i32
      %dma_wait3A_109 = arith.constant 0 : i32
      %dma_wait3A_110 = tpu.memref_slice %arg9[%dma_wait3A, %dma_wait3A_108, %dma_wait3A_109] : memref<8x128x16xf32, #tpu.memory_space<vmem>> -> memref<1x128x16xf32, #tpu.memory_space<vmem>>
      %dma_wait3A_111 = tpu.memref_squeeze %dma_wait3A_110 : memref<1x128x16xf32, #tpu.memory_space<vmem>> -> memref<128x16xf32, #tpu.memory_space<vmem>>
      %dma_wait3A_112 = arith.constant 0 : i32
      %dma_wait3A_113 = tpu.memref_slice %arg8[%dma_wait3A_106, %dma_wait3A_112] : memref<80x128xi32, #tpu.memory_space<vmem>> -> memref<1x128xi32, #tpu.memory_space<vmem>>
      %dma_wait3A_114 = tpu.memref_squeeze %dma_wait3A_113 : memref<1x128xi32, #tpu.memory_space<vmem>> -> memref<128xi32, #tpu.memory_space<vmem>>
      %dma_wait3A_115 = arith.constant 0 : i32
      %dma_wait3A_116 = arith.constant 0 : i32
      %dma_wait3A_117 = tpu.memref_slice %arg11[%dma_wait3A_115, %dma_wait3A_116] : memref<2176x16xf32, #tpu.memory_space<vmem_shared>> -> memref<2176x16xf32, #tpu.memory_space<vmem_shared>>
      %dma_wait3A_118 = tpu.memref_slice %arg13[%dma_wait3A_107] : memref<8x!tpu.dma_semaphore, #tpu.memory_space<semaphore_mem>> -> memref<1x!tpu.dma_semaphore, #tpu.memory_space<semaphore_mem>>
      %dma_wait3A_119 = tpu.memref_squeeze %dma_wait3A_118 : memref<1x!tpu.dma_semaphore, #tpu.memory_space<semaphore_mem>> -> memref<!tpu.dma_semaphore, #tpu.memory_space<semaphore_mem>>
      tpu.wait_indirect_dma semaphore(%dma_wait3A_119 : memref<!tpu.dma_semaphore, #tpu.memory_space<semaphore_mem>>) src(%dma_wait3A_111 : memref<128x16xf32, #tpu.memory_space<vmem>>) dst(%dma_wait3A_117 : memref<2176x16xf32, #tpu.memory_space<vmem_shared>>)
    } else {
    }
    %gt3A_91 = arith.constant 6 : i32
    %gt3A_92 = arith.cmpi sgt, %reduce_max3A_20, %gt3A_91 : i32
    %convert_element_type3A_93 = arith.extui %gt3A_92 : i1 to i32
    %cond3A_94 = arith.constant 0 : i32
    %cond3A_95 = arith.cmpi ne, %convert_element_type3A_93, %cond3A_94 : i32
    scf.if %cond3A_95 {
      %dma_wait3A = arith.constant 6 : i32
      %dma_wait3A_106 = arith.constant 0 : i32
      %dma_wait3A_107 = arith.constant 6 : i32
      %dma_wait3A_108 = arith.constant 0 : i32
      %dma_wait3A_109 = arith.constant 0 : i32
      %dma_wait3A_110 = tpu.memref_slice %arg9[%dma_wait3A, %dma_wait3A_108, %dma_wait3A_109] : memref<8x128x16xf32, #tpu.memory_space<vmem>> -> memref<1x128x16xf32, #tpu.memory_space<vmem>>
      %dma_wait3A_111 = tpu.memref_squeeze %dma_wait3A_110 : memref<1x128x16xf32, #tpu.memory_space<vmem>> -> memref<128x16xf32, #tpu.memory_space<vmem>>
      %dma_wait3A_112 = arith.constant 0 : i32
      %dma_wait3A_113 = tpu.memref_slice %arg8[%dma_wait3A_106, %dma_wait3A_112] : memref<80x128xi32, #tpu.memory_space<vmem>> -> memref<1x128xi32, #tpu.memory_space<vmem>>
      %dma_wait3A_114 = tpu.memref_squeeze %dma_wait3A_113 : memref<1x128xi32, #tpu.memory_space<vmem>> -> memref<128xi32, #tpu.memory_space<vmem>>
      %dma_wait3A_115 = arith.constant 0 : i32
      %dma_wait3A_116 = arith.constant 0 : i32
      %dma_wait3A_117 = tpu.memref_slice %arg11[%dma_wait3A_115, %dma_wait3A_116] : memref<2176x16xf32, #tpu.memory_space<vmem_shared>> -> memref<2176x16xf32, #tpu.memory_space<vmem_shared>>
      %dma_wait3A_118 = tpu.memref_slice %arg13[%dma_wait3A_107] : memref<8x!tpu.dma_semaphore, #tpu.memory_space<semaphore_mem>> -> memref<1x!tpu.dma_semaphore, #tpu.memory_space<semaphore_mem>>
      %dma_wait3A_119 = tpu.memref_squeeze %dma_wait3A_118 : memref<1x!tpu.dma_semaphore, #tpu.memory_space<semaphore_mem>> -> memref<!tpu.dma_semaphore, #tpu.memory_space<semaphore_mem>>
      tpu.wait_indirect_dma semaphore(%dma_wait3A_119 : memref<!tpu.dma_semaphore, #tpu.memory_space<semaphore_mem>>) src(%dma_wait3A_111 : memref<128x16xf32, #tpu.memory_space<vmem>>) dst(%dma_wait3A_117 : memref<2176x16xf32, #tpu.memory_space<vmem_shared>>)
    } else {
    }
    %gt3A_96 = arith.constant 7 : i32
    %gt3A_97 = arith.cmpi sgt, %reduce_max3A_20, %gt3A_96 : i32
    %convert_element_type3A_98 = arith.extui %gt3A_97 : i1 to i32
    %cond3A_99 = arith.constant 0 : i32
    %cond3A_100 = arith.cmpi ne, %convert_element_type3A_98, %cond3A_99 : i32
    scf.if %cond3A_100 {
      %dma_wait3A = arith.constant 7 : i32
      %dma_wait3A_106 = arith.constant 0 : i32
      %dma_wait3A_107 = arith.constant 7 : i32
      %dma_wait3A_108 = arith.constant 0 : i32
      %dma_wait3A_109 = arith.constant 0 : i32
      %dma_wait3A_110 = tpu.memref_slice %arg9[%dma_wait3A, %dma_wait3A_108, %dma_wait3A_109] : memref<8x128x16xf32, #tpu.memory_space<vmem>> -> memref<1x128x16xf32, #tpu.memory_space<vmem>>
      %dma_wait3A_111 = tpu.memref_squeeze %dma_wait3A_110 : memref<1x128x16xf32, #tpu.memory_space<vmem>> -> memref<128x16xf32, #tpu.memory_space<vmem>>
      %dma_wait3A_112 = arith.constant 0 : i32
      %dma_wait3A_113 = tpu.memref_slice %arg8[%dma_wait3A_106, %dma_wait3A_112] : memref<80x128xi32, #tpu.memory_space<vmem>> -> memref<1x128xi32, #tpu.memory_space<vmem>>
      %dma_wait3A_114 = tpu.memref_squeeze %dma_wait3A_113 : memref<1x128xi32, #tpu.memory_space<vmem>> -> memref<128xi32, #tpu.memory_space<vmem>>
      %dma_wait3A_115 = arith.constant 0 : i32
      %dma_wait3A_116 = arith.constant 0 : i32
      %dma_wait3A_117 = tpu.memref_slice %arg11[%dma_wait3A_115, %dma_wait3A_116] : memref<2176x16xf32, #tpu.memory_space<vmem_shared>> -> memref<2176x16xf32, #tpu.memory_space<vmem_shared>>
      %dma_wait3A_118 = tpu.memref_slice %arg13[%dma_wait3A_107] : memref<8x!tpu.dma_semaphore, #tpu.memory_space<semaphore_mem>> -> memref<1x!tpu.dma_semaphore, #tpu.memory_space<semaphore_mem>>
      %dma_wait3A_119 = tpu.memref_squeeze %dma_wait3A_118 : memref<1x!tpu.dma_semaphore, #tpu.memory_space<semaphore_mem>> -> memref<!tpu.dma_semaphore, #tpu.memory_space<semaphore_mem>>
      tpu.wait_indirect_dma semaphore(%dma_wait3A_119 : memref<!tpu.dma_semaphore, #tpu.memory_space<semaphore_mem>>) src(%dma_wait3A_111 : memref<128x16xf32, #tpu.memory_space<vmem>>) dst(%dma_wait3A_117 : memref<2176x16xf32, #tpu.memory_space<vmem_shared>>)
    } else {
    }
    %barrier3A_101 = arith.constant 0 : index
    tpu.barrier barrier_id(%barrier3A_101)
    %mul3A_102 = arith.constant 128 : i32
    %mul3A_103 = arith.muli %arg1, %mul3A_102 : i32
    %mul3A_104 = arith.constant 128 : i32
    %mul3A_105 = arith.muli %arg1, %mul3A_104 : i32
    "tpu.region"() ({
      %run_scoped3A_106 = tpu.sem_alloc : memref<!tpu.dma_semaphore, #tpu.memory_space<semaphore_mem>>
      %dma_start3A = arith.constant 0 : i32
      %dma_start3A_107 = arith.constant 0 : i32
      %dma_start3A_108 = tpu.memref_slice %arg6[%arg0, %dma_start3A, %dma_start3A_107] : memref<2x2048x16xf32, #tpu.memory_space<hbm>> -> memref<1x2048x16xf32, #tpu.memory_space<hbm>>
      %dma_start3A_109 = tpu.memref_squeeze %dma_start3A_108 : memref<1x2048x16xf32, #tpu.memory_space<hbm>> -> memref<2048x16xf32, #tpu.memory_space<hbm>>
      %dma_start3A_110 = arith.constant 0 : i32
      %dma_start3A_111 = tpu.memref_slice %dma_start3A_109[%mul3A_105, %dma_start3A_110] : memref<2048x16xf32, #tpu.memory_space<hbm>> -> memref<128x16xf32, #tpu.memory_space<hbm>>
      %dma_start3A_112 = arith.constant 0 : i32
      %dma_start3A_113 = tpu.memref_slice %arg11[%mul3A_103, %dma_start3A_112] : memref<2176x16xf32, #tpu.memory_space<vmem_shared>> -> memref<128x16xf32, #tpu.memory_space<vmem_shared>>
      tpu.enqueue_dma source(%dma_start3A_113 : memref<128x16xf32, #tpu.memory_space<vmem_shared>>) target(%dma_start3A_111 : memref<128x16xf32, #tpu.memory_space<hbm>>) target_semaphore(%run_scoped3A_106 : memref<!tpu.dma_semaphore, #tpu.memory_space<semaphore_mem>>)
      %dma_wait3A = arith.constant 0 : i32
      %dma_wait3A_114 = arith.constant 0 : i32
      %dma_wait3A_115 = tpu.memref_slice %arg6[%arg0, %dma_wait3A, %dma_wait3A_114] : memref<2x2048x16xf32, #tpu.memory_space<hbm>> -> memref<1x2048x16xf32, #tpu.memory_space<hbm>>
      %dma_wait3A_116 = tpu.memref_squeeze %dma_wait3A_115 : memref<1x2048x16xf32, #tpu.memory_space<hbm>> -> memref<2048x16xf32, #tpu.memory_space<hbm>>
      %dma_wait3A_117 = arith.constant 0 : i32
      %dma_wait3A_118 = tpu.memref_slice %dma_wait3A_116[%mul3A_105, %dma_wait3A_117] : memref<2048x16xf32, #tpu.memory_space<hbm>> -> memref<128x16xf32, #tpu.memory_space<hbm>>
      %dma_wait3A_119 = arith.constant 0 : i32
      %dma_wait3A_120 = tpu.memref_slice %arg11[%mul3A_103, %dma_wait3A_119] : memref<2176x16xf32, #tpu.memory_space<vmem_shared>> -> memref<128x16xf32, #tpu.memory_space<vmem_shared>>
      tpu.wait_dma2 semaphore(%run_scoped3A_106 : memref<!tpu.dma_semaphore, #tpu.memory_space<semaphore_mem>>) src(%dma_wait3A_120 : memref<128x16xf32, #tpu.memory_space<vmem_shared>>) dst(%dma_wait3A_118 : memref<128x16xf32, #tpu.memory_space<hbm>>)
      tpu.yield
    }) : () -> ()
    return
  }
}

module attributes {stable_mosaic.version = 14 : i64} {
  func.func @_tc_transform_body(%arg0: i32, %arg1: memref<1000x128xf32, #tpu.memory_space<vmem>>, %arg2: memref<128x16xf32, #tpu.memory_space<vmem>>, %arg3: memref<1000x1xf32, #tpu.memory_space<vmem>>, %arg4: memref<1000x1xf32, #tpu.memory_space<vmem>>, %arg5: memref<1000x16xf32, #tpu.memory_space<vmem>>, %arg6: memref<1000x1xf32, #tpu.memory_space<vmem>>) attributes {dimension_semantics = [#tpu.dimension_semantics<arbitrary>], iteration_bounds = array<i64: 10>, scalar_prefetch = 0 : i64, scratch_operands = 0 : i64, tpu.core_type = #tpu.core_type<tc>, window_params = [{transform_indices = @transform_0, window_bounds = array<i64: 1000, 128>}, {pipeline_mode = #tpu.pipeline_mode<synchronous>, transform_indices = @transform_1, window_bounds = array<i64: 128, 16>}, {transform_indices = @transform_2, window_bounds = array<i64: 1000, 1>}, {transform_indices = @transform_3, window_bounds = array<i64: 1000, 1>}, {transform_indices = @transform_4, window_bounds = array<i64: 1000, 16>}, {transform_indices = @transform_5, window_bounds = array<i64: 1000, 1>}]} {
    %get3A = arith.constant 0 : index
    %get3A_0 = arith.constant 0 : index
    %get3A_1 = vector.load %arg3[%get3A, %get3A_0] : memref<1000x1xf32, #tpu.memory_space<vmem>>, vector<1000x1xf32>
    %get3A_2 = arith.constant 0 : index
    %get3A_3 = arith.constant 0 : index
    %get3A_4 = vector.load %arg4[%get3A_2, %get3A_3] : memref<1000x1xf32, #tpu.memory_space<vmem>>, vector<1000x1xf32>
    %add3A = arith.addf %get3A_1, %get3A_4 : vector<1000x1xf32>
    %add3A_5 = arith.constant 1.000000e+00 : f32
    %add3A_6 = vector.broadcast %add3A_5 : f32 to vector<1000x1xf32>
    %add3A_7 = arith.addf %add3A, %add3A_6 : vector<1000x1xf32>
    %rsqrt3A = math.rsqrt %add3A_7 : vector<1000x1xf32>
    %get3A_8 = arith.constant 0 : index
    %get3A_9 = arith.constant 0 : index
    %get3A_10 = vector.load %arg1[%get3A_8, %get3A_9] : memref<1000x128xf32, #tpu.memory_space<vmem>>, vector<1000x128xf32>
    %get3A_11 = arith.constant 0 : index
    %get3A_12 = arith.constant 0 : index
    %get3A_13 = vector.load %arg2[%get3A_11, %get3A_12] : memref<128x16xf32, #tpu.memory_space<vmem>>, vector<128x16xf32>
    %dot_general3A = arith.constant dense<0.000000e+00> : vector<1000x16xf32>
    %dot_general3A_14 = tpu.matmul %get3A_10, %get3A_13, %dot_general3A {dimension_numbers = #tpu.dot_dimension_numbers<[1], [0], [0], [1], [0, 0, 1, 1], [], []>, transpose_lhs_hint = false} : vector<1000x128xf32>, vector<128x16xf32>, vector<1000x16xf32> -> vector<1000x16xf32>
    %mul3A = vector.broadcast %rsqrt3A : vector<1000x1xf32> to vector<1000x16xf32>
    %mul3A_15 = arith.mulf %dot_general3A_14, %mul3A : vector<1000x16xf32>
    %swap3A = arith.constant 0 : index
    %swap3A_16 = arith.constant 0 : index
    %swap3A_17 = vector.load %arg5[%swap3A, %swap3A_16] : memref<1000x16xf32, #tpu.memory_space<vmem>>, vector<1000x16xf32>
    tpu.vector_store %arg5[%swap3A, %swap3A_16], %mul3A_15 {strides = array<i32>} : memref<1000x16xf32, #tpu.memory_space<vmem>>, vector<1000x16xf32>,
    %swap3A_18 = arith.constant 0 : index
    %swap3A_19 = arith.constant 0 : index
    %swap3A_20 = vector.load %arg6[%swap3A_18, %swap3A_19] : memref<1000x1xf32, #tpu.memory_space<vmem>>, vector<1000x1xf32>
    tpu.vector_store %arg6[%swap3A_18, %swap3A_19], %rsqrt3A {strides = array<i32>} : memref<1000x1xf32, #tpu.memory_space<vmem>>, vector<1000x1xf32>,
    return
  }
  func.func @transform_0(%arg0: i32) -> (i32, i32) {
    %c0_i32 = arith.constant 0 : i32
    %c0_i32_0 = arith.constant 0 : i32
    return %arg0, %c0_i32 : i32, i32
  }
  func.func @transform_1(%arg0: i32) -> (i32, i32) {
    %c0_i32 = arith.constant 0 : i32
    %c0_i32_0 = arith.constant 0 : i32
    %c0_i32_1 = arith.constant 0 : i32
    return %c0_i32, %c0_i32_0 : i32, i32
  }
  func.func @transform_2(%arg0: i32) -> (i32, i32) {
    %c0_i32 = arith.constant 0 : i32
    %c0_i32_0 = arith.constant 0 : i32
    return %arg0, %c0_i32 : i32, i32
  }
  func.func @transform_3(%arg0: i32) -> (i32, i32) {
    %c0_i32 = arith.constant 0 : i32
    %c0_i32_0 = arith.constant 0 : i32
    return %arg0, %c0_i32 : i32, i32
  }
  func.func @transform_4(%arg0: i32) -> (i32, i32) {
    %c0_i32 = arith.constant 0 : i32
    %c0_i32_0 = arith.constant 0 : i32
    return %arg0, %c0_i32 : i32, i32
  }
  func.func @transform_5(%arg0: i32) -> (i32, i32) {
    %c0_i32 = arith.constant 0 : i32
    %c0_i32_0 = arith.constant 0 : i32
    return %arg0, %c0_i32 : i32, i32
  }
}

module attributes {stable_mosaic.version = 14 : i64} {
  func.func @_tc_epilogue_body(%arg0: memref<2048x16xf32, #tpu.memory_space<vmem>>, %arg1: memref<2048x16xf32, #tpu.memory_space<vmem>>, %arg2: memref<2048x16xf32, #tpu.memory_space<vmem>>, %arg3: memref<2048x1xf32, #tpu.memory_space<vmem>>, %arg4: memref<1x16xf32, #tpu.memory_space<vmem>>, %arg5: memref<2048x16xf32, #tpu.memory_space<vmem>>) attributes {dimension_semantics = [], scalar_prefetch = 0 : i64, scratch_operands = 0 : i64, tpu.core_type = #tpu.core_type<tc>} {
    %get3A = arith.constant 0 : index
    %get3A_0 = arith.constant 0 : index
    %get3A_1 = vector.load %arg3[%get3A, %get3A_0] : memref<2048x1xf32, #tpu.memory_space<vmem>>, vector<2048x1xf32>
    %get3A_2 = arith.constant 0 : index
    %get3A_3 = arith.constant 0 : index
    %get3A_4 = vector.load %arg0[%get3A_2, %get3A_3] : memref<2048x16xf32, #tpu.memory_space<vmem>>, vector<2048x16xf32>
    %get3A_5 = arith.constant 0 : index
    %get3A_6 = arith.constant 0 : index
    %get3A_7 = vector.load %arg1[%get3A_5, %get3A_6] : memref<2048x16xf32, #tpu.memory_space<vmem>>, vector<2048x16xf32>
    %add3A = arith.addf %get3A_4, %get3A_7 : vector<2048x16xf32>
    %get3A_8 = arith.constant 0 : index
    %get3A_9 = arith.constant 0 : index
    %get3A_10 = vector.load %arg2[%get3A_8, %get3A_9] : memref<2048x16xf32, #tpu.memory_space<vmem>>, vector<2048x16xf32>
    %add3A_11 = arith.addf %add3A, %get3A_10 : vector<2048x16xf32>
    %mul3A = vector.broadcast %get3A_1 : vector<2048x1xf32> to vector<2048x16xf32>
    %mul3A_12 = arith.mulf %mul3A, %add3A_11 : vector<2048x16xf32>
    %get3A_13 = arith.constant 0 : index
    %get3A_14 = arith.constant 0 : index
    %get3A_15 = vector.load %arg4[%get3A_13, %get3A_14] : memref<1x16xf32, #tpu.memory_space<vmem>>, vector<1x16xf32>
    %add3A_16 = vector.broadcast %get3A_15 : vector<1x16xf32> to vector<2048x16xf32>
    %add3A_17 = arith.addf %mul3A_12, %add3A_16 : vector<2048x16xf32>
    %swap3A = arith.constant 0 : index
    %swap3A_18 = arith.constant 0 : index
    %swap3A_19 = vector.load %arg5[%swap3A, %swap3A_18] : memref<2048x16xf32, #tpu.memory_space<vmem>>, vector<2048x16xf32>
    tpu.vector_store %arg5[%swap3A, %swap3A_18], %add3A_17 {strides = array<i32>} : memref<2048x16xf32, #tpu.memory_space<vmem>>, vector<2048x16xf32>,
    return
  }
}

</mosaic_0001>

<sc_bundles>
// kernel: kernel.6.cloned.1.call-start
scs
__scs_entry_jumppad:
0x0: {  	(pc) =	sbr.rel $0x88, $3  }
0x1: {  	(tag) =	ssettag $0x0;
	lr =	simm.s32 $0x1  }
0x2: {  	[smem:$0x3F9D] =	sst lr;
	_ =	strace $0xD0000000  }
0x3: {  	_ = 	snop  }
0x4: {  	_ = 	snop  }
0x5: {  	_ = 	snop  }
0x6: {  	_ = 	snop  }
0x7: {  	_ = 	snop  }
__scs_overlays_trampoline_lowered:
0x8: {  	[smem:$0x3FAC] =	sst s0  }
0x9: {  	[smem:$0x3FAD] =	sst s1  }
0xa: {  	[smem:$0x3FAE] =	sst s2  }
0xb: {  	[smem:$0x3FAF] =	sst s3  }
0xc: {  	[smem:$0x3FB0] =	sst s4  }
0xd: {  	[smem:$0x3FB1] =	sst s5  }
0xe: {  	[smem:$0x3FB2] =	sst s6  }
0xf: {  	[smem:$0x3FB3] =	sst s7  }
0x10: {  	[smem:$0x3FB4] =	sst s8  }
0x11: {  	[smem:$0x3FB5] =	sst s9;
	s0 =	simm.s32 @!p0 $0x0  }
0x12: {  	s1 =	sld [smem:$0x3F9B];
	s0 =	simm.s32 @p0 $0x1  }
0x13: {  	[smem:$0x3FB6] =	sst s0;
	s0 =	simm.s32 @!p1 $0x0  }
0x14: {  	s2 =	sld [smem:$0x3F9A];
	s0 =	simm.s32 @p1 $0x1  }
0x15: {  	[smem:$0x3FB7] =	sst s0;
	s0 =	simm.s32 @!p2 $0x0  }
0x16: {  	s3 =	sld [smem:$0x3FDB];
	s0 =	simm.s32 @p2 $0x1  }
0x17: {  	s4 =	simm.s32 $0x1BF5;
	[smem:$0x3FB9] =	sst s0  }
0x18: {  	s0 =	sld [smem:$0x3F9C];
	_ =	swait.ge [sflag:s4], $0x0  }
0x19: {  	s7 =	sld [smem:$0x3F9D]  }
0x1a: {  	s8 =	sadd.s32 $0xFFFFE003, lr  }
0x1b: {  	s9 =	sadd.s32 $0xFFFFFEF7, lr;
	s5 =	simm.s32 $0xFFFFFFFF;
	p2 =	slt.u32 s8, $0xFFFFF086  }
0x1c: {  	p1 =	slt.u32 s9, $0xF7A;
	s5 =	simm.s32 @!p2 $0x0  }
0x1d: {  	s5 =	simm.s32 @p1 $0x1;
	p0 =	seq.s32 s7, s2  }
0x1e: {  	s7 =	smul.u32 @!p0 $0xF7A, s2;
	p2 =	seq.s32 @!p0 s5, $0x0  }
0x1f: {  	s9 =	smul.u32 $0xF7A, s1;
	s8 =	simm.s32 @!p0 $0x1BF5;
	p2 =	por !p2, p0  }
0x20: {  	[sflag:s8] =	ssyncset.s32 @!p0 $0xFFFFF086;
	s6 =	sadd.s32 @!p0 s3, s7;
	s7 =	simm.s32 @!p0 $0x108  }
0x21: {  	s3 =	sadd.s32 s3, s9;
	s6 =	sadd.s32 @!p0 $0x88, s6;
	s7 =	simm.s32 @p2 $0x1082  }
0x22: {  	[simem:s7], [sflag:s8] =	dma.local @!p0 [hbm:s6], $0xF7A  }
0x23: {  	s9 =	sor.u32 $0xD0000000, s2;
	s6 =	simm.s32 $0x108;
	_ =	swait.ge @!p0 [sflag:s8], $0x0  }
0x24: {  	s3 =	sadd.s32 $0x88, s3;
	s6 =	simm.s32 @!p1 $0x1082;
	[sflag:s4] =	ssyncset.s32 $0xFFFFF086  }
0x25: {  	[simem:s6], [sflag:s4] =	dma.local [hbm:s3], $0xF7A  }
0x26: {  	[smem:$0x3F9D] =	sst s1;
	(tag) =	ssettag s2;
	_ =	strace s9  }
0x27: {  	s1 =	sld [smem:$0x3FAD]  }
0x28: {  	s2 =	sld [smem:$0x3FAE]  }
0x29: {  	s4 =	sld [smem:$0x3FB0]  }
0x2a: {  	p0 =	seq.s32 s5, $0x0;
	s5 =	sld [smem:$0x3FB1]  }
0x2b: {  	s6 =	sld [smem:$0x3FB2]  }
0x2c: {  	s7 =	sld [smem:$0x3FB3]  }
0x2d: {  	s3 =	simm.s32 $0x108;
	s8 =	sld [smem:$0x3FB4]  }
0x2e: {  	s3 =	simm.s32 @!p0 $0x1082;
	s9 =	sld [smem:$0x3FB5]  }
0x2f: {  	lr =	sadd.s32 s0, s3;
	s0 =	sld [smem:$0x3FAC]  }
0x30: {  	s3 =	sld [smem:$0x3FAF]  }
0x31: {  	[smem:$0x3FB8] =	sst s10  }
0x32: {  	s10 =	sld [smem:$0x3FB6];
	_ =	sdelay $0x3  }
0x33: {  	p0 =	seq.s32 s10, $0x1;
	s10 =	sld [smem:$0x3FB8];
	_ =	sdelay $0x3  }
0x34: {  	[smem:$0x3FB8] =	sst s10  }
0x35: {  	s10 =	sld [smem:$0x3FB7];
	_ =	sdelay $0x3  }
0x36: {  	p1 =	seq.s32 s10, $0x1;
	s10 =	sld [smem:$0x3FB8];
	_ =	sdelay $0x3  }
0x37: {  	[smem:$0x3FB8] =	sst s10  }
0x38: {  	s10 =	sld [smem:$0x3FB9]  }
0x39: {  	_ = 	snop;
	(pc) =	sbr.ind lr, $3  }
0x3a: {  	_ = 	snop  }
0x3b: {  	_ = 	snop  }
0x3c: {  	p2 =	seq.s32 s10, $0x1;
	s10 =	sld [smem:$0x3FB8]  }
0x3d: {  	_ =	shalt  }
0x3e: {  	_ =	shalt  }
0x3f: {  	_ =	shalt  }
0x40: {  	_ =	shalt  }
0x41: {  	_ =	shalt  }
0x42: {  	_ =	shalt  }
0x43: {  	_ =	shalt  }
0x44: {  	_ =	shalt  }
0x45: {  	_ =	shalt  }
0x46: {  	_ =	shalt  }
0x47: {  	_ =	shalt  }
0x48: {  	_ =	shalt  }
0x49: {  	_ =	shalt  }
0x4a: {  	_ =	shalt  }
0x4b: {  	_ =	shalt  }
0x4c: {  	_ =	shalt  }
0x4d: {  	_ =	shalt  }
0x4e: {  	_ =	shalt  }
0x4f: {  	_ =	shalt  }
0x50: {  	_ =	shalt  }
0x51: {  	_ =	shalt  }
0x52: {  	_ =	shalt  }
0x53: {  	_ =	shalt  }
0x54: {  	_ =	shalt  }
0x55: {  	_ =	shalt  }
0x56: {  	_ =	shalt  }
0x57: {  	_ =	shalt  }
0x58: {  	_ =	shalt  }
0x59: {  	_ =	shalt  }
0x5a: {  	_ =	shalt  }
0x5b: {  	_ =	shalt  }
0x5c: {  	_ =	shalt  }
0x5d: {  	_ =	shalt  }
0x5e: {  	_ =	shalt  }
0x5f: {  	_ =	shalt  }
0x60: {  	_ =	shalt  }
0x61: {  	_ =	shalt  }
0x62: {  	_ =	shalt  }
0x63: {  	_ =	shalt  }
0x64: {  	_ =	shalt  }
0x65: {  	_ =	shalt  }
0x66: {  	_ =	shalt  }
0x67: {  	_ =	shalt  }
0x68: {  	_ =	shalt  }
0x69: {  	_ =	shalt  }
0x6a: {  	_ =	shalt  }
0x6b: {  	_ =	shalt  }
0x6c: {  	_ =	shalt  }
0x6d: {  	_ =	shalt  }
0x6e: {  	_ =	shalt  }
0x6f: {  	_ =	shalt  }
0x70: {  	_ =	shalt  }
0x71: {  	_ =	shalt  }
0x72: {  	_ =	shalt  }
0x73: {  	_ =	shalt  }
0x74: {  	_ =	shalt  }
0x75: {  	_ =	shalt  }
0x76: {  	_ =	shalt  }
0x77: {  	_ =	shalt  }
0x78: {  	_ =	shalt  }
0x79: {  	_ =	shalt  }
0x7a: {  	_ =	shalt  }
0x7b: {  	_ =	shalt  }
0x7c: {  	_ =	shalt  }
0x7d: {  	_ =	shalt  }
0x7e: {  	_ =	shalt  }
0x7f: {  	_ =	shalt  }
0x80: {  	_ =	shalt  }
0x81: {  	_ =	shalt  }
0x82: {  	_ =	shalt  }
0x83: {  	_ =	shalt  }
0x84: {  	_ =	shalt  }
0x85: {  	_ =	shalt  }
0x86: {  	_ =	shalt  }
0x87: {  	_ =	shalt  }
.Lfunc_end0:
.L_simem_size_0:
called_computation_lowered:
.L_overlay_start_0:
0x88: {  	s2 =	sld [smem:$0x3FD9]  }
0x89: {  	s3 =	sld [smem:$0x3FFE];
	_ =	sdelay $0x1  }
0x8a: {  	s1 =	srdreg.scid  }
0x8b: {  	s0 =	sand.u32 $0x1, s1  }
0x8c: {  	s17 =	sshll.u32 s0, $0xA;
	s2 =	sadd.s32 s3, s2  }
0x8d: {  	s2 =	sadd.s32 s2, s17  }
0x8e: {  	[smem:$0x3FC4] =	sst s2  }
0x8f: {  	_ = 	snop  }
0x90: {  	s2 =	sld [smem:$0x3FD0];
	(tm) =	ssettm $0x1  }
0x91: {  	s18 =	sld [smem:$0x3FFB];
	_ =	sdelay $0x3  }
0x92: {  	_ =	strace s18  }
0x93: {  	s3 =	sld [smem:$0x3FFC];
	_ =	sdelay $0x3  }
0x94: {  	_ =	strace s3  }
0x95: {  	s3 =	sld [smem:$0x3FFD];
	_ =	sdelay $0x3  }
0x96: {  	_ =	strace s3  }
0x97: {  	_ =	strace $0x8FFFFFFF  }
0x98: {  	s19 =	sld [smem:$0x3FDB];
	_ =	sdelay $0x1  }
0x99: {  	s4 =	simm.s32 $_scs_section_size  }
0x9a: {  	s5 =	simm.s32 $_size__tile_overlayer_lowered;
	s6 =	simm.s32 $_tile_overlayer_lowered  }
0x9b: {  	s22 =	simm.s32 $0x1BFF;
	s21 =	sshll.u32 s6, $0x1;
	s3 =	sadd.s32 s4, s19  }
0x9c: {  	s7 =	simm.s32 $0x0;
	s20 =	sshll.u32 s5, $0x1;
	s5 =	sadd.s32 s21, s3  }
0x9d: {  	[timem:s7], [sflag:s22] =	dma.local [hbm:s5], s20  }
0x9e: {  	_ =	swait.ge [sflag:s22], s20  }
0x9f: {  	s4 =	ssub.s32 $0x0, s20;
	[sflag:s22] =	ssyncset.done $0x0  }
0xa0: {  	[sflag:s22] =	ssyncadd.s32 s4;
	_ =	sdelay $0x1  }
0xa1: {  	s23 =	simm.s32 $0x1B8B  }
0xa2: {  	_ =	swait.ge [sflag:s23], $0x1  }
0xa3: {  	[sflag:s23] =	ssyncset.done $0x0  }
0xa4: {  	s25 =	simm.s32 $0x1B8E;
	s24 =	sld [smem:$0x3FFE];
	[sflag:s23] =	ssyncadd.s32 $0xFFFFFFFF  }
0xa5: {  	s26 =	simm.s32 $execute0_lowered;
	[smem:$0x3FD2] =	sst s25  }
0xa6: {  	s5 =	sshll.u32 s26, $0x1;
	_ =	strace $0x80000046;
	[dreg:$0x1] =	wrdreg $0xFFFFFFFF  }
0xa7: {  	s28 =	simm.s32 $_size_execute0_lowered;
	s3 =	sadd.s32 s3, s5;
	[dreg:$0x0] =	wrdreg $0x0  }
0xa8: {  	s5 =	sshll.u32 s28, $0x1;
	[dreg:$0x2] =	wrdreg s3  }
0xa9: {  	[dreg:$0x3] =	wrdreg s5  }
0xaa: {  	[dreg:$0x4] =	wrdreg $0xC0  }
0xab: {  	_ =	task [dreg:s7], $0x5FFFF  }
0xac: {  	[dreg:$0x1] =	wrdreg $0xFFFFFFFF  }
0xad: {  	[dreg:$0x0] =	wrdreg $0x60  }
0xae: {  	[dreg:$0x2] =	wrdreg s24  }
0xaf: {  	[dreg:$0x3] =	wrdreg s2  }
0xb0: {  	[dreg:$0x4] =	wrdreg $0xA4100  }
0xb1: {  	[dreg:$0x5] =	wrdreg $0x9  }
0xb2: {  	_ =	task.clear_ibuf [dreg:s7], $0x6FFFF;
	_ =	strace $0x90000046  }
0xb3: {  	s29 =	simm.s32 $0x9;
	_ =	strace $0x80000048  }
0xb4: {  	_ =	swait.ge [sflag:s29], $0x1  }
0xb5: {  	[sflag:s29] =	ssyncadd.s32 $0xFFFFFFFF  }
0xb6: {  	_ =	strace $0x90000048  }
0xb7: {  	_ =	sfence  }
0xb8: {  	s30 =	sld [smem:$0x0];
	_ =	sdelay $0x2  }
0xb9: {  	s31 =	sshll.u32 s1, $0xD;
	s1 =	sshrl.u32 s1, $0x2  }
0xba: {  	s3 =	sand.u32 $0x4000, s31;
	s1 =	sadd.s32 s1, s30  }
0xbb: {  	s0 =	sor.u32 s3, s0;
	s1 =	sshll.u32 s1, $0x11  }
0xbc: {  	s0 =	sor.u32 s1, s0  }
0xbd: {  	s0 =	sadd.s32 $0x8F2B, s0  }
0xbe: {  	[sflag:s0] =	ssyncadd.remote.s32 $0x1  }
0xbf: {  	_ =	sfence.sel $0xFFFF  }
0xc0: {  	[dreg:$0x0] =	wrdreg $0xFFFFFFFF;
	(pc) =	sbr.abs _section_cstart, $3  }
0xc1: {  	[dreg:$0x1] =	wrdreg $0xFFFFFFFF  }
0xc2: {  	_ =	task.clear_ibuf [dreg:s7], $0x2FFFF;
	_ =	strace $0x9FFFFFFF  }
0xc3: {  	(tm) =	ssettm $0x7FFFFFFF  }
tec
execute0_lowered:
.L_overlay_start_1:
0x0: {  	(tag) =	ssettag $0x1  }
0x1: {  	s4 =	rddreg [dreg:$0x0]  }
0x2: {  	s10 =	rddreg [dreg:$0x1]  }
0x3: {  	s1 =	rddreg [dreg:$0x2]  }
0x4: {  	s2 =	srdreg.scid;
	s0 =	rddreg [dreg:$0x3]  }
0x5: {  	s3 =	simm.s32 $0x0;
	s16 =	simm.s32 $0x5000;
	s17 =	simm.s32 $0x7880  }
0x6: {  	s18 =	simm.s32 $0x1;
	s19 =	simm.s32 $0xA400;
	s6 =	sand.u32 $0x1, s2  }
0x7: {  	s2 =	stileid.u32;
	[smem:$0x7FF] =	sst s3;
	s5 =	sshll.u32 s6, $0x4  }
0x8: {  	_ =	strace $0x80000047;
	s8 =	ssub.s32 $0x2, s6;
	s11 =	smul.u32 $0x280, s2  }
0x9: {  	s15 =	smul.u32 $0x500, s6;
	s5 =	sor.u32 s2, s5;
	s9 =	sshrl.u32 s8, $0x1  }
0xa: {  	s7 =	smul.u32 $0x500, s5;
	s5 =	sshll.u32 s5, $0x1;
	s14 =	ssub.s32 s8, s9  }
0xb: {  	s20 =	sadd.s32 s10, s15;
	s21 =	sshrl.u32 s11, $0x3;
	s15 =	simm.s32 $0xA100  }
0xc: {  	s13 =	sadd.s32 s5, s4;
	s10 =	smax.u32 s14, $0x1;
	s14 =	simm.s32 $0x80  }
0xd: {  	v0 =	vimm.f32 $0.0e+00;
	v1 =	vimm.f32 $1.000000000e+00;
	v2 =	vlaneseq.u32;
	s20 =	sadd.s32 s21, s20;
	s21 =	simm.s32 $0x0;
	s12 =	sadd.s32 s7, s4  }
0xe: {  	v3 =	vimm.s32 $0x0;
	v4 =	vimm.s32 $0x800;
	v5 =	vor.u32 $0x10, v2;
	s4 =	sadd.s32 s11, s1;
	s9 =	sadd.s32 $0x29600, s13;
	s11 =	simm.s32 $0xA180  }
0xf: {  	v6 =	vor.u32 $0x20, v2;
	v7 =	vor.u32 $0x30, v2;
	v8 =	vor.u32 $0x40, v2;
	s13 =	simm.s32 $0x2800;
	s5 =	sadd.s32 $0xB600, s12;
	s6 =	sadd.s32 $0x1600, s12  }
0x10: {  	v9 =	vor.u32 $0x50, v2;
	v10 =	vor.u32 $0x60, v2;
	v11 =	vor.u32 $0x70, v2;
	s7 =	sadd.s32 $0x1F600, s12;
	s8 =	sadd.s32 $0x15600, s12;
	s12 =	simm.s32 $0x2  }
.LBB2_1:
0x11: {  	[tilespmem:$0xA180] =	vst v0  }
0x12: {  	[tilespmem:$0xA190] =	vst v0  }
0x13: {  	[tilespmem:$0xA1A0] =	vst v0  }
0x14: {  	[tilespmem:$0xA1B0] =	vst v0  }
0x15: {  	[tilespmem:$0xA1C0] =	vst v0  }
0x16: {  	[tilespmem:$0xA1D0] =	vst v0  }
0x17: {  	[tilespmem:$0xA1E0] =	vst v0  }
0x18: {  	[tilespmem:$0xA1F0] =	vst v0  }
0x19: {  	[tilespmem:$0xA200] =	vst v0  }
0x1a: {  	[tilespmem:$0xA210] =	vst v0  }
0x1b: {  	[tilespmem:$0xA220] =	vst v0  }
0x1c: {  	[tilespmem:$0xA230] =	vst v0  }
0x1d: {  	[tilespmem:$0xA240] =	vst v0  }
0x1e: {  	[tilespmem:$0xA250] =	vst v0  }
0x1f: {  	[tilespmem:$0xA260] =	vst v0  }
0x20: {  	[tilespmem:$0xA270] =	vst v0  }
0x21: {  	[tilespmem:$0xA280] =	vst v0  }
0x22: {  	[tilespmem:$0xA290] =	vst v0  }
0x23: {  	[tilespmem:$0xA2A0] =	vst v0  }
0x24: {  	[tilespmem:$0xA2B0] =	vst v0  }
0x25: {  	[tilespmem:$0xA2C0] =	vst v0  }
0x26: {  	[tilespmem:$0xA2D0] =	vst v0  }
0x27: {  	[tilespmem:$0xA2E0] =	vst v0  }
0x28: {  	[tilespmem:$0xA2F0] =	vst v0  }
0x29: {  	[tilespmem:$0xA300] =	vst v0  }
0x2a: {  	[tilespmem:$0xA310] =	vst v0  }
0x2b: {  	[tilespmem:$0xA320] =	vst v0  }
0x2c: {  	[tilespmem:$0xA330] =	vst v0  }
0x2d: {  	[tilespmem:$0xA340] =	vst v0  }
0x2e: {  	[tilespmem:$0xA350] =	vst v0  }
0x2f: {  	[tilespmem:$0xA360] =	vst v0  }
0x30: {  	[tilespmem:$0xA370] =	vst v0  }
0x31: {  	[tilespmem:$0xA380] =	vst v0  }
0x32: {  	[tilespmem:$0xA390] =	vst v0  }
0x33: {  	[tilespmem:$0xA3A0] =	vst v0  }
0x34: {  	[tilespmem:$0xA3B0] =	vst v0  }
0x35: {  	[tilespmem:$0xA3C0] =	vst v0  }
0x36: {  	[tilespmem:$0xA3D0] =	vst v0  }
0x37: {  	[tilespmem:$0xA3E0] =	vst v0  }
0x38: {  	[tilespmem:$0xA3F0] =	vst v0  }
0x39: {  	[tilespmem:$0xA100] =	vst v1  }
0x3a: {  	[tilespmem:$0xA110] =	vst v1  }
0x3b: {  	[tilespmem:$0xA120] =	vst v1  }
0x3c: {  	[tilespmem:$0xA130] =	vst v1  }
0x3d: {  	[tilespmem:$0xA140] =	vst v1  }
0x3e: {  	[tilespmem:$0xA150] =	vst v1  }
0x3f: {  	[tilespmem:$0xA160] =	vst v1  }
0x40: {  	[tilespmem:$0xA170] =	vst v1  }
0x41: {  	[spmem:s4] =	stream.linear.scatter [tilespmem:s11], [sflag:$0x2], $0x280, $0x38;
	[tilespmem:$0xA690] =	vst v63  }
0x42: {  	_ =	swait.ge [sflag:s12], $0x280  }
0x43: {  	[sflag:s12] =	ssyncset.done $0x0  }
0x44: {  	[sflag:s12] =	ssyncadd.s32 $0xFFFFFD80  }
0x45: {  	[tilespmem:s3], [sflag:$0x2] =	stream.linear.gather [hbm4b:s5+s3], $0x2800, $0x38;
	[tilespmem:$0xA690] =	vst v63  }
0x46: {  	_ =	swait.ge [sflag:s12], $0x2800  }
0x47: {  	[sflag:s12] =	ssyncset.done $0x0  }
0x48: {  	[sflag:s12] =	ssyncadd.s32 $0xFFFFD800  }
0x49: {  	[tilespmem:s13], [sflag:$0x2] =	stream.linear.gather [hbm4b:s6+s3], $0x2800, $0x38;
	[tilespmem:$0xA690] =	vst v63  }
0x4a: {  	_ =	swait.ge [sflag:s12], $0x2800  }
0x4b: {  	[sflag:s12] =	ssyncset.done $0x0  }
0x4c: {  	s22 =	simm.s32 $0x2840;
	[sflag:s12] =	ssyncadd.s32 $0xFFFFD800  }
0x4d: {  	s23 =	simm.s32 $0x0;
	v12 =	vimm.s32 $0x0;
	s24 =	simm.s32 $0x0;
	[bflag:$0x0] =	sbarrier.arrive $0xFFFF  }
.LBB2_2:
0x4e: {  	[spmem:s1] =	stream.indirect.scatter.add.f32 [tilespmem:s15], [sflag:$0x1], $0x1, s23, s14, $0xb8;
	[tilespmem:$0xA690] =	vst v63  }
0x4f: {  	p0 =	slt.u32 s24, $0x8  }
0x50: {  	s25 =	simm.s32 @!p0 $0x1  }
0x51: {  	_ =	swait.ge @!p0 [sflag:s25], $0x80  }
0x52: {  	[sflag:s25] =	ssyncset.done @!p0 $0x0  }
0x53: {  	[sflag:s25] =	ssyncadd.s32 @!p0 $0xFFFFFF80  }
0x54: {  	v13 =	vld [tilespmem:s23+$0x0];
	_ =	sdelay $0x4  }
0x55: {  	vm0 =	vlt.s32 v13, $0x800  }
0x56: {  	v14 =	vsel vm0, $0x1, v3  }
0x57: {  	(xrf0) =	vadd.scan.msk.s32 $0xffff, v14;
	_ =	sdelay $0x4  }
0x58: {  	v14 =	vsel vm0, $0xFFFFFFFF, v3  }
0x59: {  	v14 =	vadd.s32 v14, v12;
	v15, _, _ =	vpop (xrf0)  }
0x5a: {  	v14 =	vadd.s32 v15, v14  }
0x5b: {  	v15 =	vld [tilespmem:s22+$0xFFFFFFC0];
	_ =	sdelay $0x3  }
0x5c: {  	[tilespmem:v14+s16+$0x0] =	vst.idx.msk vm0, v13  }
0x5d: {  	[tilespmem:v14+s17+$0x0] =	vst.idx.msk vm0, v15  }
0x5e: {  	v13 =	vld [tilespmem:s23+$0x10];
	_ =	sdelay $0x4  }
0x5f: {  	vm1 =	vlt.s32 v13, $0x800  }
0x60: {  	v14 =	vsel vm1, $0x1, v3  }
0x61: {  	(xrf0) =	vadd.scan.msk.s32 $0xffff, v14;
	_ =	sdelay $0x2  }
0x62: {  	v14 =	vmpcnt.ones.xlane vm0;
	_ =	sdelay $0x1  }
0x63: {  	v12 =	vadd.s32 v12, v14;
	v14 =	vsel vm1, $0xFFFFFFFF, v3  }
0x64: {  	v14 =	vadd.s32 v14, v12;
	v15, _, _ =	vpop (xrf0)  }
0x65: {  	v14 =	vadd.s32 v15, v14  }
0x66: {  	v15 =	vld [tilespmem:s22+$0xFFFFFFD0];
	_ =	sdelay $0x3  }
0x67: {  	[tilespmem:v14+s16+$0x0] =	vst.idx.msk vm1, v13  }
0x68: {  	[tilespmem:v14+s17+$0x0] =	vst.idx.msk vm1, v15  }
0x69: {  	v13 =	vld [tilespmem:s23+$0x20];
	_ =	sdelay $0x4  }
0x6a: {  	vm10 =	vlt.s32 v13, $0x800  }
0x6b: {  	v14 =	vsel vm10, $0x1, v3  }
0x6c: {  	(xrf0) =	vadd.scan.msk.s32 $0xffff, v14;
	_ =	sdelay $0x2  }
0x6d: {  	v14 =	vmpcnt.ones.xlane vm1;
	_ =	sdelay $0x1  }
0x6e: {  	v12 =	vadd.s32 v12, v14;
	v14 =	vsel vm10, $0xFFFFFFFF, v3  }
0x6f: {  	v14 =	vadd.s32 v14, v12;
	v15, _, _ =	vpop (xrf0)  }
0x70: {  	v14 =	vadd.s32 v15, v14  }
0x71: {  	v15 =	vld [tilespmem:s22+$0xFFFFFFE0];
	_ =	sdelay $0x3  }
0x72: {  	[tilespmem:v14+s16+$0x0] =	vst.idx.msk vm10, v13  }
0x73: {  	[tilespmem:v14+s17+$0x0] =	vst.idx.msk vm10, v15  }
0x74: {  	v13 =	vld [tilespmem:s23+$0x30];
	_ =	sdelay $0x4  }
0x75: {  	vm11 =	vlt.s32 v13, $0x800  }
0x76: {  	v14 =	vsel vm11, $0x1, v3  }
0x77: {  	(xrf0) =	vadd.scan.msk.s32 $0xffff, v14;
	_ =	sdelay $0x2  }
0x78: {  	v14 =	vmpcnt.ones.xlane vm10;
	_ =	sdelay $0x1  }
0x79: {  	v12 =	vadd.s32 v12, v14;
	v14 =	vsel vm11, $0xFFFFFFFF, v3  }
0x7a: {  	v14 =	vadd.s32 v14, v12;
	v15, _, _ =	vpop (xrf0)  }
0x7b: {  	v14 =	vadd.s32 v15, v14  }
0x7c: {  	v15 =	vld [tilespmem:s22+$0xFFFFFFF0];
	_ =	sdelay $0x3  }
0x7d: {  	[tilespmem:v14+s16+$0x0] =	vst.idx.msk vm11, v13  }
0x7e: {  	[tilespmem:v14+s17+$0x0] =	vst.idx.msk vm11, v15  }
0x7f: {  	v13 =	vld [tilespmem:s23+$0x40];
	_ =	sdelay $0x4  }
0x80: {  	vm12 =	vlt.s32 v13, $0x800  }
0x81: {  	v14 =	vsel vm12, $0x1, v3  }
0x82: {  	(xrf0) =	vadd.scan.msk.s32 $0xffff, v14;
	_ =	sdelay $0x2  }
0x83: {  	v14 =	vmpcnt.ones.xlane vm11;
	_ =	sdelay $0x1  }
0x84: {  	v12 =	vadd.s32 v12, v14;
	v14 =	vsel vm12, $0xFFFFFFFF, v3  }
0x85: {  	v14 =	vadd.s32 v14, v12;
	v15, _, _ =	vpop (xrf0)  }
0x86: {  	v14 =	vadd.s32 v15, v14  }
0x87: {  	v15 =	vld [tilespmem:s22+$0x0];
	_ =	sdelay $0x3  }
0x88: {  	[tilespmem:v14+s16+$0x0] =	vst.idx.msk vm12, v13  }
0x89: {  	[tilespmem:v14+s17+$0x0] =	vst.idx.msk vm12, v15  }
0x8a: {  	v13 =	vld [tilespmem:s23+$0x50];
	_ =	sdelay $0x4  }
0x8b: {  	vm13 =	vlt.s32 v13, $0x800  }
0x8c: {  	v14 =	vsel vm13, $0x1, v3  }
0x8d: {  	(xrf0) =	vadd.scan.msk.s32 $0xffff, v14;
	_ =	sdelay $0x2  }
0x8e: {  	v14 =	vmpcnt.ones.xlane vm12;
	_ =	sdelay $0x1  }
0x8f: {  	v12 =	vadd.s32 v12, v14;
	v14 =	vsel vm13, $0xFFFFFFFF, v3  }
0x90: {  	v14 =	vadd.s32 v14, v12;
	v15, _, _ =	vpop (xrf0)  }
0x91: {  	v14 =	vadd.s32 v15, v14  }
0x92: {  	v15 =	vld [tilespmem:s22+$0x10];
	_ =	sdelay $0x3  }
0x93: {  	[tilespmem:v14+s16+$0x0] =	vst.idx.msk vm13, v13  }
0x94: {  	[tilespmem:v14+s17+$0x0] =	vst.idx.msk vm13, v15  }
0x95: {  	v13 =	vld [tilespmem:s23+$0x60];
	_ =	sdelay $0x4  }
0x96: {  	vm14 =	vlt.s32 v13, $0x800  }
0x97: {  	v14 =	vsel vm14, $0x1, v3  }
0x98: {  	(xrf0) =	vadd.scan.msk.s32 $0xffff, v14;
	_ =	sdelay $0x2  }
0x99: {  	v14 =	vmpcnt.ones.xlane vm13;
	_ =	sdelay $0x1  }
0x9a: {  	v12 =	vadd.s32 v12, v14;
	v14 =	vsel vm14, $0xFFFFFFFF, v3  }
0x9b: {  	v14 =	vadd.s32 v14, v12;
	v15, _, _ =	vpop (xrf0)  }
0x9c: {  	v14 =	vadd.s32 v15, v14  }
0x9d: {  	v15 =	vld [tilespmem:s22+$0x20];
	_ =	sdelay $0x3  }
0x9e: {  	[tilespmem:v14+s16+$0x0] =	vst.idx.msk vm14, v13  }
0x9f: {  	[tilespmem:v14+s17+$0x0] =	vst.idx.msk vm14, v15  }
0xa0: {  	v13 =	vld [tilespmem:s23+$0x70];
	_ =	sdelay $0x4  }
0xa1: {  	vm15 =	vlt.s32 v13, $0x800  }
0xa2: {  	v14 =	vsel vm15, $0x1, v3  }
0xa3: {  	(xrf0) =	vadd.scan.msk.s32 $0xffff, v14;
	_ =	sdelay $0x2  }
0xa4: {  	v14 =	vmpcnt.ones.xlane vm14;
	_ =	sdelay $0x1  }
0xa5: {  	v12 =	vadd.s32 v12, v14;
	v14 =	vsel vm15, $0xFFFFFFFF, v3  }
0xa6: {  	v14 =	vadd.s32 v14, v12;
	v15, _, _ =	vpop (xrf0)  }
0xa7: {  	s24 =	sadd.s32 $0x1, s24;
	v14 =	vadd.s32 v15, v14  }
0xa8: {  	p0 =	sne.s32 s24, $0x50;
	v15 =	vld [tilespmem:s22+$0x30]  }
.Ltmp0:
0xa9: {  	_ = 	snop;
	(pc) =	sbr.rel @p0 .LBB2_2-.Ltmp0, $4  }
0xaa: {  	_ = 	snop  }
0xab: {  	v16 =	vmpcnt.ones.xlane vm15  }
0xac: {  	[tilespmem:v14+s16+$0x0] =	vst.idx.msk vm15, v13  }
0xad: {  	s23 =	sadd.s32 $0x80, s23;
	v12 =	vadd.s32 v12, v16;
	s22 =	sadd.s32 $0x80, s22;
	[tilespmem:v14+s17+$0x0] =	vst.idx.msk vm15, v15  }
0xae: {  	_ =	swait.ge [sflag:s18], $0x80  }
0xaf: {  	[sflag:s18] =	ssyncset.done $0x0  }
0xb0: {  	[sflag:s18] =	ssyncadd.s32 $0xFFFFFF80  }
0xb1: {  	_ =	swait.ge [sflag:s18], $0x80  }
0xb2: {  	[sflag:s18] =	ssyncset.done $0x0  }
0xb3: {  	[sflag:s18] =	ssyncadd.s32 $0xFFFFFF80  }
0xb4: {  	_ =	swait.ge [sflag:s18], $0x80  }
0xb5: {  	[sflag:s18] =	ssyncset.done $0x0  }
0xb6: {  	[sflag:s18] =	ssyncadd.s32 $0xFFFFFF80  }
0xb7: {  	_ =	swait.ge [sflag:s18], $0x80  }
0xb8: {  	[sflag:s18] =	ssyncset.done $0x0  }
0xb9: {  	[sflag:s18] =	ssyncadd.s32 $0xFFFFFF80  }
0xba: {  	_ =	swait.ge [sflag:s18], $0x80  }
0xbb: {  	[sflag:s18] =	ssyncset.done $0x0  }
0xbc: {  	[sflag:s18] =	ssyncadd.s32 $0xFFFFFF80  }
0xbd: {  	_ =	swait.ge [sflag:s18], $0x80  }
0xbe: {  	[sflag:s18] =	ssyncset.done $0x0  }
0xbf: {  	[sflag:s18] =	ssyncadd.s32 $0xFFFFFF80  }
0xc0: {  	_ =	swait.ge [sflag:s18], $0x80  }
0xc1: {  	v13 =	vadd.s32 v2, v12;
	[sflag:s18] =	ssyncset.done $0x0  }
0xc2: {  	[sflag:s18] =	ssyncadd.s32 $0xFFFFFF80  }
0xc3: {  	v14 =	vadd.s32 v5, v12;
	_ =	swait.ge [sflag:s18], $0x80  }
0xc4: {  	[sflag:s18] =	ssyncset.done $0x0  }
0xc5: {  	v15 =	vadd.s32 v6, v12;
	[sflag:s18] =	ssyncadd.s32 $0xFFFFFF80  }
0xc6: {  	[tilespmem:v13+s16+$0x0] =	vst.idx.msk $0xffff, v4  }
0xc7: {  	v58 =	vadd.s32 v7, v12;
	[tilespmem:v13+s17+$0x0] =	vst.idx.msk $0xffff, v3  }
0xc8: {  	[tilespmem:v14+s16+$0x0] =	vst.idx.msk $0xffff, v4  }
0xc9: {  	v59 =	vadd.s32 v8, v12;
	[tilespmem:v14+s17+$0x0] =	vst.idx.msk $0xffff, v3  }
0xca: {  	[tilespmem:v15+s16+$0x0] =	vst.idx.msk $0xffff, v4  }
0xcb: {  	v60 =	vadd.s32 v9, v12;
	[tilespmem:v15+s17+$0x0] =	vst.idx.msk $0xffff, v3  }
0xcc: {  	[tilespmem:v58+s16+$0x0] =	vst.idx.msk $0xffff, v4  }
0xcd: {  	v61 =	vadd.s32 v10, v12;
	[tilespmem:v58+s17+$0x0] =	vst.idx.msk $0xffff, v3  }
0xce: {  	[tilespmem:v59+s16+$0x0] =	vst.idx.msk $0xffff, v4  }
0xcf: {  	v62 =	vadd.s32 v11, v12;
	[tilespmem:v59+s17+$0x0] =	vst.idx.msk $0xffff, v3  }
0xd0: {  	[tilespmem:v60+s16+$0x0] =	vst.idx.msk $0xffff, v4  }
0xd1: {  	[tilespmem:v60+s17+$0x0] =	vst.idx.msk $0xffff, v3  }
0xd2: {  	[tilespmem:v61+s16+$0x0] =	vst.idx.msk $0xffff, v4  }
0xd3: {  	[tilespmem:v61+s17+$0x0] =	vst.idx.msk $0xffff, v3  }
0xd4: {  	v63 =	vadd.s32 $0x7F, v12;
	[tilespmem:v62+s16+$0x0] =	vst.idx.msk $0xffff, v4  }
0xd5: {  	v12 =	vshra.s32 v63, $0x7;
	[tilespmem:v62+s17+$0x0] =	vst.idx.msk $0xffff, v3  }
0xd6: {  	[tilespmem:$0xA400] =	vst v12  }
0xd7: {  	[hbm4b:s7+s3] =	stream.linear.scatter [tilespmem:s16], [sflag:$0x2], $0x2800, $0x38;
	[tilespmem:$0xA690] =	vst v63  }
0xd8: {  	_ =	swait.ge [sflag:s12], $0x2800  }
0xd9: {  	[sflag:s12] =	ssyncset.done $0x0  }
0xda: {  	[sflag:s12] =	ssyncadd.s32 $0xFFFFD800  }
0xdb: {  	[hbm4b:s8+s3] =	stream.linear.scatter [tilespmem:s17], [sflag:$0x2], $0x2800, $0x38;
	[tilespmem:$0xA690] =	vst v63  }
0xdc: {  	_ =	swait.ge [sflag:s12], $0x2800  }
0xdd: {  	[sflag:s12] =	ssyncset.done $0x0  }
0xde: {  	[sflag:s12] =	ssyncadd.s32 $0xFFFFD800  }
0xdf: {  	[hbm4b:s9+s3] =	stream.linear.scatter [tilespmem:s19], [sflag:$0x2], $0x10, $0x38;
	[tilespmem:$0xA690] =	vst v63  }
0xe0: {  	_ =	swait.ge [sflag:s12], $0x10  }
0xe1: {  	s22 =	sshll.u32 s2, $0x6;
	s21 =	sadd.s32 $0x1, s21;
	[sflag:s12] =	ssyncset.done $0x0  }
0xe2: {  	s23 =	sshrl.u32 s4, $0x3;
	p0 =	sne.s32 s21, s10;
	[sflag:s12] =	ssyncadd.s32 $0xFFFFFFF0  }
.Ltmp1:
0xe3: {  	s22 =	sor.u32 $0x1C02, s22;
	[bflag:$0x0] =	sbarrier.arrive $0xFFFF;
	(pc) =	sbr.rel @p0 .LBB2_1-.Ltmp1, $4  }
0xe4: {  	[hbm:s20], [sflag:s22] =	dma.local [spmem:s23], $0x50  }
0xe5: {  	_ =	swait.ge [sflag:s12], $0x50  }
0xe6: {  	[sflag:s12] =	ssyncset.done $0x0  }
0xe7: {  	[sflag:s12] =	ssyncadd.s32 $0xFFFFFFB0  }
0xe8: {  	_ =	sfence.sel $0x180000  }
0xe9: {  	[bflag:$0x0] =	sbarrier.arrive $0xFFFF  }
0xea: {  	p0 =	sne.s32 s2, $0x0;
	_ =	strace $0x90000047  }
0xeb: {  	s0 =	sadd.s32 @!p0 $0x100000, s0;
	[bflag:$0x2] =	sbarrier.arrive $0xFFFF  }
0xec: {  	[sflag:s0] =	ssyncadd.tile.s32 @!p0 $0x1;
	_ =	shalt  }
.Lfunc_end2:
_tile_overlayer_lowered:
.L_overlay_start_2:
0xed: {  	(tag) =	ssettag $0x2  }
0xee: {  	s0 =	rddreg [dreg:$0x0];
	s2 =	stileid.u32  }
0xef: {  	s1 =	rddreg [dreg:$0x1];
	p0 =	sne.s32 s2, $0x0  }
0xf0: {  	s3 =	rddreg [dreg:$0x2];
	[bflag:$0x3] =	sbarrier.arrive $0xFFFF;
	s2 =	simm.s32 @!p0 $0x1C02  }
0xf1: {  	[timem:s3], [sflag:s2] =	dma.local @!p0 [hbm:s0], s1  }
0xf2: {  	s0 =	simm.s32 @!p0 $0x2  }
0xf3: {  	_ =	swait.ge @!p0 [sflag:s0], s1  }
0xf4: {  	s1 =	ssub.s32 @!p0 $0x0, s1;
	[sflag:s0] =	ssyncset.done @!p0 $0x0  }
0xf5: {  	[sflag:s0] =	ssyncadd.s32 @!p0 s1  }
0xf6: {  	[bflag:$0x3] =	sbarrier.arrive $0xFFFF  }
0xf7: {  	_ =	shalt  }

// kernel: kernel.9.cloned.1.call-start
scs
__scs_entry_jumppad:
0x0: {  	(pc) =	sbr.rel $0x88, $3  }
0x1: {  	(tag) =	ssettag $0x0;
	lr =	simm.s32 $0x1  }
0x2: {  	[smem:$0x3F9D] =	sst lr;
	_ =	strace $0xD0000000  }
0x3: {  	_ = 	snop  }
0x4: {  	_ = 	snop  }
0x5: {  	_ = 	snop  }
0x6: {  	_ = 	snop  }
0x7: {  	_ = 	snop  }
__scs_overlays_trampoline_lowered:
0x8: {  	[smem:$0x3FAC] =	sst s0  }
0x9: {  	[smem:$0x3FAD] =	sst s1  }
0xa: {  	[smem:$0x3FAE] =	sst s2  }
0xb: {  	[smem:$0x3FAF] =	sst s3  }
0xc: {  	[smem:$0x3FB0] =	sst s4  }
0xd: {  	[smem:$0x3FB1] =	sst s5  }
0xe: {  	[smem:$0x3FB2] =	sst s6  }
0xf: {  	[smem:$0x3FB3] =	sst s7  }
0x10: {  	[smem:$0x3FB4] =	sst s8  }
0x11: {  	[smem:$0x3FB5] =	sst s9;
	s0 =	simm.s32 @!p0 $0x0  }
0x12: {  	s1 =	sld [smem:$0x3F9B];
	s0 =	simm.s32 @p0 $0x1  }
0x13: {  	[smem:$0x3FB6] =	sst s0;
	s0 =	simm.s32 @!p1 $0x0  }
0x14: {  	s2 =	sld [smem:$0x3F9A];
	s0 =	simm.s32 @p1 $0x1  }
0x15: {  	[smem:$0x3FB7] =	sst s0;
	s0 =	simm.s32 @!p2 $0x0  }
0x16: {  	s3 =	sld [smem:$0x3FDB];
	s0 =	simm.s32 @p2 $0x1  }
0x17: {  	s4 =	simm.s32 $0x1BF5;
	[smem:$0x3FB9] =	sst s0  }
0x18: {  	s0 =	sld [smem:$0x3F9C];
	_ =	swait.ge [sflag:s4], $0x0  }
0x19: {  	s7 =	sld [smem:$0x3F9D]  }
0x1a: {  	s8 =	sadd.s32 $0xFFFFE003, lr  }
0x1b: {  	s9 =	sadd.s32 $0xFFFFFEF7, lr;
	s5 =	simm.s32 $0xFFFFFFFF;
	p2 =	slt.u32 s8, $0xFFFFF086  }
0x1c: {  	p1 =	slt.u32 s9, $0xF7A;
	s5 =	simm.s32 @!p2 $0x0  }
0x1d: {  	s5 =	simm.s32 @p1 $0x1;
	p0 =	seq.s32 s7, s2  }
0x1e: {  	s7 =	smul.u32 @!p0 $0xF7A, s2;
	p2 =	seq.s32 @!p0 s5, $0x0  }
0x1f: {  	s9 =	smul.u32 $0xF7A, s1;
	s8 =	simm.s32 @!p0 $0x1BF5;
	p2 =	por !p2, p0  }
0x20: {  	[sflag:s8] =	ssyncset.s32 @!p0 $0xFFFFF086;
	s6 =	sadd.s32 @!p0 s3, s7;
	s7 =	simm.s32 @!p0 $0x108  }
0x21: {  	s3 =	sadd.s32 s3, s9;
	s6 =	sadd.s32 @!p0 $0x88, s6;
	s7 =	simm.s32 @p2 $0x1082  }
0x22: {  	[simem:s7], [sflag:s8] =	dma.local @!p0 [hbm:s6], $0xF7A  }
0x23: {  	s9 =	sor.u32 $0xD0000000, s2;
	s6 =	simm.s32 $0x108;
	_ =	swait.ge @!p0 [sflag:s8], $0x0  }
0x24: {  	s3 =	sadd.s32 $0x88, s3;
	s6 =	simm.s32 @!p1 $0x1082;
	[sflag:s4] =	ssyncset.s32 $0xFFFFF086  }
0x25: {  	[simem:s6], [sflag:s4] =	dma.local [hbm:s3], $0xF7A  }
0x26: {  	[smem:$0x3F9D] =	sst s1;
	(tag) =	ssettag s2;
	_ =	strace s9  }
0x27: {  	s1 =	sld [smem:$0x3FAD]  }
0x28: {  	s2 =	sld [smem:$0x3FAE]  }
0x29: {  	s4 =	sld [smem:$0x3FB0]  }
0x2a: {  	p0 =	seq.s32 s5, $0x0;
	s5 =	sld [smem:$0x3FB1]  }
0x2b: {  	s6 =	sld [smem:$0x3FB2]  }
0x2c: {  	s7 =	sld [smem:$0x3FB3]  }
0x2d: {  	s3 =	simm.s32 $0x108;
	s8 =	sld [smem:$0x3FB4]  }
0x2e: {  	s3 =	simm.s32 @!p0 $0x1082;
	s9 =	sld [smem:$0x3FB5]  }
0x2f: {  	lr =	sadd.s32 s0, s3;
	s0 =	sld [smem:$0x3FAC]  }
0x30: {  	s3 =	sld [smem:$0x3FAF]  }
0x31: {  	[smem:$0x3FB8] =	sst s10  }
0x32: {  	s10 =	sld [smem:$0x3FB6];
	_ =	sdelay $0x3  }
0x33: {  	p0 =	seq.s32 s10, $0x1;
	s10 =	sld [smem:$0x3FB8];
	_ =	sdelay $0x3  }
0x34: {  	[smem:$0x3FB8] =	sst s10  }
0x35: {  	s10 =	sld [smem:$0x3FB7];
	_ =	sdelay $0x3  }
0x36: {  	p1 =	seq.s32 s10, $0x1;
	s10 =	sld [smem:$0x3FB8];
	_ =	sdelay $0x3  }
0x37: {  	[smem:$0x3FB8] =	sst s10  }
0x38: {  	s10 =	sld [smem:$0x3FB9]  }
0x39: {  	_ = 	snop;
	(pc) =	sbr.ind lr, $3  }
0x3a: {  	_ = 	snop  }
0x3b: {  	_ = 	snop  }
0x3c: {  	p2 =	seq.s32 s10, $0x1;
	s10 =	sld [smem:$0x3FB8]  }
0x3d: {  	_ =	shalt  }
0x3e: {  	_ =	shalt  }
0x3f: {  	_ =	shalt  }
0x40: {  	_ =	shalt  }
0x41: {  	_ =	shalt  }
0x42: {  	_ =	shalt  }
0x43: {  	_ =	shalt  }
0x44: {  	_ =	shalt  }
0x45: {  	_ =	shalt  }
0x46: {  	_ =	shalt  }
0x47: {  	_ =	shalt  }
0x48: {  	_ =	shalt  }
0x49: {  	_ =	shalt  }
0x4a: {  	_ =	shalt  }
0x4b: {  	_ =	shalt  }
0x4c: {  	_ =	shalt  }
0x4d: {  	_ =	shalt  }
0x4e: {  	_ =	shalt  }
0x4f: {  	_ =	shalt  }
0x50: {  	_ =	shalt  }
0x51: {  	_ =	shalt  }
0x52: {  	_ =	shalt  }
0x53: {  	_ =	shalt  }
0x54: {  	_ =	shalt  }
0x55: {  	_ =	shalt  }
0x56: {  	_ =	shalt  }
0x57: {  	_ =	shalt  }
0x58: {  	_ =	shalt  }
0x59: {  	_ =	shalt  }
0x5a: {  	_ =	shalt  }
0x5b: {  	_ =	shalt  }
0x5c: {  	_ =	shalt  }
0x5d: {  	_ =	shalt  }
0x5e: {  	_ =	shalt  }
0x5f: {  	_ =	shalt  }
0x60: {  	_ =	shalt  }
0x61: {  	_ =	shalt  }
0x62: {  	_ =	shalt  }
0x63: {  	_ =	shalt  }
0x64: {  	_ =	shalt  }
0x65: {  	_ =	shalt  }
0x66: {  	_ =	shalt  }
0x67: {  	_ =	shalt  }
0x68: {  	_ =	shalt  }
0x69: {  	_ =	shalt  }
0x6a: {  	_ =	shalt  }
0x6b: {  	_ =	shalt  }
0x6c: {  	_ =	shalt  }
0x6d: {  	_ =	shalt  }
0x6e: {  	_ =	shalt  }
0x6f: {  	_ =	shalt  }
0x70: {  	_ =	shalt  }
0x71: {  	_ =	shalt  }
0x72: {  	_ =	shalt  }
0x73: {  	_ =	shalt  }
0x74: {  	_ =	shalt  }
0x75: {  	_ =	shalt  }
0x76: {  	_ =	shalt  }
0x77: {  	_ =	shalt  }
0x78: {  	_ =	shalt  }
0x79: {  	_ =	shalt  }
0x7a: {  	_ =	shalt  }
0x7b: {  	_ =	shalt  }
0x7c: {  	_ =	shalt  }
0x7d: {  	_ =	shalt  }
0x7e: {  	_ =	shalt  }
0x7f: {  	_ =	shalt  }
0x80: {  	_ =	shalt  }
0x81: {  	_ =	shalt  }
0x82: {  	_ =	shalt  }
0x83: {  	_ =	shalt  }
0x84: {  	_ =	shalt  }
0x85: {  	_ =	shalt  }
0x86: {  	_ =	shalt  }
0x87: {  	_ =	shalt  }
.Lfunc_end0:
.L_simem_size_0:
called_computation.1_lowered:
.L_overlay_start_0:
0x88: {  	s2 =	sld [smem:$0x3FD9]  }
0x89: {  	s3 =	sld [smem:$0x3FFE];
	_ =	sdelay $0x1  }
0x8a: {  	s1 =	srdreg.scid  }
0x8b: {  	s0 =	sand.u32 $0x1, s1  }
0x8c: {  	s16 =	sshll.u32 s0, $0xA;
	s2 =	sadd.s32 s3, s2  }
0x8d: {  	s2 =	sadd.s32 s2, s16  }
0x8e: {  	[smem:$0x3FC4] =	sst s2  }
0x8f: {  	_ = 	snop  }
0x90: {  	(tm) =	ssettm $0x1  }
0x91: {  	s17 =	sld [smem:$0x3FFB];
	_ =	sdelay $0x3  }
0x92: {  	_ =	strace s17  }
0x93: {  	s2 =	sld [smem:$0x3FFC];
	_ =	sdelay $0x3  }
0x94: {  	_ =	strace s2  }
0x95: {  	s2 =	sld [smem:$0x3FFD];
	_ =	sdelay $0x3  }
0x96: {  	_ =	strace s2  }
0x97: {  	_ =	strace $0x8FFFFFFF  }
0x98: {  	s18 =	sld [smem:$0x3FDB];
	_ =	sdelay $0x1  }
0x99: {  	s19 =	simm.s32 $_scs_section_size  }
0x9a: {  	s4 =	simm.s32 $_size__tile_overlayer_lowered;
	s5 =	simm.s32 $_tile_overlayer_lowered  }
0x9b: {  	s22 =	simm.s32 $0x1BFF;
	s21 =	sshll.u32 s5, $0x1;
	s2 =	sadd.s32 s19, s18  }
0x9c: {  	s6 =	simm.s32 $0x0;
	s20 =	sshll.u32 s4, $0x1;
	s4 =	sadd.s32 s21, s2  }
0x9d: {  	[timem:s6], [sflag:s22] =	dma.local [hbm:s4], s20  }
0x9e: {  	_ =	swait.ge [sflag:s22], s20  }
0x9f: {  	s3 =	ssub.s32 $0x0, s20;
	[sflag:s22] =	ssyncset.done $0x0  }
0xa0: {  	[sflag:s22] =	ssyncadd.s32 s3;
	_ =	sdelay $0x1  }
0xa1: {  	s23 =	simm.s32 $0x1B8B  }
0xa2: {  	_ =	swait.ge [sflag:s23], $0x1  }
0xa3: {  	[sflag:s23] =	ssyncset.done $0x0  }
0xa4: {  	s25 =	simm.s32 $0x1B8E;
	s24 =	sld [smem:$0x3FFE];
	[sflag:s23] =	ssyncadd.s32 $0xFFFFFFFF  }
0xa5: {  	s26 =	simm.s32 $execute0_lowered;
	[smem:$0x3FD2] =	sst s25  }
0xa6: {  	s4 =	sshll.u32 s26, $0x1;
	_ =	strace $0x80000049;
	[dreg:$0x1] =	wrdreg $0xFFFFFFFF  }
0xa7: {  	s28 =	simm.s32 $_size_execute0_lowered;
	s2 =	sadd.s32 s2, s4;
	[dreg:$0x0] =	wrdreg $0x0  }
0xa8: {  	s4 =	sshll.u32 s28, $0x1;
	[dreg:$0x2] =	wrdreg s2  }
0xa9: {  	[dreg:$0x3] =	wrdreg s4  }
0xaa: {  	[dreg:$0x4] =	wrdreg $0xC0  }
0xab: {  	_ =	task [dreg:s6], $0x5FFFF  }
0xac: {  	[dreg:$0x1] =	wrdreg $0xFFFFFFFF  }
0xad: {  	[dreg:$0x0] =	wrdreg $0x60  }
0xae: {  	[dreg:$0x2] =	wrdreg s24  }
0xaf: {  	[dreg:$0x3] =	wrdreg $0x90100  }
0xb0: {  	[dreg:$0x4] =	wrdreg $0x9  }
0xb1: {  	_ =	task.clear_ibuf [dreg:s6], $0x5FFFF;
	_ =	strace $0x90000049  }
0xb2: {  	s29 =	simm.s32 $0x9;
	_ =	strace $0x8000004B  }
0xb3: {  	_ =	swait.ge [sflag:s29], $0x1  }
0xb4: {  	[sflag:s29] =	ssyncadd.s32 $0xFFFFFFFF  }
0xb5: {  	_ =	strace $0x9000004B  }
0xb6: {  	_ =	sfence  }
0xb7: {  	s30 =	sld [smem:$0x0];
	_ =	sdelay $0x2  }
0xb8: {  	s31 =	sshll.u32 s1, $0xD;
	s1 =	sshrl.u32 s1, $0x2  }
0xb9: {  	s3 =	sand.u32 $0x4000, s31;
	s1 =	sadd.s32 s1, s30  }
0xba: {  	s0 =	sor.u32 s3, s0;
	s1 =	sshll.u32 s1, $0x11  }
0xbb: {  	s0 =	sor.u32 s1, s0  }
0xbc: {  	s0 =	sadd.s32 $0x8F2B, s0  }
0xbd: {  	[sflag:s0] =	ssyncadd.remote.s32 $0x1  }
0xbe: {  	_ =	sfence.sel $0xFFFF  }
0xbf: {  	[dreg:$0x0] =	wrdreg $0xFFFFFFFF;
	(pc) =	sbr.abs _section_cstart, $3  }
0xc0: {  	[dreg:$0x1] =	wrdreg $0xFFFFFFFF  }
0xc1: {  	_ =	task.clear_ibuf [dreg:s6], $0x2FFFF;
	_ =	strace $0x9FFFFFFF  }
0xc2: {  	(tm) =	ssettm $0x7FFFFFFF  }
0xc3: {  	_ =	shalt  }
tec
execute0_lowered:
.L_overlay_start_1:
0x0: {  	(tag) =	ssettag $0x1  }
0x1: {  	s0 =	srdreg.scid;
	s1 =	rddreg [dreg:$0x0]  }
0x2: {  	s2 =	rddreg [dreg:$0x1];
	s11 =	stileid.u32;
	s3 =	simm.s32 $0x0  }
0x3: {  	s12 =	simm.s32 $0x11;
	s28 =	simm.s32 $0x0;
	s0 =	sand.u32 $0x1, s0  }
0x4: {  	[smem:$0x7FF] =	sst s3;
	s7 =	smul.u32 $0x2200, s11;
	s10 =	sshll.u32 s11, $0xB  }
0x5: {  	s13 =	sshll.u32 s11, $0x8;
	s4 =	sshll.u32 s0, $0x4;
	_ =	strace $0x8000004A  }
0x6: {  	s23 =	sshll.u32 s0, $0xC;
	s0 =	ssub.s32 $0x2, s0;
	s14 =	sadd.s32 s10, s2  }
0x7: {  	s4 =	sor.u32 s11, s4;
	s24 =	sshrl.u32 s7, $0x2;
	s25 =	sshrl.u32 s0, $0x1  }
0x8: {  	s11 =	simm.s32 $0x5000;
	s5 =	smul.u32 $0x500, s4;
	s6 =	sshll.u32 s4, $0x1  }
0x9: {  	s26 =	sadd.s32 s24, s2;
	s0 =	ssub.s32 s0, s25;
	s9 =	sadd.s32 s6, s1  }
0xa: {  	[dreg:$0x3] =	wrdreg s26;
	s0 =	smax.u32 s0, $0x1;
	s8 =	sadd.s32 s5, s1  }
.Ltmp0:
0xb: {  	s5 =	sadd.s32 $0x800, s26;
	[dreg:$0x8] =	wrdreg s0;
	(pc) =	sbr.rel .LBB2_1-.Ltmp0, $4  }
0xc: {  	s4 =	sadd.s32 $0x1600, s1;
	s31 =	sadd.s32 $0x29600, s9;
	[dreg:$0x4] =	wrdreg s5  }
0xd: {  	s1 =	sadd.s32 s23, s1;
	s29 =	sadd.s32 $0x15600, s8;
	[dreg:$0x7] =	wrdreg s31  }
0xe: {  	s30 =	sadd.s32 $0x1F600, s8;
	s1 =	sadd.s32 $0x6600, s1;
	[dreg:$0x5] =	wrdreg s29  }
0xf: {  	v0 =	vimm.f32 $0.0e+00;
	s25 =	sshrl.u32 s14, $0x3;
	[dreg:$0x6] =	wrdreg s30;
	s23 =	sadd.s32 s13, s1  }
.LBB2_19:
0x10: {  	[spmem:s2] =	stream.indirect.scatter.add.f32 @!p6 [tilespmem:s31], [sflag:$0x10], $0x10, s13, s24, $0xb8;
	[tilespmem:$0x9890] =	vst v63  }
0x11: {  	_ =	swait.ge @!p4 [sflag:s15], $0x800  }
0x12: {  	s0 =	sld [smem:$0x7FD]  }
0x13: {  	s21 =	sld [smem:$0x7FC]  }
0x14: {  	s22 =	sld [smem:$0x7FB]  }
0x15: {  	s24 =	sld [smem:$0x7FA]  }
0x16: {  	[sflag:s15] =	ssyncset.done @!p4 $0x0;
	s26 =	sld [smem:$0x7F9]  }
0x17: {  	s31 =	sld [smem:$0x7F8];
	[sflag:s15] =	ssyncadd.s32 @!p4 $0xFFFFF800  }
0x18: {  	[tilespmem:s20], [sflag:$0x6] =	stream.indirect.gather @!p4 [hbm4b:s4+s14], $0x10, s19, s14, $0xb8;
	[tilespmem:$0x9890] =	vst v63  }
0x19: {  	p1 =	seq.s32 s0, $0x1;
	p2 =	seq.s32 s21, $0x1;
	p3 =	seq.s32 s22, $0x1  }
0x1a: {  	p4 =	seq.s32 s24, $0x1;
	p5 =	seq.s32 s26, $0x1;
	p6 =	seq.s32 s31, $0x1  }
.LBB2_20:
0x1b: {  	s0 =	simm.s32 @!p1 $0x9  }
0x1c: {  	_ =	swait.ge @!p1 [sflag:s0], $0x800  }
0x1d: {  	[sflag:s0] =	ssyncset.done @!p1 $0x0  }
0x1e: {  	[sflag:s0] =	ssyncadd.s32 @!p1 $0xFFFFF800;
	s0 =	simm.s32 @p6 $0xA  }
0x1f: {  	_ =	swait.ge @p6 [sflag:s0], $0x800  }
0x20: {  	[sflag:s0] =	ssyncset.done @p6 $0x0  }
0x21: {  	[sflag:s0] =	ssyncadd.s32 @p6 $0xFFFFF800;
	s0 =	simm.s32 @p3 $0xB  }
0x22: {  	_ =	swait.ge @p3 [sflag:s0], $0x800  }
0x23: {  	[sflag:s0] =	ssyncset.done @p3 $0x0  }
0x24: {  	[sflag:s0] =	ssyncadd.s32 @p3 $0xFFFFF800;
	s0 =	simm.s32 @p5 $0xC  }
0x25: {  	_ =	swait.ge @p5 [sflag:s0], $0x800  }
0x26: {  	[sflag:s0] =	ssyncset.done @p5 $0x0  }
0x27: {  	[sflag:s0] =	ssyncadd.s32 @p5 $0xFFFFF800;
	s0 =	simm.s32 @p2 $0xD  }
0x28: {  	_ =	swait.ge @p2 [sflag:s0], $0x800  }
0x29: {  	[sflag:s0] =	ssyncset.done @p2 $0x0  }
0x2a: {  	[sflag:s0] =	ssyncadd.s32 @p2 $0xFFFFF800;
	s0 =	simm.s32 @p4 $0xE  }
0x2b: {  	_ =	swait.ge @p4 [sflag:s0], $0x800  }
0x2c: {  	p0 =	slt.s32 s30, $0x7;
	[sflag:s0] =	ssyncset.done @p4 $0x0  }
0x2d: {  	[sflag:s0] =	ssyncadd.s32 @p4 $0xFFFFF800;
	s0 =	simm.s32 @!p0 $0xF  }
0x2e: {  	p1 =	seq.s32 @!p0 s29, $0x80000007;
	_ =	swait.ge @!p0 [sflag:s0], $0x800  }
0x2f: {  	p1 =	por p1, p0;
	[sflag:s0] =	ssyncset.done @!p0 $0x0  }
0x30: {  	[sflag:s0] =	ssyncadd.s32 @!p0 $0xFFFFF800;
	s0 =	simm.s32 @!p1 $0x10  }
0x31: {  	_ =	swait.ge @!p1 [sflag:s0], $0x800  }
0x32: {  	s30 =	stileid.u32;
	[sflag:s0] =	ssyncset.done @!p1 $0x0  }
0x33: {  	[sflag:s0] =	ssyncadd.s32 @!p1 $0xFFFFF800;
	s0 =	sshll.u32 s30, $0x6  }
0x34: {  	[bflag:$0x0] =	sbarrier.arrive $0xFFFF;
	s0 =	sor.u32 $0x1C11, s0  }
0x35: {  	[hbm:s23], [sflag:s0] =	dma.local [spmem:s25], $0x100  }
0x36: {  	_ =	swait.ge [sflag:s12], $0x100  }
0x37: {  	s28 =	sadd.s32 $0x1, s28;
	s31 =	rddreg [dreg:$0x8]  }
0x38: {  	p0 =	sne.s32 s28, s31  }
.Ltmp1:
0x39: {  	_ = 	snop;
	(pc) =	sbr.rel @!p0 .LBB2_21-.Ltmp1, $3  }
0x3a: {  	_ =	sdelay $0x1  }
0x3b: {  	[sflag:s12] =	ssyncset.done $0x0  }
0x3c: {  	[sflag:s12] =	ssyncadd.s32 $0xFFFFFF00  }
.LBB2_1:
0x3d: {  	s0 =	simm.s32 $0x40;
	s1 =	simm.s32 $0x0  }
.LBB2_2:
0x3e: {  	p0 =	sne.s32 s0, $0x1FC0;
	[tilespmem:s1+$0x5000] =	vst v0;
	s1 =	smov.u32 s0;
	s0 =	sadd.s32 $0x40, s0  }
.Ltmp2:
0x3f: {  	(pc) =	sbr.rel @p0 .LBB2_2-.Ltmp2, $2  }
0x40: {  	_ =	sdelay $0x2  }
0x41: {  	s1 =	sshra.s32 s1, $0x2  }
0x42: {  	[tilespmem:s1+$0x5000] =	vst v0;
	s0 =	rddreg [dreg:$0x3]  }
0x43: {  	[spmem:s0] =	stream.linear.scatter [tilespmem:s11], [sflag:$0x11], $0x800, $0x38;
	[tilespmem:$0x9890] =	vst v63  }
0x44: {  	_ =	swait.ge [sflag:s12], $0x800  }
0x45: {  	[sflag:s12] =	ssyncset.done $0x0  }
0x46: {  	s20 =	rddreg [dreg:$0x4];
	[sflag:s12] =	ssyncadd.s32 $0xFFFFF800  }
0x47: {  	[spmem:s20] =	stream.linear.scatter [tilespmem:s11], [sflag:$0x11], $0x80, $0x38;
	[tilespmem:$0x9890] =	vst v63  }
0x48: {  	_ =	swait.ge [sflag:s12], $0x80  }
0x49: {  	[sflag:s12] =	ssyncset.done $0x0  }
0x4a: {  	s21 =	rddreg [dreg:$0x5];
	[sflag:s12] =	ssyncadd.s32 $0xFFFFFF80  }
0x4b: {  	[tilespmem:s3], [sflag:$0x11] =	stream.linear.gather [hbm4b:s21+s3], $0x2800, $0x38;
	[tilespmem:$0x9890] =	vst v63  }
0x4c: {  	_ =	swait.ge [sflag:s12], $0x2800  }
0x4d: {  	[sflag:s12] =	ssyncset.done $0x0  }
0x4e: {  	s24 =	simm.s32 $0x2800;
	s22 =	rddreg [dreg:$0x6];
	[sflag:s12] =	ssyncadd.s32 $0xFFFFD800  }
0x4f: {  	[tilespmem:s24], [sflag:$0x11] =	stream.linear.gather [hbm4b:s22+s3], $0x2800, $0x38;
	[tilespmem:$0x9890] =	vst v63  }
0x50: {  	_ =	swait.ge [sflag:s12], $0x2800  }
0x51: {  	[sflag:s12] =	ssyncset.done $0x0  }
0x52: {  	s31 =	simm.s32 $0x9000;
	s26 =	rddreg [dreg:$0x7];
	[sflag:s12] =	ssyncadd.s32 $0xFFFFD800  }
0x53: {  	[tilespmem:s31], [sflag:$0x11] =	stream.linear.gather [hbm4b:s26+s3], $0x10, $0x38;
	[tilespmem:$0x9890] =	vst v63  }
0x54: {  	_ =	swait.ge [sflag:s12], $0x10  }
0x55: {  	[sflag:s12] =	ssyncset.done $0x0  }
0x56: {  	[sflag:s12] =	ssyncadd.s32 $0xFFFFFFF0  }
0x57: {  	v1 =	vld [tilespmem:$0x9000];
	_ =	sdelay $0x4  }
0x58: {  	v1 =	vxor.u32 $0x80000000, v1  }
0x59: {  	(xrf0) =	vmax.scan.msk.u32 $0xffff, v1;
	_ =	sdelay $0x5  }
0x5a: {  	v1, _, _ =	vpop (xrf0)  }
0x5b: {  	(v2sf) =	vpush v1, $0xF;
	_ =	sdelay $0xe  }
0x5c: {  	s29 =	spop (v2sf)  }
0x5d: {  	s30 =	sxor.u32 $0x80000000, s29  }
0x5e: {  	p1 =	slt.s32 s30, $0x1  }
.Ltmp3:
0x5f: {  	_ = 	snop;
	(pc) =	sbr.rel @p1 .LBB2_4-.Ltmp3, $2  }
0x60: {  	_ =	sdelay $0x1  }
0x61: {  	[bflag:$0x0] =	sbarrier.arrive $0xFFFF;
	_ =	sdelay $0x1  }
0x62: {  	p0 =	seq.s32 s29, $0x80000001  }
.Ltmp4:
0x63: {  	_ = 	snop;
	(pc) =	sbr.rel @!p0 .LBB2_7-.Ltmp4, $3  }
0x64: {  	_ =	sdelay $0x1  }
0x65: {  	s1 =	simm.s32 $0x80;
	p2 =	por $0x0, $0x0;
	s0 =	simm.s32 $0x1  }
0x66: {  	[tilespmem:s11], [sflag:$0x1] =	stream.indirect.gather [hbm4b:s4+s1], $0x10, s3, s1, $0xb8;
	[tilespmem:$0x9890] =	vst v63  }
.Ltmp5:
0x67: {  	(pc) =	sbr.rel .LBB2_17-.Ltmp5, $3  }
0x68: {  	_ =	sdelay $0x1  }
0x69: {  	p3 =	por $0x0, $0x0  }
0x6a: {  	p6 =	por $0x0, $0x0;
	p5 =	por $0x0, $0x0;
	p4 =	por $0x0, $0x0  }
.LBB2_4:
.Ltmp6:
0x6b: {  	(pc) =	sbr.rel .LBB2_16-.Ltmp6, $2  }
0x6c: {  	_ =	sdelay $0x2  }
0x6d: {  	p2 =	por $0x0, $0x0;
	p3 =	por $0x0, $0x0  }
.LBB2_7:
0x6e: {  	p0 =	slt.u32 s30, $0x3  }
.Ltmp7:
0x6f: {  	_ = 	snop;
	(pc) =	sbr.rel @p0 .LBB2_8-.Ltmp7, $3  }
0x70: {  	_ =	sdelay $0x1  }
0x71: {  	s5 =	simm.s32 $0x5800;
	p2 =	por $0x0, $0x0  }
0x72: {  	[tilespmem:s5], [sflag:$0x2] =	stream.indirect.gather [hbm4b:s4+s1], $0x10, s1, s1, $0xb8;
	[tilespmem:$0x9890] =	vst v63  }
0x73: {  	p0 =	seq.s32 s29, $0x80000003  }
.Ltmp8:
0x74: {  	_ = 	snop;
	(pc) =	sbr.rel @!p0 .LBB2_11-.Ltmp8, $3  }
0x75: {  	_ =	sdelay $0x1  }
0x76: {  	s5 =	simm.s32 $0x100;
	s6 =	simm.s32 $0x6000  }
0x77: {  	[tilespmem:s6], [sflag:$0x3] =	stream.indirect.gather [hbm4b:s4+s1], $0x10, s5, s1, $0xb8;
	[tilespmem:$0x9890] =	vst v63  }
.Ltmp9:
0x78: {  	(pc) =	sbr.rel .LBB2_17-.Ltmp9, $3  }
0x79: {  	_ =	sdelay $0x1  }
0x7a: {  	p3 =	por $0x1, $0x1;
	p2 =	por $0x0, $0x0  }
0x7b: {  	p6 =	por $0x1, $0x1;
	p5 =	por $0x0, $0x0;
	p4 =	por $0x0, $0x0  }
.LBB2_8:
0x7c: {  	p3 =	por $0x0, $0x0  }
.LBB2_16:
0x7d: {  	s0 =	sadd.s32 $0x80000007, s29  }
0x7e: {  	s0 =	sshra.s32 s0, $0x3  }
0x7f: {  	p0 =	slt.s32 s0, $0x1  }
.Ltmp10:
0x80: {  	_ = 	snop;
	(pc) =	sbr.rel @p0 .LBB2_20-.Ltmp10, $2  }
0x81: {  	_ =	sdelay $0x2  }
0x82: {  	p6 =	sgt.s32 s30, $0x0;
	p5 =	por p3, p3;
	p4 =	por p2, p2  }
.LBB2_17:
0x83: {  	s1 =	simm.s32 @!p6 $0x0  }
0x84: {  	s1 =	simm.s32 @p6 $0x1  }
0x85: {  	[smem:$0x7F8] =	sst s1;
	s1 =	simm.s32 @!p5 $0x0  }
0x86: {  	s1 =	simm.s32 @p5 $0x1  }
0x87: {  	[smem:$0x7F9] =	sst s1;
	s1 =	simm.s32 @!p4 $0x0  }
0x88: {  	s1 =	simm.s32 @p4 $0x1  }
0x89: {  	[smem:$0x7FA] =	sst s1;
	s1 =	simm.s32 @!p3 $0x0  }
0x8a: {  	s1 =	simm.s32 @p3 $0x1  }
0x8b: {  	[smem:$0x7FB] =	sst s1;
	s1 =	simm.s32 @!p2 $0x0  }
0x8c: {  	s1 =	simm.s32 @p2 $0x1  }
0x8d: {  	[smem:$0x7FC] =	sst s1;
	s1 =	simm.s32 @!p1 $0x0  }
0x8e: {  	p0 =	por $0x1, $0x1;
	s1 =	simm.s32 @p1 $0x1;
	p1 =	sle.s32 s30, $0x0  }
0x8f: {  	p2 =	sle.s32 @!p0 s30, $0x6;
	[smem:$0x7FD] =	sst s1;
	s1 =	simm.s32 @!p1 $0x1  }
0x90: {  	p6 =	sle.s32 s30, $0x7;
	p2 =	por p2, p0;
	_ =	swait.ge @!p1 [sflag:s1], $0x800  }
0x91: {  	s15 =	simm.s32 @!p2 $0xF;
	s13 =	simm.s32 @!p1 $0x2800;
	[sflag:s1] =	ssyncset.done @!p1 $0x0  }
0x92: {  	s14 =	simm.s32 @!p1 $0x5000;
	[sflag:s1] =	ssyncadd.s32 @!p1 $0xFFFFF800;
	s1 =	simm.s32 @!p1 $0x80  }
0x93: {  	[spmem:s2] =	stream.indirect.scatter.add.f32 @!p1 [tilespmem:s14], [sflag:$0x9], $0x10, s13, s1, $0xb8;
	[tilespmem:$0x9890] =	vst v63  }
0x94: {  	p3 =	sle.s32 s30, $0x6;
	p1 =	sle.s32 s30, $0x1;
	_ =	swait.ge @!p2 [sflag:s15], $0x800  }
0x95: {  	s1 =	simm.s32 @!p3 $0x300;
	s13 =	simm.s32 @!p3 $0x80;
	[sflag:s15] =	ssyncset.done @!p2 $0x0  }
0x96: {  	s14 =	simm.s32 @!p3 $0x8000;
	s16 =	simm.s32 @!p1 $0x2;
	[sflag:s15] =	ssyncadd.s32 @!p2 $0xFFFFF800  }
0x97: {  	[tilespmem:s14], [sflag:$0x7] =	stream.indirect.gather @!p3 [hbm4b:s4+s13], $0x10, s1, s13, $0xb8;
	[tilespmem:$0x9890] =	vst v63  }
0x98: {  	p4 =	sle.s32 @!p0 s30, $0x7;
	s17 =	simm.s32 @!p1 $0x2880;
	_ =	swait.ge @!p1 [sflag:s16], $0x800  }
0x99: {  	p2 =	por p4, p0;
	s1 =	simm.s32 @!p1 $0x5800;
	[sflag:s16] =	ssyncset.done @!p1 $0x0  }
0x9a: {  	s15 =	simm.s32 @!p2 $0x10;
	[sflag:s16] =	ssyncadd.s32 @!p1 $0xFFFFF800;
	s16 =	simm.s32 @!p1 $0x80  }
0x9b: {  	[spmem:s2] =	stream.indirect.scatter.add.f32 @!p1 [tilespmem:s1], [sflag:$0xA], $0x10, s17, s16, $0xb8;
	[tilespmem:$0x9890] =	vst v63  }
0x9c: {  	s31 =	simm.s32 @!p6 $0x8800;
	_ =	swait.ge @!p2 [sflag:s15], $0x800  }
0x9d: {  	s24 =	simm.s32 @!p6 $0x80;
	p0 =	sle.s32 s30, $0x2;
	[sflag:s15] =	ssyncset.done @!p2 $0x0  }
0x9e: {  	s1 =	simm.s32 @!p6 $0x380;
	s16 =	simm.s32 @!p0 $0x3;
	[sflag:s15] =	ssyncadd.s32 @!p2 $0xFFFFF800  }
0x9f: {  	[tilespmem:s31], [sflag:$0x8] =	stream.indirect.gather @!p6 [hbm4b:s4+s24], $0x10, s1, s24, $0xb8;
	[tilespmem:$0x9890] =	vst v63  }
0xa0: {  	p1 =	sle.s32 s30, $0x8;
	_ =	swait.ge @!p0 [sflag:s16], $0x800  }
0xa1: {  	s17 =	simm.s32 @!p1 $0x9;
	s15 =	simm.s32 @!p0 $0x2900;
	[sflag:s16] =	ssyncset.done @!p0 $0x0  }
0xa2: {  	s1 =	simm.s32 @!p0 $0x6000;
	[sflag:s16] =	ssyncadd.s32 @!p0 $0xFFFFF800;
	s16 =	simm.s32 @!p0 $0x80  }
0xa3: {  	[spmem:s2] =	stream.indirect.scatter.add.f32 @!p0 [tilespmem:s1], [sflag:$0xB], $0x10, s15, s16, $0xb8;
	[tilespmem:$0x9890] =	vst v63  }
0xa4: {  	p0 =	sle.s32 s30, $0x3;
	_ =	swait.ge @!p1 [sflag:s17], $0x800  }
0xa5: {  	s1 =	simm.s32 @!p1 $0x400;
	s16 =	simm.s32 @!p1 $0x5000;
	[sflag:s17] =	ssyncset.done @!p1 $0x0  }
0xa6: {  	s15 =	simm.s32 @!p0 $0x4;
	[sflag:s17] =	ssyncadd.s32 @!p1 $0xFFFFF800;
	s17 =	simm.s32 @!p1 $0x80  }
0xa7: {  	[tilespmem:s16], [sflag:$0x1] =	stream.indirect.gather @!p1 [hbm4b:s4+s17], $0x10, s1, s17, $0xb8;
	[tilespmem:$0x9890] =	vst v63  }
0xa8: {  	p1 =	sle.s32 s30, $0x9;
	_ =	swait.ge @!p0 [sflag:s15], $0x800  }
0xa9: {  	s1 =	simm.s32 @!p0 $0x2980;
	s17 =	simm.s32 @!p0 $0x6800;
	[sflag:s15] =	ssyncset.done @!p0 $0x0  }
0xaa: {  	s16 =	simm.s32 @!p1 $0xA;
	[sflag:s15] =	ssyncadd.s32 @!p0 $0xFFFFF800;
	s15 =	simm.s32 @!p0 $0x80  }
0xab: {  	[spmem:s2] =	stream.indirect.scatter.add.f32 @!p0 [tilespmem:s17], [sflag:$0xC], $0x10, s1, s15, $0xb8;
	[tilespmem:$0x9890] =	vst v63  }
0xac: {  	p0 =	sle.s32 s30, $0x4;
	_ =	swait.ge @!p1 [sflag:s16], $0x800  }
0xad: {  	s1 =	simm.s32 @!p1 $0x480;
	s17 =	simm.s32 @!p1 $0x5800;
	[sflag:s16] =	ssyncset.done @!p1 $0x0  }
0xae: {  	s15 =	simm.s32 @!p0 $0x5;
	[sflag:s16] =	ssyncadd.s32 @!p1 $0xFFFFF800;
	s16 =	simm.s32 @!p1 $0x80  }
0xaf: {  	[tilespmem:s17], [sflag:$0x2] =	stream.indirect.gather @!p1 [hbm4b:s4+s16], $0x10, s1, s16, $0xb8;
	[tilespmem:$0x9890] =	vst v63  }
0xb0: {  	p1 =	sle.s32 s30, $0xA;
	_ =	swait.ge @!p0 [sflag:s15], $0x800  }
0xb1: {  	s1 =	simm.s32 @!p0 $0x2A00;
	s17 =	simm.s32 @!p0 $0x7000;
	[sflag:s15] =	ssyncset.done @!p0 $0x0  }
0xb2: {  	s16 =	simm.s32 @!p1 $0xB;
	[sflag:s15] =	ssyncadd.s32 @!p0 $0xFFFFF800;
	s15 =	simm.s32 @!p0 $0x80  }
0xb3: {  	[spmem:s2] =	stream.indirect.scatter.add.f32 @!p0 [tilespmem:s17], [sflag:$0xD], $0x10, s1, s15, $0xb8;
	[tilespmem:$0x9890] =	vst v63  }
0xb4: {  	p0 =	sle.s32 s30, $0x5;
	_ =	swait.ge @!p1 [sflag:s16], $0x800  }
0xb5: {  	s1 =	simm.s32 @!p1 $0x500;
	s17 =	simm.s32 @!p1 $0x6000;
	[sflag:s16] =	ssyncset.done @!p1 $0x0  }
0xb6: {  	s15 =	simm.s32 @!p0 $0x6;
	[sflag:s16] =	ssyncadd.s32 @!p1 $0xFFFFF800;
	s16 =	simm.s32 @!p1 $0x80  }
0xb7: {  	[tilespmem:s17], [sflag:$0x3] =	stream.indirect.gather @!p1 [hbm4b:s4+s16], $0x10, s1, s16, $0xb8;
	[tilespmem:$0x9890] =	vst v63  }
0xb8: {  	s1 =	simm.s32 @!p0 $0x2A80;
	_ =	swait.ge @!p0 [sflag:s15], $0x800  }
0xb9: {  	s16 =	simm.s32 @!p0 $0x7800;
	p1 =	sle.s32 s30, $0xB;
	[sflag:s15] =	ssyncset.done @!p0 $0x0  }
0xba: {  	s17 =	simm.s32 @!p1 $0xC;
	[sflag:s15] =	ssyncadd.s32 @!p0 $0xFFFFF800;
	s15 =	simm.s32 @!p0 $0x80  }
0xbb: {  	[spmem:s2] =	stream.indirect.scatter.add.f32 @!p0 [tilespmem:s16], [sflag:$0xE], $0x10, s1, s15, $0xb8;
	[tilespmem:$0x9890] =	vst v63  }
0xbc: {  	_ =	swait.ge @!p1 [sflag:s17], $0x800  }
0xbd: {  	s1 =	simm.s32 @!p1 $0x580;
	s15 =	simm.s32 @!p1 $0x80;
	[sflag:s17] =	ssyncset.done @!p1 $0x0  }
0xbe: {  	s16 =	simm.s32 @!p3 $0x7;
	[sflag:s17] =	ssyncadd.s32 @!p1 $0xFFFFF800;
	s17 =	simm.s32 @!p1 $0x6800  }
0xbf: {  	[tilespmem:s17], [sflag:$0x4] =	stream.indirect.gather @!p1 [hbm4b:s4+s15], $0x10, s1, s15, $0xb8;
	[tilespmem:$0x9890] =	vst v63  }
0xc0: {  	_ =	swait.ge @!p3 [sflag:s16], $0x800  }
0xc1: {  	p0 =	sle.s32 s30, $0xC;
	[sflag:s16] =	ssyncset.done @!p3 $0x0  }
0xc2: {  	s1 =	simm.s32 @!p3 $0x2B00;
	s15 =	simm.s32 @!p0 $0xD;
	[sflag:s16] =	ssyncadd.s32 @!p3 $0xFFFFF800  }
0xc3: {  	[spmem:s2] =	stream.indirect.scatter.add.f32 @!p3 [tilespmem:s14], [sflag:$0xF], $0x10, s1, s13, $0xb8;
	[tilespmem:$0x9890] =	vst v63  }
0xc4: {  	_ =	swait.ge @!p0 [sflag:s15], $0x800  }
0xc5: {  	s26 =	sadd.s32 $0xFFFFFFFF, s0;
	s1 =	simm.s32 @!p0 $0x600;
	[sflag:s15] =	ssyncset.done @!p0 $0x0  }
0xc6: {  	s14 =	simm.s32 @!p0 $0x80;
	[sflag:s15] =	ssyncadd.s32 @!p0 $0xFFFFF800;
	s15 =	simm.s32 @!p0 $0x7000  }
0xc7: {  	[tilespmem:s15], [sflag:$0x5] =	stream.indirect.gather @!p0 [hbm4b:s4+s14], $0x10, s1, s14, $0xb8;
	[tilespmem:$0x9890] =	vst v63  }
0xc8: {  	p0 =	sne.s32 s26, $0x0  }
.Ltmp11:
0xc9: {  	_ = 	snop;
	(pc) =	sbr.rel @!p0 .LBB2_19-.Ltmp11, $4  }
0xca: {  	s0 =	simm.s32 $0x1000;
	p4 =	sle.s32 s30, $0xD;
	s16 =	simm.s32 @!p6 $0x8  }
0xcb: {  	s21 =	simm.s32 $0xE;
	s19 =	simm.s32 @!p4 $0x680;
	_ =	swait.ge @!p6 [sflag:s16], $0x800  }
0xcc: {  	s20 =	simm.s32 @!p4 $0x7800;
	s13 =	simm.s32 @!p6 $0x2B80;
	[sflag:s16] =	ssyncset.done @!p6 $0x0  }
0xcd: {  	s15 =	simm.s32 @!p4 $0xE;
	s14 =	simm.s32 @!p4 $0x80;
	[sflag:s16] =	ssyncadd.s32 @!p6 $0xFFFFF800  }
.LBB2_18:
0xce: {  	[spmem:s2] =	stream.indirect.scatter.add.f32 @!p6 [tilespmem:s31], [sflag:$0x10], $0x10, s13, s24, $0xb8;
	[tilespmem:$0x9890] =	vst v63  }
0xcf: {  	s13 =	sadd.s32 $0xFFFFFFFE, s21;
	s16 =	sadd.s32 $0x4, s21;
	s17 =	sadd.s32 $0xFFFFFFFF, s21  }
0xd0: {  	p6 =	seq.s32 s21, $0x6;
	p3 =	sge.s32 s21, s30;
	s24 =	sadd.s32 $0x1, s21  }
0xd1: {  	s1 =	sadd.s32 $0xFFFFFFFA, s21;
	s22 =	sadd.s32 $0xFFFFFFFB, s21;
	s18 =	sadd.s32 $0xFFFFFFFC, s21  }
0xd2: {  	p2 =	sge.s32 s1, s30;
	p0 =	sge.s32 @!p6 s24, s30;
	p5 =	sge.s32 s18, s30  }
0xd3: {  	s1 =	sadd.s32 $0xFFFFFFFD, s21;
	s31 =	simm.s32 @!p2 $0x1;
	s18 =	sshra.s32 @!p2 s0, $0x2  }
0xd4: {  	s7 =	simm.s32 @!p2 $0x5000;
	s6 =	sadd.s32 @!p2 $0x2800, s18;
	_ =	swait.ge @!p4 [sflag:s15], $0x800  }
0xd5: {  	s8 =	sadd.s32 $0x2, s21;
	p1 =	sge.s32 @!p6 s21, s30;
	[sflag:s15] =	ssyncset.done @!p4 $0x0  }
0xd6: {  	p1 =	por p1, p6;
	s18 =	sadd.s32 $0x5, s21;
	[sflag:s15] =	ssyncadd.s32 @!p4 $0xFFFFF800  }
0xd7: {  	[tilespmem:s20], [sflag:$0x6] =	stream.indirect.gather @!p4 [hbm4b:s4+s14], $0x10, s19, s14, $0xb8;
	[tilespmem:$0x9890] =	vst v63  }
0xd8: {  	s15 =	simm.s32 @!p5 $0x6000;
	s14 =	simm.s32 @!p1 $0xF;
	_ =	swait.ge @!p2 [sflag:s31], $0x800  }
0xd9: {  	s20 =	sshra.s32 @!p3 s0, $0x2;
	p4 =	sge.s32 s22, s30;
	[sflag:s31] =	ssyncset.done @!p2 $0x0  }
0xda: {  	s19 =	simm.s32 @!p2 $0x80;
	[sflag:s31] =	ssyncadd.s32 @!p2 $0xFFFFF800;
	s31 =	sadd.s32 @!p3 $0x300, s20  }
0xdb: {  	[spmem:s2] =	stream.indirect.scatter.add.f32 @!p2 [tilespmem:s7], [sflag:$0x9], $0x10, s6, s19, $0xb8;
	[tilespmem:$0x9890] =	vst v63  }
0xdc: {  	s6 =	simm.s32 @!p4 $0x2;
	s7 =	sshra.s32 @!p4 s0, $0x2;
	_ =	swait.ge @!p1 [sflag:s14], $0x800  }
0xdd: {  	s22 =	simm.s32 @!p3 $0x80;
	s9 =	simm.s32 @!p4 $0x5800;
	[sflag:s14] =	ssyncset.done @!p1 $0x0  }
0xde: {  	p0 =	por p0, p6;
	s19 =	simm.s32 @!p3 $0x8000;
	[sflag:s14] =	ssyncadd.s32 @!p1 $0xFFFFF800  }
0xdf: {  	[tilespmem:s19], [sflag:$0x7] =	stream.indirect.gather @!p3 [hbm4b:s4+s22], $0x10, s31, s22, $0xb8;
	[tilespmem:$0x9890] =	vst v63  }
0xe0: {  	p6 =	sge.s32 s24, s30;
	s10 =	simm.s32 @!p0 $0x10;
	_ =	swait.ge @!p4 [sflag:s6], $0x800  }
0xe1: {  	s7 =	sadd.s32 @!p4 $0x2880, s7;
	s14 =	sshra.s32 @!p6 s0, $0x2;
	[sflag:s6] =	ssyncset.done @!p4 $0x0  }
0xe2: {  	s5 =	sadd.s32 @!p6 $0x380, s14;
	[sflag:s6] =	ssyncadd.s32 @!p4 $0xFFFFF800;
	s6 =	simm.s32 @!p4 $0x80  }
0xe3: {  	[spmem:s2] =	stream.indirect.scatter.add.f32 @!p4 [tilespmem:s9], [sflag:$0xA], $0x10, s7, s6, $0xb8;
	[tilespmem:$0x9890] =	vst v63  }
0xe4: {  	s6 =	simm.s32 @!p5 $0x3;
	s7 =	sshra.s32 @!p5 s0, $0x2;
	_ =	swait.ge @!p0 [sflag:s10], $0x800  }
0xe5: {  	s31 =	simm.s32 @!p6 $0x8800;
	s7 =	sadd.s32 @!p5 $0x2900, s7;
	[sflag:s10] =	ssyncset.done @!p0 $0x0  }
0xe6: {  	s24 =	simm.s32 @!p6 $0x80;
	[sflag:s10] =	ssyncadd.s32 @!p0 $0xFFFFF800;
	p0 =	sge.s32 s8, s30  }
0xe7: {  	[tilespmem:s31], [sflag:$0x8] =	stream.indirect.gather @!p6 [hbm4b:s4+s24], $0x10, s5, s24, $0xb8;
	[tilespmem:$0x9890] =	vst v63  }
0xe8: {  	s5 =	simm.s32 @!p0 $0x9;
	s8 =	sshra.s32 @!p0 s0, $0x2;
	_ =	swait.ge @!p5 [sflag:s6], $0x800  }
0xe9: {  	s9 =	sadd.s32 $0x3, s21;
	s8 =	sadd.s32 @!p0 $0x400, s8;
	[sflag:s6] =	ssyncset.done @!p5 $0x0  }
0xea: {  	p2 =	sge.s32 s1, s30;
	[sflag:s6] =	ssyncadd.s32 @!p5 $0xFFFFF800;
	s6 =	simm.s32 @!p5 $0x80  }
0xeb: {  	[spmem:s2] =	stream.indirect.scatter.add.f32 @!p5 [tilespmem:s15], [sflag:$0xB], $0x10, s7, s6, $0xb8;
	[tilespmem:$0x9890] =	vst v63  }
0xec: {  	s1 =	simm.s32 @!p2 $0x4;
	s6 =	sshra.s32 @!p2 s0, $0x2;
	_ =	swait.ge @!p0 [sflag:s5], $0x800  }
0xed: {  	s7 =	simm.s32 @!p0 $0x5000;
	s6 =	sadd.s32 @!p2 $0x2980, s6;
	[sflag:s5] =	ssyncset.done @!p0 $0x0  }
0xee: {  	p4 =	sge.s32 s9, s30;
	[sflag:s5] =	ssyncadd.s32 @!p0 $0xFFFFF800;
	s5 =	simm.s32 @!p0 $0x80  }
0xef: {  	[tilespmem:s7], [sflag:$0x1] =	stream.indirect.gather @!p0 [hbm4b:s4+s5], $0x10, s8, s5, $0xb8;
	[tilespmem:$0x9890] =	vst v63  }
0xf0: {  	s5 =	simm.s32 @!p4 $0xA;
	s7 =	sshra.s32 @!p4 s0, $0x2;
	_ =	swait.ge @!p2 [sflag:s1], $0x800  }
0xf1: {  	s8 =	simm.s32 @!p2 $0x6800;
	s7 =	sadd.s32 @!p4 $0x480, s7;
	[sflag:s1] =	ssyncset.done @!p2 $0x0  }
0xf2: {  	p0 =	sge.s32 s13, s30;
	[sflag:s1] =	ssyncadd.s32 @!p2 $0xFFFFF800;
	s1 =	simm.s32 @!p2 $0x80  }
0xf3: {  	[spmem:s2] =	stream.indirect.scatter.add.f32 @!p2 [tilespmem:s8], [sflag:$0xC], $0x10, s6, s1, $0xb8;
	[tilespmem:$0x9890] =	vst v63  }
0xf4: {  	s1 =	simm.s32 @!p0 $0x5;
	s6 =	sshra.s32 @!p0 s0, $0x2;
	_ =	swait.ge @!p4 [sflag:s5], $0x800  }
0xf5: {  	s8 =	simm.s32 @!p4 $0x5800;
	s6 =	sadd.s32 @!p0 $0x2A00, s6;
	[sflag:s5] =	ssyncset.done @!p4 $0x0  }
0xf6: {  	p2 =	sge.s32 s16, s30;
	[sflag:s5] =	ssyncadd.s32 @!p4 $0xFFFFF800;
	s5 =	simm.s32 @!p4 $0x80  }
0xf7: {  	[tilespmem:s8], [sflag:$0x2] =	stream.indirect.gather @!p4 [hbm4b:s4+s5], $0x10, s7, s5, $0xb8;
	[tilespmem:$0x9890] =	vst v63  }
0xf8: {  	s5 =	simm.s32 @!p2 $0xB;
	s7 =	sshra.s32 @!p2 s0, $0x2;
	_ =	swait.ge @!p0 [sflag:s1], $0x800  }
0xf9: {  	s8 =	simm.s32 @!p0 $0x7000;
	s7 =	sadd.s32 @!p2 $0x500, s7;
	[sflag:s1] =	ssyncset.done @!p0 $0x0  }
0xfa: {  	p4 =	sge.s32 s17, s30;
	[sflag:s1] =	ssyncadd.s32 @!p0 $0xFFFFF800;
	s1 =	simm.s32 @!p0 $0x80  }
0xfb: {  	[spmem:s2] =	stream.indirect.scatter.add.f32 @!p0 [tilespmem:s8], [sflag:$0xD], $0x10, s6, s1, $0xb8;
	[tilespmem:$0x9890] =	vst v63  }
0xfc: {  	s1 =	simm.s32 @!p4 $0x6;
	s6 =	sshra.s32 @!p4 s0, $0x2;
	_ =	swait.ge @!p2 [sflag:s5], $0x800  }
0xfd: {  	s8 =	simm.s32 @!p2 $0x6000;
	s6 =	sadd.s32 @!p4 $0x2A80, s6;
	[sflag:s5] =	ssyncset.done @!p2 $0x0  }
0xfe: {  	s9 =	simm.s32 @!p4 $0x7800;
	[sflag:s5] =	ssyncadd.s32 @!p2 $0xFFFFF800;
	s5 =	simm.s32 @!p2 $0x80  }
0xff: {  	[tilespmem:s8], [sflag:$0x3] =	stream.indirect.gather @!p2 [hbm4b:s4+s5], $0x10, s7, s5, $0xb8;
	[tilespmem:$0x9890] =	vst v63  }
0x100: {  	s13 =	sadd.s32 @!p6 $0x2B80, s14;
	p0 =	sge.s32 s18, s30;
	_ =	swait.ge @!p4 [sflag:s1], $0x800  }
0x101: {  	s5 =	simm.s32 @!p0 $0xC;
	s7 =	sshra.s32 @!p0 s0, $0x2;
	[sflag:s1] =	ssyncset.done @!p4 $0x0  }
0x102: {  	s7 =	sadd.s32 @!p0 $0x580, s7;
	[sflag:s1] =	ssyncadd.s32 @!p4 $0xFFFFF800;
	s1 =	simm.s32 @!p4 $0x80  }
0x103: {  	[spmem:s2] =	stream.indirect.scatter.add.f32 @!p4 [tilespmem:s9], [sflag:$0xE], $0x10, s6, s1, $0xb8;
	[tilespmem:$0x9890] =	vst v63  }
0x104: {  	s1 =	simm.s32 @!p0 $0x80;
	s6 =	simm.s32 @!p3 $0x7;
	_ =	swait.ge @!p0 [sflag:s5], $0x800  }
0x105: {  	s26 =	sadd.s32 $0xFFFFFFFF, s26;
	s8 =	sadd.s32 @!p3 $0x2B00, s20;
	[sflag:s5] =	ssyncset.done @!p0 $0x0  }
0x106: {  	s9 =	sadd.s32 $0x6, s21;
	[sflag:s5] =	ssyncadd.s32 @!p0 $0xFFFFF800;
	s5 =	simm.s32 @!p0 $0x6800  }
0x107: {  	[tilespmem:s5], [sflag:$0x4] =	stream.indirect.gather @!p0 [hbm4b:s4+s1], $0x10, s7, s1, $0xb8;
	[tilespmem:$0x9890] =	vst v63  }
0x108: {  	p1 =	sge.s32 s9, s30;
	p0 =	sne.s32 s26, $0x0;
	_ =	swait.ge @!p3 [sflag:s6], $0x800  }
0x109: {  	s1 =	simm.s32 @!p1 $0xD;
	s5 =	sshra.s32 @!p1 s0, $0x2;
	[sflag:s6] =	ssyncset.done @!p3 $0x0  }
0x10a: {  	s5 =	sadd.s32 @!p1 $0x600, s5;
	[sflag:s6] =	ssyncadd.s32 @!p3 $0xFFFFF800  }
0x10b: {  	[spmem:s2] =	stream.indirect.scatter.add.f32 @!p3 [tilespmem:s19], [sflag:$0xF], $0x10, s8, s22, $0xb8;
	[tilespmem:$0x9890] =	vst v63  }
0x10c: {  	s7 =	simm.s32 @!p6 $0x8;
	s6 =	simm.s32 @!p1 $0x80;
	_ =	swait.ge @!p1 [sflag:s1], $0x800  }
0x10d: {  	[sflag:s1] =	ssyncset.done @!p1 $0x0  }
0x10e: {  	s8 =	sadd.s32 $0x7, s21;
	[sflag:s1] =	ssyncadd.s32 @!p1 $0xFFFFF800;
	s1 =	simm.s32 @!p1 $0x7000  }
0x10f: {  	[tilespmem:s1], [sflag:$0x5] =	stream.indirect.gather @!p1 [hbm4b:s4+s6], $0x10, s5, s6, $0xb8;
	[tilespmem:$0x9890] =	vst v63  }
.Ltmp12:
0x110: {  	_ = 	snop;
	(pc) =	sbr.rel @p0 .LBB2_18-.Ltmp12, $4  }
0x111: {  	p4 =	sge.s32 s8, s30;
	_ =	swait.ge @!p6 [sflag:s7], $0x800  }
0x112: {  	s15 =	simm.s32 @!p4 $0xE;
	s14 =	simm.s32 @!p4 $0x80;
	[sflag:s7] =	ssyncset.done @!p6 $0x0  }
0x113: {  	s1 =	sshra.s32 @!p4 s0, $0x2;
	s0 =	sadd.s32 $0x1000, s0;
	[sflag:s7] =	ssyncadd.s32 @!p6 $0xFFFFF800  }
0x114: {  	s21 =	sadd.s32 $0x8, s21;
	s20 =	simm.s32 @!p4 $0x7800;
	s19 =	sadd.s32 @!p4 $0x680, s1  }
.Ltmp13:
0x115: {  	_ = 	snop;
	(pc) =	sbr.rel .LBB2_19-.Ltmp13, $1  }
0x116: {  	_ =	sdelay $0x3  }
.LBB2_11:
0x117: {  	p0 =	slt.u32 s30, $0x5  }
.Ltmp14:
0x118: {  	_ = 	snop;
	(pc) =	sbr.rel @p0 .LBB2_12-.Ltmp14, $3  }
0x119: {  	_ =	sdelay $0x1  }
0x11a: {  	s5 =	simm.s32 $0x180;
	s6 =	simm.s32 $0x6800  }
0x11b: {  	[tilespmem:s6], [sflag:$0x4] =	stream.indirect.gather [hbm4b:s4+s1], $0x10, s5, s1, $0xb8;
	[tilespmem:$0x9890] =	vst v63  }
0x11c: {  	p0 =	seq.s32 s29, $0x80000005  }
.Ltmp15:
0x11d: {  	_ = 	snop;
	(pc) =	sbr.rel @!p0 .LBB2_15-.Ltmp15, $3  }
0x11e: {  	_ =	sdelay $0x1  }
0x11f: {  	s5 =	simm.s32 $0x200;
	s6 =	simm.s32 $0x7000  }
0x120: {  	[tilespmem:s6], [sflag:$0x5] =	stream.indirect.gather [hbm4b:s4+s1], $0x10, s5, s1, $0xb8;
	[tilespmem:$0x9890] =	vst v63  }
.Ltmp16:
0x121: {  	(pc) =	sbr.rel .LBB2_17-.Ltmp16, $3  }
0x122: {  	_ =	sdelay $0x1  }
0x123: {  	p4 =	por $0x0, $0x0;
	p2 =	por $0x1, $0x1  }
0x124: {  	p3 =	por $0x1, $0x1;
	p6 =	por $0x1, $0x1;
	p5 =	por $0x1, $0x1  }
.LBB2_12:
.Ltmp17:
0x125: {  	(pc) =	sbr.rel .LBB2_16-.Ltmp17, $2  }
0x126: {  	_ =	sdelay $0x2  }
0x127: {  	p3 =	por $0x1, $0x1  }
.LBB2_15:
.Ltmp18:
0x128: {  	(pc) =	sbr.rel .LBB2_16-.Ltmp18, $4  }
0x129: {  	_ = 	snop  }
0x12a: {  	s0 =	simm.s32 $0x280  }
0x12b: {  	s5 =	simm.s32 $0x7800;
	p2 =	por $0x1, $0x1;
	p3 =	por $0x1, $0x1  }
0x12c: {  	[tilespmem:s5], [sflag:$0x6] =	stream.indirect.gather [hbm4b:s4+s1], $0x10, s0, s1, $0xb8;
	[tilespmem:$0x9890] =	vst v63  }
.LBB2_21:
0x12d: {  	_ =	sfence.sel $0x180000  }
0x12e: {  	[bflag:$0x0] =	sbarrier.arrive $0xFFFF  }
0x12f: {  	_ =	strace $0x9000004A  }
0x130: {  	s0 =	stileid.u32;
	[bflag:$0x2] =	sbarrier.arrive $0xFFFF  }
0x131: {  	p0 =	sne.s32 s0, $0x0;
	s0 =	rddreg [dreg:$0x2]  }
0x132: {  	s0 =	sadd.s32 @!p0 $0x100000, s0  }
0x133: {  	[sflag:s0] =	ssyncadd.tile.s32 @!p0 $0x1;
	_ =	shalt  }
.Lfunc_end2:
_tile_overlayer_lowered:
.L_overlay_start_2:
0x134: {  	(tag) =	ssettag $0x2  }
0x135: {  	s0 =	rddreg [dreg:$0x0];
	s2 =	stileid.u32  }
0x136: {  	s1 =	rddreg [dreg:$0x1];
	p0 =	sne.s32 s2, $0x0  }
0x137: {  	s3 =	rddreg [dreg:$0x2];
	[bflag:$0x3] =	sbarrier.arrive $0xFFFF;
	s2 =	simm.s32 @!p0 $0x1C11  }
0x138: {  	[timem:s3], [sflag:s2] =	dma.local @!p0 [hbm:s0], s1  }
0x139: {  	s0 =	simm.s32 @!p0 $0x11  }
0x13a: {  	_ =	swait.ge @!p0 [sflag:s0], s1  }
0x13b: {  	s1 =	ssub.s32 @!p0 $0x0, s1;
	[sflag:s0] =	ssyncset.done @!p0 $0x0  }
0x13c: {  	[sflag:s0] =	ssyncadd.s32 @!p0 s1  }
0x13d: {  	[bflag:$0x3] =	sbarrier.arrive $0xFFFF  }
0x13e: {  	_ =	shalt  }

</sc_bundles>
